<compile_context>
chip_gen: v7x
topology: tpu7x:2x2x1
jax: 0.10.2.dev20260603
libtpu: 0.0.44.dev20260713+nightly
codegen_flags: <defaults>
</compile_context>

<pallas_src>
import functools

import jax
import jax.numpy as jnp
from jax import lax
from jax.experimental import pallas as pl
from jax.experimental.pallas import tpu as pltpu
from jax.experimental.pallas import tpu_sc as plsc

N = 10000
F = 128
NLABEL = 40
E = 320000
EE = E + N
NW = 32
C = 128
K = 81
KP = 84
CAP = NW * KP * C
N_PAD = 10240
NTILE = 16
STRIPE = N_PAD // NTILE
DEGW = 128

_mesh = plsc.VectorSubcoreMesh(core_axis_name="c", subcore_axis_name="s")



def _sc_deg(dst_idx, ones, zdeg):

    @functools.partial(
        pl.kernel,
        out_type=jax.ShapeDtypeStruct((2, N_PAD, DEGW), jnp.float32),
        mesh=_mesh,
        scratch_types=[
            pltpu.VMEM((KP, C), jnp.int32),
            pltpu.VMEM((C, DEGW), jnp.float32),
            pltpu.VMEM_SHARED((N_PAD, DEGW), jnp.float32),
            pltpu.SemaphoreType.DMA,
        ],
    )
    def body(dst_hbm, ones_hbm, z_hbm, out_hbm, dst_v, ones_v, acc, sem):
        c = lax.axis_index("c")
        s = lax.axis_index("s")
        wid = c * NTILE + s
        pltpu.sync_copy(dst_hbm.at[wid], dst_v)
        pltpu.sync_copy(ones_hbm, ones_v)
        pltpu.sync_copy(z_hbm.at[pl.ds(s * STRIPE, STRIPE)],
                        acc.at[pl.ds(s * STRIPE, STRIPE)])
        plsc.subcore_barrier()

        def step(j, carry):
            pltpu.sync_copy(ones_v, acc.at[dst_v.at[j]], add=True)
            return carry

        lax.fori_loop(0, K, step, 0)
        plsc.subcore_barrier()
        pltpu.sync_copy(acc.at[pl.ds(s * STRIPE, STRIPE)],
                        out_hbm.at[c, pl.ds(s * STRIPE, STRIPE)])

    return body(dst_idx, ones, zdeg)


def _sc_scatter(g, src_idx, dst_idx, zfeat):

    @functools.partial(
        pl.kernel,
        out_type=jax.ShapeDtypeStruct((2, N_PAD, F), jnp.float32),
        mesh=_mesh,
        scratch_types=[
            pltpu.VMEM((2, 4, C), jnp.int32),
            pltpu.VMEM((2, 4, C), jnp.int32),
            pltpu.VMEM((C, F), jnp.float32),
            pltpu.VMEM((C, F), jnp.float32),
            pltpu.VMEM_SHARED((N_PAD, F), jnp.float32),
            pltpu.SemaphoreType.DMA,
            pltpu.SemaphoreType.DMA,
            pltpu.SemaphoreType.DMA,
            pltpu.SemaphoreType.DMA,
        ],
    )
    def body(g_hbm, src_hbm, dst_hbm, z_hbm, out_hbm,
             swin, dwin, rows_a, rows_b, acc, sem_a, sem_b, sem_w0, sem_w1):
        c = lax.axis_index("c")
        s = lax.axis_index("s")
        wid = c * NTILE + s
        pltpu.sync_copy(src_hbm.at[wid, pl.ds(0, 4)], swin.at[0])
        pltpu.sync_copy(dst_hbm.at[wid, pl.ds(0, 4)], dwin.at[0])
        pltpu.sync_copy(src_hbm.at[wid, pl.ds(4, 4)], swin.at[1])
        pltpu.sync_copy(dst_hbm.at[wid, pl.ds(4, 4)], dwin.at[1])
        pltpu.async_copy(g_hbm.at[swin.at[0, 0]], rows_a, sem_a)
        pltpu.sync_copy(z_hbm.at[pl.ds(s * STRIPE, STRIPE)],
                        acc.at[pl.ds(s * STRIPE, STRIPE)])
        plsc.subcore_barrier()

        NB = (K - 1) // 8

        def body8(i, carry):
            base = 8 * i
            for t in range(8):
                b, r = t // 4, t % 4
                rows, sem = (rows_a, sem_a) if t % 2 == 0 else (rows_b, sem_b)
                nrows, nsem = (rows_b, sem_b) if t % 2 == 0 else (rows_a,
                                                                  sem_a)
                if t == 3:
                    @pl.when(i > 0)
                    def _():
                        pltpu.make_async_copy(
                            src_hbm.at[wid, pl.ds(0, 4)], swin.at[1],
                            sem_w1).wait()
                        pltpu.make_async_copy(
                            dst_hbm.at[wid, pl.ds(0, 4)], dwin.at[1],
                            sem_w1).wait()
                if t < 7:
                    nb, nr = (t + 1) // 4, (t + 1) % 4
                    pltpu.async_copy(g_hbm.at[swin.at[nb, nr]], nrows, nsem)
                else:
                    @pl.when(i + 1 < NB)
                    def _():
                        pltpu.make_async_copy(
                            src_hbm.at[wid, pl.ds(0, 4)], swin.at[0],
                            sem_w0).wait()
                        pltpu.make_async_copy(
                            dst_hbm.at[wid, pl.ds(0, 4)], dwin.at[0],
                            sem_w0).wait()
                        pltpu.async_copy(g_hbm.at[swin.at[0, 0]], nrows, nsem)
                pltpu.make_async_copy(g_hbm.at[swin.at[b, r]], rows,
                                      sem).wait()
                pltpu.sync_copy(rows, acc.at[dwin.at[b, r]], add=True)
                if t == 3:
                    @pl.when(i + 1 < NB)
                    def _():
                        pltpu.async_copy(
                            src_hbm.at[wid, pl.ds(base + 8, 4)], swin.at[0],
                            sem_w0)
                        pltpu.async_copy(
                            dst_hbm.at[wid, pl.ds(base + 8, 4)], dwin.at[0],
                            sem_w0)
                if t == 7:
                    @pl.when(i + 1 < NB)
                    def _():
                        pltpu.async_copy(
                            src_hbm.at[wid, pl.ds(base + 12, 4)], swin.at[1],
                            sem_w1)
                        pltpu.async_copy(
                            dst_hbm.at[wid, pl.ds(base + 12, 4)], dwin.at[1],
                            sem_w1)
            return carry

        lax.fori_loop(0, NB, body8, 0)

        pltpu.sync_copy(src_hbm.at[wid, pl.ds(K - 1, 4)], swin.at[0])
        pltpu.sync_copy(dst_hbm.at[wid, pl.ds(K - 1, 4)], dwin.at[0])
        pltpu.async_copy(g_hbm.at[swin.at[0, 0]], rows_a, sem_a).wait()
        pltpu.sync_copy(rows_a, acc.at[dwin.at[0, 0]], add=True)
        plsc.subcore_barrier()
        pltpu.sync_copy(acc.at[pl.ds(s * STRIPE, STRIPE)],
                        out_hbm.at[c, pl.ds(s * STRIPE, STRIPE)])

    return body(g, src_idx, dst_idx, zfeat)



BLK = 512


def _tc_first(degp, x_pad, W1):
    def body(degp_ref, x_ref, w_ref, dinv_ref, g_ref):
        a = degp_ref[...]
        deg = a[0, :, 0:1] + a[1, :, 0:1]
        dinv = jnp.where(deg > 0, 1.0 / jnp.sqrt(jnp.maximum(deg, 1.0)), 0.0)
        db = jnp.broadcast_to(dinv, (BLK, F))
        dinv_ref[...] = db
        g_ref[...] = db * jnp.dot(x_ref[...], w_ref[...],
                                  preferred_element_type=jnp.float32,
                                  precision=lax.Precision.HIGHEST)

    return pl.pallas_call(
        body,
        grid=(N_PAD // BLK,),
        in_specs=[
            pl.BlockSpec((2, BLK, DEGW), lambda i: (0, i, 0)),
            pl.BlockSpec((BLK, F), lambda i: (i, 0)),
            pl.BlockSpec((F, F), lambda i: (0, 0)),
        ],
        out_specs=[
            pl.BlockSpec((BLK, F), lambda i: (i, 0)),
            pl.BlockSpec((BLK, F), lambda i: (i, 0)),
        ],
        out_shape=[
            jax.ShapeDtypeStruct((N_PAD, F), jnp.float32),
            jax.ShapeDtypeStruct((N_PAD, F), jnp.float32),
        ],
    )(degp, x_pad, W1)


def _tc_mid(p, dinv_b, b, W):
    def body(p_ref, d_ref, b_ref, w_ref, g_ref):
        a = p_ref[...]
        d = d_ref[...]
        h = jnp.maximum(d * (a[0] + a[1]) + b_ref[...], 0.0)
        g_ref[...] = d * jnp.dot(h, w_ref[...],
                                 preferred_element_type=jnp.float32,
                                 precision=lax.Precision.HIGHEST)

    return pl.pallas_call(
        body,
        grid=(N_PAD // BLK,),
        in_specs=[
            pl.BlockSpec((2, BLK, F), lambda i: (0, i, 0)),
            pl.BlockSpec((BLK, F), lambda i: (i, 0)),
            pl.BlockSpec((1, F), lambda i: (0, 0)),
            pl.BlockSpec((F, F), lambda i: (0, 0)),
        ],
        out_specs=pl.BlockSpec((BLK, F), lambda i: (i, 0)),
        out_shape=jax.ShapeDtypeStruct((N_PAD, F), jnp.float32),
    )(p, dinv_b, b.reshape(1, F), W)


BLKF = 1000


def _tc_final(p, dinv_b, b3, M1, mb1, M2, mb2):
    def body(p_ref, d_ref, b_ref, m1_ref, mb1_ref, m2_ref, mb2_ref, y_ref):
        a = p_ref[...]
        h = jnp.maximum(d_ref[...] * (a[0] + a[1]) + b_ref[...], 0.0)
        u = jnp.dot(h, m1_ref[...],
                    preferred_element_type=jnp.float32,
                    precision=lax.Precision.HIGHEST) + mb1_ref[...]
        u = jnp.where(u > 0, u, jnp.exp(jnp.minimum(u, 0.0)) - 1.0)
        y = jnp.dot(u, m2_ref[...],
                    preferred_element_type=jnp.float32,
                    precision=lax.Precision.HIGHEST) + mb2_ref[...]
        y = y - jnp.max(y, axis=1, keepdims=True)
        y_ref[...] = y - jnp.log(jnp.sum(jnp.exp(y), axis=1, keepdims=True))

    return pl.pallas_call(
        body,
        grid=(N // BLKF,),
        in_specs=[
            pl.BlockSpec((2, BLKF, F), lambda i: (0, i, 0)),
            pl.BlockSpec((BLKF, F), lambda i: (i, 0)),
            pl.BlockSpec((1, F), lambda i: (0, 0)),
            pl.BlockSpec((F, 2 * F), lambda i: (0, 0)),
            pl.BlockSpec((1, 2 * F), lambda i: (0, 0)),
            pl.BlockSpec((2 * F, NLABEL), lambda i: (0, 0)),
            pl.BlockSpec((1, NLABEL), lambda i: (0, 0)),
        ],
        out_specs=pl.BlockSpec((BLKF, NLABEL), lambda i: (i, 0)),
        out_shape=jax.ShapeDtypeStruct((N, NLABEL), jnp.float32),
    )(p, dinv_b, b3.reshape(1, F), M1, mb1.reshape(1, 2 * F),
      M2, mb2.reshape(1, NLABEL))



def kernel(x, adj, W1, b1, W2, b2, W3, b3, M1, mb1, M2, mb2):
    loops = jnp.arange(N, dtype=jnp.int32)
    src = jnp.concatenate([adj[0].astype(jnp.int32), loops])
    dst = jnp.concatenate([adj[1].astype(jnp.int32), loops])
    fill = N + (jnp.arange(NW * K * C - EE, dtype=jnp.int32) % (N_PAD - N))
    src_k = jnp.concatenate([src, fill]).reshape(NW, K, C)
    dst_k = jnp.concatenate([dst, fill]).reshape(NW, K, C)
    pad_rows = jnp.full((NW, KP - K, C), N, jnp.int32)
    src_idx = jnp.concatenate([src_k, pad_rows], axis=1)
    dst_idx = jnp.concatenate([dst_k, pad_rows], axis=1)
    x_pad = jnp.zeros((N_PAD, F), jnp.float32).at[:N].set(x)
    ones = jnp.ones((C, DEGW), jnp.float32)
    zdeg = jnp.zeros((N_PAD, DEGW), jnp.float32)
    zfeat = jnp.zeros((N_PAD, F), jnp.float32)

    degp = _sc_deg(dst_idx, ones, zdeg)
    dinv_b, g = _tc_first(degp, x_pad, W1)
    p = _sc_scatter(g, src_idx, dst_idx, zfeat)
    g = _tc_mid(p, dinv_b, b1, W2)
    p = _sc_scatter(g, src_idx, dst_idx, zfeat)
    g = _tc_mid(p, dinv_b, b2, W3)
    p = _sc_scatter(g, src_idx, dst_idx, zfeat)
    return _tc_final(p, dinv_b, b3, M1, mb1, M2, mb2)

# --- scband reference (transcript-rebuilt; emitter-appended) ---
"""Pipeline reference for scband-p-model-36773509988808 (READ-ONLY COPY).

The authoritative reference and input builder live on the scoring server;
editing this copy changes nothing except your own understanding.
"""

import jax, jax.numpy as jnp
import numpy as np

N = 10000
E = 320000
F_IN = 128
NHID = 128
NLABEL = 40


def setup_inputs(seed: int = 0) -> dict:
    key = jax.random.key(seed)
    ks = jax.random.split(key, 12)
    x = jax.random.normal(ks[0], (N, F_IN), dtype=jnp.float32)
    adj = jax.random.randint(ks[1], (2, E), 0, N, dtype=jnp.int32)
    def glorot(k, shape):
        fan_in, fan_out = shape[0], shape[1]
        lim = jnp.sqrt(6.0 / (fan_in + fan_out))
        return jax.random.uniform(k, shape, dtype=jnp.float32, minval=-lim, maxval=lim)
    W1 = glorot(ks[2], (F_IN, NHID)); b1 = jnp.zeros((NHID,), dtype=jnp.float32)
    W2 = glorot(ks[3], (NHID, NHID)); b2 = jnp.zeros((NHID,), dtype=jnp.float32)
    W3 = glorot(ks[4], (NHID, NHID)); b3 = jnp.zeros((NHID,), dtype=jnp.float32)
    M1 = glorot(ks[5], (NHID, NHID * 2)); mb1 = jnp.zeros((NHID * 2,), dtype=jnp.float32)
    M2 = glorot(ks[6], (NHID * 2, NLABEL)); mb2 = jnp.zeros((NLABEL,), dtype=jnp.float32)
    return {"x": x, "adj": adj, "W1": W1, "b1": b1, "W2": W2, "b2": b2,
            "W3": W3, "b3": b3, "M1": M1, "mb1": mb1, "M2": M2, "mb2": mb2}


def _gcn_conv(x, src, dst, W, b):
    # PyG GCNConv (eval): x @ W, symmetric normalization with self-loops, scatter-add at dst, + bias
    h = x @ W
    deg = jnp.zeros((N,), dtype=jnp.float32).at[dst].add(jnp.ones_like(dst, dtype=jnp.float32))
    dinv = jnp.where(deg > 0, deg ** -0.5, 0.0)
    norm = dinv[src] * dinv[dst]
    msg = h[src] * norm[:, None]
    out = jnp.zeros((N, W.shape[1]), dtype=jnp.float32).at[dst].add(msg)
    return out + b


def reference(x, adj, W1, b1, W2, b2, W3, b3, M1, mb1, M2, mb2):
    loops = jnp.arange(N, dtype=adj.dtype)
    src = jnp.concatenate([adj[0], loops])
    dst = jnp.concatenate([adj[1], loops])
    h = jax.nn.relu(_gcn_conv(x, src, dst, W1, b1))
    h = jax.nn.relu(_gcn_conv(h, src, dst, W2, b2))
    h = jax.nn.relu(_gcn_conv(h, src, dst, W3, b3))
    # final MLP: num_linears=2, hidden=2*nhid, elu activation, no bn; dropout is identity in eval
    h = jax.nn.elu(h @ M1 + mb1)
    y = h @ M2 + mb2
    return jax.nn.log_softmax(y, axis=1)

if __name__ == "__main__":
    import jax
    _d = setup_inputs()
    print(jax.jit(kernel)(*tuple(_d.values())))

</pallas_src>

<mosaic_0001>
#map = affine_map<(d0, d1) -> (0, 0)>
#map1 = affine_map<(d0, d1) -> (0, 0, 0)>
module attributes {stable_mosaic.version = 14 : i64} {
  func.func @body(%arg0: i32, %arg1: i32, %arg2: memref<10240x128xf32, #tpu.memory_space<hbm>>, %arg3: memref<32x84x128xi32, #tpu.memory_space<hbm>>, %arg4: memref<32x84x128xi32, #tpu.memory_space<hbm>>, %arg5: memref<10240x128xf32, #tpu.memory_space<hbm>>, %arg6: memref<2x10240x128xf32, #tpu.memory_space<hbm>>, %arg7: memref<2x4x128xi32, #tpu.memory_space<vmem>>, %arg8: memref<2x4x128xi32, #tpu.memory_space<vmem>>, %arg9: memref<128x128xf32, #tpu.memory_space<vmem>>, %arg10: memref<128x128xf32, #tpu.memory_space<vmem>>, %arg11: memref<10240x128xf32, #tpu.memory_space<vmem_shared>>, %arg12: memref<!tpu.dma_semaphore, #tpu.memory_space<semaphore_mem>>, %arg13: memref<!tpu.dma_semaphore, #tpu.memory_space<semaphore_mem>>, %arg14: memref<!tpu.dma_semaphore, #tpu.memory_space<semaphore_mem>>, %arg15: memref<!tpu.dma_semaphore, #tpu.memory_space<semaphore_mem>>) attributes {dimension_semantics = [#tpu.dimension_semantics<core_parallel>, #tpu.dimension_semantics<subcore_parallel>], iteration_bounds = array<i64: 2, 16>, scalar_prefetch = 0 : i64, scratch_operands = 9 : i64, tpu.core_type = #tpu.core_type<sc_vector_subcore>, window_params = [{transform_indices = #map}, {transform_indices = #map1}, {transform_indices = #map1}, {transform_indices = #map}, {transform_indices = #map1}]} {
    %mul3A = arith.constant 16 : i32
    %mul3A_0 = arith.muli %arg0, %mul3A : i32
    %add3A = arith.addi %mul3A_0, %arg1 : i32
    %run_scoped3A = arith.constant 0 : i32
    "tpu.region"() ({
      %run_scoped3A_44 = tpu.sem_alloc : memref<!tpu.dma_semaphore, #tpu.memory_space<semaphore_mem>>
      %dma_start3A_45 = arith.constant 0 : i32
      %dma_start3A_46 = arith.constant 0 : i32
      %dma_start3A_47 = tpu.memref_slice %arg7[%run_scoped3A, %dma_start3A_45, %dma_start3A_46] : memref<2x4x128xi32, #tpu.memory_space<vmem>> -> memref<1x4x128xi32, #tpu.memory_space<vmem>>
      %dma_start3A_48 = tpu.memref_squeeze %dma_start3A_47 : memref<1x4x128xi32, #tpu.memory_space<vmem>> -> memref<4x128xi32, #tpu.memory_space<vmem>>
      %dma_start3A_49 = arith.constant 0 : i32
      %dma_start3A_50 = arith.constant 0 : i32
      %dma_start3A_51 = tpu.memref_slice %arg3[%add3A, %dma_start3A_49, %dma_start3A_50] : memref<32x84x128xi32, #tpu.memory_space<hbm>> -> memref<1x4x128xi32, #tpu.memory_space<hbm>>
      %dma_start3A_52 = tpu.memref_squeeze %dma_start3A_51 : memref<1x4x128xi32, #tpu.memory_space<hbm>> -> memref<4x128xi32, #tpu.memory_space<hbm>>
      %dma_start3A_53 = arith.constant 0 : i32
      %dma_start3A_54 = arith.constant 0 : i32
      %dma_start3A_55 = tpu.memref_slice %arg7[%run_scoped3A, %dma_start3A_53, %dma_start3A_54] : memref<2x4x128xi32, #tpu.memory_space<vmem>> -> memref<1x4x128xi32, #tpu.memory_space<vmem>>
      %dma_start3A_56 = tpu.memref_squeeze %dma_start3A_55 : memref<1x4x128xi32, #tpu.memory_space<vmem>> -> memref<4x128xi32, #tpu.memory_space<vmem>>
      %dma_start3A_57 = arith.constant 0 : i32
      %dma_start3A_58 = arith.constant 0 : i32
      %dma_start3A_59 = tpu.memref_slice %arg3[%add3A, %dma_start3A_57, %dma_start3A_58] : memref<32x84x128xi32, #tpu.memory_space<hbm>> -> memref<1x4x128xi32, #tpu.memory_space<hbm>>
      %dma_start3A_60 = tpu.memref_squeeze %dma_start3A_59 : memref<1x4x128xi32, #tpu.memory_space<hbm>> -> memref<4x128xi32, #tpu.memory_space<hbm>>
      tpu.enqueue_dma source(%dma_start3A_60 : memref<4x128xi32, #tpu.memory_space<hbm>>) target(%dma_start3A_56 : memref<4x128xi32, #tpu.memory_space<vmem>>) target_semaphore(%run_scoped3A_44 : memref<!tpu.dma_semaphore, #tpu.memory_space<semaphore_mem>>)
      %dma_wait3A_61 = arith.constant 0 : i32
      %dma_wait3A_62 = arith.constant 0 : i32
      %dma_wait3A_63 = tpu.memref_slice %arg7[%run_scoped3A, %dma_wait3A_61, %dma_wait3A_62] : memref<2x4x128xi32, #tpu.memory_space<vmem>> -> memref<1x4x128xi32, #tpu.memory_space<vmem>>
      %dma_wait3A_64 = tpu.memref_squeeze %dma_wait3A_63 : memref<1x4x128xi32, #tpu.memory_space<vmem>> -> memref<4x128xi32, #tpu.memory_space<vmem>>
      %dma_wait3A_65 = arith.constant 0 : i32
      %dma_wait3A_66 = arith.constant 0 : i32
      %dma_wait3A_67 = tpu.memref_slice %arg3[%add3A, %dma_wait3A_65, %dma_wait3A_66] : memref<32x84x128xi32, #tpu.memory_space<hbm>> -> memref<1x4x128xi32, #tpu.memory_space<hbm>>
      %dma_wait3A_68 = tpu.memref_squeeze %dma_wait3A_67 : memref<1x4x128xi32, #tpu.memory_space<hbm>> -> memref<4x128xi32, #tpu.memory_space<hbm>>
      %dma_wait3A_69 = arith.constant 0 : i32
      %dma_wait3A_70 = arith.constant 0 : i32
      %dma_wait3A_71 = tpu.memref_slice %arg7[%run_scoped3A, %dma_wait3A_69, %dma_wait3A_70] : memref<2x4x128xi32, #tpu.memory_space<vmem>> -> memref<1x4x128xi32, #tpu.memory_space<vmem>>
      %dma_wait3A_72 = tpu.memref_squeeze %dma_wait3A_71 : memref<1x4x128xi32, #tpu.memory_space<vmem>> -> memref<4x128xi32, #tpu.memory_space<vmem>>
      %dma_wait3A_73 = arith.constant 0 : i32
      %dma_wait3A_74 = arith.constant 0 : i32
      %dma_wait3A_75 = tpu.memref_slice %arg3[%add3A, %dma_wait3A_73, %dma_wait3A_74] : memref<32x84x128xi32, #tpu.memory_space<hbm>> -> memref<1x4x128xi32, #tpu.memory_space<hbm>>
      %dma_wait3A_76 = tpu.memref_squeeze %dma_wait3A_75 : memref<1x4x128xi32, #tpu.memory_space<hbm>> -> memref<4x128xi32, #tpu.memory_space<hbm>>
      tpu.wait_dma2 semaphore(%run_scoped3A_44 : memref<!tpu.dma_semaphore, #tpu.memory_space<semaphore_mem>>) src(%dma_wait3A_76 : memref<4x128xi32, #tpu.memory_space<hbm>>) dst(%dma_wait3A_72 : memref<4x128xi32, #tpu.memory_space<vmem>>)
      tpu.yield
    }) : () -> ()
    %run_scoped3A_1 = arith.constant 0 : i32
    "tpu.region"() ({
      %run_scoped3A_44 = tpu.sem_alloc : memref<!tpu.dma_semaphore, #tpu.memory_space<semaphore_mem>>
      %dma_start3A_45 = arith.constant 0 : i32
      %dma_start3A_46 = arith.constant 0 : i32
      %dma_start3A_47 = tpu.memref_slice %arg8[%run_scoped3A_1, %dma_start3A_45, %dma_start3A_46] : memref<2x4x128xi32, #tpu.memory_space<vmem>> -> memref<1x4x128xi32, #tpu.memory_space<vmem>>
      %dma_start3A_48 = tpu.memref_squeeze %dma_start3A_47 : memref<1x4x128xi32, #tpu.memory_space<vmem>> -> memref<4x128xi32, #tpu.memory_space<vmem>>
      %dma_start3A_49 = arith.constant 0 : i32
      %dma_start3A_50 = arith.constant 0 : i32
      %dma_start3A_51 = tpu.memref_slice %arg4[%add3A, %dma_start3A_49, %dma_start3A_50] : memref<32x84x128xi32, #tpu.memory_space<hbm>> -> memref<1x4x128xi32, #tpu.memory_space<hbm>>
      %dma_start3A_52 = tpu.memref_squeeze %dma_start3A_51 : memref<1x4x128xi32, #tpu.memory_space<hbm>> -> memref<4x128xi32, #tpu.memory_space<hbm>>
      %dma_start3A_53 = arith.constant 0 : i32
      %dma_start3A_54 = arith.constant 0 : i32
      %dma_start3A_55 = tpu.memref_slice %arg8[%run_scoped3A_1, %dma_start3A_53, %dma_start3A_54] : memref<2x4x128xi32, #tpu.memory_space<vmem>> -> memref<1x4x128xi32, #tpu.memory_space<vmem>>
      %dma_start3A_56 = tpu.memref_squeeze %dma_start3A_55 : memref<1x4x128xi32, #tpu.memory_space<vmem>> -> memref<4x128xi32, #tpu.memory_space<vmem>>
      %dma_start3A_57 = arith.constant 0 : i32
      %dma_start3A_58 = arith.constant 0 : i32
      %dma_start3A_59 = tpu.memref_slice %arg4[%add3A, %dma_start3A_57, %dma_start3A_58] : memref<32x84x128xi32, #tpu.memory_space<hbm>> -> memref<1x4x128xi32, #tpu.memory_space<hbm>>
      %dma_start3A_60 = tpu.memref_squeeze %dma_start3A_59 : memref<1x4x128xi32, #tpu.memory_space<hbm>> -> memref<4x128xi32, #tpu.memory_space<hbm>>
      tpu.enqueue_dma source(%dma_start3A_60 : memref<4x128xi32, #tpu.memory_space<hbm>>) target(%dma_start3A_56 : memref<4x128xi32, #tpu.memory_space<vmem>>) target_semaphore(%run_scoped3A_44 : memref<!tpu.dma_semaphore, #tpu.memory_space<semaphore_mem>>)
      %dma_wait3A_61 = arith.constant 0 : i32
      %dma_wait3A_62 = arith.constant 0 : i32
      %dma_wait3A_63 = tpu.memref_slice %arg8[%run_scoped3A_1, %dma_wait3A_61, %dma_wait3A_62] : memref<2x4x128xi32, #tpu.memory_space<vmem>> -> memref<1x4x128xi32, #tpu.memory_space<vmem>>
      %dma_wait3A_64 = tpu.memref_squeeze %dma_wait3A_63 : memref<1x4x128xi32, #tpu.memory_space<vmem>> -> memref<4x128xi32, #tpu.memory_space<vmem>>
      %dma_wait3A_65 = arith.constant 0 : i32
      %dma_wait3A_66 = arith.constant 0 : i32
      %dma_wait3A_67 = tpu.memref_slice %arg4[%add3A, %dma_wait3A_65, %dma_wait3A_66] : memref<32x84x128xi32, #tpu.memory_space<hbm>> -> memref<1x4x128xi32, #tpu.memory_space<hbm>>
      %dma_wait3A_68 = tpu.memref_squeeze %dma_wait3A_67 : memref<1x4x128xi32, #tpu.memory_space<hbm>> -> memref<4x128xi32, #tpu.memory_space<hbm>>
      %dma_wait3A_69 = arith.constant 0 : i32
      %dma_wait3A_70 = arith.constant 0 : i32
      %dma_wait3A_71 = tpu.memref_slice %arg8[%run_scoped3A_1, %dma_wait3A_69, %dma_wait3A_70] : memref<2x4x128xi32, #tpu.memory_space<vmem>> -> memref<1x4x128xi32, #tpu.memory_space<vmem>>
      %dma_wait3A_72 = tpu.memref_squeeze %dma_wait3A_71 : memref<1x4x128xi32, #tpu.memory_space<vmem>> -> memref<4x128xi32, #tpu.memory_space<vmem>>
      %dma_wait3A_73 = arith.constant 0 : i32
      %dma_wait3A_74 = arith.constant 0 : i32
      %dma_wait3A_75 = tpu.memref_slice %arg4[%add3A, %dma_wait3A_73, %dma_wait3A_74] : memref<32x84x128xi32, #tpu.memory_space<hbm>> -> memref<1x4x128xi32, #tpu.memory_space<hbm>>
      %dma_wait3A_76 = tpu.memref_squeeze %dma_wait3A_75 : memref<1x4x128xi32, #tpu.memory_space<hbm>> -> memref<4x128xi32, #tpu.memory_space<hbm>>
      tpu.wait_dma2 semaphore(%run_scoped3A_44 : memref<!tpu.dma_semaphore, #tpu.memory_space<semaphore_mem>>) src(%dma_wait3A_76 : memref<4x128xi32, #tpu.memory_space<hbm>>) dst(%dma_wait3A_72 : memref<4x128xi32, #tpu.memory_space<vmem>>)
      tpu.yield
    }) : () -> ()
    %run_scoped3A_2 = arith.constant 1 : i32
    "tpu.region"() ({
      %run_scoped3A_44 = tpu.sem_alloc : memref<!tpu.dma_semaphore, #tpu.memory_space<semaphore_mem>>
      %dma_start3A_45 = arith.constant 0 : i32
      %dma_start3A_46 = arith.constant 0 : i32
      %dma_start3A_47 = tpu.memref_slice %arg7[%run_scoped3A_2, %dma_start3A_45, %dma_start3A_46] : memref<2x4x128xi32, #tpu.memory_space<vmem>> -> memref<1x4x128xi32, #tpu.memory_space<vmem>>
      %dma_start3A_48 = tpu.memref_squeeze %dma_start3A_47 : memref<1x4x128xi32, #tpu.memory_space<vmem>> -> memref<4x128xi32, #tpu.memory_space<vmem>>
      %dma_start3A_49 = arith.constant 4 : i32
      %dma_start3A_50 = arith.constant 0 : i32
      %dma_start3A_51 = tpu.memref_slice %arg3[%add3A, %dma_start3A_49, %dma_start3A_50] : memref<32x84x128xi32, #tpu.memory_space<hbm>> -> memref<1x4x128xi32, #tpu.memory_space<hbm>>
      %dma_start3A_52 = tpu.memref_squeeze %dma_start3A_51 : memref<1x4x128xi32, #tpu.memory_space<hbm>> -> memref<4x128xi32, #tpu.memory_space<hbm>>
      %dma_start3A_53 = arith.constant 0 : i32
      %dma_start3A_54 = arith.constant 0 : i32
      %dma_start3A_55 = tpu.memref_slice %arg7[%run_scoped3A_2, %dma_start3A_53, %dma_start3A_54] : memref<2x4x128xi32, #tpu.memory_space<vmem>> -> memref<1x4x128xi32, #tpu.memory_space<vmem>>
      %dma_start3A_56 = tpu.memref_squeeze %dma_start3A_55 : memref<1x4x128xi32, #tpu.memory_space<vmem>> -> memref<4x128xi32, #tpu.memory_space<vmem>>
      %dma_start3A_57 = arith.constant 4 : i32
      %dma_start3A_58 = arith.constant 0 : i32
      %dma_start3A_59 = tpu.memref_slice %arg3[%add3A, %dma_start3A_57, %dma_start3A_58] : memref<32x84x128xi32, #tpu.memory_space<hbm>> -> memref<1x4x128xi32, #tpu.memory_space<hbm>>
      %dma_start3A_60 = tpu.memref_squeeze %dma_start3A_59 : memref<1x4x128xi32, #tpu.memory_space<hbm>> -> memref<4x128xi32, #tpu.memory_space<hbm>>
      tpu.enqueue_dma source(%dma_start3A_60 : memref<4x128xi32, #tpu.memory_space<hbm>>) target(%dma_start3A_56 : memref<4x128xi32, #tpu.memory_space<vmem>>) target_semaphore(%run_scoped3A_44 : memref<!tpu.dma_semaphore, #tpu.memory_space<semaphore_mem>>)
      %dma_wait3A_61 = arith.constant 0 : i32
      %dma_wait3A_62 = arith.constant 0 : i32
      %dma_wait3A_63 = tpu.memref_slice %arg7[%run_scoped3A_2, %dma_wait3A_61, %dma_wait3A_62] : memref<2x4x128xi32, #tpu.memory_space<vmem>> -> memref<1x4x128xi32, #tpu.memory_space<vmem>>
      %dma_wait3A_64 = tpu.memref_squeeze %dma_wait3A_63 : memref<1x4x128xi32, #tpu.memory_space<vmem>> -> memref<4x128xi32, #tpu.memory_space<vmem>>
      %dma_wait3A_65 = arith.constant 4 : i32
      %dma_wait3A_66 = arith.constant 0 : i32
      %dma_wait3A_67 = tpu.memref_slice %arg3[%add3A, %dma_wait3A_65, %dma_wait3A_66] : memref<32x84x128xi32, #tpu.memory_space<hbm>> -> memref<1x4x128xi32, #tpu.memory_space<hbm>>
      %dma_wait3A_68 = tpu.memref_squeeze %dma_wait3A_67 : memref<1x4x128xi32, #tpu.memory_space<hbm>> -> memref<4x128xi32, #tpu.memory_space<hbm>>
      %dma_wait3A_69 = arith.constant 0 : i32
      %dma_wait3A_70 = arith.constant 0 : i32
      %dma_wait3A_71 = tpu.memref_slice %arg7[%run_scoped3A_2, %dma_wait3A_69, %dma_wait3A_70] : memref<2x4x128xi32, #tpu.memory_space<vmem>> -> memref<1x4x128xi32, #tpu.memory_space<vmem>>
      %dma_wait3A_72 = tpu.memref_squeeze %dma_wait3A_71 : memref<1x4x128xi32, #tpu.memory_space<vmem>> -> memref<4x128xi32, #tpu.memory_space<vmem>>
      %dma_wait3A_73 = arith.constant 4 : i32
      %dma_wait3A_74 = arith.constant 0 : i32
      %dma_wait3A_75 = tpu.memref_slice %arg3[%add3A, %dma_wait3A_73, %dma_wait3A_74] : memref<32x84x128xi32, #tpu.memory_space<hbm>> -> memref<1x4x128xi32, #tpu.memory_space<hbm>>
      %dma_wait3A_76 = tpu.memref_squeeze %dma_wait3A_75 : memref<1x4x128xi32, #tpu.memory_space<hbm>> -> memref<4x128xi32, #tpu.memory_space<hbm>>
      tpu.wait_dma2 semaphore(%run_scoped3A_44 : memref<!tpu.dma_semaphore, #tpu.memory_space<semaphore_mem>>) src(%dma_wait3A_76 : memref<4x128xi32, #tpu.memory_space<hbm>>) dst(%dma_wait3A_72 : memref<4x128xi32, #tpu.memory_space<vmem>>)
      tpu.yield
    }) : () -> ()
    %run_scoped3A_3 = arith.constant 1 : i32
    "tpu.region"() ({
      %run_scoped3A_44 = tpu.sem_alloc : memref<!tpu.dma_semaphore, #tpu.memory_space<semaphore_mem>>
      %dma_start3A_45 = arith.constant 0 : i32
      %dma_start3A_46 = arith.constant 0 : i32
      %dma_start3A_47 = tpu.memref_slice %arg8[%run_scoped3A_3, %dma_start3A_45, %dma_start3A_46] : memref<2x4x128xi32, #tpu.memory_space<vmem>> -> memref<1x4x128xi32, #tpu.memory_space<vmem>>
      %dma_start3A_48 = tpu.memref_squeeze %dma_start3A_47 : memref<1x4x128xi32, #tpu.memory_space<vmem>> -> memref<4x128xi32, #tpu.memory_space<vmem>>
      %dma_start3A_49 = arith.constant 4 : i32
      %dma_start3A_50 = arith.constant 0 : i32
      %dma_start3A_51 = tpu.memref_slice %arg4[%add3A, %dma_start3A_49, %dma_start3A_50] : memref<32x84x128xi32, #tpu.memory_space<hbm>> -> memref<1x4x128xi32, #tpu.memory_space<hbm>>
      %dma_start3A_52 = tpu.memref_squeeze %dma_start3A_51 : memref<1x4x128xi32, #tpu.memory_space<hbm>> -> memref<4x128xi32, #tpu.memory_space<hbm>>
      %dma_start3A_53 = arith.constant 0 : i32
      %dma_start3A_54 = arith.constant 0 : i32
      %dma_start3A_55 = tpu.memref_slice %arg8[%run_scoped3A_3, %dma_start3A_53, %dma_start3A_54] : memref<2x4x128xi32, #tpu.memory_space<vmem>> -> memref<1x4x128xi32, #tpu.memory_space<vmem>>
      %dma_start3A_56 = tpu.memref_squeeze %dma_start3A_55 : memref<1x4x128xi32, #tpu.memory_space<vmem>> -> memref<4x128xi32, #tpu.memory_space<vmem>>
      %dma_start3A_57 = arith.constant 4 : i32
      %dma_start3A_58 = arith.constant 0 : i32
      %dma_start3A_59 = tpu.memref_slice %arg4[%add3A, %dma_start3A_57, %dma_start3A_58] : memref<32x84x128xi32, #tpu.memory_space<hbm>> -> memref<1x4x128xi32, #tpu.memory_space<hbm>>
      %dma_start3A_60 = tpu.memref_squeeze %dma_start3A_59 : memref<1x4x128xi32, #tpu.memory_space<hbm>> -> memref<4x128xi32, #tpu.memory_space<hbm>>
      tpu.enqueue_dma source(%dma_start3A_60 : memref<4x128xi32, #tpu.memory_space<hbm>>) target(%dma_start3A_56 : memref<4x128xi32, #tpu.memory_space<vmem>>) target_semaphore(%run_scoped3A_44 : memref<!tpu.dma_semaphore, #tpu.memory_space<semaphore_mem>>)
      %dma_wait3A_61 = arith.constant 0 : i32
      %dma_wait3A_62 = arith.constant 0 : i32
      %dma_wait3A_63 = tpu.memref_slice %arg8[%run_scoped3A_3, %dma_wait3A_61, %dma_wait3A_62] : memref<2x4x128xi32, #tpu.memory_space<vmem>> -> memref<1x4x128xi32, #tpu.memory_space<vmem>>
      %dma_wait3A_64 = tpu.memref_squeeze %dma_wait3A_63 : memref<1x4x128xi32, #tpu.memory_space<vmem>> -> memref<4x128xi32, #tpu.memory_space<vmem>>
      %dma_wait3A_65 = arith.constant 4 : i32
      %dma_wait3A_66 = arith.constant 0 : i32
      %dma_wait3A_67 = tpu.memref_slice %arg4[%add3A, %dma_wait3A_65, %dma_wait3A_66] : memref<32x84x128xi32, #tpu.memory_space<hbm>> -> memref<1x4x128xi32, #tpu.memory_space<hbm>>
      %dma_wait3A_68 = tpu.memref_squeeze %dma_wait3A_67 : memref<1x4x128xi32, #tpu.memory_space<hbm>> -> memref<4x128xi32, #tpu.memory_space<hbm>>
      %dma_wait3A_69 = arith.constant 0 : i32
      %dma_wait3A_70 = arith.constant 0 : i32
      %dma_wait3A_71 = tpu.memref_slice %arg8[%run_scoped3A_3, %dma_wait3A_69, %dma_wait3A_70] : memref<2x4x128xi32, #tpu.memory_space<vmem>> -> memref<1x4x128xi32, #tpu.memory_space<vmem>>
      %dma_wait3A_72 = tpu.memref_squeeze %dma_wait3A_71 : memref<1x4x128xi32, #tpu.memory_space<vmem>> -> memref<4x128xi32, #tpu.memory_space<vmem>>
      %dma_wait3A_73 = arith.constant 4 : i32
      %dma_wait3A_74 = arith.constant 0 : i32
      %dma_wait3A_75 = tpu.memref_slice %arg4[%add3A, %dma_wait3A_73, %dma_wait3A_74] : memref<32x84x128xi32, #tpu.memory_space<hbm>> -> memref<1x4x128xi32, #tpu.memory_space<hbm>>
      %dma_wait3A_76 = tpu.memref_squeeze %dma_wait3A_75 : memref<1x4x128xi32, #tpu.memory_space<hbm>> -> memref<4x128xi32, #tpu.memory_space<hbm>>
      tpu.wait_dma2 semaphore(%run_scoped3A_44 : memref<!tpu.dma_semaphore, #tpu.memory_space<semaphore_mem>>) src(%dma_wait3A_76 : memref<4x128xi32, #tpu.memory_space<hbm>>) dst(%dma_wait3A_72 : memref<4x128xi32, #tpu.memory_space<vmem>>)
      tpu.yield
    }) : () -> ()
    %dma_start3A = arith.constant 0 : i32
    %dma_start3A_4 = arith.constant 0 : i32
    %dma_start3A_5 = arith.constant 0 : i32
    %dma_start3A_6 = tpu.memref_slice %arg7[%dma_start3A, %dma_start3A_4, %dma_start3A_5] : memref<2x4x128xi32, #tpu.memory_space<vmem>> -> memref<1x1x128xi32, #tpu.memory_space<vmem>>
    %dma_start3A_7 = tpu.memref_squeeze %dma_start3A_6 : memref<1x1x128xi32, #tpu.memory_space<vmem>> -> memref<128xi32, #tpu.memory_space<vmem>>
    %dma_start3A_8 = arith.constant 0 : i32
    %dma_start3A_9 = arith.constant 0 : i32
    %dma_start3A_10 = tpu.memref_slice %arg2[%dma_start3A_8, %dma_start3A_9] : memref<10240x128xf32, #tpu.memory_space<hbm>> -> memref<10240x128xf32, #tpu.memory_space<hbm>>
    tpu.enqueue_indirect_dma source(%dma_start3A_10 : memref<10240x128xf32, #tpu.memory_space<hbm>>) target(%arg9 : memref<128x128xf32, #tpu.memory_space<vmem>>) offsets(%dma_start3A_7 : memref<128xi32, #tpu.memory_space<vmem>>) semaphore(%arg12 : memref<!tpu.dma_semaphore, #tpu.memory_space<semaphore_mem>>)
    %mul3A_11 = arith.constant 640 : i32
    %mul3A_12 = arith.muli %arg1, %mul3A_11 : i32
    %mul3A_13 = arith.constant 640 : i32
    %mul3A_14 = arith.muli %arg1, %mul3A_13 : i32
    "tpu.region"() ({
      %run_scoped3A_44 = tpu.sem_alloc : memref<!tpu.dma_semaphore, #tpu.memory_space<semaphore_mem>>
      %dma_start3A_45 = arith.constant 0 : i32
      %dma_start3A_46 = tpu.memref_slice %arg11[%mul3A_14, %dma_start3A_45] : memref<10240x128xf32, #tpu.memory_space<vmem_shared>> -> memref<640x128xf32, #tpu.memory_space<vmem_shared>>
      %dma_start3A_47 = arith.constant 0 : i32
      %dma_start3A_48 = tpu.memref_slice %arg5[%mul3A_12, %dma_start3A_47] : memref<10240x128xf32, #tpu.memory_space<hbm>> -> memref<640x128xf32, #tpu.memory_space<hbm>>
      tpu.enqueue_dma source(%dma_start3A_48 : memref<640x128xf32, #tpu.memory_space<hbm>>) target(%dma_start3A_46 : memref<640x128xf32, #tpu.memory_space<vmem_shared>>) target_semaphore(%run_scoped3A_44 : memref<!tpu.dma_semaphore, #tpu.memory_space<semaphore_mem>>)
      %dma_wait3A_49 = arith.constant 0 : i32
      %dma_wait3A_50 = tpu.memref_slice %arg11[%mul3A_14, %dma_wait3A_49] : memref<10240x128xf32, #tpu.memory_space<vmem_shared>> -> memref<640x128xf32, #tpu.memory_space<vmem_shared>>
      %dma_wait3A_51 = arith.constant 0 : i32
      %dma_wait3A_52 = tpu.memref_slice %arg5[%mul3A_12, %dma_wait3A_51] : memref<10240x128xf32, #tpu.memory_space<hbm>> -> memref<640x128xf32, #tpu.memory_space<hbm>>
      tpu.wait_dma2 semaphore(%run_scoped3A_44 : memref<!tpu.dma_semaphore, #tpu.memory_space<semaphore_mem>>) src(%dma_wait3A_52 : memref<640x128xf32, #tpu.memory_space<hbm>>) dst(%dma_wait3A_50 : memref<640x128xf32, #tpu.memory_space<vmem_shared>>)
      tpu.yield
    }) : () -> ()
    %barrier3A = arith.constant 0 : index
    tpu.barrier barrier_id(%barrier3A)
    %scan3A = arith.constant 0 : i32
    %scan3A_15 = arith.constant 0 : i32
    %scan3A_16 = arith.constant 10 : i32
    %scan3A_17 = arith.addi %scan3A_15, %scan3A_16 : i32
    %scan3A_18 = arith.constant 1 : i32
    scf.for %scan3A_44 = %scan3A_15 to %scan3A_17 step %scan3A_18  : i32 {
      %mul3A_45 = arith.constant 8 : i32
      %mul3A_46 = arith.muli %mul3A_45, %scan3A_44 : i32
      %dma_start3A_47 = arith.constant 0 : i32
      %dma_start3A_48 = arith.constant 1 : i32
      %dma_start3A_49 = arith.constant 0 : i32
      %dma_start3A_50 = tpu.memref_slice %arg7[%dma_start3A_47, %dma_start3A_48, %dma_start3A_49] : memref<2x4x128xi32, #tpu.memory_space<vmem>> -> memref<1x1x128xi32, #tpu.memory_space<vmem>>
      %dma_start3A_51 = tpu.memref_squeeze %dma_start3A_50 : memref<1x1x128xi32, #tpu.memory_space<vmem>> -> memref<128xi32, #tpu.memory_space<vmem>>
      %dma_start3A_52 = arith.constant 0 : i32
      %dma_start3A_53 = arith.constant 0 : i32
      %dma_start3A_54 = tpu.memref_slice %arg2[%dma_start3A_52, %dma_start3A_53] : memref<10240x128xf32, #tpu.memory_space<hbm>> -> memref<10240x128xf32, #tpu.memory_space<hbm>>
      tpu.enqueue_indirect_dma source(%dma_start3A_54 : memref<10240x128xf32, #tpu.memory_space<hbm>>) target(%arg10 : memref<128x128xf32, #tpu.memory_space<vmem>>) offsets(%dma_start3A_51 : memref<128xi32, #tpu.memory_space<vmem>>) semaphore(%arg13 : memref<!tpu.dma_semaphore, #tpu.memory_space<semaphore_mem>>)
      %dma_wait3A_55 = arith.constant 0 : i32
      %dma_wait3A_56 = arith.constant 0 : i32
      %dma_wait3A_57 = arith.constant 0 : i32
      %dma_wait3A_58 = tpu.memref_slice %arg7[%dma_wait3A_55, %dma_wait3A_56, %dma_wait3A_57] : memref<2x4x128xi32, #tpu.memory_space<vmem>> -> memref<1x1x128xi32, #tpu.memory_space<vmem>>
      %dma_wait3A_59 = tpu.memref_squeeze %dma_wait3A_58 : memref<1x1x128xi32, #tpu.memory_space<vmem>> -> memref<128xi32, #tpu.memory_space<vmem>>
      %dma_wait3A_60 = arith.constant 0 : i32
      %dma_wait3A_61 = arith.constant 0 : i32
      %dma_wait3A_62 = tpu.memref_slice %arg2[%dma_wait3A_60, %dma_wait3A_61] : memref<10240x128xf32, #tpu.memory_space<hbm>> -> memref<10240x128xf32, #tpu.memory_space<hbm>>
      tpu.wait_indirect_dma semaphore(%arg12 : memref<!tpu.dma_semaphore, #tpu.memory_space<semaphore_mem>>) src(%dma_wait3A_62 : memref<10240x128xf32, #tpu.memory_space<hbm>>) dst(%arg9 : memref<128x128xf32, #tpu.memory_space<vmem>>)
      %run_scoped3A_63 = arith.constant 0 : i32
      %run_scoped3A_64 = arith.constant 0 : i32
      "tpu.region"() ({
        %run_scoped3A_205 = tpu.sem_alloc : memref<!tpu.dma_semaphore, #tpu.memory_space<semaphore_mem>>
        %dma_start3A_206 = arith.constant 0 : i32
        %dma_start3A_207 = tpu.memref_slice %arg8[%run_scoped3A_63, %run_scoped3A_64, %dma_start3A_206] : memref<2x4x128xi32, #tpu.memory_space<vmem>> -> memref<1x1x128xi32, #tpu.memory_space<vmem>>
        %dma_start3A_208 = tpu.memref_squeeze %dma_start3A_207 : memref<1x1x128xi32, #tpu.memory_space<vmem>> -> memref<128xi32, #tpu.memory_space<vmem>>
        %dma_start3A_209 = arith.constant 0 : i32
        %dma_start3A_210 = arith.constant 0 : i32
        %dma_start3A_211 = tpu.memref_slice %arg11[%dma_start3A_209, %dma_start3A_210] : memref<10240x128xf32, #tpu.memory_space<vmem_shared>> -> memref<10240x128xf32, #tpu.memory_space<vmem_shared>>
        tpu.enqueue_indirect_dma source(%arg9 : memref<128x128xf32, #tpu.memory_space<vmem>>) target(%dma_start3A_211 : memref<10240x128xf32, #tpu.memory_space<vmem_shared>>) offsets(%dma_start3A_208 : memref<128xi32, #tpu.memory_space<vmem>>) semaphore(%run_scoped3A_205 : memref<!tpu.dma_semaphore, #tpu.memory_space<semaphore_mem>>) {add = true}
        %dma_wait3A_212 = arith.constant 0 : i32
        %dma_wait3A_213 = tpu.memref_slice %arg8[%run_scoped3A_63, %run_scoped3A_64, %dma_wait3A_212] : memref<2x4x128xi32, #tpu.memory_space<vmem>> -> memref<1x1x128xi32, #tpu.memory_space<vmem>>
        %dma_wait3A_214 = tpu.memref_squeeze %dma_wait3A_213 : memref<1x1x128xi32, #tpu.memory_space<vmem>> -> memref<128xi32, #tpu.memory_space<vmem>>
        %dma_wait3A_215 = arith.constant 0 : i32
        %dma_wait3A_216 = arith.constant 0 : i32
        %dma_wait3A_217 = tpu.memref_slice %arg11[%dma_wait3A_215, %dma_wait3A_216] : memref<10240x128xf32, #tpu.memory_space<vmem_shared>> -> memref<10240x128xf32, #tpu.memory_space<vmem_shared>>
        tpu.wait_indirect_dma semaphore(%run_scoped3A_205 : memref<!tpu.dma_semaphore, #tpu.memory_space<semaphore_mem>>) src(%arg9 : memref<128x128xf32, #tpu.memory_space<vmem>>) dst(%dma_wait3A_217 : memref<10240x128xf32, #tpu.memory_space<vmem_shared>>)
        tpu.yield
      }) : () -> ()
      %dma_start3A_65 = arith.constant 0 : i32
      %dma_start3A_66 = arith.constant 2 : i32
      %dma_start3A_67 = arith.constant 0 : i32
      %dma_start3A_68 = tpu.memref_slice %arg7[%dma_start3A_65, %dma_start3A_66, %dma_start3A_67] : memref<2x4x128xi32, #tpu.memory_space<vmem>> -> memref<1x1x128xi32, #tpu.memory_space<vmem>>
      %dma_start3A_69 = tpu.memref_squeeze %dma_start3A_68 : memref<1x1x128xi32, #tpu.memory_space<vmem>> -> memref<128xi32, #tpu.memory_space<vmem>>
      %dma_start3A_70 = arith.constant 0 : i32
      %dma_start3A_71 = arith.constant 0 : i32
      %dma_start3A_72 = tpu.memref_slice %arg2[%dma_start3A_70, %dma_start3A_71] : memref<10240x128xf32, #tpu.memory_space<hbm>> -> memref<10240x128xf32, #tpu.memory_space<hbm>>
      tpu.enqueue_indirect_dma source(%dma_start3A_72 : memref<10240x128xf32, #tpu.memory_space<hbm>>) target(%arg9 : memref<128x128xf32, #tpu.memory_space<vmem>>) offsets(%dma_start3A_69 : memref<128xi32, #tpu.memory_space<vmem>>) semaphore(%arg12 : memref<!tpu.dma_semaphore, #tpu.memory_space<semaphore_mem>>)
      %dma_wait3A_73 = arith.constant 0 : i32
      %dma_wait3A_74 = arith.constant 1 : i32
      %dma_wait3A_75 = arith.constant 0 : i32
      %dma_wait3A_76 = tpu.memref_slice %arg7[%dma_wait3A_73, %dma_wait3A_74, %dma_wait3A_75] : memref<2x4x128xi32, #tpu.memory_space<vmem>> -> memref<1x1x128xi32, #tpu.memory_space<vmem>>
      %dma_wait3A_77 = tpu.memref_squeeze %dma_wait3A_76 : memref<1x1x128xi32, #tpu.memory_space<vmem>> -> memref<128xi32, #tpu.memory_space<vmem>>
      %dma_wait3A_78 = arith.constant 0 : i32
      %dma_wait3A_79 = arith.constant 0 : i32
      %dma_wait3A_80 = tpu.memref_slice %arg2[%dma_wait3A_78, %dma_wait3A_79] : memref<10240x128xf32, #tpu.memory_space<hbm>> -> memref<10240x128xf32, #tpu.memory_space<hbm>>
      tpu.wait_indirect_dma semaphore(%arg13 : memref<!tpu.dma_semaphore, #tpu.memory_space<semaphore_mem>>) src(%dma_wait3A_80 : memref<10240x128xf32, #tpu.memory_space<hbm>>) dst(%arg10 : memref<128x128xf32, #tpu.memory_space<vmem>>)
      %run_scoped3A_81 = arith.constant 0 : i32
      %run_scoped3A_82 = arith.constant 1 : i32
      "tpu.region"() ({
        %run_scoped3A_205 = tpu.sem_alloc : memref<!tpu.dma_semaphore, #tpu.memory_space<semaphore_mem>>
        %dma_start3A_206 = arith.constant 0 : i32
        %dma_start3A_207 = tpu.memref_slice %arg8[%run_scoped3A_81, %run_scoped3A_82, %dma_start3A_206] : memref<2x4x128xi32, #tpu.memory_space<vmem>> -> memref<1x1x128xi32, #tpu.memory_space<vmem>>
        %dma_start3A_208 = tpu.memref_squeeze %dma_start3A_207 : memref<1x1x128xi32, #tpu.memory_space<vmem>> -> memref<128xi32, #tpu.memory_space<vmem>>
        %dma_start3A_209 = arith.constant 0 : i32
        %dma_start3A_210 = arith.constant 0 : i32
        %dma_start3A_211 = tpu.memref_slice %arg11[%dma_start3A_209, %dma_start3A_210] : memref<10240x128xf32, #tpu.memory_space<vmem_shared>> -> memref<10240x128xf32, #tpu.memory_space<vmem_shared>>
        tpu.enqueue_indirect_dma source(%arg10 : memref<128x128xf32, #tpu.memory_space<vmem>>) target(%dma_start3A_211 : memref<10240x128xf32, #tpu.memory_space<vmem_shared>>) offsets(%dma_start3A_208 : memref<128xi32, #tpu.memory_space<vmem>>) semaphore(%run_scoped3A_205 : memref<!tpu.dma_semaphore, #tpu.memory_space<semaphore_mem>>) {add = true}
        %dma_wait3A_212 = arith.constant 0 : i32
        %dma_wait3A_213 = tpu.memref_slice %arg8[%run_scoped3A_81, %run_scoped3A_82, %dma_wait3A_212] : memref<2x4x128xi32, #tpu.memory_space<vmem>> -> memref<1x1x128xi32, #tpu.memory_space<vmem>>
        %dma_wait3A_214 = tpu.memref_squeeze %dma_wait3A_213 : memref<1x1x128xi32, #tpu.memory_space<vmem>> -> memref<128xi32, #tpu.memory_space<vmem>>
        %dma_wait3A_215 = arith.constant 0 : i32
        %dma_wait3A_216 = arith.constant 0 : i32
        %dma_wait3A_217 = tpu.memref_slice %arg11[%dma_wait3A_215, %dma_wait3A_216] : memref<10240x128xf32, #tpu.memory_space<vmem_shared>> -> memref<10240x128xf32, #tpu.memory_space<vmem_shared>>
        tpu.wait_indirect_dma semaphore(%run_scoped3A_205 : memref<!tpu.dma_semaphore, #tpu.memory_space<semaphore_mem>>) src(%arg10 : memref<128x128xf32, #tpu.memory_space<vmem>>) dst(%dma_wait3A_217 : memref<10240x128xf32, #tpu.memory_space<vmem_shared>>)
        tpu.yield
      }) : () -> ()
      %dma_start3A_83 = arith.constant 0 : i32
      %dma_start3A_84 = arith.constant 3 : i32
      %dma_start3A_85 = arith.constant 0 : i32
      %dma_start3A_86 = tpu.memref_slice %arg7[%dma_start3A_83, %dma_start3A_84, %dma_start3A_85] : memref<2x4x128xi32, #tpu.memory_space<vmem>> -> memref<1x1x128xi32, #tpu.memory_space<vmem>>
      %dma_start3A_87 = tpu.memref_squeeze %dma_start3A_86 : memref<1x1x128xi32, #tpu.memory_space<vmem>> -> memref<128xi32, #tpu.memory_space<vmem>>
      %dma_start3A_88 = arith.constant 0 : i32
      %dma_start3A_89 = arith.constant 0 : i32
      %dma_start3A_90 = tpu.memref_slice %arg2[%dma_start3A_88, %dma_start3A_89] : memref<10240x128xf32, #tpu.memory_space<hbm>> -> memref<10240x128xf32, #tpu.memory_space<hbm>>
      tpu.enqueue_indirect_dma source(%dma_start3A_90 : memref<10240x128xf32, #tpu.memory_space<hbm>>) target(%arg10 : memref<128x128xf32, #tpu.memory_space<vmem>>) offsets(%dma_start3A_87 : memref<128xi32, #tpu.memory_space<vmem>>) semaphore(%arg13 : memref<!tpu.dma_semaphore, #tpu.memory_space<semaphore_mem>>)
      %dma_wait3A_91 = arith.constant 0 : i32
      %dma_wait3A_92 = arith.constant 2 : i32
      %dma_wait3A_93 = arith.constant 0 : i32
      %dma_wait3A_94 = tpu.memref_slice %arg7[%dma_wait3A_91, %dma_wait3A_92, %dma_wait3A_93] : memref<2x4x128xi32, #tpu.memory_space<vmem>> -> memref<1x1x128xi32, #tpu.memory_space<vmem>>
      %dma_wait3A_95 = tpu.memref_squeeze %dma_wait3A_94 : memref<1x1x128xi32, #tpu.memory_space<vmem>> -> memref<128xi32, #tpu.memory_space<vmem>>
      %dma_wait3A_96 = arith.constant 0 : i32
      %dma_wait3A_97 = arith.constant 0 : i32
      %dma_wait3A_98 = tpu.memref_slice %arg2[%dma_wait3A_96, %dma_wait3A_97] : memref<10240x128xf32, #tpu.memory_space<hbm>> -> memref<10240x128xf32, #tpu.memory_space<hbm>>
      tpu.wait_indirect_dma semaphore(%arg12 : memref<!tpu.dma_semaphore, #tpu.memory_space<semaphore_mem>>) src(%dma_wait3A_98 : memref<10240x128xf32, #tpu.memory_space<hbm>>) dst(%arg9 : memref<128x128xf32, #tpu.memory_space<vmem>>)
      %run_scoped3A_99 = arith.constant 0 : i32
      %run_scoped3A_100 = arith.constant 2 : i32
      "tpu.region"() ({
        %run_scoped3A_205 = tpu.sem_alloc : memref<!tpu.dma_semaphore, #tpu.memory_space<semaphore_mem>>
        %dma_start3A_206 = arith.constant 0 : i32
        %dma_start3A_207 = tpu.memref_slice %arg8[%run_scoped3A_99, %run_scoped3A_100, %dma_start3A_206] : memref<2x4x128xi32, #tpu.memory_space<vmem>> -> memref<1x1x128xi32, #tpu.memory_space<vmem>>
        %dma_start3A_208 = tpu.memref_squeeze %dma_start3A_207 : memref<1x1x128xi32, #tpu.memory_space<vmem>> -> memref<128xi32, #tpu.memory_space<vmem>>
        %dma_start3A_209 = arith.constant 0 : i32
        %dma_start3A_210 = arith.constant 0 : i32
        %dma_start3A_211 = tpu.memref_slice %arg11[%dma_start3A_209, %dma_start3A_210] : memref<10240x128xf32, #tpu.memory_space<vmem_shared>> -> memref<10240x128xf32, #tpu.memory_space<vmem_shared>>
        tpu.enqueue_indirect_dma source(%arg9 : memref<128x128xf32, #tpu.memory_space<vmem>>) target(%dma_start3A_211 : memref<10240x128xf32, #tpu.memory_space<vmem_shared>>) offsets(%dma_start3A_208 : memref<128xi32, #tpu.memory_space<vmem>>) semaphore(%run_scoped3A_205 : memref<!tpu.dma_semaphore, #tpu.memory_space<semaphore_mem>>) {add = true}
        %dma_wait3A_212 = arith.constant 0 : i32
        %dma_wait3A_213 = tpu.memref_slice %arg8[%run_scoped3A_99, %run_scoped3A_100, %dma_wait3A_212] : memref<2x4x128xi32, #tpu.memory_space<vmem>> -> memref<1x1x128xi32, #tpu.memory_space<vmem>>
        %dma_wait3A_214 = tpu.memref_squeeze %dma_wait3A_213 : memref<1x1x128xi32, #tpu.memory_space<vmem>> -> memref<128xi32, #tpu.memory_space<vmem>>
        %dma_wait3A_215 = arith.constant 0 : i32
        %dma_wait3A_216 = arith.constant 0 : i32
        %dma_wait3A_217 = tpu.memref_slice %arg11[%dma_wait3A_215, %dma_wait3A_216] : memref<10240x128xf32, #tpu.memory_space<vmem_shared>> -> memref<10240x128xf32, #tpu.memory_space<vmem_shared>>
        tpu.wait_indirect_dma semaphore(%run_scoped3A_205 : memref<!tpu.dma_semaphore, #tpu.memory_space<semaphore_mem>>) src(%arg9 : memref<128x128xf32, #tpu.memory_space<vmem>>) dst(%dma_wait3A_217 : memref<10240x128xf32, #tpu.memory_space<vmem_shared>>)
        tpu.yield
      }) : () -> ()
      %gt3A = arith.constant 0 : i32
      %gt3A_101 = arith.cmpi sgt, %scan3A_44, %gt3A : i32
      %convert_element_type3A = arith.extui %gt3A_101 : i1 to i32
      %cond3A = arith.constant 0 : i32
      %cond3A_102 = arith.cmpi ne, %convert_element_type3A, %cond3A : i32
      scf.if %cond3A_102 {
        %dma_wait3A_205 = arith.constant 1 : i32
        %dma_wait3A_206 = arith.constant 0 : i32
        %dma_wait3A_207 = arith.constant 0 : i32
        %dma_wait3A_208 = tpu.memref_slice %arg7[%dma_wait3A_205, %dma_wait3A_206, %dma_wait3A_207] : memref<2x4x128xi32, #tpu.memory_space<vmem>> -> memref<1x4x128xi32, #tpu.memory_space<vmem>>
        %dma_wait3A_209 = tpu.memref_squeeze %dma_wait3A_208 : memref<1x4x128xi32, #tpu.memory_space<vmem>> -> memref<4x128xi32, #tpu.memory_space<vmem>>
        %dma_wait3A_210 = arith.constant 0 : i32
        %dma_wait3A_211 = arith.constant 0 : i32
        %dma_wait3A_212 = tpu.memref_slice %arg3[%add3A, %dma_wait3A_210, %dma_wait3A_211] : memref<32x84x128xi32, #tpu.memory_space<hbm>> -> memref<1x4x128xi32, #tpu.memory_space<hbm>>
        %dma_wait3A_213 = tpu.memref_squeeze %dma_wait3A_212 : memref<1x4x128xi32, #tpu.memory_space<hbm>> -> memref<4x128xi32, #tpu.memory_space<hbm>>
        %dma_wait3A_214 = arith.constant 0 : i32
        %dma_wait3A_215 = arith.constant 0 : i32
        %dma_wait3A_216 = tpu.memref_slice %arg7[%dma_wait3A_205, %dma_wait3A_214, %dma_wait3A_215] : memref<2x4x128xi32, #tpu.memory_space<vmem>> -> memref<1x4x128xi32, #tpu.memory_space<vmem>>
        %dma_wait3A_217 = tpu.memref_squeeze %dma_wait3A_216 : memref<1x4x128xi32, #tpu.memory_space<vmem>> -> memref<4x128xi32, #tpu.memory_space<vmem>>
        %dma_wait3A_218 = arith.constant 0 : i32
        %dma_wait3A_219 = arith.constant 0 : i32
        %dma_wait3A_220 = tpu.memref_slice %arg3[%add3A, %dma_wait3A_218, %dma_wait3A_219] : memref<32x84x128xi32, #tpu.memory_space<hbm>> -> memref<1x4x128xi32, #tpu.memory_space<hbm>>
        %dma_wait3A_221 = tpu.memref_squeeze %dma_wait3A_220 : memref<1x4x128xi32, #tpu.memory_space<hbm>> -> memref<4x128xi32, #tpu.memory_space<hbm>>
        tpu.wait_dma2 semaphore(%arg15 : memref<!tpu.dma_semaphore, #tpu.memory_space<semaphore_mem>>) src(%dma_wait3A_221 : memref<4x128xi32, #tpu.memory_space<hbm>>) dst(%dma_wait3A_217 : memref<4x128xi32, #tpu.memory_space<vmem>>)
        %dma_wait3A_222 = arith.constant 1 : i32
        %dma_wait3A_223 = arith.constant 0 : i32
        %dma_wait3A_224 = arith.constant 0 : i32
        %dma_wait3A_225 = tpu.memref_slice %arg8[%dma_wait3A_222, %dma_wait3A_223, %dma_wait3A_224] : memref<2x4x128xi32, #tpu.memory_space<vmem>> -> memref<1x4x128xi32, #tpu.memory_space<vmem>>
        %dma_wait3A_226 = tpu.memref_squeeze %dma_wait3A_225 : memref<1x4x128xi32, #tpu.memory_space<vmem>> -> memref<4x128xi32, #tpu.memory_space<vmem>>
        %dma_wait3A_227 = arith.constant 0 : i32
        %dma_wait3A_228 = arith.constant 0 : i32
        %dma_wait3A_229 = tpu.memref_slice %arg4[%add3A, %dma_wait3A_227, %dma_wait3A_228] : memref<32x84x128xi32, #tpu.memory_space<hbm>> -> memref<1x4x128xi32, #tpu.memory_space<hbm>>
        %dma_wait3A_230 = tpu.memref_squeeze %dma_wait3A_229 : memref<1x4x128xi32, #tpu.memory_space<hbm>> -> memref<4x128xi32, #tpu.memory_space<hbm>>
        %dma_wait3A_231 = arith.constant 0 : i32
        %dma_wait3A_232 = arith.constant 0 : i32
        %dma_wait3A_233 = tpu.memref_slice %arg8[%dma_wait3A_222, %dma_wait3A_231, %dma_wait3A_232] : memref<2x4x128xi32, #tpu.memory_space<vmem>> -> memref<1x4x128xi32, #tpu.memory_space<vmem>>
        %dma_wait3A_234 = tpu.memref_squeeze %dma_wait3A_233 : memref<1x4x128xi32, #tpu.memory_space<vmem>> -> memref<4x128xi32, #tpu.memory_space<vmem>>
        %dma_wait3A_235 = arith.constant 0 : i32
        %dma_wait3A_236 = arith.constant 0 : i32
        %dma_wait3A_237 = tpu.memref_slice %arg4[%add3A, %dma_wait3A_235, %dma_wait3A_236] : memref<32x84x128xi32, #tpu.memory_space<hbm>> -> memref<1x4x128xi32, #tpu.memory_space<hbm>>
        %dma_wait3A_238 = tpu.memref_squeeze %dma_wait3A_237 : memref<1x4x128xi32, #tpu.memory_space<hbm>> -> memref<4x128xi32, #tpu.memory_space<hbm>>
        tpu.wait_dma2 semaphore(%arg15 : memref<!tpu.dma_semaphore, #tpu.memory_space<semaphore_mem>>) src(%dma_wait3A_238 : memref<4x128xi32, #tpu.memory_space<hbm>>) dst(%dma_wait3A_234 : memref<4x128xi32, #tpu.memory_space<vmem>>)
      } else {
      }
      %dma_start3A_103 = arith.constant 1 : i32
      %dma_start3A_104 = arith.constant 0 : i32
      %dma_start3A_105 = arith.constant 0 : i32
      %dma_start3A_106 = tpu.memref_slice %arg7[%dma_start3A_103, %dma_start3A_104, %dma_start3A_105] : memref<2x4x128xi32, #tpu.memory_space<vmem>> -> memref<1x1x128xi32, #tpu.memory_space<vmem>>
      %dma_start3A_107 = tpu.memref_squeeze %dma_start3A_106 : memref<1x1x128xi32, #tpu.memory_space<vmem>> -> memref<128xi32, #tpu.memory_space<vmem>>
      %dma_start3A_108 = arith.constant 0 : i32
      %dma_start3A_109 = arith.constant 0 : i32
      %dma_start3A_110 = tpu.memref_slice %arg2[%dma_start3A_108, %dma_start3A_109] : memref<10240x128xf32, #tpu.memory_space<hbm>> -> memref<10240x128xf32, #tpu.memory_space<hbm>>
      tpu.enqueue_indirect_dma source(%dma_start3A_110 : memref<10240x128xf32, #tpu.memory_space<hbm>>) target(%arg9 : memref<128x128xf32, #tpu.memory_space<vmem>>) offsets(%dma_start3A_107 : memref<128xi32, #tpu.memory_space<vmem>>) semaphore(%arg12 : memref<!tpu.dma_semaphore, #tpu.memory_space<semaphore_mem>>)
      %dma_wait3A_111 = arith.constant 0 : i32
      %dma_wait3A_112 = arith.constant 3 : i32
      %dma_wait3A_113 = arith.constant 0 : i32
      %dma_wait3A_114 = tpu.memref_slice %arg7[%dma_wait3A_111, %dma_wait3A_112, %dma_wait3A_113] : memref<2x4x128xi32, #tpu.memory_space<vmem>> -> memref<1x1x128xi32, #tpu.memory_space<vmem>>
      %dma_wait3A_115 = tpu.memref_squeeze %dma_wait3A_114 : memref<1x1x128xi32, #tpu.memory_space<vmem>> -> memref<128xi32, #tpu.memory_space<vmem>>
      %dma_wait3A_116 = arith.constant 0 : i32
      %dma_wait3A_117 = arith.constant 0 : i32
      %dma_wait3A_118 = tpu.memref_slice %arg2[%dma_wait3A_116, %dma_wait3A_117] : memref<10240x128xf32, #tpu.memory_space<hbm>> -> memref<10240x128xf32, #tpu.memory_space<hbm>>
      tpu.wait_indirect_dma semaphore(%arg13 : memref<!tpu.dma_semaphore, #tpu.memory_space<semaphore_mem>>) src(%dma_wait3A_118 : memref<10240x128xf32, #tpu.memory_space<hbm>>) dst(%arg10 : memref<128x128xf32, #tpu.memory_space<vmem>>)
      %run_scoped3A_119 = arith.constant 0 : i32
      %run_scoped3A_120 = arith.constant 3 : i32
      "tpu.region"() ({
        %run_scoped3A_205 = tpu.sem_alloc : memref<!tpu.dma_semaphore, #tpu.memory_space<semaphore_mem>>
        %dma_start3A_206 = arith.constant 0 : i32
        %dma_start3A_207 = tpu.memref_slice %arg8[%run_scoped3A_119, %run_scoped3A_120, %dma_start3A_206] : memref<2x4x128xi32, #tpu.memory_space<vmem>> -> memref<1x1x128xi32, #tpu.memory_space<vmem>>
        %dma_start3A_208 = tpu.memref_squeeze %dma_start3A_207 : memref<1x1x128xi32, #tpu.memory_space<vmem>> -> memref<128xi32, #tpu.memory_space<vmem>>
        %dma_start3A_209 = arith.constant 0 : i32
        %dma_start3A_210 = arith.constant 0 : i32
        %dma_start3A_211 = tpu.memref_slice %arg11[%dma_start3A_209, %dma_start3A_210] : memref<10240x128xf32, #tpu.memory_space<vmem_shared>> -> memref<10240x128xf32, #tpu.memory_space<vmem_shared>>
        tpu.enqueue_indirect_dma source(%arg10 : memref<128x128xf32, #tpu.memory_space<vmem>>) target(%dma_start3A_211 : memref<10240x128xf32, #tpu.memory_space<vmem_shared>>) offsets(%dma_start3A_208 : memref<128xi32, #tpu.memory_space<vmem>>) semaphore(%run_scoped3A_205 : memref<!tpu.dma_semaphore, #tpu.memory_space<semaphore_mem>>) {add = true}
        %dma_wait3A_212 = arith.constant 0 : i32
        %dma_wait3A_213 = tpu.memref_slice %arg8[%run_scoped3A_119, %run_scoped3A_120, %dma_wait3A_212] : memref<2x4x128xi32, #tpu.memory_space<vmem>> -> memref<1x1x128xi32, #tpu.memory_space<vmem>>
        %dma_wait3A_214 = tpu.memref_squeeze %dma_wait3A_213 : memref<1x1x128xi32, #tpu.memory_space<vmem>> -> memref<128xi32, #tpu.memory_space<vmem>>
        %dma_wait3A_215 = arith.constant 0 : i32
        %dma_wait3A_216 = arith.constant 0 : i32
        %dma_wait3A_217 = tpu.memref_slice %arg11[%dma_wait3A_215, %dma_wait3A_216] : memref<10240x128xf32, #tpu.memory_space<vmem_shared>> -> memref<10240x128xf32, #tpu.memory_space<vmem_shared>>
        tpu.wait_indirect_dma semaphore(%run_scoped3A_205 : memref<!tpu.dma_semaphore, #tpu.memory_space<semaphore_mem>>) src(%arg10 : memref<128x128xf32, #tpu.memory_space<vmem>>) dst(%dma_wait3A_217 : memref<10240x128xf32, #tpu.memory_space<vmem_shared>>)
        tpu.yield
      }) : () -> ()
      %add3A_121 = arith.constant 1 : i32
      %add3A_122 = arith.addi %scan3A_44, %add3A_121 : i32
      %lt3A = arith.constant 10 : i32
      %lt3A_123 = arith.cmpi slt, %add3A_122, %lt3A : i32
      %convert_element_type3A_124 = arith.extui %lt3A_123 : i1 to i32
      %cond3A_125 = arith.constant 0 : i32
      %cond3A_126 = arith.cmpi ne, %convert_element_type3A_124, %cond3A_125 : i32
      scf.if %cond3A_126 {
        %add3A_205 = arith.constant 8 : i32
        %add3A_206 = arith.addi %mul3A_46, %add3A_205 : i32
        %dma_start3A_207 = arith.constant 0 : i32
        %dma_start3A_208 = arith.constant 0 : i32
        %dma_start3A_209 = arith.constant 0 : i32
        %dma_start3A_210 = tpu.memref_slice %arg7[%dma_start3A_207, %dma_start3A_208, %dma_start3A_209] : memref<2x4x128xi32, #tpu.memory_space<vmem>> -> memref<1x4x128xi32, #tpu.memory_space<vmem>>
        %dma_start3A_211 = tpu.memref_squeeze %dma_start3A_210 : memref<1x4x128xi32, #tpu.memory_space<vmem>> -> memref<4x128xi32, #tpu.memory_space<vmem>>
        %dma_start3A_212 = arith.constant 0 : i32
        %dma_start3A_213 = tpu.memref_slice %arg3[%add3A, %add3A_206, %dma_start3A_212] : memref<32x84x128xi32, #tpu.memory_space<hbm>> -> memref<1x4x128xi32, #tpu.memory_space<hbm>>
        %dma_start3A_214 = tpu.memref_squeeze %dma_start3A_213 : memref<1x4x128xi32, #tpu.memory_space<hbm>> -> memref<4x128xi32, #tpu.memory_space<hbm>>
        %dma_start3A_215 = arith.constant 0 : i32
        %dma_start3A_216 = arith.constant 0 : i32
        %dma_start3A_217 = tpu.memref_slice %arg7[%dma_start3A_207, %dma_start3A_215, %dma_start3A_216] : memref<2x4x128xi32, #tpu.memory_space<vmem>> -> memref<1x4x128xi32, #tpu.memory_space<vmem>>
        %dma_start3A_218 = tpu.memref_squeeze %dma_start3A_217 : memref<1x4x128xi32, #tpu.memory_space<vmem>> -> memref<4x128xi32, #tpu.memory_space<vmem>>
        %dma_start3A_219 = arith.constant 0 : i32
        %dma_start3A_220 = tpu.memref_slice %arg3[%add3A, %add3A_206, %dma_start3A_219] : memref<32x84x128xi32, #tpu.memory_space<hbm>> -> memref<1x4x128xi32, #tpu.memory_space<hbm>>
        %dma_start3A_221 = tpu.memref_squeeze %dma_start3A_220 : memref<1x4x128xi32, #tpu.memory_space<hbm>> -> memref<4x128xi32, #tpu.memory_space<hbm>>
        tpu.enqueue_dma source(%dma_start3A_221 : memref<4x128xi32, #tpu.memory_space<hbm>>) target(%dma_start3A_218 : memref<4x128xi32, #tpu.memory_space<vmem>>) target_semaphore(%arg14 : memref<!tpu.dma_semaphore, #tpu.memory_space<semaphore_mem>>)
        %add3A_222 = arith.constant 8 : i32
        %add3A_223 = arith.addi %mul3A_46, %add3A_222 : i32
        %dma_start3A_224 = arith.constant 0 : i32
        %dma_start3A_225 = arith.constant 0 : i32
        %dma_start3A_226 = arith.constant 0 : i32
        %dma_start3A_227 = tpu.memref_slice %arg8[%dma_start3A_224, %dma_start3A_225, %dma_start3A_226] : memref<2x4x128xi32, #tpu.memory_space<vmem>> -> memref<1x4x128xi32, #tpu.memory_space<vmem>>
        %dma_start3A_228 = tpu.memref_squeeze %dma_start3A_227 : memref<1x4x128xi32, #tpu.memory_space<vmem>> -> memref<4x128xi32, #tpu.memory_space<vmem>>
        %dma_start3A_229 = arith.constant 0 : i32
        %dma_start3A_230 = tpu.memref_slice %arg4[%add3A, %add3A_223, %dma_start3A_229] : memref<32x84x128xi32, #tpu.memory_space<hbm>> -> memref<1x4x128xi32, #tpu.memory_space<hbm>>
        %dma_start3A_231 = tpu.memref_squeeze %dma_start3A_230 : memref<1x4x128xi32, #tpu.memory_space<hbm>> -> memref<4x128xi32, #tpu.memory_space<hbm>>
        %dma_start3A_232 = arith.constant 0 : i32
        %dma_start3A_233 = arith.constant 0 : i32
        %dma_start3A_234 = tpu.memref_slice %arg8[%dma_start3A_224, %dma_start3A_232, %dma_start3A_233] : memref<2x4x128xi32, #tpu.memory_space<vmem>> -> memref<1x4x128xi32, #tpu.memory_space<vmem>>
        %dma_start3A_235 = tpu.memref_squeeze %dma_start3A_234 : memref<1x4x128xi32, #tpu.memory_space<vmem>> -> memref<4x128xi32, #tpu.memory_space<vmem>>
        %dma_start3A_236 = arith.constant 0 : i32
        %dma_start3A_237 = tpu.memref_slice %arg4[%add3A, %add3A_223, %dma_start3A_236] : memref<32x84x128xi32, #tpu.memory_space<hbm>> -> memref<1x4x128xi32, #tpu.memory_space<hbm>>
        %dma_start3A_238 = tpu.memref_squeeze %dma_start3A_237 : memref<1x4x128xi32, #tpu.memory_space<hbm>> -> memref<4x128xi32, #tpu.memory_space<hbm>>
        tpu.enqueue_dma source(%dma_start3A_238 : memref<4x128xi32, #tpu.memory_space<hbm>>) target(%dma_start3A_235 : memref<4x128xi32, #tpu.memory_space<vmem>>) target_semaphore(%arg14 : memref<!tpu.dma_semaphore, #tpu.memory_space<semaphore_mem>>)
      } else {
      }
      %dma_start3A_127 = arith.constant 1 : i32
      %dma_start3A_128 = arith.constant 1 : i32
      %dma_start3A_129 = arith.constant 0 : i32
      %dma_start3A_130 = tpu.memref_slice %arg7[%dma_start3A_127, %dma_start3A_128, %dma_start3A_129] : memref<2x4x128xi32, #tpu.memory_space<vmem>> -> memref<1x1x128xi32, #tpu.memory_space<vmem>>
      %dma_start3A_131 = tpu.memref_squeeze %dma_start3A_130 : memref<1x1x128xi32, #tpu.memory_space<vmem>> -> memref<128xi32, #tpu.memory_space<vmem>>
      %dma_start3A_132 = arith.constant 0 : i32
      %dma_start3A_133 = arith.constant 0 : i32
      %dma_start3A_134 = tpu.memref_slice %arg2[%dma_start3A_132, %dma_start3A_133] : memref<10240x128xf32, #tpu.memory_space<hbm>> -> memref<10240x128xf32, #tpu.memory_space<hbm>>
      tpu.enqueue_indirect_dma source(%dma_start3A_134 : memref<10240x128xf32, #tpu.memory_space<hbm>>) target(%arg10 : memref<128x128xf32, #tpu.memory_space<vmem>>) offsets(%dma_start3A_131 : memref<128xi32, #tpu.memory_space<vmem>>) semaphore(%arg13 : memref<!tpu.dma_semaphore, #tpu.memory_space<semaphore_mem>>)
      %dma_wait3A_135 = arith.constant 1 : i32
      %dma_wait3A_136 = arith.constant 0 : i32
      %dma_wait3A_137 = arith.constant 0 : i32
      %dma_wait3A_138 = tpu.memref_slice %arg7[%dma_wait3A_135, %dma_wait3A_136, %dma_wait3A_137] : memref<2x4x128xi32, #tpu.memory_space<vmem>> -> memref<1x1x128xi32, #tpu.memory_space<vmem>>
      %dma_wait3A_139 = tpu.memref_squeeze %dma_wait3A_138 : memref<1x1x128xi32, #tpu.memory_space<vmem>> -> memref<128xi32, #tpu.memory_space<vmem>>
      %dma_wait3A_140 = arith.constant 0 : i32
      %dma_wait3A_141 = arith.constant 0 : i32
      %dma_wait3A_142 = tpu.memref_slice %arg2[%dma_wait3A_140, %dma_wait3A_141] : memref<10240x128xf32, #tpu.memory_space<hbm>> -> memref<10240x128xf32, #tpu.memory_space<hbm>>
      tpu.wait_indirect_dma semaphore(%arg12 : memref<!tpu.dma_semaphore, #tpu.memory_space<semaphore_mem>>) src(%dma_wait3A_142 : memref<10240x128xf32, #tpu.memory_space<hbm>>) dst(%arg9 : memref<128x128xf32, #tpu.memory_space<vmem>>)
      %run_scoped3A_143 = arith.constant 1 : i32
      %run_scoped3A_144 = arith.constant 0 : i32
      "tpu.region"() ({
        %run_scoped3A_205 = tpu.sem_alloc : memref<!tpu.dma_semaphore, #tpu.memory_space<semaphore_mem>>
        %dma_start3A_206 = arith.constant 0 : i32
        %dma_start3A_207 = tpu.memref_slice %arg8[%run_scoped3A_143, %run_scoped3A_144, %dma_start3A_206] : memref<2x4x128xi32, #tpu.memory_space<vmem>> -> memref<1x1x128xi32, #tpu.memory_space<vmem>>
        %dma_start3A_208 = tpu.memref_squeeze %dma_start3A_207 : memref<1x1x128xi32, #tpu.memory_space<vmem>> -> memref<128xi32, #tpu.memory_space<vmem>>
        %dma_start3A_209 = arith.constant 0 : i32
        %dma_start3A_210 = arith.constant 0 : i32
        %dma_start3A_211 = tpu.memref_slice %arg11[%dma_start3A_209, %dma_start3A_210] : memref<10240x128xf32, #tpu.memory_space<vmem_shared>> -> memref<10240x128xf32, #tpu.memory_space<vmem_shared>>
        tpu.enqueue_indirect_dma source(%arg9 : memref<128x128xf32, #tpu.memory_space<vmem>>) target(%dma_start3A_211 : memref<10240x128xf32, #tpu.memory_space<vmem_shared>>) offsets(%dma_start3A_208 : memref<128xi32, #tpu.memory_space<vmem>>) semaphore(%run_scoped3A_205 : memref<!tpu.dma_semaphore, #tpu.memory_space<semaphore_mem>>) {add = true}
        %dma_wait3A_212 = arith.constant 0 : i32
        %dma_wait3A_213 = tpu.memref_slice %arg8[%run_scoped3A_143, %run_scoped3A_144, %dma_wait3A_212] : memref<2x4x128xi32, #tpu.memory_space<vmem>> -> memref<1x1x128xi32, #tpu.memory_space<vmem>>
        %dma_wait3A_214 = tpu.memref_squeeze %dma_wait3A_213 : memref<1x1x128xi32, #tpu.memory_space<vmem>> -> memref<128xi32, #tpu.memory_space<vmem>>
        %dma_wait3A_215 = arith.constant 0 : i32
        %dma_wait3A_216 = arith.constant 0 : i32
        %dma_wait3A_217 = tpu.memref_slice %arg11[%dma_wait3A_215, %dma_wait3A_216] : memref<10240x128xf32, #tpu.memory_space<vmem_shared>> -> memref<10240x128xf32, #tpu.memory_space<vmem_shared>>
        tpu.wait_indirect_dma semaphore(%run_scoped3A_205 : memref<!tpu.dma_semaphore, #tpu.memory_space<semaphore_mem>>) src(%arg9 : memref<128x128xf32, #tpu.memory_space<vmem>>) dst(%dma_wait3A_217 : memref<10240x128xf32, #tpu.memory_space<vmem_shared>>)
        tpu.yield
      }) : () -> ()
      %dma_start3A_145 = arith.constant 1 : i32
      %dma_start3A_146 = arith.constant 2 : i32
      %dma_start3A_147 = arith.constant 0 : i32
      %dma_start3A_148 = tpu.memref_slice %arg7[%dma_start3A_145, %dma_start3A_146, %dma_start3A_147] : memref<2x4x128xi32, #tpu.memory_space<vmem>> -> memref<1x1x128xi32, #tpu.memory_space<vmem>>
      %dma_start3A_149 = tpu.memref_squeeze %dma_start3A_148 : memref<1x1x128xi32, #tpu.memory_space<vmem>> -> memref<128xi32, #tpu.memory_space<vmem>>
      %dma_start3A_150 = arith.constant 0 : i32
      %dma_start3A_151 = arith.constant 0 : i32
      %dma_start3A_152 = tpu.memref_slice %arg2[%dma_start3A_150, %dma_start3A_151] : memref<10240x128xf32, #tpu.memory_space<hbm>> -> memref<10240x128xf32, #tpu.memory_space<hbm>>
      tpu.enqueue_indirect_dma source(%dma_start3A_152 : memref<10240x128xf32, #tpu.memory_space<hbm>>) target(%arg9 : memref<128x128xf32, #tpu.memory_space<vmem>>) offsets(%dma_start3A_149 : memref<128xi32, #tpu.memory_space<vmem>>) semaphore(%arg12 : memref<!tpu.dma_semaphore, #tpu.memory_space<semaphore_mem>>)
      %dma_wait3A_153 = arith.constant 1 : i32
      %dma_wait3A_154 = arith.constant 1 : i32
      %dma_wait3A_155 = arith.constant 0 : i32
      %dma_wait3A_156 = tpu.memref_slice %arg7[%dma_wait3A_153, %dma_wait3A_154, %dma_wait3A_155] : memref<2x4x128xi32, #tpu.memory_space<vmem>> -> memref<1x1x128xi32, #tpu.memory_space<vmem>>
      %dma_wait3A_157 = tpu.memref_squeeze %dma_wait3A_156 : memref<1x1x128xi32, #tpu.memory_space<vmem>> -> memref<128xi32, #tpu.memory_space<vmem>>
      %dma_wait3A_158 = arith.constant 0 : i32
      %dma_wait3A_159 = arith.constant 0 : i32
      %dma_wait3A_160 = tpu.memref_slice %arg2[%dma_wait3A_158, %dma_wait3A_159] : memref<10240x128xf32, #tpu.memory_space<hbm>> -> memref<10240x128xf32, #tpu.memory_space<hbm>>
      tpu.wait_indirect_dma semaphore(%arg13 : memref<!tpu.dma_semaphore, #tpu.memory_space<semaphore_mem>>) src(%dma_wait3A_160 : memref<10240x128xf32, #tpu.memory_space<hbm>>) dst(%arg10 : memref<128x128xf32, #tpu.memory_space<vmem>>)
      %run_scoped3A_161 = arith.constant 1 : i32
      %run_scoped3A_162 = arith.constant 1 : i32
      "tpu.region"() ({
        %run_scoped3A_205 = tpu.sem_alloc : memref<!tpu.dma_semaphore, #tpu.memory_space<semaphore_mem>>
        %dma_start3A_206 = arith.constant 0 : i32
        %dma_start3A_207 = tpu.memref_slice %arg8[%run_scoped3A_161, %run_scoped3A_162, %dma_start3A_206] : memref<2x4x128xi32, #tpu.memory_space<vmem>> -> memref<1x1x128xi32, #tpu.memory_space<vmem>>
        %dma_start3A_208 = tpu.memref_squeeze %dma_start3A_207 : memref<1x1x128xi32, #tpu.memory_space<vmem>> -> memref<128xi32, #tpu.memory_space<vmem>>
        %dma_start3A_209 = arith.constant 0 : i32
        %dma_start3A_210 = arith.constant 0 : i32
        %dma_start3A_211 = tpu.memref_slice %arg11[%dma_start3A_209, %dma_start3A_210] : memref<10240x128xf32, #tpu.memory_space<vmem_shared>> -> memref<10240x128xf32, #tpu.memory_space<vmem_shared>>
        tpu.enqueue_indirect_dma source(%arg10 : memref<128x128xf32, #tpu.memory_space<vmem>>) target(%dma_start3A_211 : memref<10240x128xf32, #tpu.memory_space<vmem_shared>>) offsets(%dma_start3A_208 : memref<128xi32, #tpu.memory_space<vmem>>) semaphore(%run_scoped3A_205 : memref<!tpu.dma_semaphore, #tpu.memory_space<semaphore_mem>>) {add = true}
        %dma_wait3A_212 = arith.constant 0 : i32
        %dma_wait3A_213 = tpu.memref_slice %arg8[%run_scoped3A_161, %run_scoped3A_162, %dma_wait3A_212] : memref<2x4x128xi32, #tpu.memory_space<vmem>> -> memref<1x1x128xi32, #tpu.memory_space<vmem>>
        %dma_wait3A_214 = tpu.memref_squeeze %dma_wait3A_213 : memref<1x1x128xi32, #tpu.memory_space<vmem>> -> memref<128xi32, #tpu.memory_space<vmem>>
        %dma_wait3A_215 = arith.constant 0 : i32
        %dma_wait3A_216 = arith.constant 0 : i32
        %dma_wait3A_217 = tpu.memref_slice %arg11[%dma_wait3A_215, %dma_wait3A_216] : memref<10240x128xf32, #tpu.memory_space<vmem_shared>> -> memref<10240x128xf32, #tpu.memory_space<vmem_shared>>
        tpu.wait_indirect_dma semaphore(%run_scoped3A_205 : memref<!tpu.dma_semaphore, #tpu.memory_space<semaphore_mem>>) src(%arg10 : memref<128x128xf32, #tpu.memory_space<vmem>>) dst(%dma_wait3A_217 : memref<10240x128xf32, #tpu.memory_space<vmem_shared>>)
        tpu.yield
      }) : () -> ()
      %dma_start3A_163 = arith.constant 1 : i32
      %dma_start3A_164 = arith.constant 3 : i32
      %dma_start3A_165 = arith.constant 0 : i32
      %dma_start3A_166 = tpu.memref_slice %arg7[%dma_start3A_163, %dma_start3A_164, %dma_start3A_165] : memref<2x4x128xi32, #tpu.memory_space<vmem>> -> memref<1x1x128xi32, #tpu.memory_space<vmem>>
      %dma_start3A_167 = tpu.memref_squeeze %dma_start3A_166 : memref<1x1x128xi32, #tpu.memory_space<vmem>> -> memref<128xi32, #tpu.memory_space<vmem>>
      %dma_start3A_168 = arith.constant 0 : i32
      %dma_start3A_169 = arith.constant 0 : i32
      %dma_start3A_170 = tpu.memref_slice %arg2[%dma_start3A_168, %dma_start3A_169] : memref<10240x128xf32, #tpu.memory_space<hbm>> -> memref<10240x128xf32, #tpu.memory_space<hbm>>
      tpu.enqueue_indirect_dma source(%dma_start3A_170 : memref<10240x128xf32, #tpu.memory_space<hbm>>) target(%arg10 : memref<128x128xf32, #tpu.memory_space<vmem>>) offsets(%dma_start3A_167 : memref<128xi32, #tpu.memory_space<vmem>>) semaphore(%arg13 : memref<!tpu.dma_semaphore, #tpu.memory_space<semaphore_mem>>)
      %dma_wait3A_171 = arith.constant 1 : i32
      %dma_wait3A_172 = arith.constant 2 : i32
      %dma_wait3A_173 = arith.constant 0 : i32
      %dma_wait3A_174 = tpu.memref_slice %arg7[%dma_wait3A_171, %dma_wait3A_172, %dma_wait3A_173] : memref<2x4x128xi32, #tpu.memory_space<vmem>> -> memref<1x1x128xi32, #tpu.memory_space<vmem>>
      %dma_wait3A_175 = tpu.memref_squeeze %dma_wait3A_174 : memref<1x1x128xi32, #tpu.memory_space<vmem>> -> memref<128xi32, #tpu.memory_space<vmem>>
      %dma_wait3A_176 = arith.constant 0 : i32
      %dma_wait3A_177 = arith.constant 0 : i32
      %dma_wait3A_178 = tpu.memref_slice %arg2[%dma_wait3A_176, %dma_wait3A_177] : memref<10240x128xf32, #tpu.memory_space<hbm>> -> memref<10240x128xf32, #tpu.memory_space<hbm>>
      tpu.wait_indirect_dma semaphore(%arg12 : memref<!tpu.dma_semaphore, #tpu.memory_space<semaphore_mem>>) src(%dma_wait3A_178 : memref<10240x128xf32, #tpu.memory_space<hbm>>) dst(%arg9 : memref<128x128xf32, #tpu.memory_space<vmem>>)
      %run_scoped3A_179 = arith.constant 1 : i32
      %run_scoped3A_180 = arith.constant 2 : i32
      "tpu.region"() ({
        %run_scoped3A_205 = tpu.sem_alloc : memref<!tpu.dma_semaphore, #tpu.memory_space<semaphore_mem>>
        %dma_start3A_206 = arith.constant 0 : i32
        %dma_start3A_207 = tpu.memref_slice %arg8[%run_scoped3A_179, %run_scoped3A_180, %dma_start3A_206] : memref<2x4x128xi32, #tpu.memory_space<vmem>> -> memref<1x1x128xi32, #tpu.memory_space<vmem>>
        %dma_start3A_208 = tpu.memref_squeeze %dma_start3A_207 : memref<1x1x128xi32, #tpu.memory_space<vmem>> -> memref<128xi32, #tpu.memory_space<vmem>>
        %dma_start3A_209 = arith.constant 0 : i32
        %dma_start3A_210 = arith.constant 0 : i32
        %dma_start3A_211 = tpu.memref_slice %arg11[%dma_start3A_209, %dma_start3A_210] : memref<10240x128xf32, #tpu.memory_space<vmem_shared>> -> memref<10240x128xf32, #tpu.memory_space<vmem_shared>>
        tpu.enqueue_indirect_dma source(%arg9 : memref<128x128xf32, #tpu.memory_space<vmem>>) target(%dma_start3A_211 : memref<10240x128xf32, #tpu.memory_space<vmem_shared>>) offsets(%dma_start3A_208 : memref<128xi32, #tpu.memory_space<vmem>>) semaphore(%run_scoped3A_205 : memref<!tpu.dma_semaphore, #tpu.memory_space<semaphore_mem>>) {add = true}
        %dma_wait3A_212 = arith.constant 0 : i32
        %dma_wait3A_213 = tpu.memref_slice %arg8[%run_scoped3A_179, %run_scoped3A_180, %dma_wait3A_212] : memref<2x4x128xi32, #tpu.memory_space<vmem>> -> memref<1x1x128xi32, #tpu.memory_space<vmem>>
        %dma_wait3A_214 = tpu.memref_squeeze %dma_wait3A_213 : memref<1x1x128xi32, #tpu.memory_space<vmem>> -> memref<128xi32, #tpu.memory_space<vmem>>
        %dma_wait3A_215 = arith.constant 0 : i32
        %dma_wait3A_216 = arith.constant 0 : i32
        %dma_wait3A_217 = tpu.memref_slice %arg11[%dma_wait3A_215, %dma_wait3A_216] : memref<10240x128xf32, #tpu.memory_space<vmem_shared>> -> memref<10240x128xf32, #tpu.memory_space<vmem_shared>>
        tpu.wait_indirect_dma semaphore(%run_scoped3A_205 : memref<!tpu.dma_semaphore, #tpu.memory_space<semaphore_mem>>) src(%arg9 : memref<128x128xf32, #tpu.memory_space<vmem>>) dst(%dma_wait3A_217 : memref<10240x128xf32, #tpu.memory_space<vmem_shared>>)
        tpu.yield
      }) : () -> ()
      %add3A_181 = arith.constant 1 : i32
      %add3A_182 = arith.addi %scan3A_44, %add3A_181 : i32
      %lt3A_183 = arith.constant 10 : i32
      %lt3A_184 = arith.cmpi slt, %add3A_182, %lt3A_183 : i32
      %convert_element_type3A_185 = arith.extui %lt3A_184 : i1 to i32
      %cond3A_186 = arith.constant 0 : i32
      %cond3A_187 = arith.cmpi ne, %convert_element_type3A_185, %cond3A_186 : i32
      scf.if %cond3A_187 {
        %dma_wait3A_205 = arith.constant 0 : i32
        %dma_wait3A_206 = arith.constant 0 : i32
        %dma_wait3A_207 = arith.constant 0 : i32
        %dma_wait3A_208 = tpu.memref_slice %arg7[%dma_wait3A_205, %dma_wait3A_206, %dma_wait3A_207] : memref<2x4x128xi32, #tpu.memory_space<vmem>> -> memref<1x4x128xi32, #tpu.memory_space<vmem>>
        %dma_wait3A_209 = tpu.memref_squeeze %dma_wait3A_208 : memref<1x4x128xi32, #tpu.memory_space<vmem>> -> memref<4x128xi32, #tpu.memory_space<vmem>>
        %dma_wait3A_210 = arith.constant 0 : i32
        %dma_wait3A_211 = arith.constant 0 : i32
        %dma_wait3A_212 = tpu.memref_slice %arg3[%add3A, %dma_wait3A_210, %dma_wait3A_211] : memref<32x84x128xi32, #tpu.memory_space<hbm>> -> memref<1x4x128xi32, #tpu.memory_space<hbm>>
        %dma_wait3A_213 = tpu.memref_squeeze %dma_wait3A_212 : memref<1x4x128xi32, #tpu.memory_space<hbm>> -> memref<4x128xi32, #tpu.memory_space<hbm>>
        %dma_wait3A_214 = arith.constant 0 : i32
        %dma_wait3A_215 = arith.constant 0 : i32
        %dma_wait3A_216 = tpu.memref_slice %arg7[%dma_wait3A_205, %dma_wait3A_214, %dma_wait3A_215] : memref<2x4x128xi32, #tpu.memory_space<vmem>> -> memref<1x4x128xi32, #tpu.memory_space<vmem>>
        %dma_wait3A_217 = tpu.memref_squeeze %dma_wait3A_216 : memref<1x4x128xi32, #tpu.memory_space<vmem>> -> memref<4x128xi32, #tpu.memory_space<vmem>>
        %dma_wait3A_218 = arith.constant 0 : i32
        %dma_wait3A_219 = arith.constant 0 : i32
        %dma_wait3A_220 = tpu.memref_slice %arg3[%add3A, %dma_wait3A_218, %dma_wait3A_219] : memref<32x84x128xi32, #tpu.memory_space<hbm>> -> memref<1x4x128xi32, #tpu.memory_space<hbm>>
        %dma_wait3A_221 = tpu.memref_squeeze %dma_wait3A_220 : memref<1x4x128xi32, #tpu.memory_space<hbm>> -> memref<4x128xi32, #tpu.memory_space<hbm>>
        tpu.wait_dma2 semaphore(%arg14 : memref<!tpu.dma_semaphore, #tpu.memory_space<semaphore_mem>>) src(%dma_wait3A_221 : memref<4x128xi32, #tpu.memory_space<hbm>>) dst(%dma_wait3A_217 : memref<4x128xi32, #tpu.memory_space<vmem>>)
        %dma_wait3A_222 = arith.constant 0 : i32
        %dma_wait3A_223 = arith.constant 0 : i32
        %dma_wait3A_224 = arith.constant 0 : i32
        %dma_wait3A_225 = tpu.memref_slice %arg8[%dma_wait3A_222, %dma_wait3A_223, %dma_wait3A_224] : memref<2x4x128xi32, #tpu.memory_space<vmem>> -> memref<1x4x128xi32, #tpu.memory_space<vmem>>
        %dma_wait3A_226 = tpu.memref_squeeze %dma_wait3A_225 : memref<1x4x128xi32, #tpu.memory_space<vmem>> -> memref<4x128xi32, #tpu.memory_space<vmem>>
        %dma_wait3A_227 = arith.constant 0 : i32
        %dma_wait3A_228 = arith.constant 0 : i32
        %dma_wait3A_229 = tpu.memref_slice %arg4[%add3A, %dma_wait3A_227, %dma_wait3A_228] : memref<32x84x128xi32, #tpu.memory_space<hbm>> -> memref<1x4x128xi32, #tpu.memory_space<hbm>>
        %dma_wait3A_230 = tpu.memref_squeeze %dma_wait3A_229 : memref<1x4x128xi32, #tpu.memory_space<hbm>> -> memref<4x128xi32, #tpu.memory_space<hbm>>
        %dma_wait3A_231 = arith.constant 0 : i32
        %dma_wait3A_232 = arith.constant 0 : i32
        %dma_wait3A_233 = tpu.memref_slice %arg8[%dma_wait3A_222, %dma_wait3A_231, %dma_wait3A_232] : memref<2x4x128xi32, #tpu.memory_space<vmem>> -> memref<1x4x128xi32, #tpu.memory_space<vmem>>
        %dma_wait3A_234 = tpu.memref_squeeze %dma_wait3A_233 : memref<1x4x128xi32, #tpu.memory_space<vmem>> -> memref<4x128xi32, #tpu.memory_space<vmem>>
        %dma_wait3A_235 = arith.constant 0 : i32
        %dma_wait3A_236 = arith.constant 0 : i32
        %dma_wait3A_237 = tpu.memref_slice %arg4[%add3A, %dma_wait3A_235, %dma_wait3A_236] : memref<32x84x128xi32, #tpu.memory_space<hbm>> -> memref<1x4x128xi32, #tpu.memory_space<hbm>>
        %dma_wait3A_238 = tpu.memref_squeeze %dma_wait3A_237 : memref<1x4x128xi32, #tpu.memory_space<hbm>> -> memref<4x128xi32, #tpu.memory_space<hbm>>
        tpu.wait_dma2 semaphore(%arg14 : memref<!tpu.dma_semaphore, #tpu.memory_space<semaphore_mem>>) src(%dma_wait3A_238 : memref<4x128xi32, #tpu.memory_space<hbm>>) dst(%dma_wait3A_234 : memref<4x128xi32, #tpu.memory_space<vmem>>)
        %dma_start3A_239 = arith.constant 0 : i32
        %dma_start3A_240 = arith.constant 0 : i32
        %dma_start3A_241 = arith.constant 0 : i32
        %dma_start3A_242 = tpu.memref_slice %arg7[%dma_start3A_239, %dma_start3A_240, %dma_start3A_241] : memref<2x4x128xi32, #tpu.memory_space<vmem>> -> memref<1x1x128xi32, #tpu.memory_space<vmem>>
        %dma_start3A_243 = tpu.memref_squeeze %dma_start3A_242 : memref<1x1x128xi32, #tpu.memory_space<vmem>> -> memref<128xi32, #tpu.memory_space<vmem>>
        %dma_start3A_244 = arith.constant 0 : i32
        %dma_start3A_245 = arith.constant 0 : i32
        %dma_start3A_246 = tpu.memref_slice %arg2[%dma_start3A_244, %dma_start3A_245] : memref<10240x128xf32, #tpu.memory_space<hbm>> -> memref<10240x128xf32, #tpu.memory_space<hbm>>
        tpu.enqueue_indirect_dma source(%dma_start3A_246 : memref<10240x128xf32, #tpu.memory_space<hbm>>) target(%arg9 : memref<128x128xf32, #tpu.memory_space<vmem>>) offsets(%dma_start3A_243 : memref<128xi32, #tpu.memory_space<vmem>>) semaphore(%arg12 : memref<!tpu.dma_semaphore, #tpu.memory_space<semaphore_mem>>)
      } else {
      }
      %dma_wait3A_188 = arith.constant 1 : i32
      %dma_wait3A_189 = arith.constant 3 : i32
      %dma_wait3A_190 = arith.constant 0 : i32
      %dma_wait3A_191 = tpu.memref_slice %arg7[%dma_wait3A_188, %dma_wait3A_189, %dma_wait3A_190] : memref<2x4x128xi32, #tpu.memory_space<vmem>> -> memref<1x1x128xi32, #tpu.memory_space<vmem>>
      %dma_wait3A_192 = tpu.memref_squeeze %dma_wait3A_191 : memref<1x1x128xi32, #tpu.memory_space<vmem>> -> memref<128xi32, #tpu.memory_space<vmem>>
      %dma_wait3A_193 = arith.constant 0 : i32
      %dma_wait3A_194 = arith.constant 0 : i32
      %dma_wait3A_195 = tpu.memref_slice %arg2[%dma_wait3A_193, %dma_wait3A_194] : memref<10240x128xf32, #tpu.memory_space<hbm>> -> memref<10240x128xf32, #tpu.memory_space<hbm>>
      tpu.wait_indirect_dma semaphore(%arg13 : memref<!tpu.dma_semaphore, #tpu.memory_space<semaphore_mem>>) src(%dma_wait3A_195 : memref<10240x128xf32, #tpu.memory_space<hbm>>) dst(%arg10 : memref<128x128xf32, #tpu.memory_space<vmem>>)
      %run_scoped3A_196 = arith.constant 1 : i32
      %run_scoped3A_197 = arith.constant 3 : i32
      "tpu.region"() ({
        %run_scoped3A_205 = tpu.sem_alloc : memref<!tpu.dma_semaphore, #tpu.memory_space<semaphore_mem>>
        %dma_start3A_206 = arith.constant 0 : i32
        %dma_start3A_207 = tpu.memref_slice %arg8[%run_scoped3A_196, %run_scoped3A_197, %dma_start3A_206] : memref<2x4x128xi32, #tpu.memory_space<vmem>> -> memref<1x1x128xi32, #tpu.memory_space<vmem>>
        %dma_start3A_208 = tpu.memref_squeeze %dma_start3A_207 : memref<1x1x128xi32, #tpu.memory_space<vmem>> -> memref<128xi32, #tpu.memory_space<vmem>>
        %dma_start3A_209 = arith.constant 0 : i32
        %dma_start3A_210 = arith.constant 0 : i32
        %dma_start3A_211 = tpu.memref_slice %arg11[%dma_start3A_209, %dma_start3A_210] : memref<10240x128xf32, #tpu.memory_space<vmem_shared>> -> memref<10240x128xf32, #tpu.memory_space<vmem_shared>>
        tpu.enqueue_indirect_dma source(%arg10 : memref<128x128xf32, #tpu.memory_space<vmem>>) target(%dma_start3A_211 : memref<10240x128xf32, #tpu.memory_space<vmem_shared>>) offsets(%dma_start3A_208 : memref<128xi32, #tpu.memory_space<vmem>>) semaphore(%run_scoped3A_205 : memref<!tpu.dma_semaphore, #tpu.memory_space<semaphore_mem>>) {add = true}
        %dma_wait3A_212 = arith.constant 0 : i32
        %dma_wait3A_213 = tpu.memref_slice %arg8[%run_scoped3A_196, %run_scoped3A_197, %dma_wait3A_212] : memref<2x4x128xi32, #tpu.memory_space<vmem>> -> memref<1x1x128xi32, #tpu.memory_space<vmem>>
        %dma_wait3A_214 = tpu.memref_squeeze %dma_wait3A_213 : memref<1x1x128xi32, #tpu.memory_space<vmem>> -> memref<128xi32, #tpu.memory_space<vmem>>
        %dma_wait3A_215 = arith.constant 0 : i32
        %dma_wait3A_216 = arith.constant 0 : i32
        %dma_wait3A_217 = tpu.memref_slice %arg11[%dma_wait3A_215, %dma_wait3A_216] : memref<10240x128xf32, #tpu.memory_space<vmem_shared>> -> memref<10240x128xf32, #tpu.memory_space<vmem_shared>>
        tpu.wait_indirect_dma semaphore(%run_scoped3A_205 : memref<!tpu.dma_semaphore, #tpu.memory_space<semaphore_mem>>) src(%arg10 : memref<128x128xf32, #tpu.memory_space<vmem>>) dst(%dma_wait3A_217 : memref<10240x128xf32, #tpu.memory_space<vmem_shared>>)
        tpu.yield
      }) : () -> ()
      %add3A_198 = arith.constant 1 : i32
      %add3A_199 = arith.addi %scan3A_44, %add3A_198 : i32
      %lt3A_200 = arith.constant 10 : i32
      %lt3A_201 = arith.cmpi slt, %add3A_199, %lt3A_200 : i32
      %convert_element_type3A_202 = arith.extui %lt3A_201 : i1 to i32
      %cond3A_203 = arith.constant 0 : i32
      %cond3A_204 = arith.cmpi ne, %convert_element_type3A_202, %cond3A_203 : i32
      scf.if %cond3A_204 {
        %add3A_205 = arith.constant 12 : i32
        %add3A_206 = arith.addi %mul3A_46, %add3A_205 : i32
        %dma_start3A_207 = arith.constant 1 : i32
        %dma_start3A_208 = arith.constant 0 : i32
        %dma_start3A_209 = arith.constant 0 : i32
        %dma_start3A_210 = tpu.memref_slice %arg7[%dma_start3A_207, %dma_start3A_208, %dma_start3A_209] : memref<2x4x128xi32, #tpu.memory_space<vmem>> -> memref<1x4x128xi32, #tpu.memory_space<vmem>>
        %dma_start3A_211 = tpu.memref_squeeze %dma_start3A_210 : memref<1x4x128xi32, #tpu.memory_space<vmem>> -> memref<4x128xi32, #tpu.memory_space<vmem>>
        %dma_start3A_212 = arith.constant 0 : i32
        %dma_start3A_213 = tpu.memref_slice %arg3[%add3A, %add3A_206, %dma_start3A_212] : memref<32x84x128xi32, #tpu.memory_space<hbm>> -> memref<1x4x128xi32, #tpu.memory_space<hbm>>
        %dma_start3A_214 = tpu.memref_squeeze %dma_start3A_213 : memref<1x4x128xi32, #tpu.memory_space<hbm>> -> memref<4x128xi32, #tpu.memory_space<hbm>>
        %dma_start3A_215 = arith.constant 0 : i32
        %dma_start3A_216 = arith.constant 0 : i32
        %dma_start3A_217 = tpu.memref_slice %arg7[%dma_start3A_207, %dma_start3A_215, %dma_start3A_216] : memref<2x4x128xi32, #tpu.memory_space<vmem>> -> memref<1x4x128xi32, #tpu.memory_space<vmem>>
        %dma_start3A_218 = tpu.memref_squeeze %dma_start3A_217 : memref<1x4x128xi32, #tpu.memory_space<vmem>> -> memref<4x128xi32, #tpu.memory_space<vmem>>
        %dma_start3A_219 = arith.constant 0 : i32
        %dma_start3A_220 = tpu.memref_slice %arg3[%add3A, %add3A_206, %dma_start3A_219] : memref<32x84x128xi32, #tpu.memory_space<hbm>> -> memref<1x4x128xi32, #tpu.memory_space<hbm>>
        %dma_start3A_221 = tpu.memref_squeeze %dma_start3A_220 : memref<1x4x128xi32, #tpu.memory_space<hbm>> -> memref<4x128xi32, #tpu.memory_space<hbm>>
        tpu.enqueue_dma source(%dma_start3A_221 : memref<4x128xi32, #tpu.memory_space<hbm>>) target(%dma_start3A_218 : memref<4x128xi32, #tpu.memory_space<vmem>>) target_semaphore(%arg15 : memref<!tpu.dma_semaphore, #tpu.memory_space<semaphore_mem>>)
        %add3A_222 = arith.constant 12 : i32
        %add3A_223 = arith.addi %mul3A_46, %add3A_222 : i32
        %dma_start3A_224 = arith.constant 1 : i32
        %dma_start3A_225 = arith.constant 0 : i32
        %dma_start3A_226 = arith.constant 0 : i32
        %dma_start3A_227 = tpu.memref_slice %arg8[%dma_start3A_224, %dma_start3A_225, %dma_start3A_226] : memref<2x4x128xi32, #tpu.memory_space<vmem>> -> memref<1x4x128xi32, #tpu.memory_space<vmem>>
        %dma_start3A_228 = tpu.memref_squeeze %dma_start3A_227 : memref<1x4x128xi32, #tpu.memory_space<vmem>> -> memref<4x128xi32, #tpu.memory_space<vmem>>
        %dma_start3A_229 = arith.constant 0 : i32
        %dma_start3A_230 = tpu.memref_slice %arg4[%add3A, %add3A_223, %dma_start3A_229] : memref<32x84x128xi32, #tpu.memory_space<hbm>> -> memref<1x4x128xi32, #tpu.memory_space<hbm>>
        %dma_start3A_231 = tpu.memref_squeeze %dma_start3A_230 : memref<1x4x128xi32, #tpu.memory_space<hbm>> -> memref<4x128xi32, #tpu.memory_space<hbm>>
        %dma_start3A_232 = arith.constant 0 : i32
        %dma_start3A_233 = arith.constant 0 : i32
        %dma_start3A_234 = tpu.memref_slice %arg8[%dma_start3A_224, %dma_start3A_232, %dma_start3A_233] : memref<2x4x128xi32, #tpu.memory_space<vmem>> -> memref<1x4x128xi32, #tpu.memory_space<vmem>>
        %dma_start3A_235 = tpu.memref_squeeze %dma_start3A_234 : memref<1x4x128xi32, #tpu.memory_space<vmem>> -> memref<4x128xi32, #tpu.memory_space<vmem>>
        %dma_start3A_236 = arith.constant 0 : i32
        %dma_start3A_237 = tpu.memref_slice %arg4[%add3A, %add3A_223, %dma_start3A_236] : memref<32x84x128xi32, #tpu.memory_space<hbm>> -> memref<1x4x128xi32, #tpu.memory_space<hbm>>
        %dma_start3A_238 = tpu.memref_squeeze %dma_start3A_237 : memref<1x4x128xi32, #tpu.memory_space<hbm>> -> memref<4x128xi32, #tpu.memory_space<hbm>>
        tpu.enqueue_dma source(%dma_start3A_238 : memref<4x128xi32, #tpu.memory_space<hbm>>) target(%dma_start3A_235 : memref<4x128xi32, #tpu.memory_space<vmem>>) target_semaphore(%arg15 : memref<!tpu.dma_semaphore, #tpu.memory_space<semaphore_mem>>)
      } else {
      }
    }
    %scan3A_19 = arith.constant 10 : i32
    %run_scoped3A_20 = arith.constant 0 : i32
    "tpu.region"() ({
      %run_scoped3A_44 = tpu.sem_alloc : memref<!tpu.dma_semaphore, #tpu.memory_space<semaphore_mem>>
      %dma_start3A_45 = arith.constant 0 : i32
      %dma_start3A_46 = arith.constant 0 : i32
      %dma_start3A_47 = tpu.memref_slice %arg7[%run_scoped3A_20, %dma_start3A_45, %dma_start3A_46] : memref<2x4x128xi32, #tpu.memory_space<vmem>> -> memref<1x4x128xi32, #tpu.memory_space<vmem>>
      %dma_start3A_48 = tpu.memref_squeeze %dma_start3A_47 : memref<1x4x128xi32, #tpu.memory_space<vmem>> -> memref<4x128xi32, #tpu.memory_space<vmem>>
      %dma_start3A_49 = arith.constant 80 : i32
      %dma_start3A_50 = arith.constant 0 : i32
      %dma_start3A_51 = tpu.memref_slice %arg3[%add3A, %dma_start3A_49, %dma_start3A_50] : memref<32x84x128xi32, #tpu.memory_space<hbm>> -> memref<1x4x128xi32, #tpu.memory_space<hbm>>
      %dma_start3A_52 = tpu.memref_squeeze %dma_start3A_51 : memref<1x4x128xi32, #tpu.memory_space<hbm>> -> memref<4x128xi32, #tpu.memory_space<hbm>>
      %dma_start3A_53 = arith.constant 0 : i32
      %dma_start3A_54 = arith.constant 0 : i32
      %dma_start3A_55 = tpu.memref_slice %arg7[%run_scoped3A_20, %dma_start3A_53, %dma_start3A_54] : memref<2x4x128xi32, #tpu.memory_space<vmem>> -> memref<1x4x128xi32, #tpu.memory_space<vmem>>
      %dma_start3A_56 = tpu.memref_squeeze %dma_start3A_55 : memref<1x4x128xi32, #tpu.memory_space<vmem>> -> memref<4x128xi32, #tpu.memory_space<vmem>>
      %dma_start3A_57 = arith.constant 80 : i32
      %dma_start3A_58 = arith.constant 0 : i32
      %dma_start3A_59 = tpu.memref_slice %arg3[%add3A, %dma_start3A_57, %dma_start3A_58] : memref<32x84x128xi32, #tpu.memory_space<hbm>> -> memref<1x4x128xi32, #tpu.memory_space<hbm>>
      %dma_start3A_60 = tpu.memref_squeeze %dma_start3A_59 : memref<1x4x128xi32, #tpu.memory_space<hbm>> -> memref<4x128xi32, #tpu.memory_space<hbm>>
      tpu.enqueue_dma source(%dma_start3A_60 : memref<4x128xi32, #tpu.memory_space<hbm>>) target(%dma_start3A_56 : memref<4x128xi32, #tpu.memory_space<vmem>>) target_semaphore(%run_scoped3A_44 : memref<!tpu.dma_semaphore, #tpu.memory_space<semaphore_mem>>)
      %dma_wait3A_61 = arith.constant 0 : i32
      %dma_wait3A_62 = arith.constant 0 : i32
      %dma_wait3A_63 = tpu.memref_slice %arg7[%run_scoped3A_20, %dma_wait3A_61, %dma_wait3A_62] : memref<2x4x128xi32, #tpu.memory_space<vmem>> -> memref<1x4x128xi32, #tpu.memory_space<vmem>>
      %dma_wait3A_64 = tpu.memref_squeeze %dma_wait3A_63 : memref<1x4x128xi32, #tpu.memory_space<vmem>> -> memref<4x128xi32, #tpu.memory_space<vmem>>
      %dma_wait3A_65 = arith.constant 80 : i32
      %dma_wait3A_66 = arith.constant 0 : i32
      %dma_wait3A_67 = tpu.memref_slice %arg3[%add3A, %dma_wait3A_65, %dma_wait3A_66] : memref<32x84x128xi32, #tpu.memory_space<hbm>> -> memref<1x4x128xi32, #tpu.memory_space<hbm>>
      %dma_wait3A_68 = tpu.memref_squeeze %dma_wait3A_67 : memref<1x4x128xi32, #tpu.memory_space<hbm>> -> memref<4x128xi32, #tpu.memory_space<hbm>>
      %dma_wait3A_69 = arith.constant 0 : i32
      %dma_wait3A_70 = arith.constant 0 : i32
      %dma_wait3A_71 = tpu.memref_slice %arg7[%run_scoped3A_20, %dma_wait3A_69, %dma_wait3A_70] : memref<2x4x128xi32, #tpu.memory_space<vmem>> -> memref<1x4x128xi32, #tpu.memory_space<vmem>>
      %dma_wait3A_72 = tpu.memref_squeeze %dma_wait3A_71 : memref<1x4x128xi32, #tpu.memory_space<vmem>> -> memref<4x128xi32, #tpu.memory_space<vmem>>
      %dma_wait3A_73 = arith.constant 80 : i32
      %dma_wait3A_74 = arith.constant 0 : i32
      %dma_wait3A_75 = tpu.memref_slice %arg3[%add3A, %dma_wait3A_73, %dma_wait3A_74] : memref<32x84x128xi32, #tpu.memory_space<hbm>> -> memref<1x4x128xi32, #tpu.memory_space<hbm>>
      %dma_wait3A_76 = tpu.memref_squeeze %dma_wait3A_75 : memref<1x4x128xi32, #tpu.memory_space<hbm>> -> memref<4x128xi32, #tpu.memory_space<hbm>>
      tpu.wait_dma2 semaphore(%run_scoped3A_44 : memref<!tpu.dma_semaphore, #tpu.memory_space<semaphore_mem>>) src(%dma_wait3A_76 : memref<4x128xi32, #tpu.memory_space<hbm>>) dst(%dma_wait3A_72 : memref<4x128xi32, #tpu.memory_space<vmem>>)
      tpu.yield
    }) : () -> ()
    %run_scoped3A_21 = arith.constant 0 : i32
    "tpu.region"() ({
      %run_scoped3A_44 = tpu.sem_alloc : memref<!tpu.dma_semaphore, #tpu.memory_space<semaphore_mem>>
      %dma_start3A_45 = arith.constant 0 : i32
      %dma_start3A_46 = arith.constant 0 : i32
      %dma_start3A_47 = tpu.memref_slice %arg8[%run_scoped3A_21, %dma_start3A_45, %dma_start3A_46] : memref<2x4x128xi32, #tpu.memory_space<vmem>> -> memref<1x4x128xi32, #tpu.memory_space<vmem>>
      %dma_start3A_48 = tpu.memref_squeeze %dma_start3A_47 : memref<1x4x128xi32, #tpu.memory_space<vmem>> -> memref<4x128xi32, #tpu.memory_space<vmem>>
      %dma_start3A_49 = arith.constant 80 : i32
      %dma_start3A_50 = arith.constant 0 : i32
      %dma_start3A_51 = tpu.memref_slice %arg4[%add3A, %dma_start3A_49, %dma_start3A_50] : memref<32x84x128xi32, #tpu.memory_space<hbm>> -> memref<1x4x128xi32, #tpu.memory_space<hbm>>
      %dma_start3A_52 = tpu.memref_squeeze %dma_start3A_51 : memref<1x4x128xi32, #tpu.memory_space<hbm>> -> memref<4x128xi32, #tpu.memory_space<hbm>>
      %dma_start3A_53 = arith.constant 0 : i32
      %dma_start3A_54 = arith.constant 0 : i32
      %dma_start3A_55 = tpu.memref_slice %arg8[%run_scoped3A_21, %dma_start3A_53, %dma_start3A_54] : memref<2x4x128xi32, #tpu.memory_space<vmem>> -> memref<1x4x128xi32, #tpu.memory_space<vmem>>
      %dma_start3A_56 = tpu.memref_squeeze %dma_start3A_55 : memref<1x4x128xi32, #tpu.memory_space<vmem>> -> memref<4x128xi32, #tpu.memory_space<vmem>>
      %dma_start3A_57 = arith.constant 80 : i32
      %dma_start3A_58 = arith.constant 0 : i32
      %dma_start3A_59 = tpu.memref_slice %arg4[%add3A, %dma_start3A_57, %dma_start3A_58] : memref<32x84x128xi32, #tpu.memory_space<hbm>> -> memref<1x4x128xi32, #tpu.memory_space<hbm>>
      %dma_start3A_60 = tpu.memref_squeeze %dma_start3A_59 : memref<1x4x128xi32, #tpu.memory_space<hbm>> -> memref<4x128xi32, #tpu.memory_space<hbm>>
      tpu.enqueue_dma source(%dma_start3A_60 : memref<4x128xi32, #tpu.memory_space<hbm>>) target(%dma_start3A_56 : memref<4x128xi32, #tpu.memory_space<vmem>>) target_semaphore(%run_scoped3A_44 : memref<!tpu.dma_semaphore, #tpu.memory_space<semaphore_mem>>)
      %dma_wait3A_61 = arith.constant 0 : i32
      %dma_wait3A_62 = arith.constant 0 : i32
      %dma_wait3A_63 = tpu.memref_slice %arg8[%run_scoped3A_21, %dma_wait3A_61, %dma_wait3A_62] : memref<2x4x128xi32, #tpu.memory_space<vmem>> -> memref<1x4x128xi32, #tpu.memory_space<vmem>>
      %dma_wait3A_64 = tpu.memref_squeeze %dma_wait3A_63 : memref<1x4x128xi32, #tpu.memory_space<vmem>> -> memref<4x128xi32, #tpu.memory_space<vmem>>
      %dma_wait3A_65 = arith.constant 80 : i32
      %dma_wait3A_66 = arith.constant 0 : i32
      %dma_wait3A_67 = tpu.memref_slice %arg4[%add3A, %dma_wait3A_65, %dma_wait3A_66] : memref<32x84x128xi32, #tpu.memory_space<hbm>> -> memref<1x4x128xi32, #tpu.memory_space<hbm>>
      %dma_wait3A_68 = tpu.memref_squeeze %dma_wait3A_67 : memref<1x4x128xi32, #tpu.memory_space<hbm>> -> memref<4x128xi32, #tpu.memory_space<hbm>>
      %dma_wait3A_69 = arith.constant 0 : i32
      %dma_wait3A_70 = arith.constant 0 : i32
      %dma_wait3A_71 = tpu.memref_slice %arg8[%run_scoped3A_21, %dma_wait3A_69, %dma_wait3A_70] : memref<2x4x128xi32, #tpu.memory_space<vmem>> -> memref<1x4x128xi32, #tpu.memory_space<vmem>>
      %dma_wait3A_72 = tpu.memref_squeeze %dma_wait3A_71 : memref<1x4x128xi32, #tpu.memory_space<vmem>> -> memref<4x128xi32, #tpu.memory_space<vmem>>
      %dma_wait3A_73 = arith.constant 80 : i32
      %dma_wait3A_74 = arith.constant 0 : i32
      %dma_wait3A_75 = tpu.memref_slice %arg4[%add3A, %dma_wait3A_73, %dma_wait3A_74] : memref<32x84x128xi32, #tpu.memory_space<hbm>> -> memref<1x4x128xi32, #tpu.memory_space<hbm>>
      %dma_wait3A_76 = tpu.memref_squeeze %dma_wait3A_75 : memref<1x4x128xi32, #tpu.memory_space<hbm>> -> memref<4x128xi32, #tpu.memory_space<hbm>>
      tpu.wait_dma2 semaphore(%run_scoped3A_44 : memref<!tpu.dma_semaphore, #tpu.memory_space<semaphore_mem>>) src(%dma_wait3A_76 : memref<4x128xi32, #tpu.memory_space<hbm>>) dst(%dma_wait3A_72 : memref<4x128xi32, #tpu.memory_space<vmem>>)
      tpu.yield
    }) : () -> ()
    %dma_start3A_22 = arith.constant 0 : i32
    %dma_start3A_23 = arith.constant 0 : i32
    %dma_start3A_24 = arith.constant 0 : i32
    %dma_start3A_25 = tpu.memref_slice %arg7[%dma_start3A_22, %dma_start3A_23, %dma_start3A_24] : memref<2x4x128xi32, #tpu.memory_space<vmem>> -> memref<1x1x128xi32, #tpu.memory_space<vmem>>
    %dma_start3A_26 = tpu.memref_squeeze %dma_start3A_25 : memref<1x1x128xi32, #tpu.memory_space<vmem>> -> memref<128xi32, #tpu.memory_space<vmem>>
    %dma_start3A_27 = arith.constant 0 : i32
    %dma_start3A_28 = arith.constant 0 : i32
    %dma_start3A_29 = tpu.memref_slice %arg2[%dma_start3A_27, %dma_start3A_28] : memref<10240x128xf32, #tpu.memory_space<hbm>> -> memref<10240x128xf32, #tpu.memory_space<hbm>>
    tpu.enqueue_indirect_dma source(%dma_start3A_29 : memref<10240x128xf32, #tpu.memory_space<hbm>>) target(%arg9 : memref<128x128xf32, #tpu.memory_space<vmem>>) offsets(%dma_start3A_26 : memref<128xi32, #tpu.memory_space<vmem>>) semaphore(%arg12 : memref<!tpu.dma_semaphore, #tpu.memory_space<semaphore_mem>>)
    %dma_wait3A = arith.constant 0 : i32
    %dma_wait3A_30 = arith.constant 0 : i32
    %dma_wait3A_31 = arith.constant 0 : i32
    %dma_wait3A_32 = tpu.memref_slice %arg7[%dma_wait3A, %dma_wait3A_30, %dma_wait3A_31] : memref<2x4x128xi32, #tpu.memory_space<vmem>> -> memref<1x1x128xi32, #tpu.memory_space<vmem>>
    %dma_wait3A_33 = tpu.memref_squeeze %dma_wait3A_32 : memref<1x1x128xi32, #tpu.memory_space<vmem>> -> memref<128xi32, #tpu.memory_space<vmem>>
    %dma_wait3A_34 = arith.constant 0 : i32
    %dma_wait3A_35 = arith.constant 0 : i32
    %dma_wait3A_36 = tpu.memref_slice %arg2[%dma_wait3A_34, %dma_wait3A_35] : memref<10240x128xf32, #tpu.memory_space<hbm>> -> memref<10240x128xf32, #tpu.memory_space<hbm>>
    tpu.wait_indirect_dma semaphore(%arg12 : memref<!tpu.dma_semaphore, #tpu.memory_space<semaphore_mem>>) src(%dma_wait3A_36 : memref<10240x128xf32, #tpu.memory_space<hbm>>) dst(%arg9 : memref<128x128xf32, #tpu.memory_space<vmem>>)
    %run_scoped3A_37 = arith.constant 0 : i32
    %run_scoped3A_38 = arith.constant 0 : i32
    "tpu.region"() ({
      %run_scoped3A_44 = tpu.sem_alloc : memref<!tpu.dma_semaphore, #tpu.memory_space<semaphore_mem>>
      %dma_start3A_45 = arith.constant 0 : i32
      %dma_start3A_46 = tpu.memref_slice %arg8[%run_scoped3A_37, %run_scoped3A_38, %dma_start3A_45] : memref<2x4x128xi32, #tpu.memory_space<vmem>> -> memref<1x1x128xi32, #tpu.memory_space<vmem>>
      %dma_start3A_47 = tpu.memref_squeeze %dma_start3A_46 : memref<1x1x128xi32, #tpu.memory_space<vmem>> -> memref<128xi32, #tpu.memory_space<vmem>>
      %dma_start3A_48 = arith.constant 0 : i32
      %dma_start3A_49 = arith.constant 0 : i32
      %dma_start3A_50 = tpu.memref_slice %arg11[%dma_start3A_48, %dma_start3A_49] : memref<10240x128xf32, #tpu.memory_space<vmem_shared>> -> memref<10240x128xf32, #tpu.memory_space<vmem_shared>>
      tpu.enqueue_indirect_dma source(%arg9 : memref<128x128xf32, #tpu.memory_space<vmem>>) target(%dma_start3A_50 : memref<10240x128xf32, #tpu.memory_space<vmem_shared>>) offsets(%dma_start3A_47 : memref<128xi32, #tpu.memory_space<vmem>>) semaphore(%run_scoped3A_44 : memref<!tpu.dma_semaphore, #tpu.memory_space<semaphore_mem>>) {add = true}
      %dma_wait3A_51 = arith.constant 0 : i32
      %dma_wait3A_52 = tpu.memref_slice %arg8[%run_scoped3A_37, %run_scoped3A_38, %dma_wait3A_51] : memref<2x4x128xi32, #tpu.memory_space<vmem>> -> memref<1x1x128xi32, #tpu.memory_space<vmem>>
      %dma_wait3A_53 = tpu.memref_squeeze %dma_wait3A_52 : memref<1x1x128xi32, #tpu.memory_space<vmem>> -> memref<128xi32, #tpu.memory_space<vmem>>
      %dma_wait3A_54 = arith.constant 0 : i32
      %dma_wait3A_55 = arith.constant 0 : i32
      %dma_wait3A_56 = tpu.memref_slice %arg11[%dma_wait3A_54, %dma_wait3A_55] : memref<10240x128xf32, #tpu.memory_space<vmem_shared>> -> memref<10240x128xf32, #tpu.memory_space<vmem_shared>>
      tpu.wait_indirect_dma semaphore(%run_scoped3A_44 : memref<!tpu.dma_semaphore, #tpu.memory_space<semaphore_mem>>) src(%arg9 : memref<128x128xf32, #tpu.memory_space<vmem>>) dst(%dma_wait3A_56 : memref<10240x128xf32, #tpu.memory_space<vmem_shared>>)
      tpu.yield
    }) : () -> ()
    %barrier3A_39 = arith.constant 0 : index
    tpu.barrier barrier_id(%barrier3A_39)
    %mul3A_40 = arith.constant 640 : i32
    %mul3A_41 = arith.muli %arg1, %mul3A_40 : i32
    %mul3A_42 = arith.constant 640 : i32
    %mul3A_43 = arith.muli %arg1, %mul3A_42 : i32
    "tpu.region"() ({
      %run_scoped3A_44 = tpu.sem_alloc : memref<!tpu.dma_semaphore, #tpu.memory_space<semaphore_mem>>
      %dma_start3A_45 = arith.constant 0 : i32
      %dma_start3A_46 = tpu.memref_slice %arg6[%arg0, %mul3A_43, %dma_start3A_45] : memref<2x10240x128xf32, #tpu.memory_space<hbm>> -> memref<1x640x128xf32, #tpu.memory_space<hbm>>
      %dma_start3A_47 = tpu.memref_squeeze %dma_start3A_46 : memref<1x640x128xf32, #tpu.memory_space<hbm>> -> memref<640x128xf32, #tpu.memory_space<hbm>>
      %dma_start3A_48 = arith.constant 0 : i32
      %dma_start3A_49 = tpu.memref_slice %arg11[%mul3A_41, %dma_start3A_48] : memref<10240x128xf32, #tpu.memory_space<vmem_shared>> -> memref<640x128xf32, #tpu.memory_space<vmem_shared>>
      tpu.enqueue_dma source(%dma_start3A_49 : memref<640x128xf32, #tpu.memory_space<vmem_shared>>) target(%dma_start3A_47 : memref<640x128xf32, #tpu.memory_space<hbm>>) target_semaphore(%run_scoped3A_44 : memref<!tpu.dma_semaphore, #tpu.memory_space<semaphore_mem>>)
      %dma_wait3A_50 = arith.constant 0 : i32
      %dma_wait3A_51 = tpu.memref_slice %arg6[%arg0, %mul3A_43, %dma_wait3A_50] : memref<2x10240x128xf32, #tpu.memory_space<hbm>> -> memref<1x640x128xf32, #tpu.memory_space<hbm>>
      %dma_wait3A_52 = tpu.memref_squeeze %dma_wait3A_51 : memref<1x640x128xf32, #tpu.memory_space<hbm>> -> memref<640x128xf32, #tpu.memory_space<hbm>>
      %dma_wait3A_53 = arith.constant 0 : i32
      %dma_wait3A_54 = tpu.memref_slice %arg11[%mul3A_41, %dma_wait3A_53] : memref<10240x128xf32, #tpu.memory_space<vmem_shared>> -> memref<640x128xf32, #tpu.memory_space<vmem_shared>>
      tpu.wait_dma2 semaphore(%run_scoped3A_44 : memref<!tpu.dma_semaphore, #tpu.memory_space<semaphore_mem>>) src(%dma_wait3A_54 : memref<640x128xf32, #tpu.memory_space<vmem_shared>>) dst(%dma_wait3A_52 : memref<640x128xf32, #tpu.memory_space<hbm>>)
      tpu.yield
    }) : () -> ()
    return
  }
}

#map = affine_map<(d0, d1) -> (0, 0, 0)>
#map1 = affine_map<(d0, d1) -> (0, 0)>
module attributes {stable_mosaic.version = 14 : i64} {
  func.func @body(%arg0: i32, %arg1: i32, %arg2: memref<32x84x128xi32, #tpu.memory_space<hbm>>, %arg3: memref<128x128xf32, #tpu.memory_space<hbm>>, %arg4: memref<10240x128xf32, #tpu.memory_space<hbm>>, %arg5: memref<2x10240x128xf32, #tpu.memory_space<hbm>>, %arg6: memref<84x128xi32, #tpu.memory_space<vmem>>, %arg7: memref<128x128xf32, #tpu.memory_space<vmem>>, %arg8: memref<10240x128xf32, #tpu.memory_space<vmem_shared>>, %arg9: memref<!tpu.dma_semaphore, #tpu.memory_space<semaphore_mem>>) attributes {dimension_semantics = [#tpu.dimension_semantics<core_parallel>, #tpu.dimension_semantics<subcore_parallel>], iteration_bounds = array<i64: 2, 16>, scalar_prefetch = 0 : i64, scratch_operands = 4 : i64, tpu.core_type = #tpu.core_type<sc_vector_subcore>, window_params = [{transform_indices = #map}, {transform_indices = #map1}, {transform_indices = #map1}, {transform_indices = #map}]} {
    %mul3A = arith.constant 16 : i32
    %mul3A_0 = arith.muli %arg0, %mul3A : i32
    %add3A = arith.addi %mul3A_0, %arg1 : i32
    "tpu.region"() ({
      %run_scoped3A = tpu.sem_alloc : memref<!tpu.dma_semaphore, #tpu.memory_space<semaphore_mem>>
      %dma_start3A = arith.constant 0 : i32
      %dma_start3A_15 = arith.constant 0 : i32
      %dma_start3A_16 = tpu.memref_slice %arg2[%add3A, %dma_start3A, %dma_start3A_15] : memref<32x84x128xi32, #tpu.memory_space<hbm>> -> memref<1x84x128xi32, #tpu.memory_space<hbm>>
      %dma_start3A_17 = tpu.memref_squeeze %dma_start3A_16 : memref<1x84x128xi32, #tpu.memory_space<hbm>> -> memref<84x128xi32, #tpu.memory_space<hbm>>
      %dma_start3A_18 = arith.constant 0 : i32
      %dma_start3A_19 = arith.constant 0 : i32
      %dma_start3A_20 = tpu.memref_slice %arg2[%add3A, %dma_start3A_18, %dma_start3A_19] : memref<32x84x128xi32, #tpu.memory_space<hbm>> -> memref<1x84x128xi32, #tpu.memory_space<hbm>>
      %dma_start3A_21 = tpu.memref_squeeze %dma_start3A_20 : memref<1x84x128xi32, #tpu.memory_space<hbm>> -> memref<84x128xi32, #tpu.memory_space<hbm>>
      tpu.enqueue_dma source(%dma_start3A_21 : memref<84x128xi32, #tpu.memory_space<hbm>>) target(%arg6 : memref<84x128xi32, #tpu.memory_space<vmem>>) target_semaphore(%run_scoped3A : memref<!tpu.dma_semaphore, #tpu.memory_space<semaphore_mem>>)
      %dma_wait3A = arith.constant 0 : i32
      %dma_wait3A_22 = arith.constant 0 : i32
      %dma_wait3A_23 = tpu.memref_slice %arg2[%add3A, %dma_wait3A, %dma_wait3A_22] : memref<32x84x128xi32, #tpu.memory_space<hbm>> -> memref<1x84x128xi32, #tpu.memory_space<hbm>>
      %dma_wait3A_24 = tpu.memref_squeeze %dma_wait3A_23 : memref<1x84x128xi32, #tpu.memory_space<hbm>> -> memref<84x128xi32, #tpu.memory_space<hbm>>
      %dma_wait3A_25 = arith.constant 0 : i32
      %dma_wait3A_26 = arith.constant 0 : i32
      %dma_wait3A_27 = tpu.memref_slice %arg2[%add3A, %dma_wait3A_25, %dma_wait3A_26] : memref<32x84x128xi32, #tpu.memory_space<hbm>> -> memref<1x84x128xi32, #tpu.memory_space<hbm>>
      %dma_wait3A_28 = tpu.memref_squeeze %dma_wait3A_27 : memref<1x84x128xi32, #tpu.memory_space<hbm>> -> memref<84x128xi32, #tpu.memory_space<hbm>>
      tpu.wait_dma2 semaphore(%run_scoped3A : memref<!tpu.dma_semaphore, #tpu.memory_space<semaphore_mem>>) src(%dma_wait3A_28 : memref<84x128xi32, #tpu.memory_space<hbm>>) dst(%arg6 : memref<84x128xi32, #tpu.memory_space<vmem>>)
      tpu.yield
    }) : () -> ()
    "tpu.region"() ({
      %run_scoped3A = tpu.sem_alloc : memref<!tpu.dma_semaphore, #tpu.memory_space<semaphore_mem>>
      tpu.enqueue_dma source(%arg3 : memref<128x128xf32, #tpu.memory_space<hbm>>) target(%arg7 : memref<128x128xf32, #tpu.memory_space<vmem>>) target_semaphore(%run_scoped3A : memref<!tpu.dma_semaphore, #tpu.memory_space<semaphore_mem>>)
      tpu.wait_dma2 semaphore(%run_scoped3A : memref<!tpu.dma_semaphore, #tpu.memory_space<semaphore_mem>>) src(%arg3 : memref<128x128xf32, #tpu.memory_space<hbm>>) dst(%arg7 : memref<128x128xf32, #tpu.memory_space<vmem>>)
      tpu.yield
    }) : () -> ()
    %mul3A_1 = arith.constant 640 : i32
    %mul3A_2 = arith.muli %arg1, %mul3A_1 : i32
    %mul3A_3 = arith.constant 640 : i32
    %mul3A_4 = arith.muli %arg1, %mul3A_3 : i32
    "tpu.region"() ({
      %run_scoped3A = tpu.sem_alloc : memref<!tpu.dma_semaphore, #tpu.memory_space<semaphore_mem>>
      %dma_start3A = arith.constant 0 : i32
      %dma_start3A_15 = tpu.memref_slice %arg8[%mul3A_4, %dma_start3A] : memref<10240x128xf32, #tpu.memory_space<vmem_shared>> -> memref<640x128xf32, #tpu.memory_space<vmem_shared>>
      %dma_start3A_16 = arith.constant 0 : i32
      %dma_start3A_17 = tpu.memref_slice %arg4[%mul3A_2, %dma_start3A_16] : memref<10240x128xf32, #tpu.memory_space<hbm>> -> memref<640x128xf32, #tpu.memory_space<hbm>>
      tpu.enqueue_dma source(%dma_start3A_17 : memref<640x128xf32, #tpu.memory_space<hbm>>) target(%dma_start3A_15 : memref<640x128xf32, #tpu.memory_space<vmem_shared>>) target_semaphore(%run_scoped3A : memref<!tpu.dma_semaphore, #tpu.memory_space<semaphore_mem>>)
      %dma_wait3A = arith.constant 0 : i32
      %dma_wait3A_18 = tpu.memref_slice %arg8[%mul3A_4, %dma_wait3A] : memref<10240x128xf32, #tpu.memory_space<vmem_shared>> -> memref<640x128xf32, #tpu.memory_space<vmem_shared>>
      %dma_wait3A_19 = arith.constant 0 : i32
      %dma_wait3A_20 = tpu.memref_slice %arg4[%mul3A_2, %dma_wait3A_19] : memref<10240x128xf32, #tpu.memory_space<hbm>> -> memref<640x128xf32, #tpu.memory_space<hbm>>
      tpu.wait_dma2 semaphore(%run_scoped3A : memref<!tpu.dma_semaphore, #tpu.memory_space<semaphore_mem>>) src(%dma_wait3A_20 : memref<640x128xf32, #tpu.memory_space<hbm>>) dst(%dma_wait3A_18 : memref<640x128xf32, #tpu.memory_space<vmem_shared>>)
      tpu.yield
    }) : () -> ()
    %barrier3A = arith.constant 0 : index
    tpu.barrier barrier_id(%barrier3A)
    %scan3A = arith.constant 0 : i32
    %scan3A_5 = arith.constant 0 : i32
    %scan3A_6 = arith.constant 81 : i32
    %scan3A_7 = arith.addi %scan3A_5, %scan3A_6 : i32
    %scan3A_8 = arith.constant 1 : i32
    scf.for %scan3A_15 = %scan3A_5 to %scan3A_7 step %scan3A_8  : i32 {
      "tpu.region"() ({
        %run_scoped3A = tpu.sem_alloc : memref<!tpu.dma_semaphore, #tpu.memory_space<semaphore_mem>>
        %dma_start3A = arith.constant 0 : i32
        %dma_start3A_16 = tpu.memref_slice %arg6[%scan3A_15, %dma_start3A] : memref<84x128xi32, #tpu.memory_space<vmem>> -> memref<1x128xi32, #tpu.memory_space<vmem>>
        %dma_start3A_17 = tpu.memref_squeeze %dma_start3A_16 : memref<1x128xi32, #tpu.memory_space<vmem>> -> memref<128xi32, #tpu.memory_space<vmem>>
        %dma_start3A_18 = arith.constant 0 : i32
        %dma_start3A_19 = arith.constant 0 : i32
        %dma_start3A_20 = tpu.memref_slice %arg8[%dma_start3A_18, %dma_start3A_19] : memref<10240x128xf32, #tpu.memory_space<vmem_shared>> -> memref<10240x128xf32, #tpu.memory_space<vmem_shared>>
        tpu.enqueue_indirect_dma source(%arg7 : memref<128x128xf32, #tpu.memory_space<vmem>>) target(%dma_start3A_20 : memref<10240x128xf32, #tpu.memory_space<vmem_shared>>) offsets(%dma_start3A_17 : memref<128xi32, #tpu.memory_space<vmem>>) semaphore(%run_scoped3A : memref<!tpu.dma_semaphore, #tpu.memory_space<semaphore_mem>>) {add = true}
        %dma_wait3A = arith.constant 0 : i32
        %dma_wait3A_21 = tpu.memref_slice %arg6[%scan3A_15, %dma_wait3A] : memref<84x128xi32, #tpu.memory_space<vmem>> -> memref<1x128xi32, #tpu.memory_space<vmem>>
        %dma_wait3A_22 = tpu.memref_squeeze %dma_wait3A_21 : memref<1x128xi32, #tpu.memory_space<vmem>> -> memref<128xi32, #tpu.memory_space<vmem>>
        %dma_wait3A_23 = arith.constant 0 : i32
        %dma_wait3A_24 = arith.constant 0 : i32
        %dma_wait3A_25 = tpu.memref_slice %arg8[%dma_wait3A_23, %dma_wait3A_24] : memref<10240x128xf32, #tpu.memory_space<vmem_shared>> -> memref<10240x128xf32, #tpu.memory_space<vmem_shared>>
        tpu.wait_indirect_dma semaphore(%run_scoped3A : memref<!tpu.dma_semaphore, #tpu.memory_space<semaphore_mem>>) src(%arg7 : memref<128x128xf32, #tpu.memory_space<vmem>>) dst(%dma_wait3A_25 : memref<10240x128xf32, #tpu.memory_space<vmem_shared>>)
        tpu.yield
      }) : () -> ()
    }
    %scan3A_9 = arith.constant 81 : i32
    %barrier3A_10 = arith.constant 0 : index
    tpu.barrier barrier_id(%barrier3A_10)
    %mul3A_11 = arith.constant 640 : i32
    %mul3A_12 = arith.muli %arg1, %mul3A_11 : i32
    %mul3A_13 = arith.constant 640 : i32
    %mul3A_14 = arith.muli %arg1, %mul3A_13 : i32
    "tpu.region"() ({
      %run_scoped3A = tpu.sem_alloc : memref<!tpu.dma_semaphore, #tpu.memory_space<semaphore_mem>>
      %dma_start3A = arith.constant 0 : i32
      %dma_start3A_15 = tpu.memref_slice %arg5[%arg0, %mul3A_14, %dma_start3A] : memref<2x10240x128xf32, #tpu.memory_space<hbm>> -> memref<1x640x128xf32, #tpu.memory_space<hbm>>
      %dma_start3A_16 = tpu.memref_squeeze %dma_start3A_15 : memref<1x640x128xf32, #tpu.memory_space<hbm>> -> memref<640x128xf32, #tpu.memory_space<hbm>>
      %dma_start3A_17 = arith.constant 0 : i32
      %dma_start3A_18 = tpu.memref_slice %arg8[%mul3A_12, %dma_start3A_17] : memref<10240x128xf32, #tpu.memory_space<vmem_shared>> -> memref<640x128xf32, #tpu.memory_space<vmem_shared>>
      tpu.enqueue_dma source(%dma_start3A_18 : memref<640x128xf32, #tpu.memory_space<vmem_shared>>) target(%dma_start3A_16 : memref<640x128xf32, #tpu.memory_space<hbm>>) target_semaphore(%run_scoped3A : memref<!tpu.dma_semaphore, #tpu.memory_space<semaphore_mem>>)
      %dma_wait3A = arith.constant 0 : i32
      %dma_wait3A_19 = tpu.memref_slice %arg5[%arg0, %mul3A_14, %dma_wait3A] : memref<2x10240x128xf32, #tpu.memory_space<hbm>> -> memref<1x640x128xf32, #tpu.memory_space<hbm>>
      %dma_wait3A_20 = tpu.memref_squeeze %dma_wait3A_19 : memref<1x640x128xf32, #tpu.memory_space<hbm>> -> memref<640x128xf32, #tpu.memory_space<hbm>>
      %dma_wait3A_21 = arith.constant 0 : i32
      %dma_wait3A_22 = tpu.memref_slice %arg8[%mul3A_12, %dma_wait3A_21] : memref<10240x128xf32, #tpu.memory_space<vmem_shared>> -> memref<640x128xf32, #tpu.memory_space<vmem_shared>>
      tpu.wait_dma2 semaphore(%run_scoped3A : memref<!tpu.dma_semaphore, #tpu.memory_space<semaphore_mem>>) src(%dma_wait3A_22 : memref<640x128xf32, #tpu.memory_space<vmem_shared>>) dst(%dma_wait3A_20 : memref<640x128xf32, #tpu.memory_space<hbm>>)
      tpu.yield
    }) : () -> ()
    return
  }
}

#map = affine_map<(d0, d1) -> (0, 0)>
#map1 = affine_map<(d0, d1) -> (0, 0, 0)>
module attributes {stable_mosaic.version = 14 : i64} {
  func.func @body(%arg0: i32, %arg1: i32, %arg2: memref<10240x128xf32, #tpu.memory_space<hbm>>, %arg3: memref<32x84x128xi32, #tpu.memory_space<hbm>>, %arg4: memref<32x84x128xi32, #tpu.memory_space<hbm>>, %arg5: memref<10240x128xf32, #tpu.memory_space<hbm>>, %arg6: memref<2x10240x128xf32, #tpu.memory_space<hbm>>, %arg7: memref<2x4x128xi32, #tpu.memory_space<vmem>>, %arg8: memref<2x4x128xi32, #tpu.memory_space<vmem>>, %arg9: memref<128x128xf32, #tpu.memory_space<vmem>>, %arg10: memref<128x128xf32, #tpu.memory_space<vmem>>, %arg11: memref<10240x128xf32, #tpu.memory_space<vmem_shared>>, %arg12: memref<!tpu.dma_semaphore, #tpu.memory_space<semaphore_mem>>, %arg13: memref<!tpu.dma_semaphore, #tpu.memory_space<semaphore_mem>>, %arg14: memref<!tpu.dma_semaphore, #tpu.memory_space<semaphore_mem>>, %arg15: memref<!tpu.dma_semaphore, #tpu.memory_space<semaphore_mem>>) attributes {dimension_semantics = [#tpu.dimension_semantics<core_parallel>, #tpu.dimension_semantics<subcore_parallel>], iteration_bounds = array<i64: 2, 16>, scalar_prefetch = 0 : i64, scratch_operands = 9 : i64, tpu.core_type = #tpu.core_type<sc_vector_subcore>, window_params = [{transform_indices = #map}, {transform_indices = #map1}, {transform_indices = #map1}, {transform_indices = #map}, {transform_indices = #map1}]} {
    %mul3A = arith.constant 16 : i32
    %mul3A_0 = arith.muli %arg0, %mul3A : i32
    %add3A = arith.addi %mul3A_0, %arg1 : i32
    %run_scoped3A = arith.constant 0 : i32
    "tpu.region"() ({
      %run_scoped3A_44 = tpu.sem_alloc : memref<!tpu.dma_semaphore, #tpu.memory_space<semaphore_mem>>
      %dma_start3A_45 = arith.constant 0 : i32
      %dma_start3A_46 = arith.constant 0 : i32
      %dma_start3A_47 = tpu.memref_slice %arg7[%run_scoped3A, %dma_start3A_45, %dma_start3A_46] : memref<2x4x128xi32, #tpu.memory_space<vmem>> -> memref<1x4x128xi32, #tpu.memory_space<vmem>>
      %dma_start3A_48 = tpu.memref_squeeze %dma_start3A_47 : memref<1x4x128xi32, #tpu.memory_space<vmem>> -> memref<4x128xi32, #tpu.memory_space<vmem>>
      %dma_start3A_49 = arith.constant 0 : i32
      %dma_start3A_50 = arith.constant 0 : i32
      %dma_start3A_51 = tpu.memref_slice %arg3[%add3A, %dma_start3A_49, %dma_start3A_50] : memref<32x84x128xi32, #tpu.memory_space<hbm>> -> memref<1x4x128xi32, #tpu.memory_space<hbm>>
      %dma_start3A_52 = tpu.memref_squeeze %dma_start3A_51 : memref<1x4x128xi32, #tpu.memory_space<hbm>> -> memref<4x128xi32, #tpu.memory_space<hbm>>
      %dma_start3A_53 = arith.constant 0 : i32
      %dma_start3A_54 = arith.constant 0 : i32
      %dma_start3A_55 = tpu.memref_slice %arg7[%run_scoped3A, %dma_start3A_53, %dma_start3A_54] : memref<2x4x128xi32, #tpu.memory_space<vmem>> -> memref<1x4x128xi32, #tpu.memory_space<vmem>>
      %dma_start3A_56 = tpu.memref_squeeze %dma_start3A_55 : memref<1x4x128xi32, #tpu.memory_space<vmem>> -> memref<4x128xi32, #tpu.memory_space<vmem>>
      %dma_start3A_57 = arith.constant 0 : i32
      %dma_start3A_58 = arith.constant 0 : i32
      %dma_start3A_59 = tpu.memref_slice %arg3[%add3A, %dma_start3A_57, %dma_start3A_58] : memref<32x84x128xi32, #tpu.memory_space<hbm>> -> memref<1x4x128xi32, #tpu.memory_space<hbm>>
      %dma_start3A_60 = tpu.memref_squeeze %dma_start3A_59 : memref<1x4x128xi32, #tpu.memory_space<hbm>> -> memref<4x128xi32, #tpu.memory_space<hbm>>
      tpu.enqueue_dma source(%dma_start3A_60 : memref<4x128xi32, #tpu.memory_space<hbm>>) target(%dma_start3A_56 : memref<4x128xi32, #tpu.memory_space<vmem>>) target_semaphore(%run_scoped3A_44 : memref<!tpu.dma_semaphore, #tpu.memory_space<semaphore_mem>>)
      %dma_wait3A_61 = arith.constant 0 : i32
      %dma_wait3A_62 = arith.constant 0 : i32
      %dma_wait3A_63 = tpu.memref_slice %arg7[%run_scoped3A, %dma_wait3A_61, %dma_wait3A_62] : memref<2x4x128xi32, #tpu.memory_space<vmem>> -> memref<1x4x128xi32, #tpu.memory_space<vmem>>
      %dma_wait3A_64 = tpu.memref_squeeze %dma_wait3A_63 : memref<1x4x128xi32, #tpu.memory_space<vmem>> -> memref<4x128xi32, #tpu.memory_space<vmem>>
      %dma_wait3A_65 = arith.constant 0 : i32
      %dma_wait3A_66 = arith.constant 0 : i32
      %dma_wait3A_67 = tpu.memref_slice %arg3[%add3A, %dma_wait3A_65, %dma_wait3A_66] : memref<32x84x128xi32, #tpu.memory_space<hbm>> -> memref<1x4x128xi32, #tpu.memory_space<hbm>>
      %dma_wait3A_68 = tpu.memref_squeeze %dma_wait3A_67 : memref<1x4x128xi32, #tpu.memory_space<hbm>> -> memref<4x128xi32, #tpu.memory_space<hbm>>
      %dma_wait3A_69 = arith.constant 0 : i32
      %dma_wait3A_70 = arith.constant 0 : i32
      %dma_wait3A_71 = tpu.memref_slice %arg7[%run_scoped3A, %dma_wait3A_69, %dma_wait3A_70] : memref<2x4x128xi32, #tpu.memory_space<vmem>> -> memref<1x4x128xi32, #tpu.memory_space<vmem>>
      %dma_wait3A_72 = tpu.memref_squeeze %dma_wait3A_71 : memref<1x4x128xi32, #tpu.memory_space<vmem>> -> memref<4x128xi32, #tpu.memory_space<vmem>>
      %dma_wait3A_73 = arith.constant 0 : i32
      %dma_wait3A_74 = arith.constant 0 : i32
      %dma_wait3A_75 = tpu.memref_slice %arg3[%add3A, %dma_wait3A_73, %dma_wait3A_74] : memref<32x84x128xi32, #tpu.memory_space<hbm>> -> memref<1x4x128xi32, #tpu.memory_space<hbm>>
      %dma_wait3A_76 = tpu.memref_squeeze %dma_wait3A_75 : memref<1x4x128xi32, #tpu.memory_space<hbm>> -> memref<4x128xi32, #tpu.memory_space<hbm>>
      tpu.wait_dma2 semaphore(%run_scoped3A_44 : memref<!tpu.dma_semaphore, #tpu.memory_space<semaphore_mem>>) src(%dma_wait3A_76 : memref<4x128xi32, #tpu.memory_space<hbm>>) dst(%dma_wait3A_72 : memref<4x128xi32, #tpu.memory_space<vmem>>)
      tpu.yield
    }) : () -> ()
    %run_scoped3A_1 = arith.constant 0 : i32
    "tpu.region"() ({
      %run_scoped3A_44 = tpu.sem_alloc : memref<!tpu.dma_semaphore, #tpu.memory_space<semaphore_mem>>
      %dma_start3A_45 = arith.constant 0 : i32
      %dma_start3A_46 = arith.constant 0 : i32
      %dma_start3A_47 = tpu.memref_slice %arg8[%run_scoped3A_1, %dma_start3A_45, %dma_start3A_46] : memref<2x4x128xi32, #tpu.memory_space<vmem>> -> memref<1x4x128xi32, #tpu.memory_space<vmem>>
      %dma_start3A_48 = tpu.memref_squeeze %dma_start3A_47 : memref<1x4x128xi32, #tpu.memory_space<vmem>> -> memref<4x128xi32, #tpu.memory_space<vmem>>
      %dma_start3A_49 = arith.constant 0 : i32
      %dma_start3A_50 = arith.constant 0 : i32
      %dma_start3A_51 = tpu.memref_slice %arg4[%add3A, %dma_start3A_49, %dma_start3A_50] : memref<32x84x128xi32, #tpu.memory_space<hbm>> -> memref<1x4x128xi32, #tpu.memory_space<hbm>>
      %dma_start3A_52 = tpu.memref_squeeze %dma_start3A_51 : memref<1x4x128xi32, #tpu.memory_space<hbm>> -> memref<4x128xi32, #tpu.memory_space<hbm>>
      %dma_start3A_53 = arith.constant 0 : i32
      %dma_start3A_54 = arith.constant 0 : i32
      %dma_start3A_55 = tpu.memref_slice %arg8[%run_scoped3A_1, %dma_start3A_53, %dma_start3A_54] : memref<2x4x128xi32, #tpu.memory_space<vmem>> -> memref<1x4x128xi32, #tpu.memory_space<vmem>>
      %dma_start3A_56 = tpu.memref_squeeze %dma_start3A_55 : memref<1x4x128xi32, #tpu.memory_space<vmem>> -> memref<4x128xi32, #tpu.memory_space<vmem>>
      %dma_start3A_57 = arith.constant 0 : i32
      %dma_start3A_58 = arith.constant 0 : i32
      %dma_start3A_59 = tpu.memref_slice %arg4[%add3A, %dma_start3A_57, %dma_start3A_58] : memref<32x84x128xi32, #tpu.memory_space<hbm>> -> memref<1x4x128xi32, #tpu.memory_space<hbm>>
      %dma_start3A_60 = tpu.memref_squeeze %dma_start3A_59 : memref<1x4x128xi32, #tpu.memory_space<hbm>> -> memref<4x128xi32, #tpu.memory_space<hbm>>
      tpu.enqueue_dma source(%dma_start3A_60 : memref<4x128xi32, #tpu.memory_space<hbm>>) target(%dma_start3A_56 : memref<4x128xi32, #tpu.memory_space<vmem>>) target_semaphore(%run_scoped3A_44 : memref<!tpu.dma_semaphore, #tpu.memory_space<semaphore_mem>>)
      %dma_wait3A_61 = arith.constant 0 : i32
      %dma_wait3A_62 = arith.constant 0 : i32
      %dma_wait3A_63 = tpu.memref_slice %arg8[%run_scoped3A_1, %dma_wait3A_61, %dma_wait3A_62] : memref<2x4x128xi32, #tpu.memory_space<vmem>> -> memref<1x4x128xi32, #tpu.memory_space<vmem>>
      %dma_wait3A_64 = tpu.memref_squeeze %dma_wait3A_63 : memref<1x4x128xi32, #tpu.memory_space<vmem>> -> memref<4x128xi32, #tpu.memory_space<vmem>>
      %dma_wait3A_65 = arith.constant 0 : i32
      %dma_wait3A_66 = arith.constant 0 : i32
      %dma_wait3A_67 = tpu.memref_slice %arg4[%add3A, %dma_wait3A_65, %dma_wait3A_66] : memref<32x84x128xi32, #tpu.memory_space<hbm>> -> memref<1x4x128xi32, #tpu.memory_space<hbm>>
      %dma_wait3A_68 = tpu.memref_squeeze %dma_wait3A_67 : memref<1x4x128xi32, #tpu.memory_space<hbm>> -> memref<4x128xi32, #tpu.memory_space<hbm>>
      %dma_wait3A_69 = arith.constant 0 : i32
      %dma_wait3A_70 = arith.constant 0 : i32
      %dma_wait3A_71 = tpu.memref_slice %arg8[%run_scoped3A_1, %dma_wait3A_69, %dma_wait3A_70] : memref<2x4x128xi32, #tpu.memory_space<vmem>> -> memref<1x4x128xi32, #tpu.memory_space<vmem>>
      %dma_wait3A_72 = tpu.memref_squeeze %dma_wait3A_71 : memref<1x4x128xi32, #tpu.memory_space<vmem>> -> memref<4x128xi32, #tpu.memory_space<vmem>>
      %dma_wait3A_73 = arith.constant 0 : i32
      %dma_wait3A_74 = arith.constant 0 : i32
      %dma_wait3A_75 = tpu.memref_slice %arg4[%add3A, %dma_wait3A_73, %dma_wait3A_74] : memref<32x84x128xi32, #tpu.memory_space<hbm>> -> memref<1x4x128xi32, #tpu.memory_space<hbm>>
      %dma_wait3A_76 = tpu.memref_squeeze %dma_wait3A_75 : memref<1x4x128xi32, #tpu.memory_space<hbm>> -> memref<4x128xi32, #tpu.memory_space<hbm>>
      tpu.wait_dma2 semaphore(%run_scoped3A_44 : memref<!tpu.dma_semaphore, #tpu.memory_space<semaphore_mem>>) src(%dma_wait3A_76 : memref<4x128xi32, #tpu.memory_space<hbm>>) dst(%dma_wait3A_72 : memref<4x128xi32, #tpu.memory_space<vmem>>)
      tpu.yield
    }) : () -> ()
    %run_scoped3A_2 = arith.constant 1 : i32
    "tpu.region"() ({
      %run_scoped3A_44 = tpu.sem_alloc : memref<!tpu.dma_semaphore, #tpu.memory_space<semaphore_mem>>
      %dma_start3A_45 = arith.constant 0 : i32
      %dma_start3A_46 = arith.constant 0 : i32
      %dma_start3A_47 = tpu.memref_slice %arg7[%run_scoped3A_2, %dma_start3A_45, %dma_start3A_46] : memref<2x4x128xi32, #tpu.memory_space<vmem>> -> memref<1x4x128xi32, #tpu.memory_space<vmem>>
      %dma_start3A_48 = tpu.memref_squeeze %dma_start3A_47 : memref<1x4x128xi32, #tpu.memory_space<vmem>> -> memref<4x128xi32, #tpu.memory_space<vmem>>
      %dma_start3A_49 = arith.constant 4 : i32
      %dma_start3A_50 = arith.constant 0 : i32
      %dma_start3A_51 = tpu.memref_slice %arg3[%add3A, %dma_start3A_49, %dma_start3A_50] : memref<32x84x128xi32, #tpu.memory_space<hbm>> -> memref<1x4x128xi32, #tpu.memory_space<hbm>>
      %dma_start3A_52 = tpu.memref_squeeze %dma_start3A_51 : memref<1x4x128xi32, #tpu.memory_space<hbm>> -> memref<4x128xi32, #tpu.memory_space<hbm>>
      %dma_start3A_53 = arith.constant 0 : i32
      %dma_start3A_54 = arith.constant 0 : i32
      %dma_start3A_55 = tpu.memref_slice %arg7[%run_scoped3A_2, %dma_start3A_53, %dma_start3A_54] : memref<2x4x128xi32, #tpu.memory_space<vmem>> -> memref<1x4x128xi32, #tpu.memory_space<vmem>>
      %dma_start3A_56 = tpu.memref_squeeze %dma_start3A_55 : memref<1x4x128xi32, #tpu.memory_space<vmem>> -> memref<4x128xi32, #tpu.memory_space<vmem>>
      %dma_start3A_57 = arith.constant 4 : i32
      %dma_start3A_58 = arith.constant 0 : i32
      %dma_start3A_59 = tpu.memref_slice %arg3[%add3A, %dma_start3A_57, %dma_start3A_58] : memref<32x84x128xi32, #tpu.memory_space<hbm>> -> memref<1x4x128xi32, #tpu.memory_space<hbm>>
      %dma_start3A_60 = tpu.memref_squeeze %dma_start3A_59 : memref<1x4x128xi32, #tpu.memory_space<hbm>> -> memref<4x128xi32, #tpu.memory_space<hbm>>
      tpu.enqueue_dma source(%dma_start3A_60 : memref<4x128xi32, #tpu.memory_space<hbm>>) target(%dma_start3A_56 : memref<4x128xi32, #tpu.memory_space<vmem>>) target_semaphore(%run_scoped3A_44 : memref<!tpu.dma_semaphore, #tpu.memory_space<semaphore_mem>>)
      %dma_wait3A_61 = arith.constant 0 : i32
      %dma_wait3A_62 = arith.constant 0 : i32
      %dma_wait3A_63 = tpu.memref_slice %arg7[%run_scoped3A_2, %dma_wait3A_61, %dma_wait3A_62] : memref<2x4x128xi32, #tpu.memory_space<vmem>> -> memref<1x4x128xi32, #tpu.memory_space<vmem>>
      %dma_wait3A_64 = tpu.memref_squeeze %dma_wait3A_63 : memref<1x4x128xi32, #tpu.memory_space<vmem>> -> memref<4x128xi32, #tpu.memory_space<vmem>>
      %dma_wait3A_65 = arith.constant 4 : i32
      %dma_wait3A_66 = arith.constant 0 : i32
      %dma_wait3A_67 = tpu.memref_slice %arg3[%add3A, %dma_wait3A_65, %dma_wait3A_66] : memref<32x84x128xi32, #tpu.memory_space<hbm>> -> memref<1x4x128xi32, #tpu.memory_space<hbm>>
      %dma_wait3A_68 = tpu.memref_squeeze %dma_wait3A_67 : memref<1x4x128xi32, #tpu.memory_space<hbm>> -> memref<4x128xi32, #tpu.memory_space<hbm>>
      %dma_wait3A_69 = arith.constant 0 : i32
      %dma_wait3A_70 = arith.constant 0 : i32
      %dma_wait3A_71 = tpu.memref_slice %arg7[%run_scoped3A_2, %dma_wait3A_69, %dma_wait3A_70] : memref<2x4x128xi32, #tpu.memory_space<vmem>> -> memref<1x4x128xi32, #tpu.memory_space<vmem>>
      %dma_wait3A_72 = tpu.memref_squeeze %dma_wait3A_71 : memref<1x4x128xi32, #tpu.memory_space<vmem>> -> memref<4x128xi32, #tpu.memory_space<vmem>>
      %dma_wait3A_73 = arith.constant 4 : i32
      %dma_wait3A_74 = arith.constant 0 : i32
      %dma_wait3A_75 = tpu.memref_slice %arg3[%add3A, %dma_wait3A_73, %dma_wait3A_74] : memref<32x84x128xi32, #tpu.memory_space<hbm>> -> memref<1x4x128xi32, #tpu.memory_space<hbm>>
      %dma_wait3A_76 = tpu.memref_squeeze %dma_wait3A_75 : memref<1x4x128xi32, #tpu.memory_space<hbm>> -> memref<4x128xi32, #tpu.memory_space<hbm>>
      tpu.wait_dma2 semaphore(%run_scoped3A_44 : memref<!tpu.dma_semaphore, #tpu.memory_space<semaphore_mem>>) src(%dma_wait3A_76 : memref<4x128xi32, #tpu.memory_space<hbm>>) dst(%dma_wait3A_72 : memref<4x128xi32, #tpu.memory_space<vmem>>)
      tpu.yield
    }) : () -> ()
    %run_scoped3A_3 = arith.constant 1 : i32
    "tpu.region"() ({
      %run_scoped3A_44 = tpu.sem_alloc : memref<!tpu.dma_semaphore, #tpu.memory_space<semaphore_mem>>
      %dma_start3A_45 = arith.constant 0 : i32
      %dma_start3A_46 = arith.constant 0 : i32
      %dma_start3A_47 = tpu.memref_slice %arg8[%run_scoped3A_3, %dma_start3A_45, %dma_start3A_46] : memref<2x4x128xi32, #tpu.memory_space<vmem>> -> memref<1x4x128xi32, #tpu.memory_space<vmem>>
      %dma_start3A_48 = tpu.memref_squeeze %dma_start3A_47 : memref<1x4x128xi32, #tpu.memory_space<vmem>> -> memref<4x128xi32, #tpu.memory_space<vmem>>
      %dma_start3A_49 = arith.constant 4 : i32
      %dma_start3A_50 = arith.constant 0 : i32
      %dma_start3A_51 = tpu.memref_slice %arg4[%add3A, %dma_start3A_49, %dma_start3A_50] : memref<32x84x128xi32, #tpu.memory_space<hbm>> -> memref<1x4x128xi32, #tpu.memory_space<hbm>>
      %dma_start3A_52 = tpu.memref_squeeze %dma_start3A_51 : memref<1x4x128xi32, #tpu.memory_space<hbm>> -> memref<4x128xi32, #tpu.memory_space<hbm>>
      %dma_start3A_53 = arith.constant 0 : i32
      %dma_start3A_54 = arith.constant 0 : i32
      %dma_start3A_55 = tpu.memref_slice %arg8[%run_scoped3A_3, %dma_start3A_53, %dma_start3A_54] : memref<2x4x128xi32, #tpu.memory_space<vmem>> -> memref<1x4x128xi32, #tpu.memory_space<vmem>>
      %dma_start3A_56 = tpu.memref_squeeze %dma_start3A_55 : memref<1x4x128xi32, #tpu.memory_space<vmem>> -> memref<4x128xi32, #tpu.memory_space<vmem>>
      %dma_start3A_57 = arith.constant 4 : i32
      %dma_start3A_58 = arith.constant 0 : i32
      %dma_start3A_59 = tpu.memref_slice %arg4[%add3A, %dma_start3A_57, %dma_start3A_58] : memref<32x84x128xi32, #tpu.memory_space<hbm>> -> memref<1x4x128xi32, #tpu.memory_space<hbm>>
      %dma_start3A_60 = tpu.memref_squeeze %dma_start3A_59 : memref<1x4x128xi32, #tpu.memory_space<hbm>> -> memref<4x128xi32, #tpu.memory_space<hbm>>
      tpu.enqueue_dma source(%dma_start3A_60 : memref<4x128xi32, #tpu.memory_space<hbm>>) target(%dma_start3A_56 : memref<4x128xi32, #tpu.memory_space<vmem>>) target_semaphore(%run_scoped3A_44 : memref<!tpu.dma_semaphore, #tpu.memory_space<semaphore_mem>>)
      %dma_wait3A_61 = arith.constant 0 : i32
      %dma_wait3A_62 = arith.constant 0 : i32
      %dma_wait3A_63 = tpu.memref_slice %arg8[%run_scoped3A_3, %dma_wait3A_61, %dma_wait3A_62] : memref<2x4x128xi32, #tpu.memory_space<vmem>> -> memref<1x4x128xi32, #tpu.memory_space<vmem>>
      %dma_wait3A_64 = tpu.memref_squeeze %dma_wait3A_63 : memref<1x4x128xi32, #tpu.memory_space<vmem>> -> memref<4x128xi32, #tpu.memory_space<vmem>>
      %dma_wait3A_65 = arith.constant 4 : i32
      %dma_wait3A_66 = arith.constant 0 : i32
      %dma_wait3A_67 = tpu.memref_slice %arg4[%add3A, %dma_wait3A_65, %dma_wait3A_66] : memref<32x84x128xi32, #tpu.memory_space<hbm>> -> memref<1x4x128xi32, #tpu.memory_space<hbm>>
      %dma_wait3A_68 = tpu.memref_squeeze %dma_wait3A_67 : memref<1x4x128xi32, #tpu.memory_space<hbm>> -> memref<4x128xi32, #tpu.memory_space<hbm>>
      %dma_wait3A_69 = arith.constant 0 : i32
      %dma_wait3A_70 = arith.constant 0 : i32
      %dma_wait3A_71 = tpu.memref_slice %arg8[%run_scoped3A_3, %dma_wait3A_69, %dma_wait3A_70] : memref<2x4x128xi32, #tpu.memory_space<vmem>> -> memref<1x4x128xi32, #tpu.memory_space<vmem>>
      %dma_wait3A_72 = tpu.memref_squeeze %dma_wait3A_71 : memref<1x4x128xi32, #tpu.memory_space<vmem>> -> memref<4x128xi32, #tpu.memory_space<vmem>>
      %dma_wait3A_73 = arith.constant 4 : i32
      %dma_wait3A_74 = arith.constant 0 : i32
      %dma_wait3A_75 = tpu.memref_slice %arg4[%add3A, %dma_wait3A_73, %dma_wait3A_74] : memref<32x84x128xi32, #tpu.memory_space<hbm>> -> memref<1x4x128xi32, #tpu.memory_space<hbm>>
      %dma_wait3A_76 = tpu.memref_squeeze %dma_wait3A_75 : memref<1x4x128xi32, #tpu.memory_space<hbm>> -> memref<4x128xi32, #tpu.memory_space<hbm>>
      tpu.wait_dma2 semaphore(%run_scoped3A_44 : memref<!tpu.dma_semaphore, #tpu.memory_space<semaphore_mem>>) src(%dma_wait3A_76 : memref<4x128xi32, #tpu.memory_space<hbm>>) dst(%dma_wait3A_72 : memref<4x128xi32, #tpu.memory_space<vmem>>)
      tpu.yield
    }) : () -> ()
    %dma_start3A = arith.constant 0 : i32
    %dma_start3A_4 = arith.constant 0 : i32
    %dma_start3A_5 = arith.constant 0 : i32
    %dma_start3A_6 = tpu.memref_slice %arg7[%dma_start3A, %dma_start3A_4, %dma_start3A_5] : memref<2x4x128xi32, #tpu.memory_space<vmem>> -> memref<1x1x128xi32, #tpu.memory_space<vmem>>
    %dma_start3A_7 = tpu.memref_squeeze %dma_start3A_6 : memref<1x1x128xi32, #tpu.memory_space<vmem>> -> memref<128xi32, #tpu.memory_space<vmem>>
    %dma_start3A_8 = arith.constant 0 : i32
    %dma_start3A_9 = arith.constant 0 : i32
    %dma_start3A_10 = tpu.memref_slice %arg2[%dma_start3A_8, %dma_start3A_9] : memref<10240x128xf32, #tpu.memory_space<hbm>> -> memref<10240x128xf32, #tpu.memory_space<hbm>>
    tpu.enqueue_indirect_dma source(%dma_start3A_10 : memref<10240x128xf32, #tpu.memory_space<hbm>>) target(%arg9 : memref<128x128xf32, #tpu.memory_space<vmem>>) offsets(%dma_start3A_7 : memref<128xi32, #tpu.memory_space<vmem>>) semaphore(%arg12 : memref<!tpu.dma_semaphore, #tpu.memory_space<semaphore_mem>>)
    %mul3A_11 = arith.constant 640 : i32
    %mul3A_12 = arith.muli %arg1, %mul3A_11 : i32
    %mul3A_13 = arith.constant 640 : i32
    %mul3A_14 = arith.muli %arg1, %mul3A_13 : i32
    "tpu.region"() ({
      %run_scoped3A_44 = tpu.sem_alloc : memref<!tpu.dma_semaphore, #tpu.memory_space<semaphore_mem>>
      %dma_start3A_45 = arith.constant 0 : i32
      %dma_start3A_46 = tpu.memref_slice %arg11[%mul3A_14, %dma_start3A_45] : memref<10240x128xf32, #tpu.memory_space<vmem_shared>> -> memref<640x128xf32, #tpu.memory_space<vmem_shared>>
      %dma_start3A_47 = arith.constant 0 : i32
      %dma_start3A_48 = tpu.memref_slice %arg5[%mul3A_12, %dma_start3A_47] : memref<10240x128xf32, #tpu.memory_space<hbm>> -> memref<640x128xf32, #tpu.memory_space<hbm>>
      tpu.enqueue_dma source(%dma_start3A_48 : memref<640x128xf32, #tpu.memory_space<hbm>>) target(%dma_start3A_46 : memref<640x128xf32, #tpu.memory_space<vmem_shared>>) target_semaphore(%run_scoped3A_44 : memref<!tpu.dma_semaphore, #tpu.memory_space<semaphore_mem>>)
      %dma_wait3A_49 = arith.constant 0 : i32
      %dma_wait3A_50 = tpu.memref_slice %arg11[%mul3A_14, %dma_wait3A_49] : memref<10240x128xf32, #tpu.memory_space<vmem_shared>> -> memref<640x128xf32, #tpu.memory_space<vmem_shared>>
      %dma_wait3A_51 = arith.constant 0 : i32
      %dma_wait3A_52 = tpu.memref_slice %arg5[%mul3A_12, %dma_wait3A_51] : memref<10240x128xf32, #tpu.memory_space<hbm>> -> memref<640x128xf32, #tpu.memory_space<hbm>>
      tpu.wait_dma2 semaphore(%run_scoped3A_44 : memref<!tpu.dma_semaphore, #tpu.memory_space<semaphore_mem>>) src(%dma_wait3A_52 : memref<640x128xf32, #tpu.memory_space<hbm>>) dst(%dma_wait3A_50 : memref<640x128xf32, #tpu.memory_space<vmem_shared>>)
      tpu.yield
    }) : () -> ()
    %barrier3A = arith.constant 0 : index
    tpu.barrier barrier_id(%barrier3A)
    %scan3A = arith.constant 0 : i32
    %scan3A_15 = arith.constant 0 : i32
    %scan3A_16 = arith.constant 10 : i32
    %scan3A_17 = arith.addi %scan3A_15, %scan3A_16 : i32
    %scan3A_18 = arith.constant 1 : i32
    scf.for %scan3A_44 = %scan3A_15 to %scan3A_17 step %scan3A_18  : i32 {
      %mul3A_45 = arith.constant 8 : i32
      %mul3A_46 = arith.muli %mul3A_45, %scan3A_44 : i32
      %dma_start3A_47 = arith.constant 0 : i32
      %dma_start3A_48 = arith.constant 1 : i32
      %dma_start3A_49 = arith.constant 0 : i32
      %dma_start3A_50 = tpu.memref_slice %arg7[%dma_start3A_47, %dma_start3A_48, %dma_start3A_49] : memref<2x4x128xi32, #tpu.memory_space<vmem>> -> memref<1x1x128xi32, #tpu.memory_space<vmem>>
      %dma_start3A_51 = tpu.memref_squeeze %dma_start3A_50 : memref<1x1x128xi32, #tpu.memory_space<vmem>> -> memref<128xi32, #tpu.memory_space<vmem>>
      %dma_start3A_52 = arith.constant 0 : i32
      %dma_start3A_53 = arith.constant 0 : i32
      %dma_start3A_54 = tpu.memref_slice %arg2[%dma_start3A_52, %dma_start3A_53] : memref<10240x128xf32, #tpu.memory_space<hbm>> -> memref<10240x128xf32, #tpu.memory_space<hbm>>
      tpu.enqueue_indirect_dma source(%dma_start3A_54 : memref<10240x128xf32, #tpu.memory_space<hbm>>) target(%arg10 : memref<128x128xf32, #tpu.memory_space<vmem>>) offsets(%dma_start3A_51 : memref<128xi32, #tpu.memory_space<vmem>>) semaphore(%arg13 : memref<!tpu.dma_semaphore, #tpu.memory_space<semaphore_mem>>)
      %dma_wait3A_55 = arith.constant 0 : i32
      %dma_wait3A_56 = arith.constant 0 : i32
      %dma_wait3A_57 = arith.constant 0 : i32
      %dma_wait3A_58 = tpu.memref_slice %arg7[%dma_wait3A_55, %dma_wait3A_56, %dma_wait3A_57] : memref<2x4x128xi32, #tpu.memory_space<vmem>> -> memref<1x1x128xi32, #tpu.memory_space<vmem>>
      %dma_wait3A_59 = tpu.memref_squeeze %dma_wait3A_58 : memref<1x1x128xi32, #tpu.memory_space<vmem>> -> memref<128xi32, #tpu.memory_space<vmem>>
      %dma_wait3A_60 = arith.constant 0 : i32
      %dma_wait3A_61 = arith.constant 0 : i32
      %dma_wait3A_62 = tpu.memref_slice %arg2[%dma_wait3A_60, %dma_wait3A_61] : memref<10240x128xf32, #tpu.memory_space<hbm>> -> memref<10240x128xf32, #tpu.memory_space<hbm>>
      tpu.wait_indirect_dma semaphore(%arg12 : memref<!tpu.dma_semaphore, #tpu.memory_space<semaphore_mem>>) src(%dma_wait3A_62 : memref<10240x128xf32, #tpu.memory_space<hbm>>) dst(%arg9 : memref<128x128xf32, #tpu.memory_space<vmem>>)
      %run_scoped3A_63 = arith.constant 0 : i32
      %run_scoped3A_64 = arith.constant 0 : i32
      "tpu.region"() ({
        %run_scoped3A_205 = tpu.sem_alloc : memref<!tpu.dma_semaphore, #tpu.memory_space<semaphore_mem>>
        %dma_start3A_206 = arith.constant 0 : i32
        %dma_start3A_207 = tpu.memref_slice %arg8[%run_scoped3A_63, %run_scoped3A_64, %dma_start3A_206] : memref<2x4x128xi32, #tpu.memory_space<vmem>> -> memref<1x1x128xi32, #tpu.memory_space<vmem>>
        %dma_start3A_208 = tpu.memref_squeeze %dma_start3A_207 : memref<1x1x128xi32, #tpu.memory_space<vmem>> -> memref<128xi32, #tpu.memory_space<vmem>>
        %dma_start3A_209 = arith.constant 0 : i32
        %dma_start3A_210 = arith.constant 0 : i32
        %dma_start3A_211 = tpu.memref_slice %arg11[%dma_start3A_209, %dma_start3A_210] : memref<10240x128xf32, #tpu.memory_space<vmem_shared>> -> memref<10240x128xf32, #tpu.memory_space<vmem_shared>>
        tpu.enqueue_indirect_dma source(%arg9 : memref<128x128xf32, #tpu.memory_space<vmem>>) target(%dma_start3A_211 : memref<10240x128xf32, #tpu.memory_space<vmem_shared>>) offsets(%dma_start3A_208 : memref<128xi32, #tpu.memory_space<vmem>>) semaphore(%run_scoped3A_205 : memref<!tpu.dma_semaphore, #tpu.memory_space<semaphore_mem>>) {add = true}
        %dma_wait3A_212 = arith.constant 0 : i32
        %dma_wait3A_213 = tpu.memref_slice %arg8[%run_scoped3A_63, %run_scoped3A_64, %dma_wait3A_212] : memref<2x4x128xi32, #tpu.memory_space<vmem>> -> memref<1x1x128xi32, #tpu.memory_space<vmem>>
        %dma_wait3A_214 = tpu.memref_squeeze %dma_wait3A_213 : memref<1x1x128xi32, #tpu.memory_space<vmem>> -> memref<128xi32, #tpu.memory_space<vmem>>
        %dma_wait3A_215 = arith.constant 0 : i32
        %dma_wait3A_216 = arith.constant 0 : i32
        %dma_wait3A_217 = tpu.memref_slice %arg11[%dma_wait3A_215, %dma_wait3A_216] : memref<10240x128xf32, #tpu.memory_space<vmem_shared>> -> memref<10240x128xf32, #tpu.memory_space<vmem_shared>>
        tpu.wait_indirect_dma semaphore(%run_scoped3A_205 : memref<!tpu.dma_semaphore, #tpu.memory_space<semaphore_mem>>) src(%arg9 : memref<128x128xf32, #tpu.memory_space<vmem>>) dst(%dma_wait3A_217 : memref<10240x128xf32, #tpu.memory_space<vmem_shared>>)
        tpu.yield
      }) : () -> ()
      %dma_start3A_65 = arith.constant 0 : i32
      %dma_start3A_66 = arith.constant 2 : i32
      %dma_start3A_67 = arith.constant 0 : i32
      %dma_start3A_68 = tpu.memref_slice %arg7[%dma_start3A_65, %dma_start3A_66, %dma_start3A_67] : memref<2x4x128xi32, #tpu.memory_space<vmem>> -> memref<1x1x128xi32, #tpu.memory_space<vmem>>
      %dma_start3A_69 = tpu.memref_squeeze %dma_start3A_68 : memref<1x1x128xi32, #tpu.memory_space<vmem>> -> memref<128xi32, #tpu.memory_space<vmem>>
      %dma_start3A_70 = arith.constant 0 : i32
      %dma_start3A_71 = arith.constant 0 : i32
      %dma_start3A_72 = tpu.memref_slice %arg2[%dma_start3A_70, %dma_start3A_71] : memref<10240x128xf32, #tpu.memory_space<hbm>> -> memref<10240x128xf32, #tpu.memory_space<hbm>>
      tpu.enqueue_indirect_dma source(%dma_start3A_72 : memref<10240x128xf32, #tpu.memory_space<hbm>>) target(%arg9 : memref<128x128xf32, #tpu.memory_space<vmem>>) offsets(%dma_start3A_69 : memref<128xi32, #tpu.memory_space<vmem>>) semaphore(%arg12 : memref<!tpu.dma_semaphore, #tpu.memory_space<semaphore_mem>>)
      %dma_wait3A_73 = arith.constant 0 : i32
      %dma_wait3A_74 = arith.constant 1 : i32
      %dma_wait3A_75 = arith.constant 0 : i32
      %dma_wait3A_76 = tpu.memref_slice %arg7[%dma_wait3A_73, %dma_wait3A_74, %dma_wait3A_75] : memref<2x4x128xi32, #tpu.memory_space<vmem>> -> memref<1x1x128xi32, #tpu.memory_space<vmem>>
      %dma_wait3A_77 = tpu.memref_squeeze %dma_wait3A_76 : memref<1x1x128xi32, #tpu.memory_space<vmem>> -> memref<128xi32, #tpu.memory_space<vmem>>
      %dma_wait3A_78 = arith.constant 0 : i32
      %dma_wait3A_79 = arith.constant 0 : i32
      %dma_wait3A_80 = tpu.memref_slice %arg2[%dma_wait3A_78, %dma_wait3A_79] : memref<10240x128xf32, #tpu.memory_space<hbm>> -> memref<10240x128xf32, #tpu.memory_space<hbm>>
      tpu.wait_indirect_dma semaphore(%arg13 : memref<!tpu.dma_semaphore, #tpu.memory_space<semaphore_mem>>) src(%dma_wait3A_80 : memref<10240x128xf32, #tpu.memory_space<hbm>>) dst(%arg10 : memref<128x128xf32, #tpu.memory_space<vmem>>)
      %run_scoped3A_81 = arith.constant 0 : i32
      %run_scoped3A_82 = arith.constant 1 : i32
      "tpu.region"() ({
        %run_scoped3A_205 = tpu.sem_alloc : memref<!tpu.dma_semaphore, #tpu.memory_space<semaphore_mem>>
        %dma_start3A_206 = arith.constant 0 : i32
        %dma_start3A_207 = tpu.memref_slice %arg8[%run_scoped3A_81, %run_scoped3A_82, %dma_start3A_206] : memref<2x4x128xi32, #tpu.memory_space<vmem>> -> memref<1x1x128xi32, #tpu.memory_space<vmem>>
        %dma_start3A_208 = tpu.memref_squeeze %dma_start3A_207 : memref<1x1x128xi32, #tpu.memory_space<vmem>> -> memref<128xi32, #tpu.memory_space<vmem>>
        %dma_start3A_209 = arith.constant 0 : i32
        %dma_start3A_210 = arith.constant 0 : i32
        %dma_start3A_211 = tpu.memref_slice %arg11[%dma_start3A_209, %dma_start3A_210] : memref<10240x128xf32, #tpu.memory_space<vmem_shared>> -> memref<10240x128xf32, #tpu.memory_space<vmem_shared>>
        tpu.enqueue_indirect_dma source(%arg10 : memref<128x128xf32, #tpu.memory_space<vmem>>) target(%dma_start3A_211 : memref<10240x128xf32, #tpu.memory_space<vmem_shared>>) offsets(%dma_start3A_208 : memref<128xi32, #tpu.memory_space<vmem>>) semaphore(%run_scoped3A_205 : memref<!tpu.dma_semaphore, #tpu.memory_space<semaphore_mem>>) {add = true}
        %dma_wait3A_212 = arith.constant 0 : i32
        %dma_wait3A_213 = tpu.memref_slice %arg8[%run_scoped3A_81, %run_scoped3A_82, %dma_wait3A_212] : memref<2x4x128xi32, #tpu.memory_space<vmem>> -> memref<1x1x128xi32, #tpu.memory_space<vmem>>
        %dma_wait3A_214 = tpu.memref_squeeze %dma_wait3A_213 : memref<1x1x128xi32, #tpu.memory_space<vmem>> -> memref<128xi32, #tpu.memory_space<vmem>>
        %dma_wait3A_215 = arith.constant 0 : i32
        %dma_wait3A_216 = arith.constant 0 : i32
        %dma_wait3A_217 = tpu.memref_slice %arg11[%dma_wait3A_215, %dma_wait3A_216] : memref<10240x128xf32, #tpu.memory_space<vmem_shared>> -> memref<10240x128xf32, #tpu.memory_space<vmem_shared>>
        tpu.wait_indirect_dma semaphore(%run_scoped3A_205 : memref<!tpu.dma_semaphore, #tpu.memory_space<semaphore_mem>>) src(%arg10 : memref<128x128xf32, #tpu.memory_space<vmem>>) dst(%dma_wait3A_217 : memref<10240x128xf32, #tpu.memory_space<vmem_shared>>)
        tpu.yield
      }) : () -> ()
      %dma_start3A_83 = arith.constant 0 : i32
      %dma_start3A_84 = arith.constant 3 : i32
      %dma_start3A_85 = arith.constant 0 : i32
      %dma_start3A_86 = tpu.memref_slice %arg7[%dma_start3A_83, %dma_start3A_84, %dma_start3A_85] : memref<2x4x128xi32, #tpu.memory_space<vmem>> -> memref<1x1x128xi32, #tpu.memory_space<vmem>>
      %dma_start3A_87 = tpu.memref_squeeze %dma_start3A_86 : memref<1x1x128xi32, #tpu.memory_space<vmem>> -> memref<128xi32, #tpu.memory_space<vmem>>
      %dma_start3A_88 = arith.constant 0 : i32
      %dma_start3A_89 = arith.constant 0 : i32
      %dma_start3A_90 = tpu.memref_slice %arg2[%dma_start3A_88, %dma_start3A_89] : memref<10240x128xf32, #tpu.memory_space<hbm>> -> memref<10240x128xf32, #tpu.memory_space<hbm>>
      tpu.enqueue_indirect_dma source(%dma_start3A_90 : memref<10240x128xf32, #tpu.memory_space<hbm>>) target(%arg10 : memref<128x128xf32, #tpu.memory_space<vmem>>) offsets(%dma_start3A_87 : memref<128xi32, #tpu.memory_space<vmem>>) semaphore(%arg13 : memref<!tpu.dma_semaphore, #tpu.memory_space<semaphore_mem>>)
      %dma_wait3A_91 = arith.constant 0 : i32
      %dma_wait3A_92 = arith.constant 2 : i32
      %dma_wait3A_93 = arith.constant 0 : i32
      %dma_wait3A_94 = tpu.memref_slice %arg7[%dma_wait3A_91, %dma_wait3A_92, %dma_wait3A_93] : memref<2x4x128xi32, #tpu.memory_space<vmem>> -> memref<1x1x128xi32, #tpu.memory_space<vmem>>
      %dma_wait3A_95 = tpu.memref_squeeze %dma_wait3A_94 : memref<1x1x128xi32, #tpu.memory_space<vmem>> -> memref<128xi32, #tpu.memory_space<vmem>>
      %dma_wait3A_96 = arith.constant 0 : i32
      %dma_wait3A_97 = arith.constant 0 : i32
      %dma_wait3A_98 = tpu.memref_slice %arg2[%dma_wait3A_96, %dma_wait3A_97] : memref<10240x128xf32, #tpu.memory_space<hbm>> -> memref<10240x128xf32, #tpu.memory_space<hbm>>
      tpu.wait_indirect_dma semaphore(%arg12 : memref<!tpu.dma_semaphore, #tpu.memory_space<semaphore_mem>>) src(%dma_wait3A_98 : memref<10240x128xf32, #tpu.memory_space<hbm>>) dst(%arg9 : memref<128x128xf32, #tpu.memory_space<vmem>>)
      %run_scoped3A_99 = arith.constant 0 : i32
      %run_scoped3A_100 = arith.constant 2 : i32
      "tpu.region"() ({
        %run_scoped3A_205 = tpu.sem_alloc : memref<!tpu.dma_semaphore, #tpu.memory_space<semaphore_mem>>
        %dma_start3A_206 = arith.constant 0 : i32
        %dma_start3A_207 = tpu.memref_slice %arg8[%run_scoped3A_99, %run_scoped3A_100, %dma_start3A_206] : memref<2x4x128xi32, #tpu.memory_space<vmem>> -> memref<1x1x128xi32, #tpu.memory_space<vmem>>
        %dma_start3A_208 = tpu.memref_squeeze %dma_start3A_207 : memref<1x1x128xi32, #tpu.memory_space<vmem>> -> memref<128xi32, #tpu.memory_space<vmem>>
        %dma_start3A_209 = arith.constant 0 : i32
        %dma_start3A_210 = arith.constant 0 : i32
        %dma_start3A_211 = tpu.memref_slice %arg11[%dma_start3A_209, %dma_start3A_210] : memref<10240x128xf32, #tpu.memory_space<vmem_shared>> -> memref<10240x128xf32, #tpu.memory_space<vmem_shared>>
        tpu.enqueue_indirect_dma source(%arg9 : memref<128x128xf32, #tpu.memory_space<vmem>>) target(%dma_start3A_211 : memref<10240x128xf32, #tpu.memory_space<vmem_shared>>) offsets(%dma_start3A_208 : memref<128xi32, #tpu.memory_space<vmem>>) semaphore(%run_scoped3A_205 : memref<!tpu.dma_semaphore, #tpu.memory_space<semaphore_mem>>) {add = true}
        %dma_wait3A_212 = arith.constant 0 : i32
        %dma_wait3A_213 = tpu.memref_slice %arg8[%run_scoped3A_99, %run_scoped3A_100, %dma_wait3A_212] : memref<2x4x128xi32, #tpu.memory_space<vmem>> -> memref<1x1x128xi32, #tpu.memory_space<vmem>>
        %dma_wait3A_214 = tpu.memref_squeeze %dma_wait3A_213 : memref<1x1x128xi32, #tpu.memory_space<vmem>> -> memref<128xi32, #tpu.memory_space<vmem>>
        %dma_wait3A_215 = arith.constant 0 : i32
        %dma_wait3A_216 = arith.constant 0 : i32
        %dma_wait3A_217 = tpu.memref_slice %arg11[%dma_wait3A_215, %dma_wait3A_216] : memref<10240x128xf32, #tpu.memory_space<vmem_shared>> -> memref<10240x128xf32, #tpu.memory_space<vmem_shared>>
        tpu.wait_indirect_dma semaphore(%run_scoped3A_205 : memref<!tpu.dma_semaphore, #tpu.memory_space<semaphore_mem>>) src(%arg9 : memref<128x128xf32, #tpu.memory_space<vmem>>) dst(%dma_wait3A_217 : memref<10240x128xf32, #tpu.memory_space<vmem_shared>>)
        tpu.yield
      }) : () -> ()
      %gt3A = arith.constant 0 : i32
      %gt3A_101 = arith.cmpi sgt, %scan3A_44, %gt3A : i32
      %convert_element_type3A = arith.extui %gt3A_101 : i1 to i32
      %cond3A = arith.constant 0 : i32
      %cond3A_102 = arith.cmpi ne, %convert_element_type3A, %cond3A : i32
      scf.if %cond3A_102 {
        %dma_wait3A_205 = arith.constant 1 : i32
        %dma_wait3A_206 = arith.constant 0 : i32
        %dma_wait3A_207 = arith.constant 0 : i32
        %dma_wait3A_208 = tpu.memref_slice %arg7[%dma_wait3A_205, %dma_wait3A_206, %dma_wait3A_207] : memref<2x4x128xi32, #tpu.memory_space<vmem>> -> memref<1x4x128xi32, #tpu.memory_space<vmem>>
        %dma_wait3A_209 = tpu.memref_squeeze %dma_wait3A_208 : memref<1x4x128xi32, #tpu.memory_space<vmem>> -> memref<4x128xi32, #tpu.memory_space<vmem>>
        %dma_wait3A_210 = arith.constant 0 : i32
        %dma_wait3A_211 = arith.constant 0 : i32
        %dma_wait3A_212 = tpu.memref_slice %arg3[%add3A, %dma_wait3A_210, %dma_wait3A_211] : memref<32x84x128xi32, #tpu.memory_space<hbm>> -> memref<1x4x128xi32, #tpu.memory_space<hbm>>
        %dma_wait3A_213 = tpu.memref_squeeze %dma_wait3A_212 : memref<1x4x128xi32, #tpu.memory_space<hbm>> -> memref<4x128xi32, #tpu.memory_space<hbm>>
        %dma_wait3A_214 = arith.constant 0 : i32
        %dma_wait3A_215 = arith.constant 0 : i32
        %dma_wait3A_216 = tpu.memref_slice %arg7[%dma_wait3A_205, %dma_wait3A_214, %dma_wait3A_215] : memref<2x4x128xi32, #tpu.memory_space<vmem>> -> memref<1x4x128xi32, #tpu.memory_space<vmem>>
        %dma_wait3A_217 = tpu.memref_squeeze %dma_wait3A_216 : memref<1x4x128xi32, #tpu.memory_space<vmem>> -> memref<4x128xi32, #tpu.memory_space<vmem>>
        %dma_wait3A_218 = arith.constant 0 : i32
        %dma_wait3A_219 = arith.constant 0 : i32
        %dma_wait3A_220 = tpu.memref_slice %arg3[%add3A, %dma_wait3A_218, %dma_wait3A_219] : memref<32x84x128xi32, #tpu.memory_space<hbm>> -> memref<1x4x128xi32, #tpu.memory_space<hbm>>
        %dma_wait3A_221 = tpu.memref_squeeze %dma_wait3A_220 : memref<1x4x128xi32, #tpu.memory_space<hbm>> -> memref<4x128xi32, #tpu.memory_space<hbm>>
        tpu.wait_dma2 semaphore(%arg15 : memref<!tpu.dma_semaphore, #tpu.memory_space<semaphore_mem>>) src(%dma_wait3A_221 : memref<4x128xi32, #tpu.memory_space<hbm>>) dst(%dma_wait3A_217 : memref<4x128xi32, #tpu.memory_space<vmem>>)
        %dma_wait3A_222 = arith.constant 1 : i32
        %dma_wait3A_223 = arith.constant 0 : i32
        %dma_wait3A_224 = arith.constant 0 : i32
        %dma_wait3A_225 = tpu.memref_slice %arg8[%dma_wait3A_222, %dma_wait3A_223, %dma_wait3A_224] : memref<2x4x128xi32, #tpu.memory_space<vmem>> -> memref<1x4x128xi32, #tpu.memory_space<vmem>>
        %dma_wait3A_226 = tpu.memref_squeeze %dma_wait3A_225 : memref<1x4x128xi32, #tpu.memory_space<vmem>> -> memref<4x128xi32, #tpu.memory_space<vmem>>
        %dma_wait3A_227 = arith.constant 0 : i32
        %dma_wait3A_228 = arith.constant 0 : i32
        %dma_wait3A_229 = tpu.memref_slice %arg4[%add3A, %dma_wait3A_227, %dma_wait3A_228] : memref<32x84x128xi32, #tpu.memory_space<hbm>> -> memref<1x4x128xi32, #tpu.memory_space<hbm>>
        %dma_wait3A_230 = tpu.memref_squeeze %dma_wait3A_229 : memref<1x4x128xi32, #tpu.memory_space<hbm>> -> memref<4x128xi32, #tpu.memory_space<hbm>>
        %dma_wait3A_231 = arith.constant 0 : i32
        %dma_wait3A_232 = arith.constant 0 : i32
        %dma_wait3A_233 = tpu.memref_slice %arg8[%dma_wait3A_222, %dma_wait3A_231, %dma_wait3A_232] : memref<2x4x128xi32, #tpu.memory_space<vmem>> -> memref<1x4x128xi32, #tpu.memory_space<vmem>>
        %dma_wait3A_234 = tpu.memref_squeeze %dma_wait3A_233 : memref<1x4x128xi32, #tpu.memory_space<vmem>> -> memref<4x128xi32, #tpu.memory_space<vmem>>
        %dma_wait3A_235 = arith.constant 0 : i32
        %dma_wait3A_236 = arith.constant 0 : i32
        %dma_wait3A_237 = tpu.memref_slice %arg4[%add3A, %dma_wait3A_235, %dma_wait3A_236] : memref<32x84x128xi32, #tpu.memory_space<hbm>> -> memref<1x4x128xi32, #tpu.memory_space<hbm>>
        %dma_wait3A_238 = tpu.memref_squeeze %dma_wait3A_237 : memref<1x4x128xi32, #tpu.memory_space<hbm>> -> memref<4x128xi32, #tpu.memory_space<hbm>>
        tpu.wait_dma2 semaphore(%arg15 : memref<!tpu.dma_semaphore, #tpu.memory_space<semaphore_mem>>) src(%dma_wait3A_238 : memref<4x128xi32, #tpu.memory_space<hbm>>) dst(%dma_wait3A_234 : memref<4x128xi32, #tpu.memory_space<vmem>>)
      } else {
      }
      %dma_start3A_103 = arith.constant 1 : i32
      %dma_start3A_104 = arith.constant 0 : i32
      %dma_start3A_105 = arith.constant 0 : i32
      %dma_start3A_106 = tpu.memref_slice %arg7[%dma_start3A_103, %dma_start3A_104, %dma_start3A_105] : memref<2x4x128xi32, #tpu.memory_space<vmem>> -> memref<1x1x128xi32, #tpu.memory_space<vmem>>
      %dma_start3A_107 = tpu.memref_squeeze %dma_start3A_106 : memref<1x1x128xi32, #tpu.memory_space<vmem>> -> memref<128xi32, #tpu.memory_space<vmem>>
      %dma_start3A_108 = arith.constant 0 : i32
      %dma_start3A_109 = arith.constant 0 : i32
      %dma_start3A_110 = tpu.memref_slice %arg2[%dma_start3A_108, %dma_start3A_109] : memref<10240x128xf32, #tpu.memory_space<hbm>> -> memref<10240x128xf32, #tpu.memory_space<hbm>>
      tpu.enqueue_indirect_dma source(%dma_start3A_110 : memref<10240x128xf32, #tpu.memory_space<hbm>>) target(%arg9 : memref<128x128xf32, #tpu.memory_space<vmem>>) offsets(%dma_start3A_107 : memref<128xi32, #tpu.memory_space<vmem>>) semaphore(%arg12 : memref<!tpu.dma_semaphore, #tpu.memory_space<semaphore_mem>>)
      %dma_wait3A_111 = arith.constant 0 : i32
      %dma_wait3A_112 = arith.constant 3 : i32
      %dma_wait3A_113 = arith.constant 0 : i32
      %dma_wait3A_114 = tpu.memref_slice %arg7[%dma_wait3A_111, %dma_wait3A_112, %dma_wait3A_113] : memref<2x4x128xi32, #tpu.memory_space<vmem>> -> memref<1x1x128xi32, #tpu.memory_space<vmem>>
      %dma_wait3A_115 = tpu.memref_squeeze %dma_wait3A_114 : memref<1x1x128xi32, #tpu.memory_space<vmem>> -> memref<128xi32, #tpu.memory_space<vmem>>
      %dma_wait3A_116 = arith.constant 0 : i32
      %dma_wait3A_117 = arith.constant 0 : i32
      %dma_wait3A_118 = tpu.memref_slice %arg2[%dma_wait3A_116, %dma_wait3A_117] : memref<10240x128xf32, #tpu.memory_space<hbm>> -> memref<10240x128xf32, #tpu.memory_space<hbm>>
      tpu.wait_indirect_dma semaphore(%arg13 : memref<!tpu.dma_semaphore, #tpu.memory_space<semaphore_mem>>) src(%dma_wait3A_118 : memref<10240x128xf32, #tpu.memory_space<hbm>>) dst(%arg10 : memref<128x128xf32, #tpu.memory_space<vmem>>)
      %run_scoped3A_119 = arith.constant 0 : i32
      %run_scoped3A_120 = arith.constant 3 : i32
      "tpu.region"() ({
        %run_scoped3A_205 = tpu.sem_alloc : memref<!tpu.dma_semaphore, #tpu.memory_space<semaphore_mem>>
        %dma_start3A_206 = arith.constant 0 : i32
        %dma_start3A_207 = tpu.memref_slice %arg8[%run_scoped3A_119, %run_scoped3A_120, %dma_start3A_206] : memref<2x4x128xi32, #tpu.memory_space<vmem>> -> memref<1x1x128xi32, #tpu.memory_space<vmem>>
        %dma_start3A_208 = tpu.memref_squeeze %dma_start3A_207 : memref<1x1x128xi32, #tpu.memory_space<vmem>> -> memref<128xi32, #tpu.memory_space<vmem>>
        %dma_start3A_209 = arith.constant 0 : i32
        %dma_start3A_210 = arith.constant 0 : i32
        %dma_start3A_211 = tpu.memref_slice %arg11[%dma_start3A_209, %dma_start3A_210] : memref<10240x128xf32, #tpu.memory_space<vmem_shared>> -> memref<10240x128xf32, #tpu.memory_space<vmem_shared>>
        tpu.enqueue_indirect_dma source(%arg10 : memref<128x128xf32, #tpu.memory_space<vmem>>) target(%dma_start3A_211 : memref<10240x128xf32, #tpu.memory_space<vmem_shared>>) offsets(%dma_start3A_208 : memref<128xi32, #tpu.memory_space<vmem>>) semaphore(%run_scoped3A_205 : memref<!tpu.dma_semaphore, #tpu.memory_space<semaphore_mem>>) {add = true}
        %dma_wait3A_212 = arith.constant 0 : i32
        %dma_wait3A_213 = tpu.memref_slice %arg8[%run_scoped3A_119, %run_scoped3A_120, %dma_wait3A_212] : memref<2x4x128xi32, #tpu.memory_space<vmem>> -> memref<1x1x128xi32, #tpu.memory_space<vmem>>
        %dma_wait3A_214 = tpu.memref_squeeze %dma_wait3A_213 : memref<1x1x128xi32, #tpu.memory_space<vmem>> -> memref<128xi32, #tpu.memory_space<vmem>>
        %dma_wait3A_215 = arith.constant 0 : i32
        %dma_wait3A_216 = arith.constant 0 : i32
        %dma_wait3A_217 = tpu.memref_slice %arg11[%dma_wait3A_215, %dma_wait3A_216] : memref<10240x128xf32, #tpu.memory_space<vmem_shared>> -> memref<10240x128xf32, #tpu.memory_space<vmem_shared>>
        tpu.wait_indirect_dma semaphore(%run_scoped3A_205 : memref<!tpu.dma_semaphore, #tpu.memory_space<semaphore_mem>>) src(%arg10 : memref<128x128xf32, #tpu.memory_space<vmem>>) dst(%dma_wait3A_217 : memref<10240x128xf32, #tpu.memory_space<vmem_shared>>)
        tpu.yield
      }) : () -> ()
      %add3A_121 = arith.constant 1 : i32
      %add3A_122 = arith.addi %scan3A_44, %add3A_121 : i32
      %lt3A = arith.constant 10 : i32
      %lt3A_123 = arith.cmpi slt, %add3A_122, %lt3A : i32
      %convert_element_type3A_124 = arith.extui %lt3A_123 : i1 to i32
      %cond3A_125 = arith.constant 0 : i32
      %cond3A_126 = arith.cmpi ne, %convert_element_type3A_124, %cond3A_125 : i32
      scf.if %cond3A_126 {
        %add3A_205 = arith.constant 8 : i32
        %add3A_206 = arith.addi %mul3A_46, %add3A_205 : i32
        %dma_start3A_207 = arith.constant 0 : i32
        %dma_start3A_208 = arith.constant 0 : i32
        %dma_start3A_209 = arith.constant 0 : i32
        %dma_start3A_210 = tpu.memref_slice %arg7[%dma_start3A_207, %dma_start3A_208, %dma_start3A_209] : memref<2x4x128xi32, #tpu.memory_space<vmem>> -> memref<1x4x128xi32, #tpu.memory_space<vmem>>
        %dma_start3A_211 = tpu.memref_squeeze %dma_start3A_210 : memref<1x4x128xi32, #tpu.memory_space<vmem>> -> memref<4x128xi32, #tpu.memory_space<vmem>>
        %dma_start3A_212 = arith.constant 0 : i32
        %dma_start3A_213 = tpu.memref_slice %arg3[%add3A, %add3A_206, %dma_start3A_212] : memref<32x84x128xi32, #tpu.memory_space<hbm>> -> memref<1x4x128xi32, #tpu.memory_space<hbm>>
        %dma_start3A_214 = tpu.memref_squeeze %dma_start3A_213 : memref<1x4x128xi32, #tpu.memory_space<hbm>> -> memref<4x128xi32, #tpu.memory_space<hbm>>
        %dma_start3A_215 = arith.constant 0 : i32
        %dma_start3A_216 = arith.constant 0 : i32
        %dma_start3A_217 = tpu.memref_slice %arg7[%dma_start3A_207, %dma_start3A_215, %dma_start3A_216] : memref<2x4x128xi32, #tpu.memory_space<vmem>> -> memref<1x4x128xi32, #tpu.memory_space<vmem>>
        %dma_start3A_218 = tpu.memref_squeeze %dma_start3A_217 : memref<1x4x128xi32, #tpu.memory_space<vmem>> -> memref<4x128xi32, #tpu.memory_space<vmem>>
        %dma_start3A_219 = arith.constant 0 : i32
        %dma_start3A_220 = tpu.memref_slice %arg3[%add3A, %add3A_206, %dma_start3A_219] : memref<32x84x128xi32, #tpu.memory_space<hbm>> -> memref<1x4x128xi32, #tpu.memory_space<hbm>>
        %dma_start3A_221 = tpu.memref_squeeze %dma_start3A_220 : memref<1x4x128xi32, #tpu.memory_space<hbm>> -> memref<4x128xi32, #tpu.memory_space<hbm>>
        tpu.enqueue_dma source(%dma_start3A_221 : memref<4x128xi32, #tpu.memory_space<hbm>>) target(%dma_start3A_218 : memref<4x128xi32, #tpu.memory_space<vmem>>) target_semaphore(%arg14 : memref<!tpu.dma_semaphore, #tpu.memory_space<semaphore_mem>>)
        %add3A_222 = arith.constant 8 : i32
        %add3A_223 = arith.addi %mul3A_46, %add3A_222 : i32
        %dma_start3A_224 = arith.constant 0 : i32
        %dma_start3A_225 = arith.constant 0 : i32
        %dma_start3A_226 = arith.constant 0 : i32
        %dma_start3A_227 = tpu.memref_slice %arg8[%dma_start3A_224, %dma_start3A_225, %dma_start3A_226] : memref<2x4x128xi32, #tpu.memory_space<vmem>> -> memref<1x4x128xi32, #tpu.memory_space<vmem>>
        %dma_start3A_228 = tpu.memref_squeeze %dma_start3A_227 : memref<1x4x128xi32, #tpu.memory_space<vmem>> -> memref<4x128xi32, #tpu.memory_space<vmem>>
        %dma_start3A_229 = arith.constant 0 : i32
        %dma_start3A_230 = tpu.memref_slice %arg4[%add3A, %add3A_223, %dma_start3A_229] : memref<32x84x128xi32, #tpu.memory_space<hbm>> -> memref<1x4x128xi32, #tpu.memory_space<hbm>>
        %dma_start3A_231 = tpu.memref_squeeze %dma_start3A_230 : memref<1x4x128xi32, #tpu.memory_space<hbm>> -> memref<4x128xi32, #tpu.memory_space<hbm>>
        %dma_start3A_232 = arith.constant 0 : i32
        %dma_start3A_233 = arith.constant 0 : i32
        %dma_start3A_234 = tpu.memref_slice %arg8[%dma_start3A_224, %dma_start3A_232, %dma_start3A_233] : memref<2x4x128xi32, #tpu.memory_space<vmem>> -> memref<1x4x128xi32, #tpu.memory_space<vmem>>
        %dma_start3A_235 = tpu.memref_squeeze %dma_start3A_234 : memref<1x4x128xi32, #tpu.memory_space<vmem>> -> memref<4x128xi32, #tpu.memory_space<vmem>>
        %dma_start3A_236 = arith.constant 0 : i32
        %dma_start3A_237 = tpu.memref_slice %arg4[%add3A, %add3A_223, %dma_start3A_236] : memref<32x84x128xi32, #tpu.memory_space<hbm>> -> memref<1x4x128xi32, #tpu.memory_space<hbm>>
        %dma_start3A_238 = tpu.memref_squeeze %dma_start3A_237 : memref<1x4x128xi32, #tpu.memory_space<hbm>> -> memref<4x128xi32, #tpu.memory_space<hbm>>
        tpu.enqueue_dma source(%dma_start3A_238 : memref<4x128xi32, #tpu.memory_space<hbm>>) target(%dma_start3A_235 : memref<4x128xi32, #tpu.memory_space<vmem>>) target_semaphore(%arg14 : memref<!tpu.dma_semaphore, #tpu.memory_space<semaphore_mem>>)
      } else {
      }
      %dma_start3A_127 = arith.constant 1 : i32
      %dma_start3A_128 = arith.constant 1 : i32
      %dma_start3A_129 = arith.constant 0 : i32
      %dma_start3A_130 = tpu.memref_slice %arg7[%dma_start3A_127, %dma_start3A_128, %dma_start3A_129] : memref<2x4x128xi32, #tpu.memory_space<vmem>> -> memref<1x1x128xi32, #tpu.memory_space<vmem>>
      %dma_start3A_131 = tpu.memref_squeeze %dma_start3A_130 : memref<1x1x128xi32, #tpu.memory_space<vmem>> -> memref<128xi32, #tpu.memory_space<vmem>>
      %dma_start3A_132 = arith.constant 0 : i32
      %dma_start3A_133 = arith.constant 0 : i32
      %dma_start3A_134 = tpu.memref_slice %arg2[%dma_start3A_132, %dma_start3A_133] : memref<10240x128xf32, #tpu.memory_space<hbm>> -> memref<10240x128xf32, #tpu.memory_space<hbm>>
      tpu.enqueue_indirect_dma source(%dma_start3A_134 : memref<10240x128xf32, #tpu.memory_space<hbm>>) target(%arg10 : memref<128x128xf32, #tpu.memory_space<vmem>>) offsets(%dma_start3A_131 : memref<128xi32, #tpu.memory_space<vmem>>) semaphore(%arg13 : memref<!tpu.dma_semaphore, #tpu.memory_space<semaphore_mem>>)
      %dma_wait3A_135 = arith.constant 1 : i32
      %dma_wait3A_136 = arith.constant 0 : i32
      %dma_wait3A_137 = arith.constant 0 : i32
      %dma_wait3A_138 = tpu.memref_slice %arg7[%dma_wait3A_135, %dma_wait3A_136, %dma_wait3A_137] : memref<2x4x128xi32, #tpu.memory_space<vmem>> -> memref<1x1x128xi32, #tpu.memory_space<vmem>>
      %dma_wait3A_139 = tpu.memref_squeeze %dma_wait3A_138 : memref<1x1x128xi32, #tpu.memory_space<vmem>> -> memref<128xi32, #tpu.memory_space<vmem>>
      %dma_wait3A_140 = arith.constant 0 : i32
      %dma_wait3A_141 = arith.constant 0 : i32
      %dma_wait3A_142 = tpu.memref_slice %arg2[%dma_wait3A_140, %dma_wait3A_141] : memref<10240x128xf32, #tpu.memory_space<hbm>> -> memref<10240x128xf32, #tpu.memory_space<hbm>>
      tpu.wait_indirect_dma semaphore(%arg12 : memref<!tpu.dma_semaphore, #tpu.memory_space<semaphore_mem>>) src(%dma_wait3A_142 : memref<10240x128xf32, #tpu.memory_space<hbm>>) dst(%arg9 : memref<128x128xf32, #tpu.memory_space<vmem>>)
      %run_scoped3A_143 = arith.constant 1 : i32
      %run_scoped3A_144 = arith.constant 0 : i32
      "tpu.region"() ({
        %run_scoped3A_205 = tpu.sem_alloc : memref<!tpu.dma_semaphore, #tpu.memory_space<semaphore_mem>>
        %dma_start3A_206 = arith.constant 0 : i32
        %dma_start3A_207 = tpu.memref_slice %arg8[%run_scoped3A_143, %run_scoped3A_144, %dma_start3A_206] : memref<2x4x128xi32, #tpu.memory_space<vmem>> -> memref<1x1x128xi32, #tpu.memory_space<vmem>>
        %dma_start3A_208 = tpu.memref_squeeze %dma_start3A_207 : memref<1x1x128xi32, #tpu.memory_space<vmem>> -> memref<128xi32, #tpu.memory_space<vmem>>
        %dma_start3A_209 = arith.constant 0 : i32
        %dma_start3A_210 = arith.constant 0 : i32
        %dma_start3A_211 = tpu.memref_slice %arg11[%dma_start3A_209, %dma_start3A_210] : memref<10240x128xf32, #tpu.memory_space<vmem_shared>> -> memref<10240x128xf32, #tpu.memory_space<vmem_shared>>
        tpu.enqueue_indirect_dma source(%arg9 : memref<128x128xf32, #tpu.memory_space<vmem>>) target(%dma_start3A_211 : memref<10240x128xf32, #tpu.memory_space<vmem_shared>>) offsets(%dma_start3A_208 : memref<128xi32, #tpu.memory_space<vmem>>) semaphore(%run_scoped3A_205 : memref<!tpu.dma_semaphore, #tpu.memory_space<semaphore_mem>>) {add = true}
        %dma_wait3A_212 = arith.constant 0 : i32
        %dma_wait3A_213 = tpu.memref_slice %arg8[%run_scoped3A_143, %run_scoped3A_144, %dma_wait3A_212] : memref<2x4x128xi32, #tpu.memory_space<vmem>> -> memref<1x1x128xi32, #tpu.memory_space<vmem>>
        %dma_wait3A_214 = tpu.memref_squeeze %dma_wait3A_213 : memref<1x1x128xi32, #tpu.memory_space<vmem>> -> memref<128xi32, #tpu.memory_space<vmem>>
        %dma_wait3A_215 = arith.constant 0 : i32
        %dma_wait3A_216 = arith.constant 0 : i32
        %dma_wait3A_217 = tpu.memref_slice %arg11[%dma_wait3A_215, %dma_wait3A_216] : memref<10240x128xf32, #tpu.memory_space<vmem_shared>> -> memref<10240x128xf32, #tpu.memory_space<vmem_shared>>
        tpu.wait_indirect_dma semaphore(%run_scoped3A_205 : memref<!tpu.dma_semaphore, #tpu.memory_space<semaphore_mem>>) src(%arg9 : memref<128x128xf32, #tpu.memory_space<vmem>>) dst(%dma_wait3A_217 : memref<10240x128xf32, #tpu.memory_space<vmem_shared>>)
        tpu.yield
      }) : () -> ()
      %dma_start3A_145 = arith.constant 1 : i32
      %dma_start3A_146 = arith.constant 2 : i32
      %dma_start3A_147 = arith.constant 0 : i32
      %dma_start3A_148 = tpu.memref_slice %arg7[%dma_start3A_145, %dma_start3A_146, %dma_start3A_147] : memref<2x4x128xi32, #tpu.memory_space<vmem>> -> memref<1x1x128xi32, #tpu.memory_space<vmem>>
      %dma_start3A_149 = tpu.memref_squeeze %dma_start3A_148 : memref<1x1x128xi32, #tpu.memory_space<vmem>> -> memref<128xi32, #tpu.memory_space<vmem>>
      %dma_start3A_150 = arith.constant 0 : i32
      %dma_start3A_151 = arith.constant 0 : i32
      %dma_start3A_152 = tpu.memref_slice %arg2[%dma_start3A_150, %dma_start3A_151] : memref<10240x128xf32, #tpu.memory_space<hbm>> -> memref<10240x128xf32, #tpu.memory_space<hbm>>
      tpu.enqueue_indirect_dma source(%dma_start3A_152 : memref<10240x128xf32, #tpu.memory_space<hbm>>) target(%arg9 : memref<128x128xf32, #tpu.memory_space<vmem>>) offsets(%dma_start3A_149 : memref<128xi32, #tpu.memory_space<vmem>>) semaphore(%arg12 : memref<!tpu.dma_semaphore, #tpu.memory_space<semaphore_mem>>)
      %dma_wait3A_153 = arith.constant 1 : i32
      %dma_wait3A_154 = arith.constant 1 : i32
      %dma_wait3A_155 = arith.constant 0 : i32
      %dma_wait3A_156 = tpu.memref_slice %arg7[%dma_wait3A_153, %dma_wait3A_154, %dma_wait3A_155] : memref<2x4x128xi32, #tpu.memory_space<vmem>> -> memref<1x1x128xi32, #tpu.memory_space<vmem>>
      %dma_wait3A_157 = tpu.memref_squeeze %dma_wait3A_156 : memref<1x1x128xi32, #tpu.memory_space<vmem>> -> memref<128xi32, #tpu.memory_space<vmem>>
      %dma_wait3A_158 = arith.constant 0 : i32
      %dma_wait3A_159 = arith.constant 0 : i32
      %dma_wait3A_160 = tpu.memref_slice %arg2[%dma_wait3A_158, %dma_wait3A_159] : memref<10240x128xf32, #tpu.memory_space<hbm>> -> memref<10240x128xf32, #tpu.memory_space<hbm>>
      tpu.wait_indirect_dma semaphore(%arg13 : memref<!tpu.dma_semaphore, #tpu.memory_space<semaphore_mem>>) src(%dma_wait3A_160 : memref<10240x128xf32, #tpu.memory_space<hbm>>) dst(%arg10 : memref<128x128xf32, #tpu.memory_space<vmem>>)
      %run_scoped3A_161 = arith.constant 1 : i32
      %run_scoped3A_162 = arith.constant 1 : i32
      "tpu.region"() ({
        %run_scoped3A_205 = tpu.sem_alloc : memref<!tpu.dma_semaphore, #tpu.memory_space<semaphore_mem>>
        %dma_start3A_206 = arith.constant 0 : i32
        %dma_start3A_207 = tpu.memref_slice %arg8[%run_scoped3A_161, %run_scoped3A_162, %dma_start3A_206] : memref<2x4x128xi32, #tpu.memory_space<vmem>> -> memref<1x1x128xi32, #tpu.memory_space<vmem>>
        %dma_start3A_208 = tpu.memref_squeeze %dma_start3A_207 : memref<1x1x128xi32, #tpu.memory_space<vmem>> -> memref<128xi32, #tpu.memory_space<vmem>>
        %dma_start3A_209 = arith.constant 0 : i32
        %dma_start3A_210 = arith.constant 0 : i32
        %dma_start3A_211 = tpu.memref_slice %arg11[%dma_start3A_209, %dma_start3A_210] : memref<10240x128xf32, #tpu.memory_space<vmem_shared>> -> memref<10240x128xf32, #tpu.memory_space<vmem_shared>>
        tpu.enqueue_indirect_dma source(%arg10 : memref<128x128xf32, #tpu.memory_space<vmem>>) target(%dma_start3A_211 : memref<10240x128xf32, #tpu.memory_space<vmem_shared>>) offsets(%dma_start3A_208 : memref<128xi32, #tpu.memory_space<vmem>>) semaphore(%run_scoped3A_205 : memref<!tpu.dma_semaphore, #tpu.memory_space<semaphore_mem>>) {add = true}
        %dma_wait3A_212 = arith.constant 0 : i32
        %dma_wait3A_213 = tpu.memref_slice %arg8[%run_scoped3A_161, %run_scoped3A_162, %dma_wait3A_212] : memref<2x4x128xi32, #tpu.memory_space<vmem>> -> memref<1x1x128xi32, #tpu.memory_space<vmem>>
        %dma_wait3A_214 = tpu.memref_squeeze %dma_wait3A_213 : memref<1x1x128xi32, #tpu.memory_space<vmem>> -> memref<128xi32, #tpu.memory_space<vmem>>
        %dma_wait3A_215 = arith.constant 0 : i32
        %dma_wait3A_216 = arith.constant 0 : i32
        %dma_wait3A_217 = tpu.memref_slice %arg11[%dma_wait3A_215, %dma_wait3A_216] : memref<10240x128xf32, #tpu.memory_space<vmem_shared>> -> memref<10240x128xf32, #tpu.memory_space<vmem_shared>>
        tpu.wait_indirect_dma semaphore(%run_scoped3A_205 : memref<!tpu.dma_semaphore, #tpu.memory_space<semaphore_mem>>) src(%arg10 : memref<128x128xf32, #tpu.memory_space<vmem>>) dst(%dma_wait3A_217 : memref<10240x128xf32, #tpu.memory_space<vmem_shared>>)
        tpu.yield
      }) : () -> ()
      %dma_start3A_163 = arith.constant 1 : i32
      %dma_start3A_164 = arith.constant 3 : i32
      %dma_start3A_165 = arith.constant 0 : i32
      %dma_start3A_166 = tpu.memref_slice %arg7[%dma_start3A_163, %dma_start3A_164, %dma_start3A_165] : memref<2x4x128xi32, #tpu.memory_space<vmem>> -> memref<1x1x128xi32, #tpu.memory_space<vmem>>
      %dma_start3A_167 = tpu.memref_squeeze %dma_start3A_166 : memref<1x1x128xi32, #tpu.memory_space<vmem>> -> memref<128xi32, #tpu.memory_space<vmem>>
      %dma_start3A_168 = arith.constant 0 : i32
      %dma_start3A_169 = arith.constant 0 : i32
      %dma_start3A_170 = tpu.memref_slice %arg2[%dma_start3A_168, %dma_start3A_169] : memref<10240x128xf32, #tpu.memory_space<hbm>> -> memref<10240x128xf32, #tpu.memory_space<hbm>>
      tpu.enqueue_indirect_dma source(%dma_start3A_170 : memref<10240x128xf32, #tpu.memory_space<hbm>>) target(%arg10 : memref<128x128xf32, #tpu.memory_space<vmem>>) offsets(%dma_start3A_167 : memref<128xi32, #tpu.memory_space<vmem>>) semaphore(%arg13 : memref<!tpu.dma_semaphore, #tpu.memory_space<semaphore_mem>>)
      %dma_wait3A_171 = arith.constant 1 : i32
      %dma_wait3A_172 = arith.constant 2 : i32
      %dma_wait3A_173 = arith.constant 0 : i32
      %dma_wait3A_174 = tpu.memref_slice %arg7[%dma_wait3A_171, %dma_wait3A_172, %dma_wait3A_173] : memref<2x4x128xi32, #tpu.memory_space<vmem>> -> memref<1x1x128xi32, #tpu.memory_space<vmem>>
      %dma_wait3A_175 = tpu.memref_squeeze %dma_wait3A_174 : memref<1x1x128xi32, #tpu.memory_space<vmem>> -> memref<128xi32, #tpu.memory_space<vmem>>
      %dma_wait3A_176 = arith.constant 0 : i32
      %dma_wait3A_177 = arith.constant 0 : i32
      %dma_wait3A_178 = tpu.memref_slice %arg2[%dma_wait3A_176, %dma_wait3A_177] : memref<10240x128xf32, #tpu.memory_space<hbm>> -> memref<10240x128xf32, #tpu.memory_space<hbm>>
      tpu.wait_indirect_dma semaphore(%arg12 : memref<!tpu.dma_semaphore, #tpu.memory_space<semaphore_mem>>) src(%dma_wait3A_178 : memref<10240x128xf32, #tpu.memory_space<hbm>>) dst(%arg9 : memref<128x128xf32, #tpu.memory_space<vmem>>)
      %run_scoped3A_179 = arith.constant 1 : i32
      %run_scoped3A_180 = arith.constant 2 : i32
      "tpu.region"() ({
        %run_scoped3A_205 = tpu.sem_alloc : memref<!tpu.dma_semaphore, #tpu.memory_space<semaphore_mem>>
        %dma_start3A_206 = arith.constant 0 : i32
        %dma_start3A_207 = tpu.memref_slice %arg8[%run_scoped3A_179, %run_scoped3A_180, %dma_start3A_206] : memref<2x4x128xi32, #tpu.memory_space<vmem>> -> memref<1x1x128xi32, #tpu.memory_space<vmem>>
        %dma_start3A_208 = tpu.memref_squeeze %dma_start3A_207 : memref<1x1x128xi32, #tpu.memory_space<vmem>> -> memref<128xi32, #tpu.memory_space<vmem>>
        %dma_start3A_209 = arith.constant 0 : i32
        %dma_start3A_210 = arith.constant 0 : i32
        %dma_start3A_211 = tpu.memref_slice %arg11[%dma_start3A_209, %dma_start3A_210] : memref<10240x128xf32, #tpu.memory_space<vmem_shared>> -> memref<10240x128xf32, #tpu.memory_space<vmem_shared>>
        tpu.enqueue_indirect_dma source(%arg9 : memref<128x128xf32, #tpu.memory_space<vmem>>) target(%dma_start3A_211 : memref<10240x128xf32, #tpu.memory_space<vmem_shared>>) offsets(%dma_start3A_208 : memref<128xi32, #tpu.memory_space<vmem>>) semaphore(%run_scoped3A_205 : memref<!tpu.dma_semaphore, #tpu.memory_space<semaphore_mem>>) {add = true}
        %dma_wait3A_212 = arith.constant 0 : i32
        %dma_wait3A_213 = tpu.memref_slice %arg8[%run_scoped3A_179, %run_scoped3A_180, %dma_wait3A_212] : memref<2x4x128xi32, #tpu.memory_space<vmem>> -> memref<1x1x128xi32, #tpu.memory_space<vmem>>
        %dma_wait3A_214 = tpu.memref_squeeze %dma_wait3A_213 : memref<1x1x128xi32, #tpu.memory_space<vmem>> -> memref<128xi32, #tpu.memory_space<vmem>>
        %dma_wait3A_215 = arith.constant 0 : i32
        %dma_wait3A_216 = arith.constant 0 : i32
        %dma_wait3A_217 = tpu.memref_slice %arg11[%dma_wait3A_215, %dma_wait3A_216] : memref<10240x128xf32, #tpu.memory_space<vmem_shared>> -> memref<10240x128xf32, #tpu.memory_space<vmem_shared>>
        tpu.wait_indirect_dma semaphore(%run_scoped3A_205 : memref<!tpu.dma_semaphore, #tpu.memory_space<semaphore_mem>>) src(%arg9 : memref<128x128xf32, #tpu.memory_space<vmem>>) dst(%dma_wait3A_217 : memref<10240x128xf32, #tpu.memory_space<vmem_shared>>)
        tpu.yield
      }) : () -> ()
      %add3A_181 = arith.constant 1 : i32
      %add3A_182 = arith.addi %scan3A_44, %add3A_181 : i32
      %lt3A_183 = arith.constant 10 : i32
      %lt3A_184 = arith.cmpi slt, %add3A_182, %lt3A_183 : i32
      %convert_element_type3A_185 = arith.extui %lt3A_184 : i1 to i32
      %cond3A_186 = arith.constant 0 : i32
      %cond3A_187 = arith.cmpi ne, %convert_element_type3A_185, %cond3A_186 : i32
      scf.if %cond3A_187 {
        %dma_wait3A_205 = arith.constant 0 : i32
        %dma_wait3A_206 = arith.constant 0 : i32
        %dma_wait3A_207 = arith.constant 0 : i32
        %dma_wait3A_208 = tpu.memref_slice %arg7[%dma_wait3A_205, %dma_wait3A_206, %dma_wait3A_207] : memref<2x4x128xi32, #tpu.memory_space<vmem>> -> memref<1x4x128xi32, #tpu.memory_space<vmem>>
        %dma_wait3A_209 = tpu.memref_squeeze %dma_wait3A_208 : memref<1x4x128xi32, #tpu.memory_space<vmem>> -> memref<4x128xi32, #tpu.memory_space<vmem>>
        %dma_wait3A_210 = arith.constant 0 : i32
        %dma_wait3A_211 = arith.constant 0 : i32
        %dma_wait3A_212 = tpu.memref_slice %arg3[%add3A, %dma_wait3A_210, %dma_wait3A_211] : memref<32x84x128xi32, #tpu.memory_space<hbm>> -> memref<1x4x128xi32, #tpu.memory_space<hbm>>
        %dma_wait3A_213 = tpu.memref_squeeze %dma_wait3A_212 : memref<1x4x128xi32, #tpu.memory_space<hbm>> -> memref<4x128xi32, #tpu.memory_space<hbm>>
        %dma_wait3A_214 = arith.constant 0 : i32
        %dma_wait3A_215 = arith.constant 0 : i32
        %dma_wait3A_216 = tpu.memref_slice %arg7[%dma_wait3A_205, %dma_wait3A_214, %dma_wait3A_215] : memref<2x4x128xi32, #tpu.memory_space<vmem>> -> memref<1x4x128xi32, #tpu.memory_space<vmem>>
        %dma_wait3A_217 = tpu.memref_squeeze %dma_wait3A_216 : memref<1x4x128xi32, #tpu.memory_space<vmem>> -> memref<4x128xi32, #tpu.memory_space<vmem>>
        %dma_wait3A_218 = arith.constant 0 : i32
        %dma_wait3A_219 = arith.constant 0 : i32
        %dma_wait3A_220 = tpu.memref_slice %arg3[%add3A, %dma_wait3A_218, %dma_wait3A_219] : memref<32x84x128xi32, #tpu.memory_space<hbm>> -> memref<1x4x128xi32, #tpu.memory_space<hbm>>
        %dma_wait3A_221 = tpu.memref_squeeze %dma_wait3A_220 : memref<1x4x128xi32, #tpu.memory_space<hbm>> -> memref<4x128xi32, #tpu.memory_space<hbm>>
        tpu.wait_dma2 semaphore(%arg14 : memref<!tpu.dma_semaphore, #tpu.memory_space<semaphore_mem>>) src(%dma_wait3A_221 : memref<4x128xi32, #tpu.memory_space<hbm>>) dst(%dma_wait3A_217 : memref<4x128xi32, #tpu.memory_space<vmem>>)
        %dma_wait3A_222 = arith.constant 0 : i32
        %dma_wait3A_223 = arith.constant 0 : i32
        %dma_wait3A_224 = arith.constant 0 : i32
        %dma_wait3A_225 = tpu.memref_slice %arg8[%dma_wait3A_222, %dma_wait3A_223, %dma_wait3A_224] : memref<2x4x128xi32, #tpu.memory_space<vmem>> -> memref<1x4x128xi32, #tpu.memory_space<vmem>>
        %dma_wait3A_226 = tpu.memref_squeeze %dma_wait3A_225 : memref<1x4x128xi32, #tpu.memory_space<vmem>> -> memref<4x128xi32, #tpu.memory_space<vmem>>
        %dma_wait3A_227 = arith.constant 0 : i32
        %dma_wait3A_228 = arith.constant 0 : i32
        %dma_wait3A_229 = tpu.memref_slice %arg4[%add3A, %dma_wait3A_227, %dma_wait3A_228] : memref<32x84x128xi32, #tpu.memory_space<hbm>> -> memref<1x4x128xi32, #tpu.memory_space<hbm>>
        %dma_wait3A_230 = tpu.memref_squeeze %dma_wait3A_229 : memref<1x4x128xi32, #tpu.memory_space<hbm>> -> memref<4x128xi32, #tpu.memory_space<hbm>>
        %dma_wait3A_231 = arith.constant 0 : i32
        %dma_wait3A_232 = arith.constant 0 : i32
        %dma_wait3A_233 = tpu.memref_slice %arg8[%dma_wait3A_222, %dma_wait3A_231, %dma_wait3A_232] : memref<2x4x128xi32, #tpu.memory_space<vmem>> -> memref<1x4x128xi32, #tpu.memory_space<vmem>>
        %dma_wait3A_234 = tpu.memref_squeeze %dma_wait3A_233 : memref<1x4x128xi32, #tpu.memory_space<vmem>> -> memref<4x128xi32, #tpu.memory_space<vmem>>
        %dma_wait3A_235 = arith.constant 0 : i32
        %dma_wait3A_236 = arith.constant 0 : i32
        %dma_wait3A_237 = tpu.memref_slice %arg4[%add3A, %dma_wait3A_235, %dma_wait3A_236] : memref<32x84x128xi32, #tpu.memory_space<hbm>> -> memref<1x4x128xi32, #tpu.memory_space<hbm>>
        %dma_wait3A_238 = tpu.memref_squeeze %dma_wait3A_237 : memref<1x4x128xi32, #tpu.memory_space<hbm>> -> memref<4x128xi32, #tpu.memory_space<hbm>>
        tpu.wait_dma2 semaphore(%arg14 : memref<!tpu.dma_semaphore, #tpu.memory_space<semaphore_mem>>) src(%dma_wait3A_238 : memref<4x128xi32, #tpu.memory_space<hbm>>) dst(%dma_wait3A_234 : memref<4x128xi32, #tpu.memory_space<vmem>>)
        %dma_start3A_239 = arith.constant 0 : i32
        %dma_start3A_240 = arith.constant 0 : i32
        %dma_start3A_241 = arith.constant 0 : i32
        %dma_start3A_242 = tpu.memref_slice %arg7[%dma_start3A_239, %dma_start3A_240, %dma_start3A_241] : memref<2x4x128xi32, #tpu.memory_space<vmem>> -> memref<1x1x128xi32, #tpu.memory_space<vmem>>
        %dma_start3A_243 = tpu.memref_squeeze %dma_start3A_242 : memref<1x1x128xi32, #tpu.memory_space<vmem>> -> memref<128xi32, #tpu.memory_space<vmem>>
        %dma_start3A_244 = arith.constant 0 : i32
        %dma_start3A_245 = arith.constant 0 : i32
        %dma_start3A_246 = tpu.memref_slice %arg2[%dma_start3A_244, %dma_start3A_245] : memref<10240x128xf32, #tpu.memory_space<hbm>> -> memref<10240x128xf32, #tpu.memory_space<hbm>>
        tpu.enqueue_indirect_dma source(%dma_start3A_246 : memref<10240x128xf32, #tpu.memory_space<hbm>>) target(%arg9 : memref<128x128xf32, #tpu.memory_space<vmem>>) offsets(%dma_start3A_243 : memref<128xi32, #tpu.memory_space<vmem>>) semaphore(%arg12 : memref<!tpu.dma_semaphore, #tpu.memory_space<semaphore_mem>>)
      } else {
      }
      %dma_wait3A_188 = arith.constant 1 : i32
      %dma_wait3A_189 = arith.constant 3 : i32
      %dma_wait3A_190 = arith.constant 0 : i32
      %dma_wait3A_191 = tpu.memref_slice %arg7[%dma_wait3A_188, %dma_wait3A_189, %dma_wait3A_190] : memref<2x4x128xi32, #tpu.memory_space<vmem>> -> memref<1x1x128xi32, #tpu.memory_space<vmem>>
      %dma_wait3A_192 = tpu.memref_squeeze %dma_wait3A_191 : memref<1x1x128xi32, #tpu.memory_space<vmem>> -> memref<128xi32, #tpu.memory_space<vmem>>
      %dma_wait3A_193 = arith.constant 0 : i32
      %dma_wait3A_194 = arith.constant 0 : i32
      %dma_wait3A_195 = tpu.memref_slice %arg2[%dma_wait3A_193, %dma_wait3A_194] : memref<10240x128xf32, #tpu.memory_space<hbm>> -> memref<10240x128xf32, #tpu.memory_space<hbm>>
      tpu.wait_indirect_dma semaphore(%arg13 : memref<!tpu.dma_semaphore, #tpu.memory_space<semaphore_mem>>) src(%dma_wait3A_195 : memref<10240x128xf32, #tpu.memory_space<hbm>>) dst(%arg10 : memref<128x128xf32, #tpu.memory_space<vmem>>)
      %run_scoped3A_196 = arith.constant 1 : i32
      %run_scoped3A_197 = arith.constant 3 : i32
      "tpu.region"() ({
        %run_scoped3A_205 = tpu.sem_alloc : memref<!tpu.dma_semaphore, #tpu.memory_space<semaphore_mem>>
        %dma_start3A_206 = arith.constant 0 : i32
        %dma_start3A_207 = tpu.memref_slice %arg8[%run_scoped3A_196, %run_scoped3A_197, %dma_start3A_206] : memref<2x4x128xi32, #tpu.memory_space<vmem>> -> memref<1x1x128xi32, #tpu.memory_space<vmem>>
        %dma_start3A_208 = tpu.memref_squeeze %dma_start3A_207 : memref<1x1x128xi32, #tpu.memory_space<vmem>> -> memref<128xi32, #tpu.memory_space<vmem>>
        %dma_start3A_209 = arith.constant 0 : i32
        %dma_start3A_210 = arith.constant 0 : i32
        %dma_start3A_211 = tpu.memref_slice %arg11[%dma_start3A_209, %dma_start3A_210] : memref<10240x128xf32, #tpu.memory_space<vmem_shared>> -> memref<10240x128xf32, #tpu.memory_space<vmem_shared>>
        tpu.enqueue_indirect_dma source(%arg10 : memref<128x128xf32, #tpu.memory_space<vmem>>) target(%dma_start3A_211 : memref<10240x128xf32, #tpu.memory_space<vmem_shared>>) offsets(%dma_start3A_208 : memref<128xi32, #tpu.memory_space<vmem>>) semaphore(%run_scoped3A_205 : memref<!tpu.dma_semaphore, #tpu.memory_space<semaphore_mem>>) {add = true}
        %dma_wait3A_212 = arith.constant 0 : i32
        %dma_wait3A_213 = tpu.memref_slice %arg8[%run_scoped3A_196, %run_scoped3A_197, %dma_wait3A_212] : memref<2x4x128xi32, #tpu.memory_space<vmem>> -> memref<1x1x128xi32, #tpu.memory_space<vmem>>
        %dma_wait3A_214 = tpu.memref_squeeze %dma_wait3A_213 : memref<1x1x128xi32, #tpu.memory_space<vmem>> -> memref<128xi32, #tpu.memory_space<vmem>>
        %dma_wait3A_215 = arith.constant 0 : i32
        %dma_wait3A_216 = arith.constant 0 : i32
        %dma_wait3A_217 = tpu.memref_slice %arg11[%dma_wait3A_215, %dma_wait3A_216] : memref<10240x128xf32, #tpu.memory_space<vmem_shared>> -> memref<10240x128xf32, #tpu.memory_space<vmem_shared>>
        tpu.wait_indirect_dma semaphore(%run_scoped3A_205 : memref<!tpu.dma_semaphore, #tpu.memory_space<semaphore_mem>>) src(%arg10 : memref<128x128xf32, #tpu.memory_space<vmem>>) dst(%dma_wait3A_217 : memref<10240x128xf32, #tpu.memory_space<vmem_shared>>)
        tpu.yield
      }) : () -> ()
      %add3A_198 = arith.constant 1 : i32
      %add3A_199 = arith.addi %scan3A_44, %add3A_198 : i32
      %lt3A_200 = arith.constant 10 : i32
      %lt3A_201 = arith.cmpi slt, %add3A_199, %lt3A_200 : i32
      %convert_element_type3A_202 = arith.extui %lt3A_201 : i1 to i32
      %cond3A_203 = arith.constant 0 : i32
      %cond3A_204 = arith.cmpi ne, %convert_element_type3A_202, %cond3A_203 : i32
      scf.if %cond3A_204 {
        %add3A_205 = arith.constant 12 : i32
        %add3A_206 = arith.addi %mul3A_46, %add3A_205 : i32
        %dma_start3A_207 = arith.constant 1 : i32
        %dma_start3A_208 = arith.constant 0 : i32
        %dma_start3A_209 = arith.constant 0 : i32
        %dma_start3A_210 = tpu.memref_slice %arg7[%dma_start3A_207, %dma_start3A_208, %dma_start3A_209] : memref<2x4x128xi32, #tpu.memory_space<vmem>> -> memref<1x4x128xi32, #tpu.memory_space<vmem>>
        %dma_start3A_211 = tpu.memref_squeeze %dma_start3A_210 : memref<1x4x128xi32, #tpu.memory_space<vmem>> -> memref<4x128xi32, #tpu.memory_space<vmem>>
        %dma_start3A_212 = arith.constant 0 : i32
        %dma_start3A_213 = tpu.memref_slice %arg3[%add3A, %add3A_206, %dma_start3A_212] : memref<32x84x128xi32, #tpu.memory_space<hbm>> -> memref<1x4x128xi32, #tpu.memory_space<hbm>>
        %dma_start3A_214 = tpu.memref_squeeze %dma_start3A_213 : memref<1x4x128xi32, #tpu.memory_space<hbm>> -> memref<4x128xi32, #tpu.memory_space<hbm>>
        %dma_start3A_215 = arith.constant 0 : i32
        %dma_start3A_216 = arith.constant 0 : i32
        %dma_start3A_217 = tpu.memref_slice %arg7[%dma_start3A_207, %dma_start3A_215, %dma_start3A_216] : memref<2x4x128xi32, #tpu.memory_space<vmem>> -> memref<1x4x128xi32, #tpu.memory_space<vmem>>
        %dma_start3A_218 = tpu.memref_squeeze %dma_start3A_217 : memref<1x4x128xi32, #tpu.memory_space<vmem>> -> memref<4x128xi32, #tpu.memory_space<vmem>>
        %dma_start3A_219 = arith.constant 0 : i32
        %dma_start3A_220 = tpu.memref_slice %arg3[%add3A, %add3A_206, %dma_start3A_219] : memref<32x84x128xi32, #tpu.memory_space<hbm>> -> memref<1x4x128xi32, #tpu.memory_space<hbm>>
        %dma_start3A_221 = tpu.memref_squeeze %dma_start3A_220 : memref<1x4x128xi32, #tpu.memory_space<hbm>> -> memref<4x128xi32, #tpu.memory_space<hbm>>
        tpu.enqueue_dma source(%dma_start3A_221 : memref<4x128xi32, #tpu.memory_space<hbm>>) target(%dma_start3A_218 : memref<4x128xi32, #tpu.memory_space<vmem>>) target_semaphore(%arg15 : memref<!tpu.dma_semaphore, #tpu.memory_space<semaphore_mem>>)
        %add3A_222 = arith.constant 12 : i32
        %add3A_223 = arith.addi %mul3A_46, %add3A_222 : i32
        %dma_start3A_224 = arith.constant 1 : i32
        %dma_start3A_225 = arith.constant 0 : i32
        %dma_start3A_226 = arith.constant 0 : i32
        %dma_start3A_227 = tpu.memref_slice %arg8[%dma_start3A_224, %dma_start3A_225, %dma_start3A_226] : memref<2x4x128xi32, #tpu.memory_space<vmem>> -> memref<1x4x128xi32, #tpu.memory_space<vmem>>
        %dma_start3A_228 = tpu.memref_squeeze %dma_start3A_227 : memref<1x4x128xi32, #tpu.memory_space<vmem>> -> memref<4x128xi32, #tpu.memory_space<vmem>>
        %dma_start3A_229 = arith.constant 0 : i32
        %dma_start3A_230 = tpu.memref_slice %arg4[%add3A, %add3A_223, %dma_start3A_229] : memref<32x84x128xi32, #tpu.memory_space<hbm>> -> memref<1x4x128xi32, #tpu.memory_space<hbm>>
        %dma_start3A_231 = tpu.memref_squeeze %dma_start3A_230 : memref<1x4x128xi32, #tpu.memory_space<hbm>> -> memref<4x128xi32, #tpu.memory_space<hbm>>
        %dma_start3A_232 = arith.constant 0 : i32
        %dma_start3A_233 = arith.constant 0 : i32
        %dma_start3A_234 = tpu.memref_slice %arg8[%dma_start3A_224, %dma_start3A_232, %dma_start3A_233] : memref<2x4x128xi32, #tpu.memory_space<vmem>> -> memref<1x4x128xi32, #tpu.memory_space<vmem>>
        %dma_start3A_235 = tpu.memref_squeeze %dma_start3A_234 : memref<1x4x128xi32, #tpu.memory_space<vmem>> -> memref<4x128xi32, #tpu.memory_space<vmem>>
        %dma_start3A_236 = arith.constant 0 : i32
        %dma_start3A_237 = tpu.memref_slice %arg4[%add3A, %add3A_223, %dma_start3A_236] : memref<32x84x128xi32, #tpu.memory_space<hbm>> -> memref<1x4x128xi32, #tpu.memory_space<hbm>>
        %dma_start3A_238 = tpu.memref_squeeze %dma_start3A_237 : memref<1x4x128xi32, #tpu.memory_space<hbm>> -> memref<4x128xi32, #tpu.memory_space<hbm>>
        tpu.enqueue_dma source(%dma_start3A_238 : memref<4x128xi32, #tpu.memory_space<hbm>>) target(%dma_start3A_235 : memref<4x128xi32, #tpu.memory_space<vmem>>) target_semaphore(%arg15 : memref<!tpu.dma_semaphore, #tpu.memory_space<semaphore_mem>>)
      } else {
      }
    }
    %scan3A_19 = arith.constant 10 : i32
    %run_scoped3A_20 = arith.constant 0 : i32
    "tpu.region"() ({
      %run_scoped3A_44 = tpu.sem_alloc : memref<!tpu.dma_semaphore, #tpu.memory_space<semaphore_mem>>
      %dma_start3A_45 = arith.constant 0 : i32
      %dma_start3A_46 = arith.constant 0 : i32
      %dma_start3A_47 = tpu.memref_slice %arg7[%run_scoped3A_20, %dma_start3A_45, %dma_start3A_46] : memref<2x4x128xi32, #tpu.memory_space<vmem>> -> memref<1x4x128xi32, #tpu.memory_space<vmem>>
      %dma_start3A_48 = tpu.memref_squeeze %dma_start3A_47 : memref<1x4x128xi32, #tpu.memory_space<vmem>> -> memref<4x128xi32, #tpu.memory_space<vmem>>
      %dma_start3A_49 = arith.constant 80 : i32
      %dma_start3A_50 = arith.constant 0 : i32
      %dma_start3A_51 = tpu.memref_slice %arg3[%add3A, %dma_start3A_49, %dma_start3A_50] : memref<32x84x128xi32, #tpu.memory_space<hbm>> -> memref<1x4x128xi32, #tpu.memory_space<hbm>>
      %dma_start3A_52 = tpu.memref_squeeze %dma_start3A_51 : memref<1x4x128xi32, #tpu.memory_space<hbm>> -> memref<4x128xi32, #tpu.memory_space<hbm>>
      %dma_start3A_53 = arith.constant 0 : i32
      %dma_start3A_54 = arith.constant 0 : i32
      %dma_start3A_55 = tpu.memref_slice %arg7[%run_scoped3A_20, %dma_start3A_53, %dma_start3A_54] : memref<2x4x128xi32, #tpu.memory_space<vmem>> -> memref<1x4x128xi32, #tpu.memory_space<vmem>>
      %dma_start3A_56 = tpu.memref_squeeze %dma_start3A_55 : memref<1x4x128xi32, #tpu.memory_space<vmem>> -> memref<4x128xi32, #tpu.memory_space<vmem>>
      %dma_start3A_57 = arith.constant 80 : i32
      %dma_start3A_58 = arith.constant 0 : i32
      %dma_start3A_59 = tpu.memref_slice %arg3[%add3A, %dma_start3A_57, %dma_start3A_58] : memref<32x84x128xi32, #tpu.memory_space<hbm>> -> memref<1x4x128xi32, #tpu.memory_space<hbm>>
      %dma_start3A_60 = tpu.memref_squeeze %dma_start3A_59 : memref<1x4x128xi32, #tpu.memory_space<hbm>> -> memref<4x128xi32, #tpu.memory_space<hbm>>
      tpu.enqueue_dma source(%dma_start3A_60 : memref<4x128xi32, #tpu.memory_space<hbm>>) target(%dma_start3A_56 : memref<4x128xi32, #tpu.memory_space<vmem>>) target_semaphore(%run_scoped3A_44 : memref<!tpu.dma_semaphore, #tpu.memory_space<semaphore_mem>>)
      %dma_wait3A_61 = arith.constant 0 : i32
      %dma_wait3A_62 = arith.constant 0 : i32
      %dma_wait3A_63 = tpu.memref_slice %arg7[%run_scoped3A_20, %dma_wait3A_61, %dma_wait3A_62] : memref<2x4x128xi32, #tpu.memory_space<vmem>> -> memref<1x4x128xi32, #tpu.memory_space<vmem>>
      %dma_wait3A_64 = tpu.memref_squeeze %dma_wait3A_63 : memref<1x4x128xi32, #tpu.memory_space<vmem>> -> memref<4x128xi32, #tpu.memory_space<vmem>>
      %dma_wait3A_65 = arith.constant 80 : i32
      %dma_wait3A_66 = arith.constant 0 : i32
      %dma_wait3A_67 = tpu.memref_slice %arg3[%add3A, %dma_wait3A_65, %dma_wait3A_66] : memref<32x84x128xi32, #tpu.memory_space<hbm>> -> memref<1x4x128xi32, #tpu.memory_space<hbm>>
      %dma_wait3A_68 = tpu.memref_squeeze %dma_wait3A_67 : memref<1x4x128xi32, #tpu.memory_space<hbm>> -> memref<4x128xi32, #tpu.memory_space<hbm>>
      %dma_wait3A_69 = arith.constant 0 : i32
      %dma_wait3A_70 = arith.constant 0 : i32
      %dma_wait3A_71 = tpu.memref_slice %arg7[%run_scoped3A_20, %dma_wait3A_69, %dma_wait3A_70] : memref<2x4x128xi32, #tpu.memory_space<vmem>> -> memref<1x4x128xi32, #tpu.memory_space<vmem>>
      %dma_wait3A_72 = tpu.memref_squeeze %dma_wait3A_71 : memref<1x4x128xi32, #tpu.memory_space<vmem>> -> memref<4x128xi32, #tpu.memory_space<vmem>>
      %dma_wait3A_73 = arith.constant 80 : i32
      %dma_wait3A_74 = arith.constant 0 : i32
      %dma_wait3A_75 = tpu.memref_slice %arg3[%add3A, %dma_wait3A_73, %dma_wait3A_74] : memref<32x84x128xi32, #tpu.memory_space<hbm>> -> memref<1x4x128xi32, #tpu.memory_space<hbm>>
      %dma_wait3A_76 = tpu.memref_squeeze %dma_wait3A_75 : memref<1x4x128xi32, #tpu.memory_space<hbm>> -> memref<4x128xi32, #tpu.memory_space<hbm>>
      tpu.wait_dma2 semaphore(%run_scoped3A_44 : memref<!tpu.dma_semaphore, #tpu.memory_space<semaphore_mem>>) src(%dma_wait3A_76 : memref<4x128xi32, #tpu.memory_space<hbm>>) dst(%dma_wait3A_72 : memref<4x128xi32, #tpu.memory_space<vmem>>)
      tpu.yield
    }) : () -> ()
    %run_scoped3A_21 = arith.constant 0 : i32
    "tpu.region"() ({
      %run_scoped3A_44 = tpu.sem_alloc : memref<!tpu.dma_semaphore, #tpu.memory_space<semaphore_mem>>
      %dma_start3A_45 = arith.constant 0 : i32
      %dma_start3A_46 = arith.constant 0 : i32
      %dma_start3A_47 = tpu.memref_slice %arg8[%run_scoped3A_21, %dma_start3A_45, %dma_start3A_46] : memref<2x4x128xi32, #tpu.memory_space<vmem>> -> memref<1x4x128xi32, #tpu.memory_space<vmem>>
      %dma_start3A_48 = tpu.memref_squeeze %dma_start3A_47 : memref<1x4x128xi32, #tpu.memory_space<vmem>> -> memref<4x128xi32, #tpu.memory_space<vmem>>
      %dma_start3A_49 = arith.constant 80 : i32
      %dma_start3A_50 = arith.constant 0 : i32
      %dma_start3A_51 = tpu.memref_slice %arg4[%add3A, %dma_start3A_49, %dma_start3A_50] : memref<32x84x128xi32, #tpu.memory_space<hbm>> -> memref<1x4x128xi32, #tpu.memory_space<hbm>>
      %dma_start3A_52 = tpu.memref_squeeze %dma_start3A_51 : memref<1x4x128xi32, #tpu.memory_space<hbm>> -> memref<4x128xi32, #tpu.memory_space<hbm>>
      %dma_start3A_53 = arith.constant 0 : i32
      %dma_start3A_54 = arith.constant 0 : i32
      %dma_start3A_55 = tpu.memref_slice %arg8[%run_scoped3A_21, %dma_start3A_53, %dma_start3A_54] : memref<2x4x128xi32, #tpu.memory_space<vmem>> -> memref<1x4x128xi32, #tpu.memory_space<vmem>>
      %dma_start3A_56 = tpu.memref_squeeze %dma_start3A_55 : memref<1x4x128xi32, #tpu.memory_space<vmem>> -> memref<4x128xi32, #tpu.memory_space<vmem>>
      %dma_start3A_57 = arith.constant 80 : i32
      %dma_start3A_58 = arith.constant 0 : i32
      %dma_start3A_59 = tpu.memref_slice %arg4[%add3A, %dma_start3A_57, %dma_start3A_58] : memref<32x84x128xi32, #tpu.memory_space<hbm>> -> memref<1x4x128xi32, #tpu.memory_space<hbm>>
      %dma_start3A_60 = tpu.memref_squeeze %dma_start3A_59 : memref<1x4x128xi32, #tpu.memory_space<hbm>> -> memref<4x128xi32, #tpu.memory_space<hbm>>
      tpu.enqueue_dma source(%dma_start3A_60 : memref<4x128xi32, #tpu.memory_space<hbm>>) target(%dma_start3A_56 : memref<4x128xi32, #tpu.memory_space<vmem>>) target_semaphore(%run_scoped3A_44 : memref<!tpu.dma_semaphore, #tpu.memory_space<semaphore_mem>>)
      %dma_wait3A_61 = arith.constant 0 : i32
      %dma_wait3A_62 = arith.constant 0 : i32
      %dma_wait3A_63 = tpu.memref_slice %arg8[%run_scoped3A_21, %dma_wait3A_61, %dma_wait3A_62] : memref<2x4x128xi32, #tpu.memory_space<vmem>> -> memref<1x4x128xi32, #tpu.memory_space<vmem>>
      %dma_wait3A_64 = tpu.memref_squeeze %dma_wait3A_63 : memref<1x4x128xi32, #tpu.memory_space<vmem>> -> memref<4x128xi32, #tpu.memory_space<vmem>>
      %dma_wait3A_65 = arith.constant 80 : i32
      %dma_wait3A_66 = arith.constant 0 : i32
      %dma_wait3A_67 = tpu.memref_slice %arg4[%add3A, %dma_wait3A_65, %dma_wait3A_66] : memref<32x84x128xi32, #tpu.memory_space<hbm>> -> memref<1x4x128xi32, #tpu.memory_space<hbm>>
      %dma_wait3A_68 = tpu.memref_squeeze %dma_wait3A_67 : memref<1x4x128xi32, #tpu.memory_space<hbm>> -> memref<4x128xi32, #tpu.memory_space<hbm>>
      %dma_wait3A_69 = arith.constant 0 : i32
      %dma_wait3A_70 = arith.constant 0 : i32
      %dma_wait3A_71 = tpu.memref_slice %arg8[%run_scoped3A_21, %dma_wait3A_69, %dma_wait3A_70] : memref<2x4x128xi32, #tpu.memory_space<vmem>> -> memref<1x4x128xi32, #tpu.memory_space<vmem>>
      %dma_wait3A_72 = tpu.memref_squeeze %dma_wait3A_71 : memref<1x4x128xi32, #tpu.memory_space<vmem>> -> memref<4x128xi32, #tpu.memory_space<vmem>>
      %dma_wait3A_73 = arith.constant 80 : i32
      %dma_wait3A_74 = arith.constant 0 : i32
      %dma_wait3A_75 = tpu.memref_slice %arg4[%add3A, %dma_wait3A_73, %dma_wait3A_74] : memref<32x84x128xi32, #tpu.memory_space<hbm>> -> memref<1x4x128xi32, #tpu.memory_space<hbm>>
      %dma_wait3A_76 = tpu.memref_squeeze %dma_wait3A_75 : memref<1x4x128xi32, #tpu.memory_space<hbm>> -> memref<4x128xi32, #tpu.memory_space<hbm>>
      tpu.wait_dma2 semaphore(%run_scoped3A_44 : memref<!tpu.dma_semaphore, #tpu.memory_space<semaphore_mem>>) src(%dma_wait3A_76 : memref<4x128xi32, #tpu.memory_space<hbm>>) dst(%dma_wait3A_72 : memref<4x128xi32, #tpu.memory_space<vmem>>)
      tpu.yield
    }) : () -> ()
    %dma_start3A_22 = arith.constant 0 : i32
    %dma_start3A_23 = arith.constant 0 : i32
    %dma_start3A_24 = arith.constant 0 : i32
    %dma_start3A_25 = tpu.memref_slice %arg7[%dma_start3A_22, %dma_start3A_23, %dma_start3A_24] : memref<2x4x128xi32, #tpu.memory_space<vmem>> -> memref<1x1x128xi32, #tpu.memory_space<vmem>>
    %dma_start3A_26 = tpu.memref_squeeze %dma_start3A_25 : memref<1x1x128xi32, #tpu.memory_space<vmem>> -> memref<128xi32, #tpu.memory_space<vmem>>
    %dma_start3A_27 = arith.constant 0 : i32
    %dma_start3A_28 = arith.constant 0 : i32
    %dma_start3A_29 = tpu.memref_slice %arg2[%dma_start3A_27, %dma_start3A_28] : memref<10240x128xf32, #tpu.memory_space<hbm>> -> memref<10240x128xf32, #tpu.memory_space<hbm>>
    tpu.enqueue_indirect_dma source(%dma_start3A_29 : memref<10240x128xf32, #tpu.memory_space<hbm>>) target(%arg9 : memref<128x128xf32, #tpu.memory_space<vmem>>) offsets(%dma_start3A_26 : memref<128xi32, #tpu.memory_space<vmem>>) semaphore(%arg12 : memref<!tpu.dma_semaphore, #tpu.memory_space<semaphore_mem>>)
    %dma_wait3A = arith.constant 0 : i32
    %dma_wait3A_30 = arith.constant 0 : i32
    %dma_wait3A_31 = arith.constant 0 : i32
    %dma_wait3A_32 = tpu.memref_slice %arg7[%dma_wait3A, %dma_wait3A_30, %dma_wait3A_31] : memref<2x4x128xi32, #tpu.memory_space<vmem>> -> memref<1x1x128xi32, #tpu.memory_space<vmem>>
    %dma_wait3A_33 = tpu.memref_squeeze %dma_wait3A_32 : memref<1x1x128xi32, #tpu.memory_space<vmem>> -> memref<128xi32, #tpu.memory_space<vmem>>
    %dma_wait3A_34 = arith.constant 0 : i32
    %dma_wait3A_35 = arith.constant 0 : i32
    %dma_wait3A_36 = tpu.memref_slice %arg2[%dma_wait3A_34, %dma_wait3A_35] : memref<10240x128xf32, #tpu.memory_space<hbm>> -> memref<10240x128xf32, #tpu.memory_space<hbm>>
    tpu.wait_indirect_dma semaphore(%arg12 : memref<!tpu.dma_semaphore, #tpu.memory_space<semaphore_mem>>) src(%dma_wait3A_36 : memref<10240x128xf32, #tpu.memory_space<hbm>>) dst(%arg9 : memref<128x128xf32, #tpu.memory_space<vmem>>)
    %run_scoped3A_37 = arith.constant 0 : i32
    %run_scoped3A_38 = arith.constant 0 : i32
    "tpu.region"() ({
      %run_scoped3A_44 = tpu.sem_alloc : memref<!tpu.dma_semaphore, #tpu.memory_space<semaphore_mem>>
      %dma_start3A_45 = arith.constant 0 : i32
      %dma_start3A_46 = tpu.memref_slice %arg8[%run_scoped3A_37, %run_scoped3A_38, %dma_start3A_45] : memref<2x4x128xi32, #tpu.memory_space<vmem>> -> memref<1x1x128xi32, #tpu.memory_space<vmem>>
      %dma_start3A_47 = tpu.memref_squeeze %dma_start3A_46 : memref<1x1x128xi32, #tpu.memory_space<vmem>> -> memref<128xi32, #tpu.memory_space<vmem>>
      %dma_start3A_48 = arith.constant 0 : i32
      %dma_start3A_49 = arith.constant 0 : i32
      %dma_start3A_50 = tpu.memref_slice %arg11[%dma_start3A_48, %dma_start3A_49] : memref<10240x128xf32, #tpu.memory_space<vmem_shared>> -> memref<10240x128xf32, #tpu.memory_space<vmem_shared>>
      tpu.enqueue_indirect_dma source(%arg9 : memref<128x128xf32, #tpu.memory_space<vmem>>) target(%dma_start3A_50 : memref<10240x128xf32, #tpu.memory_space<vmem_shared>>) offsets(%dma_start3A_47 : memref<128xi32, #tpu.memory_space<vmem>>) semaphore(%run_scoped3A_44 : memref<!tpu.dma_semaphore, #tpu.memory_space<semaphore_mem>>) {add = true}
      %dma_wait3A_51 = arith.constant 0 : i32
      %dma_wait3A_52 = tpu.memref_slice %arg8[%run_scoped3A_37, %run_scoped3A_38, %dma_wait3A_51] : memref<2x4x128xi32, #tpu.memory_space<vmem>> -> memref<1x1x128xi32, #tpu.memory_space<vmem>>
      %dma_wait3A_53 = tpu.memref_squeeze %dma_wait3A_52 : memref<1x1x128xi32, #tpu.memory_space<vmem>> -> memref<128xi32, #tpu.memory_space<vmem>>
      %dma_wait3A_54 = arith.constant 0 : i32
      %dma_wait3A_55 = arith.constant 0 : i32
      %dma_wait3A_56 = tpu.memref_slice %arg11[%dma_wait3A_54, %dma_wait3A_55] : memref<10240x128xf32, #tpu.memory_space<vmem_shared>> -> memref<10240x128xf32, #tpu.memory_space<vmem_shared>>
      tpu.wait_indirect_dma semaphore(%run_scoped3A_44 : memref<!tpu.dma_semaphore, #tpu.memory_space<semaphore_mem>>) src(%arg9 : memref<128x128xf32, #tpu.memory_space<vmem>>) dst(%dma_wait3A_56 : memref<10240x128xf32, #tpu.memory_space<vmem_shared>>)
      tpu.yield
    }) : () -> ()
    %barrier3A_39 = arith.constant 0 : index
    tpu.barrier barrier_id(%barrier3A_39)
    %mul3A_40 = arith.constant 640 : i32
    %mul3A_41 = arith.muli %arg1, %mul3A_40 : i32
    %mul3A_42 = arith.constant 640 : i32
    %mul3A_43 = arith.muli %arg1, %mul3A_42 : i32
    "tpu.region"() ({
      %run_scoped3A_44 = tpu.sem_alloc : memref<!tpu.dma_semaphore, #tpu.memory_space<semaphore_mem>>
      %dma_start3A_45 = arith.constant 0 : i32
      %dma_start3A_46 = tpu.memref_slice %arg6[%arg0, %mul3A_43, %dma_start3A_45] : memref<2x10240x128xf32, #tpu.memory_space<hbm>> -> memref<1x640x128xf32, #tpu.memory_space<hbm>>
      %dma_start3A_47 = tpu.memref_squeeze %dma_start3A_46 : memref<1x640x128xf32, #tpu.memory_space<hbm>> -> memref<640x128xf32, #tpu.memory_space<hbm>>
      %dma_start3A_48 = arith.constant 0 : i32
      %dma_start3A_49 = tpu.memref_slice %arg11[%mul3A_41, %dma_start3A_48] : memref<10240x128xf32, #tpu.memory_space<vmem_shared>> -> memref<640x128xf32, #tpu.memory_space<vmem_shared>>
      tpu.enqueue_dma source(%dma_start3A_49 : memref<640x128xf32, #tpu.memory_space<vmem_shared>>) target(%dma_start3A_47 : memref<640x128xf32, #tpu.memory_space<hbm>>) target_semaphore(%run_scoped3A_44 : memref<!tpu.dma_semaphore, #tpu.memory_space<semaphore_mem>>)
      %dma_wait3A_50 = arith.constant 0 : i32
      %dma_wait3A_51 = tpu.memref_slice %arg6[%arg0, %mul3A_43, %dma_wait3A_50] : memref<2x10240x128xf32, #tpu.memory_space<hbm>> -> memref<1x640x128xf32, #tpu.memory_space<hbm>>
      %dma_wait3A_52 = tpu.memref_squeeze %dma_wait3A_51 : memref<1x640x128xf32, #tpu.memory_space<hbm>> -> memref<640x128xf32, #tpu.memory_space<hbm>>
      %dma_wait3A_53 = arith.constant 0 : i32
      %dma_wait3A_54 = tpu.memref_slice %arg11[%mul3A_41, %dma_wait3A_53] : memref<10240x128xf32, #tpu.memory_space<vmem_shared>> -> memref<640x128xf32, #tpu.memory_space<vmem_shared>>
      tpu.wait_dma2 semaphore(%run_scoped3A_44 : memref<!tpu.dma_semaphore, #tpu.memory_space<semaphore_mem>>) src(%dma_wait3A_54 : memref<640x128xf32, #tpu.memory_space<vmem_shared>>) dst(%dma_wait3A_52 : memref<640x128xf32, #tpu.memory_space<hbm>>)
      tpu.yield
    }) : () -> ()
    return
  }
}

#map = affine_map<(d0, d1) -> (0, 0)>
#map1 = affine_map<(d0, d1) -> (0, 0, 0)>
module attributes {stable_mosaic.version = 14 : i64} {
  func.func @body(%arg0: i32, %arg1: i32, %arg2: memref<10240x128xf32, #tpu.memory_space<hbm>>, %arg3: memref<32x84x128xi32, #tpu.memory_space<hbm>>, %arg4: memref<32x84x128xi32, #tpu.memory_space<hbm>>, %arg5: memref<10240x128xf32, #tpu.memory_space<hbm>>, %arg6: memref<2x10240x128xf32, #tpu.memory_space<hbm>>, %arg7: memref<2x4x128xi32, #tpu.memory_space<vmem>>, %arg8: memref<2x4x128xi32, #tpu.memory_space<vmem>>, %arg9: memref<128x128xf32, #tpu.memory_space<vmem>>, %arg10: memref<128x128xf32, #tpu.memory_space<vmem>>, %arg11: memref<10240x128xf32, #tpu.memory_space<vmem_shared>>, %arg12: memref<!tpu.dma_semaphore, #tpu.memory_space<semaphore_mem>>, %arg13: memref<!tpu.dma_semaphore, #tpu.memory_space<semaphore_mem>>, %arg14: memref<!tpu.dma_semaphore, #tpu.memory_space<semaphore_mem>>, %arg15: memref<!tpu.dma_semaphore, #tpu.memory_space<semaphore_mem>>) attributes {dimension_semantics = [#tpu.dimension_semantics<core_parallel>, #tpu.dimension_semantics<subcore_parallel>], iteration_bounds = array<i64: 2, 16>, scalar_prefetch = 0 : i64, scratch_operands = 9 : i64, tpu.core_type = #tpu.core_type<sc_vector_subcore>, window_params = [{transform_indices = #map}, {transform_indices = #map1}, {transform_indices = #map1}, {transform_indices = #map}, {transform_indices = #map1}]} {
    %mul3A = arith.constant 16 : i32
    %mul3A_0 = arith.muli %arg0, %mul3A : i32
    %add3A = arith.addi %mul3A_0, %arg1 : i32
    %run_scoped3A = arith.constant 0 : i32
    "tpu.region"() ({
      %run_scoped3A_44 = tpu.sem_alloc : memref<!tpu.dma_semaphore, #tpu.memory_space<semaphore_mem>>
      %dma_start3A_45 = arith.constant 0 : i32
      %dma_start3A_46 = arith.constant 0 : i32
      %dma_start3A_47 = tpu.memref_slice %arg7[%run_scoped3A, %dma_start3A_45, %dma_start3A_46] : memref<2x4x128xi32, #tpu.memory_space<vmem>> -> memref<1x4x128xi32, #tpu.memory_space<vmem>>
      %dma_start3A_48 = tpu.memref_squeeze %dma_start3A_47 : memref<1x4x128xi32, #tpu.memory_space<vmem>> -> memref<4x128xi32, #tpu.memory_space<vmem>>
      %dma_start3A_49 = arith.constant 0 : i32
      %dma_start3A_50 = arith.constant 0 : i32
      %dma_start3A_51 = tpu.memref_slice %arg3[%add3A, %dma_start3A_49, %dma_start3A_50] : memref<32x84x128xi32, #tpu.memory_space<hbm>> -> memref<1x4x128xi32, #tpu.memory_space<hbm>>
      %dma_start3A_52 = tpu.memref_squeeze %dma_start3A_51 : memref<1x4x128xi32, #tpu.memory_space<hbm>> -> memref<4x128xi32, #tpu.memory_space<hbm>>
      %dma_start3A_53 = arith.constant 0 : i32
      %dma_start3A_54 = arith.constant 0 : i32
      %dma_start3A_55 = tpu.memref_slice %arg7[%run_scoped3A, %dma_start3A_53, %dma_start3A_54] : memref<2x4x128xi32, #tpu.memory_space<vmem>> -> memref<1x4x128xi32, #tpu.memory_space<vmem>>
      %dma_start3A_56 = tpu.memref_squeeze %dma_start3A_55 : memref<1x4x128xi32, #tpu.memory_space<vmem>> -> memref<4x128xi32, #tpu.memory_space<vmem>>
      %dma_start3A_57 = arith.constant 0 : i32
      %dma_start3A_58 = arith.constant 0 : i32
      %dma_start3A_59 = tpu.memref_slice %arg3[%add3A, %dma_start3A_57, %dma_start3A_58] : memref<32x84x128xi32, #tpu.memory_space<hbm>> -> memref<1x4x128xi32, #tpu.memory_space<hbm>>
      %dma_start3A_60 = tpu.memref_squeeze %dma_start3A_59 : memref<1x4x128xi32, #tpu.memory_space<hbm>> -> memref<4x128xi32, #tpu.memory_space<hbm>>
      tpu.enqueue_dma source(%dma_start3A_60 : memref<4x128xi32, #tpu.memory_space<hbm>>) target(%dma_start3A_56 : memref<4x128xi32, #tpu.memory_space<vmem>>) target_semaphore(%run_scoped3A_44 : memref<!tpu.dma_semaphore, #tpu.memory_space<semaphore_mem>>)
      %dma_wait3A_61 = arith.constant 0 : i32
      %dma_wait3A_62 = arith.constant 0 : i32
      %dma_wait3A_63 = tpu.memref_slice %arg7[%run_scoped3A, %dma_wait3A_61, %dma_wait3A_62] : memref<2x4x128xi32, #tpu.memory_space<vmem>> -> memref<1x4x128xi32, #tpu.memory_space<vmem>>
      %dma_wait3A_64 = tpu.memref_squeeze %dma_wait3A_63 : memref<1x4x128xi32, #tpu.memory_space<vmem>> -> memref<4x128xi32, #tpu.memory_space<vmem>>
      %dma_wait3A_65 = arith.constant 0 : i32
      %dma_wait3A_66 = arith.constant 0 : i32
      %dma_wait3A_67 = tpu.memref_slice %arg3[%add3A, %dma_wait3A_65, %dma_wait3A_66] : memref<32x84x128xi32, #tpu.memory_space<hbm>> -> memref<1x4x128xi32, #tpu.memory_space<hbm>>
      %dma_wait3A_68 = tpu.memref_squeeze %dma_wait3A_67 : memref<1x4x128xi32, #tpu.memory_space<hbm>> -> memref<4x128xi32, #tpu.memory_space<hbm>>
      %dma_wait3A_69 = arith.constant 0 : i32
      %dma_wait3A_70 = arith.constant 0 : i32
      %dma_wait3A_71 = tpu.memref_slice %arg7[%run_scoped3A, %dma_wait3A_69, %dma_wait3A_70] : memref<2x4x128xi32, #tpu.memory_space<vmem>> -> memref<1x4x128xi32, #tpu.memory_space<vmem>>
      %dma_wait3A_72 = tpu.memref_squeeze %dma_wait3A_71 : memref<1x4x128xi32, #tpu.memory_space<vmem>> -> memref<4x128xi32, #tpu.memory_space<vmem>>
      %dma_wait3A_73 = arith.constant 0 : i32
      %dma_wait3A_74 = arith.constant 0 : i32
      %dma_wait3A_75 = tpu.memref_slice %arg3[%add3A, %dma_wait3A_73, %dma_wait3A_74] : memref<32x84x128xi32, #tpu.memory_space<hbm>> -> memref<1x4x128xi32, #tpu.memory_space<hbm>>
      %dma_wait3A_76 = tpu.memref_squeeze %dma_wait3A_75 : memref<1x4x128xi32, #tpu.memory_space<hbm>> -> memref<4x128xi32, #tpu.memory_space<hbm>>
      tpu.wait_dma2 semaphore(%run_scoped3A_44 : memref<!tpu.dma_semaphore, #tpu.memory_space<semaphore_mem>>) src(%dma_wait3A_76 : memref<4x128xi32, #tpu.memory_space<hbm>>) dst(%dma_wait3A_72 : memref<4x128xi32, #tpu.memory_space<vmem>>)
      tpu.yield
    }) : () -> ()
    %run_scoped3A_1 = arith.constant 0 : i32
    "tpu.region"() ({
      %run_scoped3A_44 = tpu.sem_alloc : memref<!tpu.dma_semaphore, #tpu.memory_space<semaphore_mem>>
      %dma_start3A_45 = arith.constant 0 : i32
      %dma_start3A_46 = arith.constant 0 : i32
      %dma_start3A_47 = tpu.memref_slice %arg8[%run_scoped3A_1, %dma_start3A_45, %dma_start3A_46] : memref<2x4x128xi32, #tpu.memory_space<vmem>> -> memref<1x4x128xi32, #tpu.memory_space<vmem>>
      %dma_start3A_48 = tpu.memref_squeeze %dma_start3A_47 : memref<1x4x128xi32, #tpu.memory_space<vmem>> -> memref<4x128xi32, #tpu.memory_space<vmem>>
      %dma_start3A_49 = arith.constant 0 : i32
      %dma_start3A_50 = arith.constant 0 : i32
      %dma_start3A_51 = tpu.memref_slice %arg4[%add3A, %dma_start3A_49, %dma_start3A_50] : memref<32x84x128xi32, #tpu.memory_space<hbm>> -> memref<1x4x128xi32, #tpu.memory_space<hbm>>
      %dma_start3A_52 = tpu.memref_squeeze %dma_start3A_51 : memref<1x4x128xi32, #tpu.memory_space<hbm>> -> memref<4x128xi32, #tpu.memory_space<hbm>>
      %dma_start3A_53 = arith.constant 0 : i32
      %dma_start3A_54 = arith.constant 0 : i32
      %dma_start3A_55 = tpu.memref_slice %arg8[%run_scoped3A_1, %dma_start3A_53, %dma_start3A_54] : memref<2x4x128xi32, #tpu.memory_space<vmem>> -> memref<1x4x128xi32, #tpu.memory_space<vmem>>
      %dma_start3A_56 = tpu.memref_squeeze %dma_start3A_55 : memref<1x4x128xi32, #tpu.memory_space<vmem>> -> memref<4x128xi32, #tpu.memory_space<vmem>>
      %dma_start3A_57 = arith.constant 0 : i32
      %dma_start3A_58 = arith.constant 0 : i32
      %dma_start3A_59 = tpu.memref_slice %arg4[%add3A, %dma_start3A_57, %dma_start3A_58] : memref<32x84x128xi32, #tpu.memory_space<hbm>> -> memref<1x4x128xi32, #tpu.memory_space<hbm>>
      %dma_start3A_60 = tpu.memref_squeeze %dma_start3A_59 : memref<1x4x128xi32, #tpu.memory_space<hbm>> -> memref<4x128xi32, #tpu.memory_space<hbm>>
      tpu.enqueue_dma source(%dma_start3A_60 : memref<4x128xi32, #tpu.memory_space<hbm>>) target(%dma_start3A_56 : memref<4x128xi32, #tpu.memory_space<vmem>>) target_semaphore(%run_scoped3A_44 : memref<!tpu.dma_semaphore, #tpu.memory_space<semaphore_mem>>)
      %dma_wait3A_61 = arith.constant 0 : i32
      %dma_wait3A_62 = arith.constant 0 : i32
      %dma_wait3A_63 = tpu.memref_slice %arg8[%run_scoped3A_1, %dma_wait3A_61, %dma_wait3A_62] : memref<2x4x128xi32, #tpu.memory_space<vmem>> -> memref<1x4x128xi32, #tpu.memory_space<vmem>>
      %dma_wait3A_64 = tpu.memref_squeeze %dma_wait3A_63 : memref<1x4x128xi32, #tpu.memory_space<vmem>> -> memref<4x128xi32, #tpu.memory_space<vmem>>
      %dma_wait3A_65 = arith.constant 0 : i32
      %dma_wait3A_66 = arith.constant 0 : i32
      %dma_wait3A_67 = tpu.memref_slice %arg4[%add3A, %dma_wait3A_65, %dma_wait3A_66] : memref<32x84x128xi32, #tpu.memory_space<hbm>> -> memref<1x4x128xi32, #tpu.memory_space<hbm>>
      %dma_wait3A_68 = tpu.memref_squeeze %dma_wait3A_67 : memref<1x4x128xi32, #tpu.memory_space<hbm>> -> memref<4x128xi32, #tpu.memory_space<hbm>>
      %dma_wait3A_69 = arith.constant 0 : i32
      %dma_wait3A_70 = arith.constant 0 : i32
      %dma_wait3A_71 = tpu.memref_slice %arg8[%run_scoped3A_1, %dma_wait3A_69, %dma_wait3A_70] : memref<2x4x128xi32, #tpu.memory_space<vmem>> -> memref<1x4x128xi32, #tpu.memory_space<vmem>>
      %dma_wait3A_72 = tpu.memref_squeeze %dma_wait3A_71 : memref<1x4x128xi32, #tpu.memory_space<vmem>> -> memref<4x128xi32, #tpu.memory_space<vmem>>
      %dma_wait3A_73 = arith.constant 0 : i32
      %dma_wait3A_74 = arith.constant 0 : i32
      %dma_wait3A_75 = tpu.memref_slice %arg4[%add3A, %dma_wait3A_73, %dma_wait3A_74] : memref<32x84x128xi32, #tpu.memory_space<hbm>> -> memref<1x4x128xi32, #tpu.memory_space<hbm>>
      %dma_wait3A_76 = tpu.memref_squeeze %dma_wait3A_75 : memref<1x4x128xi32, #tpu.memory_space<hbm>> -> memref<4x128xi32, #tpu.memory_space<hbm>>
      tpu.wait_dma2 semaphore(%run_scoped3A_44 : memref<!tpu.dma_semaphore, #tpu.memory_space<semaphore_mem>>) src(%dma_wait3A_76 : memref<4x128xi32, #tpu.memory_space<hbm>>) dst(%dma_wait3A_72 : memref<4x128xi32, #tpu.memory_space<vmem>>)
      tpu.yield
    }) : () -> ()
    %run_scoped3A_2 = arith.constant 1 : i32
    "tpu.region"() ({
      %run_scoped3A_44 = tpu.sem_alloc : memref<!tpu.dma_semaphore, #tpu.memory_space<semaphore_mem>>
      %dma_start3A_45 = arith.constant 0 : i32
      %dma_start3A_46 = arith.constant 0 : i32
      %dma_start3A_47 = tpu.memref_slice %arg7[%run_scoped3A_2, %dma_start3A_45, %dma_start3A_46] : memref<2x4x128xi32, #tpu.memory_space<vmem>> -> memref<1x4x128xi32, #tpu.memory_space<vmem>>
      %dma_start3A_48 = tpu.memref_squeeze %dma_start3A_47 : memref<1x4x128xi32, #tpu.memory_space<vmem>> -> memref<4x128xi32, #tpu.memory_space<vmem>>
      %dma_start3A_49 = arith.constant 4 : i32
      %dma_start3A_50 = arith.constant 0 : i32
      %dma_start3A_51 = tpu.memref_slice %arg3[%add3A, %dma_start3A_49, %dma_start3A_50] : memref<32x84x128xi32, #tpu.memory_space<hbm>> -> memref<1x4x128xi32, #tpu.memory_space<hbm>>
      %dma_start3A_52 = tpu.memref_squeeze %dma_start3A_51 : memref<1x4x128xi32, #tpu.memory_space<hbm>> -> memref<4x128xi32, #tpu.memory_space<hbm>>
      %dma_start3A_53 = arith.constant 0 : i32
      %dma_start3A_54 = arith.constant 0 : i32
      %dma_start3A_55 = tpu.memref_slice %arg7[%run_scoped3A_2, %dma_start3A_53, %dma_start3A_54] : memref<2x4x128xi32, #tpu.memory_space<vmem>> -> memref<1x4x128xi32, #tpu.memory_space<vmem>>
      %dma_start3A_56 = tpu.memref_squeeze %dma_start3A_55 : memref<1x4x128xi32, #tpu.memory_space<vmem>> -> memref<4x128xi32, #tpu.memory_space<vmem>>
      %dma_start3A_57 = arith.constant 4 : i32
      %dma_start3A_58 = arith.constant 0 : i32
      %dma_start3A_59 = tpu.memref_slice %arg3[%add3A, %dma_start3A_57, %dma_start3A_58] : memref<32x84x128xi32, #tpu.memory_space<hbm>> -> memref<1x4x128xi32, #tpu.memory_space<hbm>>
      %dma_start3A_60 = tpu.memref_squeeze %dma_start3A_59 : memref<1x4x128xi32, #tpu.memory_space<hbm>> -> memref<4x128xi32, #tpu.memory_space<hbm>>
      tpu.enqueue_dma source(%dma_start3A_60 : memref<4x128xi32, #tpu.memory_space<hbm>>) target(%dma_start3A_56 : memref<4x128xi32, #tpu.memory_space<vmem>>) target_semaphore(%run_scoped3A_44 : memref<!tpu.dma_semaphore, #tpu.memory_space<semaphore_mem>>)
      %dma_wait3A_61 = arith.constant 0 : i32
      %dma_wait3A_62 = arith.constant 0 : i32
      %dma_wait3A_63 = tpu.memref_slice %arg7[%run_scoped3A_2, %dma_wait3A_61, %dma_wait3A_62] : memref<2x4x128xi32, #tpu.memory_space<vmem>> -> memref<1x4x128xi32, #tpu.memory_space<vmem>>
      %dma_wait3A_64 = tpu.memref_squeeze %dma_wait3A_63 : memref<1x4x128xi32, #tpu.memory_space<vmem>> -> memref<4x128xi32, #tpu.memory_space<vmem>>
      %dma_wait3A_65 = arith.constant 4 : i32
      %dma_wait3A_66 = arith.constant 0 : i32
      %dma_wait3A_67 = tpu.memref_slice %arg3[%add3A, %dma_wait3A_65, %dma_wait3A_66] : memref<32x84x128xi32, #tpu.memory_space<hbm>> -> memref<1x4x128xi32, #tpu.memory_space<hbm>>
      %dma_wait3A_68 = tpu.memref_squeeze %dma_wait3A_67 : memref<1x4x128xi32, #tpu.memory_space<hbm>> -> memref<4x128xi32, #tpu.memory_space<hbm>>
      %dma_wait3A_69 = arith.constant 0 : i32
      %dma_wait3A_70 = arith.constant 0 : i32
      %dma_wait3A_71 = tpu.memref_slice %arg7[%run_scoped3A_2, %dma_wait3A_69, %dma_wait3A_70] : memref<2x4x128xi32, #tpu.memory_space<vmem>> -> memref<1x4x128xi32, #tpu.memory_space<vmem>>
      %dma_wait3A_72 = tpu.memref_squeeze %dma_wait3A_71 : memref<1x4x128xi32, #tpu.memory_space<vmem>> -> memref<4x128xi32, #tpu.memory_space<vmem>>
      %dma_wait3A_73 = arith.constant 4 : i32
      %dma_wait3A_74 = arith.constant 0 : i32
      %dma_wait3A_75 = tpu.memref_slice %arg3[%add3A, %dma_wait3A_73, %dma_wait3A_74] : memref<32x84x128xi32, #tpu.memory_space<hbm>> -> memref<1x4x128xi32, #tpu.memory_space<hbm>>
      %dma_wait3A_76 = tpu.memref_squeeze %dma_wait3A_75 : memref<1x4x128xi32, #tpu.memory_space<hbm>> -> memref<4x128xi32, #tpu.memory_space<hbm>>
      tpu.wait_dma2 semaphore(%run_scoped3A_44 : memref<!tpu.dma_semaphore, #tpu.memory_space<semaphore_mem>>) src(%dma_wait3A_76 : memref<4x128xi32, #tpu.memory_space<hbm>>) dst(%dma_wait3A_72 : memref<4x128xi32, #tpu.memory_space<vmem>>)
      tpu.yield
    }) : () -> ()
    %run_scoped3A_3 = arith.constant 1 : i32
    "tpu.region"() ({
      %run_scoped3A_44 = tpu.sem_alloc : memref<!tpu.dma_semaphore, #tpu.memory_space<semaphore_mem>>
      %dma_start3A_45 = arith.constant 0 : i32
      %dma_start3A_46 = arith.constant 0 : i32
      %dma_start3A_47 = tpu.memref_slice %arg8[%run_scoped3A_3, %dma_start3A_45, %dma_start3A_46] : memref<2x4x128xi32, #tpu.memory_space<vmem>> -> memref<1x4x128xi32, #tpu.memory_space<vmem>>
      %dma_start3A_48 = tpu.memref_squeeze %dma_start3A_47 : memref<1x4x128xi32, #tpu.memory_space<vmem>> -> memref<4x128xi32, #tpu.memory_space<vmem>>
      %dma_start3A_49 = arith.constant 4 : i32
      %dma_start3A_50 = arith.constant 0 : i32
      %dma_start3A_51 = tpu.memref_slice %arg4[%add3A, %dma_start3A_49, %dma_start3A_50] : memref<32x84x128xi32, #tpu.memory_space<hbm>> -> memref<1x4x128xi32, #tpu.memory_space<hbm>>
      %dma_start3A_52 = tpu.memref_squeeze %dma_start3A_51 : memref<1x4x128xi32, #tpu.memory_space<hbm>> -> memref<4x128xi32, #tpu.memory_space<hbm>>
      %dma_start3A_53 = arith.constant 0 : i32
      %dma_start3A_54 = arith.constant 0 : i32
      %dma_start3A_55 = tpu.memref_slice %arg8[%run_scoped3A_3, %dma_start3A_53, %dma_start3A_54] : memref<2x4x128xi32, #tpu.memory_space<vmem>> -> memref<1x4x128xi32, #tpu.memory_space<vmem>>
      %dma_start3A_56 = tpu.memref_squeeze %dma_start3A_55 : memref<1x4x128xi32, #tpu.memory_space<vmem>> -> memref<4x128xi32, #tpu.memory_space<vmem>>
      %dma_start3A_57 = arith.constant 4 : i32
      %dma_start3A_58 = arith.constant 0 : i32
      %dma_start3A_59 = tpu.memref_slice %arg4[%add3A, %dma_start3A_57, %dma_start3A_58] : memref<32x84x128xi32, #tpu.memory_space<hbm>> -> memref<1x4x128xi32, #tpu.memory_space<hbm>>
      %dma_start3A_60 = tpu.memref_squeeze %dma_start3A_59 : memref<1x4x128xi32, #tpu.memory_space<hbm>> -> memref<4x128xi32, #tpu.memory_space<hbm>>
      tpu.enqueue_dma source(%dma_start3A_60 : memref<4x128xi32, #tpu.memory_space<hbm>>) target(%dma_start3A_56 : memref<4x128xi32, #tpu.memory_space<vmem>>) target_semaphore(%run_scoped3A_44 : memref<!tpu.dma_semaphore, #tpu.memory_space<semaphore_mem>>)
      %dma_wait3A_61 = arith.constant 0 : i32
      %dma_wait3A_62 = arith.constant 0 : i32
      %dma_wait3A_63 = tpu.memref_slice %arg8[%run_scoped3A_3, %dma_wait3A_61, %dma_wait3A_62] : memref<2x4x128xi32, #tpu.memory_space<vmem>> -> memref<1x4x128xi32, #tpu.memory_space<vmem>>
      %dma_wait3A_64 = tpu.memref_squeeze %dma_wait3A_63 : memref<1x4x128xi32, #tpu.memory_space<vmem>> -> memref<4x128xi32, #tpu.memory_space<vmem>>
      %dma_wait3A_65 = arith.constant 4 : i32
      %dma_wait3A_66 = arith.constant 0 : i32
      %dma_wait3A_67 = tpu.memref_slice %arg4[%add3A, %dma_wait3A_65, %dma_wait3A_66] : memref<32x84x128xi32, #tpu.memory_space<hbm>> -> memref<1x4x128xi32, #tpu.memory_space<hbm>>
      %dma_wait3A_68 = tpu.memref_squeeze %dma_wait3A_67 : memref<1x4x128xi32, #tpu.memory_space<hbm>> -> memref<4x128xi32, #tpu.memory_space<hbm>>
      %dma_wait3A_69 = arith.constant 0 : i32
      %dma_wait3A_70 = arith.constant 0 : i32
      %dma_wait3A_71 = tpu.memref_slice %arg8[%run_scoped3A_3, %dma_wait3A_69, %dma_wait3A_70] : memref<2x4x128xi32, #tpu.memory_space<vmem>> -> memref<1x4x128xi32, #tpu.memory_space<vmem>>
      %dma_wait3A_72 = tpu.memref_squeeze %dma_wait3A_71 : memref<1x4x128xi32, #tpu.memory_space<vmem>> -> memref<4x128xi32, #tpu.memory_space<vmem>>
      %dma_wait3A_73 = arith.constant 4 : i32
      %dma_wait3A_74 = arith.constant 0 : i32
      %dma_wait3A_75 = tpu.memref_slice %arg4[%add3A, %dma_wait3A_73, %dma_wait3A_74] : memref<32x84x128xi32, #tpu.memory_space<hbm>> -> memref<1x4x128xi32, #tpu.memory_space<hbm>>
      %dma_wait3A_76 = tpu.memref_squeeze %dma_wait3A_75 : memref<1x4x128xi32, #tpu.memory_space<hbm>> -> memref<4x128xi32, #tpu.memory_space<hbm>>
      tpu.wait_dma2 semaphore(%run_scoped3A_44 : memref<!tpu.dma_semaphore, #tpu.memory_space<semaphore_mem>>) src(%dma_wait3A_76 : memref<4x128xi32, #tpu.memory_space<hbm>>) dst(%dma_wait3A_72 : memref<4x128xi32, #tpu.memory_space<vmem>>)
      tpu.yield
    }) : () -> ()
    %dma_start3A = arith.constant 0 : i32
    %dma_start3A_4 = arith.constant 0 : i32
    %dma_start3A_5 = arith.constant 0 : i32
    %dma_start3A_6 = tpu.memref_slice %arg7[%dma_start3A, %dma_start3A_4, %dma_start3A_5] : memref<2x4x128xi32, #tpu.memory_space<vmem>> -> memref<1x1x128xi32, #tpu.memory_space<vmem>>
    %dma_start3A_7 = tpu.memref_squeeze %dma_start3A_6 : memref<1x1x128xi32, #tpu.memory_space<vmem>> -> memref<128xi32, #tpu.memory_space<vmem>>
    %dma_start3A_8 = arith.constant 0 : i32
    %dma_start3A_9 = arith.constant 0 : i32
    %dma_start3A_10 = tpu.memref_slice %arg2[%dma_start3A_8, %dma_start3A_9] : memref<10240x128xf32, #tpu.memory_space<hbm>> -> memref<10240x128xf32, #tpu.memory_space<hbm>>
    tpu.enqueue_indirect_dma source(%dma_start3A_10 : memref<10240x128xf32, #tpu.memory_space<hbm>>) target(%arg9 : memref<128x128xf32, #tpu.memory_space<vmem>>) offsets(%dma_start3A_7 : memref<128xi32, #tpu.memory_space<vmem>>) semaphore(%arg12 : memref<!tpu.dma_semaphore, #tpu.memory_space<semaphore_mem>>)
    %mul3A_11 = arith.constant 640 : i32
    %mul3A_12 = arith.muli %arg1, %mul3A_11 : i32
    %mul3A_13 = arith.constant 640 : i32
    %mul3A_14 = arith.muli %arg1, %mul3A_13 : i32
    "tpu.region"() ({
      %run_scoped3A_44 = tpu.sem_alloc : memref<!tpu.dma_semaphore, #tpu.memory_space<semaphore_mem>>
      %dma_start3A_45 = arith.constant 0 : i32
      %dma_start3A_46 = tpu.memref_slice %arg11[%mul3A_14, %dma_start3A_45] : memref<10240x128xf32, #tpu.memory_space<vmem_shared>> -> memref<640x128xf32, #tpu.memory_space<vmem_shared>>
      %dma_start3A_47 = arith.constant 0 : i32
      %dma_start3A_48 = tpu.memref_slice %arg5[%mul3A_12, %dma_start3A_47] : memref<10240x128xf32, #tpu.memory_space<hbm>> -> memref<640x128xf32, #tpu.memory_space<hbm>>
      tpu.enqueue_dma source(%dma_start3A_48 : memref<640x128xf32, #tpu.memory_space<hbm>>) target(%dma_start3A_46 : memref<640x128xf32, #tpu.memory_space<vmem_shared>>) target_semaphore(%run_scoped3A_44 : memref<!tpu.dma_semaphore, #tpu.memory_space<semaphore_mem>>)
      %dma_wait3A_49 = arith.constant 0 : i32
      %dma_wait3A_50 = tpu.memref_slice %arg11[%mul3A_14, %dma_wait3A_49] : memref<10240x128xf32, #tpu.memory_space<vmem_shared>> -> memref<640x128xf32, #tpu.memory_space<vmem_shared>>
      %dma_wait3A_51 = arith.constant 0 : i32
      %dma_wait3A_52 = tpu.memref_slice %arg5[%mul3A_12, %dma_wait3A_51] : memref<10240x128xf32, #tpu.memory_space<hbm>> -> memref<640x128xf32, #tpu.memory_space<hbm>>
      tpu.wait_dma2 semaphore(%run_scoped3A_44 : memref<!tpu.dma_semaphore, #tpu.memory_space<semaphore_mem>>) src(%dma_wait3A_52 : memref<640x128xf32, #tpu.memory_space<hbm>>) dst(%dma_wait3A_50 : memref<640x128xf32, #tpu.memory_space<vmem_shared>>)
      tpu.yield
    }) : () -> ()
    %barrier3A = arith.constant 0 : index
    tpu.barrier barrier_id(%barrier3A)
    %scan3A = arith.constant 0 : i32
    %scan3A_15 = arith.constant 0 : i32
    %scan3A_16 = arith.constant 10 : i32
    %scan3A_17 = arith.addi %scan3A_15, %scan3A_16 : i32
    %scan3A_18 = arith.constant 1 : i32
    scf.for %scan3A_44 = %scan3A_15 to %scan3A_17 step %scan3A_18  : i32 {
      %mul3A_45 = arith.constant 8 : i32
      %mul3A_46 = arith.muli %mul3A_45, %scan3A_44 : i32
      %dma_start3A_47 = arith.constant 0 : i32
      %dma_start3A_48 = arith.constant 1 : i32
      %dma_start3A_49 = arith.constant 0 : i32
      %dma_start3A_50 = tpu.memref_slice %arg7[%dma_start3A_47, %dma_start3A_48, %dma_start3A_49] : memref<2x4x128xi32, #tpu.memory_space<vmem>> -> memref<1x1x128xi32, #tpu.memory_space<vmem>>
      %dma_start3A_51 = tpu.memref_squeeze %dma_start3A_50 : memref<1x1x128xi32, #tpu.memory_space<vmem>> -> memref<128xi32, #tpu.memory_space<vmem>>
      %dma_start3A_52 = arith.constant 0 : i32
      %dma_start3A_53 = arith.constant 0 : i32
      %dma_start3A_54 = tpu.memref_slice %arg2[%dma_start3A_52, %dma_start3A_53] : memref<10240x128xf32, #tpu.memory_space<hbm>> -> memref<10240x128xf32, #tpu.memory_space<hbm>>
      tpu.enqueue_indirect_dma source(%dma_start3A_54 : memref<10240x128xf32, #tpu.memory_space<hbm>>) target(%arg10 : memref<128x128xf32, #tpu.memory_space<vmem>>) offsets(%dma_start3A_51 : memref<128xi32, #tpu.memory_space<vmem>>) semaphore(%arg13 : memref<!tpu.dma_semaphore, #tpu.memory_space<semaphore_mem>>)
      %dma_wait3A_55 = arith.constant 0 : i32
      %dma_wait3A_56 = arith.constant 0 : i32
      %dma_wait3A_57 = arith.constant 0 : i32
      %dma_wait3A_58 = tpu.memref_slice %arg7[%dma_wait3A_55, %dma_wait3A_56, %dma_wait3A_57] : memref<2x4x128xi32, #tpu.memory_space<vmem>> -> memref<1x1x128xi32, #tpu.memory_space<vmem>>
      %dma_wait3A_59 = tpu.memref_squeeze %dma_wait3A_58 : memref<1x1x128xi32, #tpu.memory_space<vmem>> -> memref<128xi32, #tpu.memory_space<vmem>>
      %dma_wait3A_60 = arith.constant 0 : i32
      %dma_wait3A_61 = arith.constant 0 : i32
      %dma_wait3A_62 = tpu.memref_slice %arg2[%dma_wait3A_60, %dma_wait3A_61] : memref<10240x128xf32, #tpu.memory_space<hbm>> -> memref<10240x128xf32, #tpu.memory_space<hbm>>
      tpu.wait_indirect_dma semaphore(%arg12 : memref<!tpu.dma_semaphore, #tpu.memory_space<semaphore_mem>>) src(%dma_wait3A_62 : memref<10240x128xf32, #tpu.memory_space<hbm>>) dst(%arg9 : memref<128x128xf32, #tpu.memory_space<vmem>>)
      %run_scoped3A_63 = arith.constant 0 : i32
      %run_scoped3A_64 = arith.constant 0 : i32
      "tpu.region"() ({
        %run_scoped3A_205 = tpu.sem_alloc : memref<!tpu.dma_semaphore, #tpu.memory_space<semaphore_mem>>
        %dma_start3A_206 = arith.constant 0 : i32
        %dma_start3A_207 = tpu.memref_slice %arg8[%run_scoped3A_63, %run_scoped3A_64, %dma_start3A_206] : memref<2x4x128xi32, #tpu.memory_space<vmem>> -> memref<1x1x128xi32, #tpu.memory_space<vmem>>
        %dma_start3A_208 = tpu.memref_squeeze %dma_start3A_207 : memref<1x1x128xi32, #tpu.memory_space<vmem>> -> memref<128xi32, #tpu.memory_space<vmem>>
        %dma_start3A_209 = arith.constant 0 : i32
        %dma_start3A_210 = arith.constant 0 : i32
        %dma_start3A_211 = tpu.memref_slice %arg11[%dma_start3A_209, %dma_start3A_210] : memref<10240x128xf32, #tpu.memory_space<vmem_shared>> -> memref<10240x128xf32, #tpu.memory_space<vmem_shared>>
        tpu.enqueue_indirect_dma source(%arg9 : memref<128x128xf32, #tpu.memory_space<vmem>>) target(%dma_start3A_211 : memref<10240x128xf32, #tpu.memory_space<vmem_shared>>) offsets(%dma_start3A_208 : memref<128xi32, #tpu.memory_space<vmem>>) semaphore(%run_scoped3A_205 : memref<!tpu.dma_semaphore, #tpu.memory_space<semaphore_mem>>) {add = true}
        %dma_wait3A_212 = arith.constant 0 : i32
        %dma_wait3A_213 = tpu.memref_slice %arg8[%run_scoped3A_63, %run_scoped3A_64, %dma_wait3A_212] : memref<2x4x128xi32, #tpu.memory_space<vmem>> -> memref<1x1x128xi32, #tpu.memory_space<vmem>>
        %dma_wait3A_214 = tpu.memref_squeeze %dma_wait3A_213 : memref<1x1x128xi32, #tpu.memory_space<vmem>> -> memref<128xi32, #tpu.memory_space<vmem>>
        %dma_wait3A_215 = arith.constant 0 : i32
        %dma_wait3A_216 = arith.constant 0 : i32
        %dma_wait3A_217 = tpu.memref_slice %arg11[%dma_wait3A_215, %dma_wait3A_216] : memref<10240x128xf32, #tpu.memory_space<vmem_shared>> -> memref<10240x128xf32, #tpu.memory_space<vmem_shared>>
        tpu.wait_indirect_dma semaphore(%run_scoped3A_205 : memref<!tpu.dma_semaphore, #tpu.memory_space<semaphore_mem>>) src(%arg9 : memref<128x128xf32, #tpu.memory_space<vmem>>) dst(%dma_wait3A_217 : memref<10240x128xf32, #tpu.memory_space<vmem_shared>>)
        tpu.yield
      }) : () -> ()
      %dma_start3A_65 = arith.constant 0 : i32
      %dma_start3A_66 = arith.constant 2 : i32
      %dma_start3A_67 = arith.constant 0 : i32
      %dma_start3A_68 = tpu.memref_slice %arg7[%dma_start3A_65, %dma_start3A_66, %dma_start3A_67] : memref<2x4x128xi32, #tpu.memory_space<vmem>> -> memref<1x1x128xi32, #tpu.memory_space<vmem>>
      %dma_start3A_69 = tpu.memref_squeeze %dma_start3A_68 : memref<1x1x128xi32, #tpu.memory_space<vmem>> -> memref<128xi32, #tpu.memory_space<vmem>>
      %dma_start3A_70 = arith.constant 0 : i32
      %dma_start3A_71 = arith.constant 0 : i32
      %dma_start3A_72 = tpu.memref_slice %arg2[%dma_start3A_70, %dma_start3A_71] : memref<10240x128xf32, #tpu.memory_space<hbm>> -> memref<10240x128xf32, #tpu.memory_space<hbm>>
      tpu.enqueue_indirect_dma source(%dma_start3A_72 : memref<10240x128xf32, #tpu.memory_space<hbm>>) target(%arg9 : memref<128x128xf32, #tpu.memory_space<vmem>>) offsets(%dma_start3A_69 : memref<128xi32, #tpu.memory_space<vmem>>) semaphore(%arg12 : memref<!tpu.dma_semaphore, #tpu.memory_space<semaphore_mem>>)
      %dma_wait3A_73 = arith.constant 0 : i32
      %dma_wait3A_74 = arith.constant 1 : i32
      %dma_wait3A_75 = arith.constant 0 : i32
      %dma_wait3A_76 = tpu.memref_slice %arg7[%dma_wait3A_73, %dma_wait3A_74, %dma_wait3A_75] : memref<2x4x128xi32, #tpu.memory_space<vmem>> -> memref<1x1x128xi32, #tpu.memory_space<vmem>>
      %dma_wait3A_77 = tpu.memref_squeeze %dma_wait3A_76 : memref<1x1x128xi32, #tpu.memory_space<vmem>> -> memref<128xi32, #tpu.memory_space<vmem>>
      %dma_wait3A_78 = arith.constant 0 : i32
      %dma_wait3A_79 = arith.constant 0 : i32
      %dma_wait3A_80 = tpu.memref_slice %arg2[%dma_wait3A_78, %dma_wait3A_79] : memref<10240x128xf32, #tpu.memory_space<hbm>> -> memref<10240x128xf32, #tpu.memory_space<hbm>>
      tpu.wait_indirect_dma semaphore(%arg13 : memref<!tpu.dma_semaphore, #tpu.memory_space<semaphore_mem>>) src(%dma_wait3A_80 : memref<10240x128xf32, #tpu.memory_space<hbm>>) dst(%arg10 : memref<128x128xf32, #tpu.memory_space<vmem>>)
      %run_scoped3A_81 = arith.constant 0 : i32
      %run_scoped3A_82 = arith.constant 1 : i32
      "tpu.region"() ({
        %run_scoped3A_205 = tpu.sem_alloc : memref<!tpu.dma_semaphore, #tpu.memory_space<semaphore_mem>>
        %dma_start3A_206 = arith.constant 0 : i32
        %dma_start3A_207 = tpu.memref_slice %arg8[%run_scoped3A_81, %run_scoped3A_82, %dma_start3A_206] : memref<2x4x128xi32, #tpu.memory_space<vmem>> -> memref<1x1x128xi32, #tpu.memory_space<vmem>>
        %dma_start3A_208 = tpu.memref_squeeze %dma_start3A_207 : memref<1x1x128xi32, #tpu.memory_space<vmem>> -> memref<128xi32, #tpu.memory_space<vmem>>
        %dma_start3A_209 = arith.constant 0 : i32
        %dma_start3A_210 = arith.constant 0 : i32
        %dma_start3A_211 = tpu.memref_slice %arg11[%dma_start3A_209, %dma_start3A_210] : memref<10240x128xf32, #tpu.memory_space<vmem_shared>> -> memref<10240x128xf32, #tpu.memory_space<vmem_shared>>
        tpu.enqueue_indirect_dma source(%arg10 : memref<128x128xf32, #tpu.memory_space<vmem>>) target(%dma_start3A_211 : memref<10240x128xf32, #tpu.memory_space<vmem_shared>>) offsets(%dma_start3A_208 : memref<128xi32, #tpu.memory_space<vmem>>) semaphore(%run_scoped3A_205 : memref<!tpu.dma_semaphore, #tpu.memory_space<semaphore_mem>>) {add = true}
        %dma_wait3A_212 = arith.constant 0 : i32
        %dma_wait3A_213 = tpu.memref_slice %arg8[%run_scoped3A_81, %run_scoped3A_82, %dma_wait3A_212] : memref<2x4x128xi32, #tpu.memory_space<vmem>> -> memref<1x1x128xi32, #tpu.memory_space<vmem>>
        %dma_wait3A_214 = tpu.memref_squeeze %dma_wait3A_213 : memref<1x1x128xi32, #tpu.memory_space<vmem>> -> memref<128xi32, #tpu.memory_space<vmem>>
        %dma_wait3A_215 = arith.constant 0 : i32
        %dma_wait3A_216 = arith.constant 0 : i32
        %dma_wait3A_217 = tpu.memref_slice %arg11[%dma_wait3A_215, %dma_wait3A_216] : memref<10240x128xf32, #tpu.memory_space<vmem_shared>> -> memref<10240x128xf32, #tpu.memory_space<vmem_shared>>
        tpu.wait_indirect_dma semaphore(%run_scoped3A_205 : memref<!tpu.dma_semaphore, #tpu.memory_space<semaphore_mem>>) src(%arg10 : memref<128x128xf32, #tpu.memory_space<vmem>>) dst(%dma_wait3A_217 : memref<10240x128xf32, #tpu.memory_space<vmem_shared>>)
        tpu.yield
      }) : () -> ()
      %dma_start3A_83 = arith.constant 0 : i32
      %dma_start3A_84 = arith.constant 3 : i32
      %dma_start3A_85 = arith.constant 0 : i32
      %dma_start3A_86 = tpu.memref_slice %arg7[%dma_start3A_83, %dma_start3A_84, %dma_start3A_85] : memref<2x4x128xi32, #tpu.memory_space<vmem>> -> memref<1x1x128xi32, #tpu.memory_space<vmem>>
      %dma_start3A_87 = tpu.memref_squeeze %dma_start3A_86 : memref<1x1x128xi32, #tpu.memory_space<vmem>> -> memref<128xi32, #tpu.memory_space<vmem>>
      %dma_start3A_88 = arith.constant 0 : i32
      %dma_start3A_89 = arith.constant 0 : i32
      %dma_start3A_90 = tpu.memref_slice %arg2[%dma_start3A_88, %dma_start3A_89] : memref<10240x128xf32, #tpu.memory_space<hbm>> -> memref<10240x128xf32, #tpu.memory_space<hbm>>
      tpu.enqueue_indirect_dma source(%dma_start3A_90 : memref<10240x128xf32, #tpu.memory_space<hbm>>) target(%arg10 : memref<128x128xf32, #tpu.memory_space<vmem>>) offsets(%dma_start3A_87 : memref<128xi32, #tpu.memory_space<vmem>>) semaphore(%arg13 : memref<!tpu.dma_semaphore, #tpu.memory_space<semaphore_mem>>)
      %dma_wait3A_91 = arith.constant 0 : i32
      %dma_wait3A_92 = arith.constant 2 : i32
      %dma_wait3A_93 = arith.constant 0 : i32
      %dma_wait3A_94 = tpu.memref_slice %arg7[%dma_wait3A_91, %dma_wait3A_92, %dma_wait3A_93] : memref<2x4x128xi32, #tpu.memory_space<vmem>> -> memref<1x1x128xi32, #tpu.memory_space<vmem>>
      %dma_wait3A_95 = tpu.memref_squeeze %dma_wait3A_94 : memref<1x1x128xi32, #tpu.memory_space<vmem>> -> memref<128xi32, #tpu.memory_space<vmem>>
      %dma_wait3A_96 = arith.constant 0 : i32
      %dma_wait3A_97 = arith.constant 0 : i32
      %dma_wait3A_98 = tpu.memref_slice %arg2[%dma_wait3A_96, %dma_wait3A_97] : memref<10240x128xf32, #tpu.memory_space<hbm>> -> memref<10240x128xf32, #tpu.memory_space<hbm>>
      tpu.wait_indirect_dma semaphore(%arg12 : memref<!tpu.dma_semaphore, #tpu.memory_space<semaphore_mem>>) src(%dma_wait3A_98 : memref<10240x128xf32, #tpu.memory_space<hbm>>) dst(%arg9 : memref<128x128xf32, #tpu.memory_space<vmem>>)
      %run_scoped3A_99 = arith.constant 0 : i32
      %run_scoped3A_100 = arith.constant 2 : i32
      "tpu.region"() ({
        %run_scoped3A_205 = tpu.sem_alloc : memref<!tpu.dma_semaphore, #tpu.memory_space<semaphore_mem>>
        %dma_start3A_206 = arith.constant 0 : i32
        %dma_start3A_207 = tpu.memref_slice %arg8[%run_scoped3A_99, %run_scoped3A_100, %dma_start3A_206] : memref<2x4x128xi32, #tpu.memory_space<vmem>> -> memref<1x1x128xi32, #tpu.memory_space<vmem>>
        %dma_start3A_208 = tpu.memref_squeeze %dma_start3A_207 : memref<1x1x128xi32, #tpu.memory_space<vmem>> -> memref<128xi32, #tpu.memory_space<vmem>>
        %dma_start3A_209 = arith.constant 0 : i32
        %dma_start3A_210 = arith.constant 0 : i32
        %dma_start3A_211 = tpu.memref_slice %arg11[%dma_start3A_209, %dma_start3A_210] : memref<10240x128xf32, #tpu.memory_space<vmem_shared>> -> memref<10240x128xf32, #tpu.memory_space<vmem_shared>>
        tpu.enqueue_indirect_dma source(%arg9 : memref<128x128xf32, #tpu.memory_space<vmem>>) target(%dma_start3A_211 : memref<10240x128xf32, #tpu.memory_space<vmem_shared>>) offsets(%dma_start3A_208 : memref<128xi32, #tpu.memory_space<vmem>>) semaphore(%run_scoped3A_205 : memref<!tpu.dma_semaphore, #tpu.memory_space<semaphore_mem>>) {add = true}
        %dma_wait3A_212 = arith.constant 0 : i32
        %dma_wait3A_213 = tpu.memref_slice %arg8[%run_scoped3A_99, %run_scoped3A_100, %dma_wait3A_212] : memref<2x4x128xi32, #tpu.memory_space<vmem>> -> memref<1x1x128xi32, #tpu.memory_space<vmem>>
        %dma_wait3A_214 = tpu.memref_squeeze %dma_wait3A_213 : memref<1x1x128xi32, #tpu.memory_space<vmem>> -> memref<128xi32, #tpu.memory_space<vmem>>
        %dma_wait3A_215 = arith.constant 0 : i32
        %dma_wait3A_216 = arith.constant 0 : i32
        %dma_wait3A_217 = tpu.memref_slice %arg11[%dma_wait3A_215, %dma_wait3A_216] : memref<10240x128xf32, #tpu.memory_space<vmem_shared>> -> memref<10240x128xf32, #tpu.memory_space<vmem_shared>>
        tpu.wait_indirect_dma semaphore(%run_scoped3A_205 : memref<!tpu.dma_semaphore, #tpu.memory_space<semaphore_mem>>) src(%arg9 : memref<128x128xf32, #tpu.memory_space<vmem>>) dst(%dma_wait3A_217 : memref<10240x128xf32, #tpu.memory_space<vmem_shared>>)
        tpu.yield
      }) : () -> ()
      %gt3A = arith.constant 0 : i32
      %gt3A_101 = arith.cmpi sgt, %scan3A_44, %gt3A : i32
      %convert_element_type3A = arith.extui %gt3A_101 : i1 to i32
      %cond3A = arith.constant 0 : i32
      %cond3A_102 = arith.cmpi ne, %convert_element_type3A, %cond3A : i32
      scf.if %cond3A_102 {
        %dma_wait3A_205 = arith.constant 1 : i32
        %dma_wait3A_206 = arith.constant 0 : i32
        %dma_wait3A_207 = arith.constant 0 : i32
        %dma_wait3A_208 = tpu.memref_slice %arg7[%dma_wait3A_205, %dma_wait3A_206, %dma_wait3A_207] : memref<2x4x128xi32, #tpu.memory_space<vmem>> -> memref<1x4x128xi32, #tpu.memory_space<vmem>>
        %dma_wait3A_209 = tpu.memref_squeeze %dma_wait3A_208 : memref<1x4x128xi32, #tpu.memory_space<vmem>> -> memref<4x128xi32, #tpu.memory_space<vmem>>
        %dma_wait3A_210 = arith.constant 0 : i32
        %dma_wait3A_211 = arith.constant 0 : i32
        %dma_wait3A_212 = tpu.memref_slice %arg3[%add3A, %dma_wait3A_210, %dma_wait3A_211] : memref<32x84x128xi32, #tpu.memory_space<hbm>> -> memref<1x4x128xi32, #tpu.memory_space<hbm>>
        %dma_wait3A_213 = tpu.memref_squeeze %dma_wait3A_212 : memref<1x4x128xi32, #tpu.memory_space<hbm>> -> memref<4x128xi32, #tpu.memory_space<hbm>>
        %dma_wait3A_214 = arith.constant 0 : i32
        %dma_wait3A_215 = arith.constant 0 : i32
        %dma_wait3A_216 = tpu.memref_slice %arg7[%dma_wait3A_205, %dma_wait3A_214, %dma_wait3A_215] : memref<2x4x128xi32, #tpu.memory_space<vmem>> -> memref<1x4x128xi32, #tpu.memory_space<vmem>>
        %dma_wait3A_217 = tpu.memref_squeeze %dma_wait3A_216 : memref<1x4x128xi32, #tpu.memory_space<vmem>> -> memref<4x128xi32, #tpu.memory_space<vmem>>
        %dma_wait3A_218 = arith.constant 0 : i32
        %dma_wait3A_219 = arith.constant 0 : i32
        %dma_wait3A_220 = tpu.memref_slice %arg3[%add3A, %dma_wait3A_218, %dma_wait3A_219] : memref<32x84x128xi32, #tpu.memory_space<hbm>> -> memref<1x4x128xi32, #tpu.memory_space<hbm>>
        %dma_wait3A_221 = tpu.memref_squeeze %dma_wait3A_220 : memref<1x4x128xi32, #tpu.memory_space<hbm>> -> memref<4x128xi32, #tpu.memory_space<hbm>>
        tpu.wait_dma2 semaphore(%arg15 : memref<!tpu.dma_semaphore, #tpu.memory_space<semaphore_mem>>) src(%dma_wait3A_221 : memref<4x128xi32, #tpu.memory_space<hbm>>) dst(%dma_wait3A_217 : memref<4x128xi32, #tpu.memory_space<vmem>>)
        %dma_wait3A_222 = arith.constant 1 : i32
        %dma_wait3A_223 = arith.constant 0 : i32
        %dma_wait3A_224 = arith.constant 0 : i32
        %dma_wait3A_225 = tpu.memref_slice %arg8[%dma_wait3A_222, %dma_wait3A_223, %dma_wait3A_224] : memref<2x4x128xi32, #tpu.memory_space<vmem>> -> memref<1x4x128xi32, #tpu.memory_space<vmem>>
        %dma_wait3A_226 = tpu.memref_squeeze %dma_wait3A_225 : memref<1x4x128xi32, #tpu.memory_space<vmem>> -> memref<4x128xi32, #tpu.memory_space<vmem>>
        %dma_wait3A_227 = arith.constant 0 : i32
        %dma_wait3A_228 = arith.constant 0 : i32
        %dma_wait3A_229 = tpu.memref_slice %arg4[%add3A, %dma_wait3A_227, %dma_wait3A_228] : memref<32x84x128xi32, #tpu.memory_space<hbm>> -> memref<1x4x128xi32, #tpu.memory_space<hbm>>
        %dma_wait3A_230 = tpu.memref_squeeze %dma_wait3A_229 : memref<1x4x128xi32, #tpu.memory_space<hbm>> -> memref<4x128xi32, #tpu.memory_space<hbm>>
        %dma_wait3A_231 = arith.constant 0 : i32
        %dma_wait3A_232 = arith.constant 0 : i32
        %dma_wait3A_233 = tpu.memref_slice %arg8[%dma_wait3A_222, %dma_wait3A_231, %dma_wait3A_232] : memref<2x4x128xi32, #tpu.memory_space<vmem>> -> memref<1x4x128xi32, #tpu.memory_space<vmem>>
        %dma_wait3A_234 = tpu.memref_squeeze %dma_wait3A_233 : memref<1x4x128xi32, #tpu.memory_space<vmem>> -> memref<4x128xi32, #tpu.memory_space<vmem>>
        %dma_wait3A_235 = arith.constant 0 : i32
        %dma_wait3A_236 = arith.constant 0 : i32
        %dma_wait3A_237 = tpu.memref_slice %arg4[%add3A, %dma_wait3A_235, %dma_wait3A_236] : memref<32x84x128xi32, #tpu.memory_space<hbm>> -> memref<1x4x128xi32, #tpu.memory_space<hbm>>
        %dma_wait3A_238 = tpu.memref_squeeze %dma_wait3A_237 : memref<1x4x128xi32, #tpu.memory_space<hbm>> -> memref<4x128xi32, #tpu.memory_space<hbm>>
        tpu.wait_dma2 semaphore(%arg15 : memref<!tpu.dma_semaphore, #tpu.memory_space<semaphore_mem>>) src(%dma_wait3A_238 : memref<4x128xi32, #tpu.memory_space<hbm>>) dst(%dma_wait3A_234 : memref<4x128xi32, #tpu.memory_space<vmem>>)
      } else {
      }
      %dma_start3A_103 = arith.constant 1 : i32
      %dma_start3A_104 = arith.constant 0 : i32
      %dma_start3A_105 = arith.constant 0 : i32
      %dma_start3A_106 = tpu.memref_slice %arg7[%dma_start3A_103, %dma_start3A_104, %dma_start3A_105] : memref<2x4x128xi32, #tpu.memory_space<vmem>> -> memref<1x1x128xi32, #tpu.memory_space<vmem>>
      %dma_start3A_107 = tpu.memref_squeeze %dma_start3A_106 : memref<1x1x128xi32, #tpu.memory_space<vmem>> -> memref<128xi32, #tpu.memory_space<vmem>>
      %dma_start3A_108 = arith.constant 0 : i32
      %dma_start3A_109 = arith.constant 0 : i32
      %dma_start3A_110 = tpu.memref_slice %arg2[%dma_start3A_108, %dma_start3A_109] : memref<10240x128xf32, #tpu.memory_space<hbm>> -> memref<10240x128xf32, #tpu.memory_space<hbm>>
      tpu.enqueue_indirect_dma source(%dma_start3A_110 : memref<10240x128xf32, #tpu.memory_space<hbm>>) target(%arg9 : memref<128x128xf32, #tpu.memory_space<vmem>>) offsets(%dma_start3A_107 : memref<128xi32, #tpu.memory_space<vmem>>) semaphore(%arg12 : memref<!tpu.dma_semaphore, #tpu.memory_space<semaphore_mem>>)
      %dma_wait3A_111 = arith.constant 0 : i32
      %dma_wait3A_112 = arith.constant 3 : i32
      %dma_wait3A_113 = arith.constant 0 : i32
      %dma_wait3A_114 = tpu.memref_slice %arg7[%dma_wait3A_111, %dma_wait3A_112, %dma_wait3A_113] : memref<2x4x128xi32, #tpu.memory_space<vmem>> -> memref<1x1x128xi32, #tpu.memory_space<vmem>>
      %dma_wait3A_115 = tpu.memref_squeeze %dma_wait3A_114 : memref<1x1x128xi32, #tpu.memory_space<vmem>> -> memref<128xi32, #tpu.memory_space<vmem>>
      %dma_wait3A_116 = arith.constant 0 : i32
      %dma_wait3A_117 = arith.constant 0 : i32
      %dma_wait3A_118 = tpu.memref_slice %arg2[%dma_wait3A_116, %dma_wait3A_117] : memref<10240x128xf32, #tpu.memory_space<hbm>> -> memref<10240x128xf32, #tpu.memory_space<hbm>>
      tpu.wait_indirect_dma semaphore(%arg13 : memref<!tpu.dma_semaphore, #tpu.memory_space<semaphore_mem>>) src(%dma_wait3A_118 : memref<10240x128xf32, #tpu.memory_space<hbm>>) dst(%arg10 : memref<128x128xf32, #tpu.memory_space<vmem>>)
      %run_scoped3A_119 = arith.constant 0 : i32
      %run_scoped3A_120 = arith.constant 3 : i32
      "tpu.region"() ({
        %run_scoped3A_205 = tpu.sem_alloc : memref<!tpu.dma_semaphore, #tpu.memory_space<semaphore_mem>>
        %dma_start3A_206 = arith.constant 0 : i32
        %dma_start3A_207 = tpu.memref_slice %arg8[%run_scoped3A_119, %run_scoped3A_120, %dma_start3A_206] : memref<2x4x128xi32, #tpu.memory_space<vmem>> -> memref<1x1x128xi32, #tpu.memory_space<vmem>>
        %dma_start3A_208 = tpu.memref_squeeze %dma_start3A_207 : memref<1x1x128xi32, #tpu.memory_space<vmem>> -> memref<128xi32, #tpu.memory_space<vmem>>
        %dma_start3A_209 = arith.constant 0 : i32
        %dma_start3A_210 = arith.constant 0 : i32
        %dma_start3A_211 = tpu.memref_slice %arg11[%dma_start3A_209, %dma_start3A_210] : memref<10240x128xf32, #tpu.memory_space<vmem_shared>> -> memref<10240x128xf32, #tpu.memory_space<vmem_shared>>
        tpu.enqueue_indirect_dma source(%arg10 : memref<128x128xf32, #tpu.memory_space<vmem>>) target(%dma_start3A_211 : memref<10240x128xf32, #tpu.memory_space<vmem_shared>>) offsets(%dma_start3A_208 : memref<128xi32, #tpu.memory_space<vmem>>) semaphore(%run_scoped3A_205 : memref<!tpu.dma_semaphore, #tpu.memory_space<semaphore_mem>>) {add = true}
        %dma_wait3A_212 = arith.constant 0 : i32
        %dma_wait3A_213 = tpu.memref_slice %arg8[%run_scoped3A_119, %run_scoped3A_120, %dma_wait3A_212] : memref<2x4x128xi32, #tpu.memory_space<vmem>> -> memref<1x1x128xi32, #tpu.memory_space<vmem>>
        %dma_wait3A_214 = tpu.memref_squeeze %dma_wait3A_213 : memref<1x1x128xi32, #tpu.memory_space<vmem>> -> memref<128xi32, #tpu.memory_space<vmem>>
        %dma_wait3A_215 = arith.constant 0 : i32
        %dma_wait3A_216 = arith.constant 0 : i32
        %dma_wait3A_217 = tpu.memref_slice %arg11[%dma_wait3A_215, %dma_wait3A_216] : memref<10240x128xf32, #tpu.memory_space<vmem_shared>> -> memref<10240x128xf32, #tpu.memory_space<vmem_shared>>
        tpu.wait_indirect_dma semaphore(%run_scoped3A_205 : memref<!tpu.dma_semaphore, #tpu.memory_space<semaphore_mem>>) src(%arg10 : memref<128x128xf32, #tpu.memory_space<vmem>>) dst(%dma_wait3A_217 : memref<10240x128xf32, #tpu.memory_space<vmem_shared>>)
        tpu.yield
      }) : () -> ()
      %add3A_121 = arith.constant 1 : i32
      %add3A_122 = arith.addi %scan3A_44, %add3A_121 : i32
      %lt3A = arith.constant 10 : i32
      %lt3A_123 = arith.cmpi slt, %add3A_122, %lt3A : i32
      %convert_element_type3A_124 = arith.extui %lt3A_123 : i1 to i32
      %cond3A_125 = arith.constant 0 : i32
      %cond3A_126 = arith.cmpi ne, %convert_element_type3A_124, %cond3A_125 : i32
      scf.if %cond3A_126 {
        %add3A_205 = arith.constant 8 : i32
        %add3A_206 = arith.addi %mul3A_46, %add3A_205 : i32
        %dma_start3A_207 = arith.constant 0 : i32
        %dma_start3A_208 = arith.constant 0 : i32
        %dma_start3A_209 = arith.constant 0 : i32
        %dma_start3A_210 = tpu.memref_slice %arg7[%dma_start3A_207, %dma_start3A_208, %dma_start3A_209] : memref<2x4x128xi32, #tpu.memory_space<vmem>> -> memref<1x4x128xi32, #tpu.memory_space<vmem>>
        %dma_start3A_211 = tpu.memref_squeeze %dma_start3A_210 : memref<1x4x128xi32, #tpu.memory_space<vmem>> -> memref<4x128xi32, #tpu.memory_space<vmem>>
        %dma_start3A_212 = arith.constant 0 : i32
        %dma_start3A_213 = tpu.memref_slice %arg3[%add3A, %add3A_206, %dma_start3A_212] : memref<32x84x128xi32, #tpu.memory_space<hbm>> -> memref<1x4x128xi32, #tpu.memory_space<hbm>>
        %dma_start3A_214 = tpu.memref_squeeze %dma_start3A_213 : memref<1x4x128xi32, #tpu.memory_space<hbm>> -> memref<4x128xi32, #tpu.memory_space<hbm>>
        %dma_start3A_215 = arith.constant 0 : i32
        %dma_start3A_216 = arith.constant 0 : i32
        %dma_start3A_217 = tpu.memref_slice %arg7[%dma_start3A_207, %dma_start3A_215, %dma_start3A_216] : memref<2x4x128xi32, #tpu.memory_space<vmem>> -> memref<1x4x128xi32, #tpu.memory_space<vmem>>
        %dma_start3A_218 = tpu.memref_squeeze %dma_start3A_217 : memref<1x4x128xi32, #tpu.memory_space<vmem>> -> memref<4x128xi32, #tpu.memory_space<vmem>>
        %dma_start3A_219 = arith.constant 0 : i32
        %dma_start3A_220 = tpu.memref_slice %arg3[%add3A, %add3A_206, %dma_start3A_219] : memref<32x84x128xi32, #tpu.memory_space<hbm>> -> memref<1x4x128xi32, #tpu.memory_space<hbm>>
        %dma_start3A_221 = tpu.memref_squeeze %dma_start3A_220 : memref<1x4x128xi32, #tpu.memory_space<hbm>> -> memref<4x128xi32, #tpu.memory_space<hbm>>
        tpu.enqueue_dma source(%dma_start3A_221 : memref<4x128xi32, #tpu.memory_space<hbm>>) target(%dma_start3A_218 : memref<4x128xi32, #tpu.memory_space<vmem>>) target_semaphore(%arg14 : memref<!tpu.dma_semaphore, #tpu.memory_space<semaphore_mem>>)
        %add3A_222 = arith.constant 8 : i32
        %add3A_223 = arith.addi %mul3A_46, %add3A_222 : i32
        %dma_start3A_224 = arith.constant 0 : i32
        %dma_start3A_225 = arith.constant 0 : i32
        %dma_start3A_226 = arith.constant 0 : i32
        %dma_start3A_227 = tpu.memref_slice %arg8[%dma_start3A_224, %dma_start3A_225, %dma_start3A_226] : memref<2x4x128xi32, #tpu.memory_space<vmem>> -> memref<1x4x128xi32, #tpu.memory_space<vmem>>
        %dma_start3A_228 = tpu.memref_squeeze %dma_start3A_227 : memref<1x4x128xi32, #tpu.memory_space<vmem>> -> memref<4x128xi32, #tpu.memory_space<vmem>>
        %dma_start3A_229 = arith.constant 0 : i32
        %dma_start3A_230 = tpu.memref_slice %arg4[%add3A, %add3A_223, %dma_start3A_229] : memref<32x84x128xi32, #tpu.memory_space<hbm>> -> memref<1x4x128xi32, #tpu.memory_space<hbm>>
        %dma_start3A_231 = tpu.memref_squeeze %dma_start3A_230 : memref<1x4x128xi32, #tpu.memory_space<hbm>> -> memref<4x128xi32, #tpu.memory_space<hbm>>
        %dma_start3A_232 = arith.constant 0 : i32
        %dma_start3A_233 = arith.constant 0 : i32
        %dma_start3A_234 = tpu.memref_slice %arg8[%dma_start3A_224, %dma_start3A_232, %dma_start3A_233] : memref<2x4x128xi32, #tpu.memory_space<vmem>> -> memref<1x4x128xi32, #tpu.memory_space<vmem>>
        %dma_start3A_235 = tpu.memref_squeeze %dma_start3A_234 : memref<1x4x128xi32, #tpu.memory_space<vmem>> -> memref<4x128xi32, #tpu.memory_space<vmem>>
        %dma_start3A_236 = arith.constant 0 : i32
        %dma_start3A_237 = tpu.memref_slice %arg4[%add3A, %add3A_223, %dma_start3A_236] : memref<32x84x128xi32, #tpu.memory_space<hbm>> -> memref<1x4x128xi32, #tpu.memory_space<hbm>>
        %dma_start3A_238 = tpu.memref_squeeze %dma_start3A_237 : memref<1x4x128xi32, #tpu.memory_space<hbm>> -> memref<4x128xi32, #tpu.memory_space<hbm>>
        tpu.enqueue_dma source(%dma_start3A_238 : memref<4x128xi32, #tpu.memory_space<hbm>>) target(%dma_start3A_235 : memref<4x128xi32, #tpu.memory_space<vmem>>) target_semaphore(%arg14 : memref<!tpu.dma_semaphore, #tpu.memory_space<semaphore_mem>>)
      } else {
      }
      %dma_start3A_127 = arith.constant 1 : i32
      %dma_start3A_128 = arith.constant 1 : i32
      %dma_start3A_129 = arith.constant 0 : i32
      %dma_start3A_130 = tpu.memref_slice %arg7[%dma_start3A_127, %dma_start3A_128, %dma_start3A_129] : memref<2x4x128xi32, #tpu.memory_space<vmem>> -> memref<1x1x128xi32, #tpu.memory_space<vmem>>
      %dma_start3A_131 = tpu.memref_squeeze %dma_start3A_130 : memref<1x1x128xi32, #tpu.memory_space<vmem>> -> memref<128xi32, #tpu.memory_space<vmem>>
      %dma_start3A_132 = arith.constant 0 : i32
      %dma_start3A_133 = arith.constant 0 : i32
      %dma_start3A_134 = tpu.memref_slice %arg2[%dma_start3A_132, %dma_start3A_133] : memref<10240x128xf32, #tpu.memory_space<hbm>> -> memref<10240x128xf32, #tpu.memory_space<hbm>>
      tpu.enqueue_indirect_dma source(%dma_start3A_134 : memref<10240x128xf32, #tpu.memory_space<hbm>>) target(%arg10 : memref<128x128xf32, #tpu.memory_space<vmem>>) offsets(%dma_start3A_131 : memref<128xi32, #tpu.memory_space<vmem>>) semaphore(%arg13 : memref<!tpu.dma_semaphore, #tpu.memory_space<semaphore_mem>>)
      %dma_wait3A_135 = arith.constant 1 : i32
      %dma_wait3A_136 = arith.constant 0 : i32
      %dma_wait3A_137 = arith.constant 0 : i32
      %dma_wait3A_138 = tpu.memref_slice %arg7[%dma_wait3A_135, %dma_wait3A_136, %dma_wait3A_137] : memref<2x4x128xi32, #tpu.memory_space<vmem>> -> memref<1x1x128xi32, #tpu.memory_space<vmem>>
      %dma_wait3A_139 = tpu.memref_squeeze %dma_wait3A_138 : memref<1x1x128xi32, #tpu.memory_space<vmem>> -> memref<128xi32, #tpu.memory_space<vmem>>
      %dma_wait3A_140 = arith.constant 0 : i32
      %dma_wait3A_141 = arith.constant 0 : i32
      %dma_wait3A_142 = tpu.memref_slice %arg2[%dma_wait3A_140, %dma_wait3A_141] : memref<10240x128xf32, #tpu.memory_space<hbm>> -> memref<10240x128xf32, #tpu.memory_space<hbm>>
      tpu.wait_indirect_dma semaphore(%arg12 : memref<!tpu.dma_semaphore, #tpu.memory_space<semaphore_mem>>) src(%dma_wait3A_142 : memref<10240x128xf32, #tpu.memory_space<hbm>>) dst(%arg9 : memref<128x128xf32, #tpu.memory_space<vmem>>)
      %run_scoped3A_143 = arith.constant 1 : i32
      %run_scoped3A_144 = arith.constant 0 : i32
      "tpu.region"() ({
        %run_scoped3A_205 = tpu.sem_alloc : memref<!tpu.dma_semaphore, #tpu.memory_space<semaphore_mem>>
        %dma_start3A_206 = arith.constant 0 : i32
        %dma_start3A_207 = tpu.memref_slice %arg8[%run_scoped3A_143, %run_scoped3A_144, %dma_start3A_206] : memref<2x4x128xi32, #tpu.memory_space<vmem>> -> memref<1x1x128xi32, #tpu.memory_space<vmem>>
        %dma_start3A_208 = tpu.memref_squeeze %dma_start3A_207 : memref<1x1x128xi32, #tpu.memory_space<vmem>> -> memref<128xi32, #tpu.memory_space<vmem>>
        %dma_start3A_209 = arith.constant 0 : i32
        %dma_start3A_210 = arith.constant 0 : i32
        %dma_start3A_211 = tpu.memref_slice %arg11[%dma_start3A_209, %dma_start3A_210] : memref<10240x128xf32, #tpu.memory_space<vmem_shared>> -> memref<10240x128xf32, #tpu.memory_space<vmem_shared>>
        tpu.enqueue_indirect_dma source(%arg9 : memref<128x128xf32, #tpu.memory_space<vmem>>) target(%dma_start3A_211 : memref<10240x128xf32, #tpu.memory_space<vmem_shared>>) offsets(%dma_start3A_208 : memref<128xi32, #tpu.memory_space<vmem>>) semaphore(%run_scoped3A_205 : memref<!tpu.dma_semaphore, #tpu.memory_space<semaphore_mem>>) {add = true}
        %dma_wait3A_212 = arith.constant 0 : i32
        %dma_wait3A_213 = tpu.memref_slice %arg8[%run_scoped3A_143, %run_scoped3A_144, %dma_wait3A_212] : memref<2x4x128xi32, #tpu.memory_space<vmem>> -> memref<1x1x128xi32, #tpu.memory_space<vmem>>
        %dma_wait3A_214 = tpu.memref_squeeze %dma_wait3A_213 : memref<1x1x128xi32, #tpu.memory_space<vmem>> -> memref<128xi32, #tpu.memory_space<vmem>>
        %dma_wait3A_215 = arith.constant 0 : i32
        %dma_wait3A_216 = arith.constant 0 : i32
        %dma_wait3A_217 = tpu.memref_slice %arg11[%dma_wait3A_215, %dma_wait3A_216] : memref<10240x128xf32, #tpu.memory_space<vmem_shared>> -> memref<10240x128xf32, #tpu.memory_space<vmem_shared>>
        tpu.wait_indirect_dma semaphore(%run_scoped3A_205 : memref<!tpu.dma_semaphore, #tpu.memory_space<semaphore_mem>>) src(%arg9 : memref<128x128xf32, #tpu.memory_space<vmem>>) dst(%dma_wait3A_217 : memref<10240x128xf32, #tpu.memory_space<vmem_shared>>)
        tpu.yield
      }) : () -> ()
      %dma_start3A_145 = arith.constant 1 : i32
      %dma_start3A_146 = arith.constant 2 : i32
      %dma_start3A_147 = arith.constant 0 : i32
      %dma_start3A_148 = tpu.memref_slice %arg7[%dma_start3A_145, %dma_start3A_146, %dma_start3A_147] : memref<2x4x128xi32, #tpu.memory_space<vmem>> -> memref<1x1x128xi32, #tpu.memory_space<vmem>>
      %dma_start3A_149 = tpu.memref_squeeze %dma_start3A_148 : memref<1x1x128xi32, #tpu.memory_space<vmem>> -> memref<128xi32, #tpu.memory_space<vmem>>
      %dma_start3A_150 = arith.constant 0 : i32
      %dma_start3A_151 = arith.constant 0 : i32
      %dma_start3A_152 = tpu.memref_slice %arg2[%dma_start3A_150, %dma_start3A_151] : memref<10240x128xf32, #tpu.memory_space<hbm>> -> memref<10240x128xf32, #tpu.memory_space<hbm>>
      tpu.enqueue_indirect_dma source(%dma_start3A_152 : memref<10240x128xf32, #tpu.memory_space<hbm>>) target(%arg9 : memref<128x128xf32, #tpu.memory_space<vmem>>) offsets(%dma_start3A_149 : memref<128xi32, #tpu.memory_space<vmem>>) semaphore(%arg12 : memref<!tpu.dma_semaphore, #tpu.memory_space<semaphore_mem>>)
      %dma_wait3A_153 = arith.constant 1 : i32
      %dma_wait3A_154 = arith.constant 1 : i32
      %dma_wait3A_155 = arith.constant 0 : i32
      %dma_wait3A_156 = tpu.memref_slice %arg7[%dma_wait3A_153, %dma_wait3A_154, %dma_wait3A_155] : memref<2x4x128xi32, #tpu.memory_space<vmem>> -> memref<1x1x128xi32, #tpu.memory_space<vmem>>
      %dma_wait3A_157 = tpu.memref_squeeze %dma_wait3A_156 : memref<1x1x128xi32, #tpu.memory_space<vmem>> -> memref<128xi32, #tpu.memory_space<vmem>>
      %dma_wait3A_158 = arith.constant 0 : i32
      %dma_wait3A_159 = arith.constant 0 : i32
      %dma_wait3A_160 = tpu.memref_slice %arg2[%dma_wait3A_158, %dma_wait3A_159] : memref<10240x128xf32, #tpu.memory_space<hbm>> -> memref<10240x128xf32, #tpu.memory_space<hbm>>
      tpu.wait_indirect_dma semaphore(%arg13 : memref<!tpu.dma_semaphore, #tpu.memory_space<semaphore_mem>>) src(%dma_wait3A_160 : memref<10240x128xf32, #tpu.memory_space<hbm>>) dst(%arg10 : memref<128x128xf32, #tpu.memory_space<vmem>>)
      %run_scoped3A_161 = arith.constant 1 : i32
      %run_scoped3A_162 = arith.constant 1 : i32
      "tpu.region"() ({
        %run_scoped3A_205 = tpu.sem_alloc : memref<!tpu.dma_semaphore, #tpu.memory_space<semaphore_mem>>
        %dma_start3A_206 = arith.constant 0 : i32
        %dma_start3A_207 = tpu.memref_slice %arg8[%run_scoped3A_161, %run_scoped3A_162, %dma_start3A_206] : memref<2x4x128xi32, #tpu.memory_space<vmem>> -> memref<1x1x128xi32, #tpu.memory_space<vmem>>
        %dma_start3A_208 = tpu.memref_squeeze %dma_start3A_207 : memref<1x1x128xi32, #tpu.memory_space<vmem>> -> memref<128xi32, #tpu.memory_space<vmem>>
        %dma_start3A_209 = arith.constant 0 : i32
        %dma_start3A_210 = arith.constant 0 : i32
        %dma_start3A_211 = tpu.memref_slice %arg11[%dma_start3A_209, %dma_start3A_210] : memref<10240x128xf32, #tpu.memory_space<vmem_shared>> -> memref<10240x128xf32, #tpu.memory_space<vmem_shared>>
        tpu.enqueue_indirect_dma source(%arg10 : memref<128x128xf32, #tpu.memory_space<vmem>>) target(%dma_start3A_211 : memref<10240x128xf32, #tpu.memory_space<vmem_shared>>) offsets(%dma_start3A_208 : memref<128xi32, #tpu.memory_space<vmem>>) semaphore(%run_scoped3A_205 : memref<!tpu.dma_semaphore, #tpu.memory_space<semaphore_mem>>) {add = true}
        %dma_wait3A_212 = arith.constant 0 : i32
        %dma_wait3A_213 = tpu.memref_slice %arg8[%run_scoped3A_161, %run_scoped3A_162, %dma_wait3A_212] : memref<2x4x128xi32, #tpu.memory_space<vmem>> -> memref<1x1x128xi32, #tpu.memory_space<vmem>>
        %dma_wait3A_214 = tpu.memref_squeeze %dma_wait3A_213 : memref<1x1x128xi32, #tpu.memory_space<vmem>> -> memref<128xi32, #tpu.memory_space<vmem>>
        %dma_wait3A_215 = arith.constant 0 : i32
        %dma_wait3A_216 = arith.constant 0 : i32
        %dma_wait3A_217 = tpu.memref_slice %arg11[%dma_wait3A_215, %dma_wait3A_216] : memref<10240x128xf32, #tpu.memory_space<vmem_shared>> -> memref<10240x128xf32, #tpu.memory_space<vmem_shared>>
        tpu.wait_indirect_dma semaphore(%run_scoped3A_205 : memref<!tpu.dma_semaphore, #tpu.memory_space<semaphore_mem>>) src(%arg10 : memref<128x128xf32, #tpu.memory_space<vmem>>) dst(%dma_wait3A_217 : memref<10240x128xf32, #tpu.memory_space<vmem_shared>>)
        tpu.yield
      }) : () -> ()
      %dma_start3A_163 = arith.constant 1 : i32
      %dma_start3A_164 = arith.constant 3 : i32
      %dma_start3A_165 = arith.constant 0 : i32
      %dma_start3A_166 = tpu.memref_slice %arg7[%dma_start3A_163, %dma_start3A_164, %dma_start3A_165] : memref<2x4x128xi32, #tpu.memory_space<vmem>> -> memref<1x1x128xi32, #tpu.memory_space<vmem>>
      %dma_start3A_167 = tpu.memref_squeeze %dma_start3A_166 : memref<1x1x128xi32, #tpu.memory_space<vmem>> -> memref<128xi32, #tpu.memory_space<vmem>>
      %dma_start3A_168 = arith.constant 0 : i32
      %dma_start3A_169 = arith.constant 0 : i32
      %dma_start3A_170 = tpu.memref_slice %arg2[%dma_start3A_168, %dma_start3A_169] : memref<10240x128xf32, #tpu.memory_space<hbm>> -> memref<10240x128xf32, #tpu.memory_space<hbm>>
      tpu.enqueue_indirect_dma source(%dma_start3A_170 : memref<10240x128xf32, #tpu.memory_space<hbm>>) target(%arg10 : memref<128x128xf32, #tpu.memory_space<vmem>>) offsets(%dma_start3A_167 : memref<128xi32, #tpu.memory_space<vmem>>) semaphore(%arg13 : memref<!tpu.dma_semaphore, #tpu.memory_space<semaphore_mem>>)
      %dma_wait3A_171 = arith.constant 1 : i32
      %dma_wait3A_172 = arith.constant 2 : i32
      %dma_wait3A_173 = arith.constant 0 : i32
      %dma_wait3A_174 = tpu.memref_slice %arg7[%dma_wait3A_171, %dma_wait3A_172, %dma_wait3A_173] : memref<2x4x128xi32, #tpu.memory_space<vmem>> -> memref<1x1x128xi32, #tpu.memory_space<vmem>>
      %dma_wait3A_175 = tpu.memref_squeeze %dma_wait3A_174 : memref<1x1x128xi32, #tpu.memory_space<vmem>> -> memref<128xi32, #tpu.memory_space<vmem>>
      %dma_wait3A_176 = arith.constant 0 : i32
      %dma_wait3A_177 = arith.constant 0 : i32
      %dma_wait3A_178 = tpu.memref_slice %arg2[%dma_wait3A_176, %dma_wait3A_177] : memref<10240x128xf32, #tpu.memory_space<hbm>> -> memref<10240x128xf32, #tpu.memory_space<hbm>>
      tpu.wait_indirect_dma semaphore(%arg12 : memref<!tpu.dma_semaphore, #tpu.memory_space<semaphore_mem>>) src(%dma_wait3A_178 : memref<10240x128xf32, #tpu.memory_space<hbm>>) dst(%arg9 : memref<128x128xf32, #tpu.memory_space<vmem>>)
      %run_scoped3A_179 = arith.constant 1 : i32
      %run_scoped3A_180 = arith.constant 2 : i32
      "tpu.region"() ({
        %run_scoped3A_205 = tpu.sem_alloc : memref<!tpu.dma_semaphore, #tpu.memory_space<semaphore_mem>>
        %dma_start3A_206 = arith.constant 0 : i32
        %dma_start3A_207 = tpu.memref_slice %arg8[%run_scoped3A_179, %run_scoped3A_180, %dma_start3A_206] : memref<2x4x128xi32, #tpu.memory_space<vmem>> -> memref<1x1x128xi32, #tpu.memory_space<vmem>>
        %dma_start3A_208 = tpu.memref_squeeze %dma_start3A_207 : memref<1x1x128xi32, #tpu.memory_space<vmem>> -> memref<128xi32, #tpu.memory_space<vmem>>
        %dma_start3A_209 = arith.constant 0 : i32
        %dma_start3A_210 = arith.constant 0 : i32
        %dma_start3A_211 = tpu.memref_slice %arg11[%dma_start3A_209, %dma_start3A_210] : memref<10240x128xf32, #tpu.memory_space<vmem_shared>> -> memref<10240x128xf32, #tpu.memory_space<vmem_shared>>
        tpu.enqueue_indirect_dma source(%arg9 : memref<128x128xf32, #tpu.memory_space<vmem>>) target(%dma_start3A_211 : memref<10240x128xf32, #tpu.memory_space<vmem_shared>>) offsets(%dma_start3A_208 : memref<128xi32, #tpu.memory_space<vmem>>) semaphore(%run_scoped3A_205 : memref<!tpu.dma_semaphore, #tpu.memory_space<semaphore_mem>>) {add = true}
        %dma_wait3A_212 = arith.constant 0 : i32
        %dma_wait3A_213 = tpu.memref_slice %arg8[%run_scoped3A_179, %run_scoped3A_180, %dma_wait3A_212] : memref<2x4x128xi32, #tpu.memory_space<vmem>> -> memref<1x1x128xi32, #tpu.memory_space<vmem>>
        %dma_wait3A_214 = tpu.memref_squeeze %dma_wait3A_213 : memref<1x1x128xi32, #tpu.memory_space<vmem>> -> memref<128xi32, #tpu.memory_space<vmem>>
        %dma_wait3A_215 = arith.constant 0 : i32
        %dma_wait3A_216 = arith.constant 0 : i32
        %dma_wait3A_217 = tpu.memref_slice %arg11[%dma_wait3A_215, %dma_wait3A_216] : memref<10240x128xf32, #tpu.memory_space<vmem_shared>> -> memref<10240x128xf32, #tpu.memory_space<vmem_shared>>
        tpu.wait_indirect_dma semaphore(%run_scoped3A_205 : memref<!tpu.dma_semaphore, #tpu.memory_space<semaphore_mem>>) src(%arg9 : memref<128x128xf32, #tpu.memory_space<vmem>>) dst(%dma_wait3A_217 : memref<10240x128xf32, #tpu.memory_space<vmem_shared>>)
        tpu.yield
      }) : () -> ()
      %add3A_181 = arith.constant 1 : i32
      %add3A_182 = arith.addi %scan3A_44, %add3A_181 : i32
      %lt3A_183 = arith.constant 10 : i32
      %lt3A_184 = arith.cmpi slt, %add3A_182, %lt3A_183 : i32
      %convert_element_type3A_185 = arith.extui %lt3A_184 : i1 to i32
      %cond3A_186 = arith.constant 0 : i32
      %cond3A_187 = arith.cmpi ne, %convert_element_type3A_185, %cond3A_186 : i32
      scf.if %cond3A_187 {
        %dma_wait3A_205 = arith.constant 0 : i32
        %dma_wait3A_206 = arith.constant 0 : i32
        %dma_wait3A_207 = arith.constant 0 : i32
        %dma_wait3A_208 = tpu.memref_slice %arg7[%dma_wait3A_205, %dma_wait3A_206, %dma_wait3A_207] : memref<2x4x128xi32, #tpu.memory_space<vmem>> -> memref<1x4x128xi32, #tpu.memory_space<vmem>>
        %dma_wait3A_209 = tpu.memref_squeeze %dma_wait3A_208 : memref<1x4x128xi32, #tpu.memory_space<vmem>> -> memref<4x128xi32, #tpu.memory_space<vmem>>
        %dma_wait3A_210 = arith.constant 0 : i32
        %dma_wait3A_211 = arith.constant 0 : i32
        %dma_wait3A_212 = tpu.memref_slice %arg3[%add3A, %dma_wait3A_210, %dma_wait3A_211] : memref<32x84x128xi32, #tpu.memory_space<hbm>> -> memref<1x4x128xi32, #tpu.memory_space<hbm>>
        %dma_wait3A_213 = tpu.memref_squeeze %dma_wait3A_212 : memref<1x4x128xi32, #tpu.memory_space<hbm>> -> memref<4x128xi32, #tpu.memory_space<hbm>>
        %dma_wait3A_214 = arith.constant 0 : i32
        %dma_wait3A_215 = arith.constant 0 : i32
        %dma_wait3A_216 = tpu.memref_slice %arg7[%dma_wait3A_205, %dma_wait3A_214, %dma_wait3A_215] : memref<2x4x128xi32, #tpu.memory_space<vmem>> -> memref<1x4x128xi32, #tpu.memory_space<vmem>>
        %dma_wait3A_217 = tpu.memref_squeeze %dma_wait3A_216 : memref<1x4x128xi32, #tpu.memory_space<vmem>> -> memref<4x128xi32, #tpu.memory_space<vmem>>
        %dma_wait3A_218 = arith.constant 0 : i32
        %dma_wait3A_219 = arith.constant 0 : i32
        %dma_wait3A_220 = tpu.memref_slice %arg3[%add3A, %dma_wait3A_218, %dma_wait3A_219] : memref<32x84x128xi32, #tpu.memory_space<hbm>> -> memref<1x4x128xi32, #tpu.memory_space<hbm>>
        %dma_wait3A_221 = tpu.memref_squeeze %dma_wait3A_220 : memref<1x4x128xi32, #tpu.memory_space<hbm>> -> memref<4x128xi32, #tpu.memory_space<hbm>>
        tpu.wait_dma2 semaphore(%arg14 : memref<!tpu.dma_semaphore, #tpu.memory_space<semaphore_mem>>) src(%dma_wait3A_221 : memref<4x128xi32, #tpu.memory_space<hbm>>) dst(%dma_wait3A_217 : memref<4x128xi32, #tpu.memory_space<vmem>>)
        %dma_wait3A_222 = arith.constant 0 : i32
        %dma_wait3A_223 = arith.constant 0 : i32
        %dma_wait3A_224 = arith.constant 0 : i32
        %dma_wait3A_225 = tpu.memref_slice %arg8[%dma_wait3A_222, %dma_wait3A_223, %dma_wait3A_224] : memref<2x4x128xi32, #tpu.memory_space<vmem>> -> memref<1x4x128xi32, #tpu.memory_space<vmem>>
        %dma_wait3A_226 = tpu.memref_squeeze %dma_wait3A_225 : memref<1x4x128xi32, #tpu.memory_space<vmem>> -> memref<4x128xi32, #tpu.memory_space<vmem>>
        %dma_wait3A_227 = arith.constant 0 : i32
        %dma_wait3A_228 = arith.constant 0 : i32
        %dma_wait3A_229 = tpu.memref_slice %arg4[%add3A, %dma_wait3A_227, %dma_wait3A_228] : memref<32x84x128xi32, #tpu.memory_space<hbm>> -> memref<1x4x128xi32, #tpu.memory_space<hbm>>
        %dma_wait3A_230 = tpu.memref_squeeze %dma_wait3A_229 : memref<1x4x128xi32, #tpu.memory_space<hbm>> -> memref<4x128xi32, #tpu.memory_space<hbm>>
        %dma_wait3A_231 = arith.constant 0 : i32
        %dma_wait3A_232 = arith.constant 0 : i32
        %dma_wait3A_233 = tpu.memref_slice %arg8[%dma_wait3A_222, %dma_wait3A_231, %dma_wait3A_232] : memref<2x4x128xi32, #tpu.memory_space<vmem>> -> memref<1x4x128xi32, #tpu.memory_space<vmem>>
        %dma_wait3A_234 = tpu.memref_squeeze %dma_wait3A_233 : memref<1x4x128xi32, #tpu.memory_space<vmem>> -> memref<4x128xi32, #tpu.memory_space<vmem>>
        %dma_wait3A_235 = arith.constant 0 : i32
        %dma_wait3A_236 = arith.constant 0 : i32
        %dma_wait3A_237 = tpu.memref_slice %arg4[%add3A, %dma_wait3A_235, %dma_wait3A_236] : memref<32x84x128xi32, #tpu.memory_space<hbm>> -> memref<1x4x128xi32, #tpu.memory_space<hbm>>
        %dma_wait3A_238 = tpu.memref_squeeze %dma_wait3A_237 : memref<1x4x128xi32, #tpu.memory_space<hbm>> -> memref<4x128xi32, #tpu.memory_space<hbm>>
        tpu.wait_dma2 semaphore(%arg14 : memref<!tpu.dma_semaphore, #tpu.memory_space<semaphore_mem>>) src(%dma_wait3A_238 : memref<4x128xi32, #tpu.memory_space<hbm>>) dst(%dma_wait3A_234 : memref<4x128xi32, #tpu.memory_space<vmem>>)
        %dma_start3A_239 = arith.constant 0 : i32
        %dma_start3A_240 = arith.constant 0 : i32
        %dma_start3A_241 = arith.constant 0 : i32
        %dma_start3A_242 = tpu.memref_slice %arg7[%dma_start3A_239, %dma_start3A_240, %dma_start3A_241] : memref<2x4x128xi32, #tpu.memory_space<vmem>> -> memref<1x1x128xi32, #tpu.memory_space<vmem>>
        %dma_start3A_243 = tpu.memref_squeeze %dma_start3A_242 : memref<1x1x128xi32, #tpu.memory_space<vmem>> -> memref<128xi32, #tpu.memory_space<vmem>>
        %dma_start3A_244 = arith.constant 0 : i32
        %dma_start3A_245 = arith.constant 0 : i32
        %dma_start3A_246 = tpu.memref_slice %arg2[%dma_start3A_244, %dma_start3A_245] : memref<10240x128xf32, #tpu.memory_space<hbm>> -> memref<10240x128xf32, #tpu.memory_space<hbm>>
        tpu.enqueue_indirect_dma source(%dma_start3A_246 : memref<10240x128xf32, #tpu.memory_space<hbm>>) target(%arg9 : memref<128x128xf32, #tpu.memory_space<vmem>>) offsets(%dma_start3A_243 : memref<128xi32, #tpu.memory_space<vmem>>) semaphore(%arg12 : memref<!tpu.dma_semaphore, #tpu.memory_space<semaphore_mem>>)
      } else {
      }
      %dma_wait3A_188 = arith.constant 1 : i32
      %dma_wait3A_189 = arith.constant 3 : i32
      %dma_wait3A_190 = arith.constant 0 : i32
      %dma_wait3A_191 = tpu.memref_slice %arg7[%dma_wait3A_188, %dma_wait3A_189, %dma_wait3A_190] : memref<2x4x128xi32, #tpu.memory_space<vmem>> -> memref<1x1x128xi32, #tpu.memory_space<vmem>>
      %dma_wait3A_192 = tpu.memref_squeeze %dma_wait3A_191 : memref<1x1x128xi32, #tpu.memory_space<vmem>> -> memref<128xi32, #tpu.memory_space<vmem>>
      %dma_wait3A_193 = arith.constant 0 : i32
      %dma_wait3A_194 = arith.constant 0 : i32
      %dma_wait3A_195 = tpu.memref_slice %arg2[%dma_wait3A_193, %dma_wait3A_194] : memref<10240x128xf32, #tpu.memory_space<hbm>> -> memref<10240x128xf32, #tpu.memory_space<hbm>>
      tpu.wait_indirect_dma semaphore(%arg13 : memref<!tpu.dma_semaphore, #tpu.memory_space<semaphore_mem>>) src(%dma_wait3A_195 : memref<10240x128xf32, #tpu.memory_space<hbm>>) dst(%arg10 : memref<128x128xf32, #tpu.memory_space<vmem>>)
      %run_scoped3A_196 = arith.constant 1 : i32
      %run_scoped3A_197 = arith.constant 3 : i32
      "tpu.region"() ({
        %run_scoped3A_205 = tpu.sem_alloc : memref<!tpu.dma_semaphore, #tpu.memory_space<semaphore_mem>>
        %dma_start3A_206 = arith.constant 0 : i32
        %dma_start3A_207 = tpu.memref_slice %arg8[%run_scoped3A_196, %run_scoped3A_197, %dma_start3A_206] : memref<2x4x128xi32, #tpu.memory_space<vmem>> -> memref<1x1x128xi32, #tpu.memory_space<vmem>>
        %dma_start3A_208 = tpu.memref_squeeze %dma_start3A_207 : memref<1x1x128xi32, #tpu.memory_space<vmem>> -> memref<128xi32, #tpu.memory_space<vmem>>
        %dma_start3A_209 = arith.constant 0 : i32
        %dma_start3A_210 = arith.constant 0 : i32
        %dma_start3A_211 = tpu.memref_slice %arg11[%dma_start3A_209, %dma_start3A_210] : memref<10240x128xf32, #tpu.memory_space<vmem_shared>> -> memref<10240x128xf32, #tpu.memory_space<vmem_shared>>
        tpu.enqueue_indirect_dma source(%arg10 : memref<128x128xf32, #tpu.memory_space<vmem>>) target(%dma_start3A_211 : memref<10240x128xf32, #tpu.memory_space<vmem_shared>>) offsets(%dma_start3A_208 : memref<128xi32, #tpu.memory_space<vmem>>) semaphore(%run_scoped3A_205 : memref<!tpu.dma_semaphore, #tpu.memory_space<semaphore_mem>>) {add = true}
        %dma_wait3A_212 = arith.constant 0 : i32
        %dma_wait3A_213 = tpu.memref_slice %arg8[%run_scoped3A_196, %run_scoped3A_197, %dma_wait3A_212] : memref<2x4x128xi32, #tpu.memory_space<vmem>> -> memref<1x1x128xi32, #tpu.memory_space<vmem>>
        %dma_wait3A_214 = tpu.memref_squeeze %dma_wait3A_213 : memref<1x1x128xi32, #tpu.memory_space<vmem>> -> memref<128xi32, #tpu.memory_space<vmem>>
        %dma_wait3A_215 = arith.constant 0 : i32
        %dma_wait3A_216 = arith.constant 0 : i32
        %dma_wait3A_217 = tpu.memref_slice %arg11[%dma_wait3A_215, %dma_wait3A_216] : memref<10240x128xf32, #tpu.memory_space<vmem_shared>> -> memref<10240x128xf32, #tpu.memory_space<vmem_shared>>
        tpu.wait_indirect_dma semaphore(%run_scoped3A_205 : memref<!tpu.dma_semaphore, #tpu.memory_space<semaphore_mem>>) src(%arg10 : memref<128x128xf32, #tpu.memory_space<vmem>>) dst(%dma_wait3A_217 : memref<10240x128xf32, #tpu.memory_space<vmem_shared>>)
        tpu.yield
      }) : () -> ()
      %add3A_198 = arith.constant 1 : i32
      %add3A_199 = arith.addi %scan3A_44, %add3A_198 : i32
      %lt3A_200 = arith.constant 10 : i32
      %lt3A_201 = arith.cmpi slt, %add3A_199, %lt3A_200 : i32
      %convert_element_type3A_202 = arith.extui %lt3A_201 : i1 to i32
      %cond3A_203 = arith.constant 0 : i32
      %cond3A_204 = arith.cmpi ne, %convert_element_type3A_202, %cond3A_203 : i32
      scf.if %cond3A_204 {
        %add3A_205 = arith.constant 12 : i32
        %add3A_206 = arith.addi %mul3A_46, %add3A_205 : i32
        %dma_start3A_207 = arith.constant 1 : i32
        %dma_start3A_208 = arith.constant 0 : i32
        %dma_start3A_209 = arith.constant 0 : i32
        %dma_start3A_210 = tpu.memref_slice %arg7[%dma_start3A_207, %dma_start3A_208, %dma_start3A_209] : memref<2x4x128xi32, #tpu.memory_space<vmem>> -> memref<1x4x128xi32, #tpu.memory_space<vmem>>
        %dma_start3A_211 = tpu.memref_squeeze %dma_start3A_210 : memref<1x4x128xi32, #tpu.memory_space<vmem>> -> memref<4x128xi32, #tpu.memory_space<vmem>>
        %dma_start3A_212 = arith.constant 0 : i32
        %dma_start3A_213 = tpu.memref_slice %arg3[%add3A, %add3A_206, %dma_start3A_212] : memref<32x84x128xi32, #tpu.memory_space<hbm>> -> memref<1x4x128xi32, #tpu.memory_space<hbm>>
        %dma_start3A_214 = tpu.memref_squeeze %dma_start3A_213 : memref<1x4x128xi32, #tpu.memory_space<hbm>> -> memref<4x128xi32, #tpu.memory_space<hbm>>
        %dma_start3A_215 = arith.constant 0 : i32
        %dma_start3A_216 = arith.constant 0 : i32
        %dma_start3A_217 = tpu.memref_slice %arg7[%dma_start3A_207, %dma_start3A_215, %dma_start3A_216] : memref<2x4x128xi32, #tpu.memory_space<vmem>> -> memref<1x4x128xi32, #tpu.memory_space<vmem>>
        %dma_start3A_218 = tpu.memref_squeeze %dma_start3A_217 : memref<1x4x128xi32, #tpu.memory_space<vmem>> -> memref<4x128xi32, #tpu.memory_space<vmem>>
        %dma_start3A_219 = arith.constant 0 : i32
        %dma_start3A_220 = tpu.memref_slice %arg3[%add3A, %add3A_206, %dma_start3A_219] : memref<32x84x128xi32, #tpu.memory_space<hbm>> -> memref<1x4x128xi32, #tpu.memory_space<hbm>>
        %dma_start3A_221 = tpu.memref_squeeze %dma_start3A_220 : memref<1x4x128xi32, #tpu.memory_space<hbm>> -> memref<4x128xi32, #tpu.memory_space<hbm>>
        tpu.enqueue_dma source(%dma_start3A_221 : memref<4x128xi32, #tpu.memory_space<hbm>>) target(%dma_start3A_218 : memref<4x128xi32, #tpu.memory_space<vmem>>) target_semaphore(%arg15 : memref<!tpu.dma_semaphore, #tpu.memory_space<semaphore_mem>>)
        %add3A_222 = arith.constant 12 : i32
        %add3A_223 = arith.addi %mul3A_46, %add3A_222 : i32
        %dma_start3A_224 = arith.constant 1 : i32
        %dma_start3A_225 = arith.constant 0 : i32
        %dma_start3A_226 = arith.constant 0 : i32
        %dma_start3A_227 = tpu.memref_slice %arg8[%dma_start3A_224, %dma_start3A_225, %dma_start3A_226] : memref<2x4x128xi32, #tpu.memory_space<vmem>> -> memref<1x4x128xi32, #tpu.memory_space<vmem>>
        %dma_start3A_228 = tpu.memref_squeeze %dma_start3A_227 : memref<1x4x128xi32, #tpu.memory_space<vmem>> -> memref<4x128xi32, #tpu.memory_space<vmem>>
        %dma_start3A_229 = arith.constant 0 : i32
        %dma_start3A_230 = tpu.memref_slice %arg4[%add3A, %add3A_223, %dma_start3A_229] : memref<32x84x128xi32, #tpu.memory_space<hbm>> -> memref<1x4x128xi32, #tpu.memory_space<hbm>>
        %dma_start3A_231 = tpu.memref_squeeze %dma_start3A_230 : memref<1x4x128xi32, #tpu.memory_space<hbm>> -> memref<4x128xi32, #tpu.memory_space<hbm>>
        %dma_start3A_232 = arith.constant 0 : i32
        %dma_start3A_233 = arith.constant 0 : i32
        %dma_start3A_234 = tpu.memref_slice %arg8[%dma_start3A_224, %dma_start3A_232, %dma_start3A_233] : memref<2x4x128xi32, #tpu.memory_space<vmem>> -> memref<1x4x128xi32, #tpu.memory_space<vmem>>
        %dma_start3A_235 = tpu.memref_squeeze %dma_start3A_234 : memref<1x4x128xi32, #tpu.memory_space<vmem>> -> memref<4x128xi32, #tpu.memory_space<vmem>>
        %dma_start3A_236 = arith.constant 0 : i32
        %dma_start3A_237 = tpu.memref_slice %arg4[%add3A, %add3A_223, %dma_start3A_236] : memref<32x84x128xi32, #tpu.memory_space<hbm>> -> memref<1x4x128xi32, #tpu.memory_space<hbm>>
        %dma_start3A_238 = tpu.memref_squeeze %dma_start3A_237 : memref<1x4x128xi32, #tpu.memory_space<hbm>> -> memref<4x128xi32, #tpu.memory_space<hbm>>
        tpu.enqueue_dma source(%dma_start3A_238 : memref<4x128xi32, #tpu.memory_space<hbm>>) target(%dma_start3A_235 : memref<4x128xi32, #tpu.memory_space<vmem>>) target_semaphore(%arg15 : memref<!tpu.dma_semaphore, #tpu.memory_space<semaphore_mem>>)
      } else {
      }
    }
    %scan3A_19 = arith.constant 10 : i32
    %run_scoped3A_20 = arith.constant 0 : i32
    "tpu.region"() ({
      %run_scoped3A_44 = tpu.sem_alloc : memref<!tpu.dma_semaphore, #tpu.memory_space<semaphore_mem>>
      %dma_start3A_45 = arith.constant 0 : i32
      %dma_start3A_46 = arith.constant 0 : i32
      %dma_start3A_47 = tpu.memref_slice %arg7[%run_scoped3A_20, %dma_start3A_45, %dma_start3A_46] : memref<2x4x128xi32, #tpu.memory_space<vmem>> -> memref<1x4x128xi32, #tpu.memory_space<vmem>>
      %dma_start3A_48 = tpu.memref_squeeze %dma_start3A_47 : memref<1x4x128xi32, #tpu.memory_space<vmem>> -> memref<4x128xi32, #tpu.memory_space<vmem>>
      %dma_start3A_49 = arith.constant 80 : i32
      %dma_start3A_50 = arith.constant 0 : i32
      %dma_start3A_51 = tpu.memref_slice %arg3[%add3A, %dma_start3A_49, %dma_start3A_50] : memref<32x84x128xi32, #tpu.memory_space<hbm>> -> memref<1x4x128xi32, #tpu.memory_space<hbm>>
      %dma_start3A_52 = tpu.memref_squeeze %dma_start3A_51 : memref<1x4x128xi32, #tpu.memory_space<hbm>> -> memref<4x128xi32, #tpu.memory_space<hbm>>
      %dma_start3A_53 = arith.constant 0 : i32
      %dma_start3A_54 = arith.constant 0 : i32
      %dma_start3A_55 = tpu.memref_slice %arg7[%run_scoped3A_20, %dma_start3A_53, %dma_start3A_54] : memref<2x4x128xi32, #tpu.memory_space<vmem>> -> memref<1x4x128xi32, #tpu.memory_space<vmem>>
      %dma_start3A_56 = tpu.memref_squeeze %dma_start3A_55 : memref<1x4x128xi32, #tpu.memory_space<vmem>> -> memref<4x128xi32, #tpu.memory_space<vmem>>
      %dma_start3A_57 = arith.constant 80 : i32
      %dma_start3A_58 = arith.constant 0 : i32
      %dma_start3A_59 = tpu.memref_slice %arg3[%add3A, %dma_start3A_57, %dma_start3A_58] : memref<32x84x128xi32, #tpu.memory_space<hbm>> -> memref<1x4x128xi32, #tpu.memory_space<hbm>>
      %dma_start3A_60 = tpu.memref_squeeze %dma_start3A_59 : memref<1x4x128xi32, #tpu.memory_space<hbm>> -> memref<4x128xi32, #tpu.memory_space<hbm>>
      tpu.enqueue_dma source(%dma_start3A_60 : memref<4x128xi32, #tpu.memory_space<hbm>>) target(%dma_start3A_56 : memref<4x128xi32, #tpu.memory_space<vmem>>) target_semaphore(%run_scoped3A_44 : memref<!tpu.dma_semaphore, #tpu.memory_space<semaphore_mem>>)
      %dma_wait3A_61 = arith.constant 0 : i32
      %dma_wait3A_62 = arith.constant 0 : i32
      %dma_wait3A_63 = tpu.memref_slice %arg7[%run_scoped3A_20, %dma_wait3A_61, %dma_wait3A_62] : memref<2x4x128xi32, #tpu.memory_space<vmem>> -> memref<1x4x128xi32, #tpu.memory_space<vmem>>
      %dma_wait3A_64 = tpu.memref_squeeze %dma_wait3A_63 : memref<1x4x128xi32, #tpu.memory_space<vmem>> -> memref<4x128xi32, #tpu.memory_space<vmem>>
      %dma_wait3A_65 = arith.constant 80 : i32
      %dma_wait3A_66 = arith.constant 0 : i32
      %dma_wait3A_67 = tpu.memref_slice %arg3[%add3A, %dma_wait3A_65, %dma_wait3A_66] : memref<32x84x128xi32, #tpu.memory_space<hbm>> -> memref<1x4x128xi32, #tpu.memory_space<hbm>>
      %dma_wait3A_68 = tpu.memref_squeeze %dma_wait3A_67 : memref<1x4x128xi32, #tpu.memory_space<hbm>> -> memref<4x128xi32, #tpu.memory_space<hbm>>
      %dma_wait3A_69 = arith.constant 0 : i32
      %dma_wait3A_70 = arith.constant 0 : i32
      %dma_wait3A_71 = tpu.memref_slice %arg7[%run_scoped3A_20, %dma_wait3A_69, %dma_wait3A_70] : memref<2x4x128xi32, #tpu.memory_space<vmem>> -> memref<1x4x128xi32, #tpu.memory_space<vmem>>
      %dma_wait3A_72 = tpu.memref_squeeze %dma_wait3A_71 : memref<1x4x128xi32, #tpu.memory_space<vmem>> -> memref<4x128xi32, #tpu.memory_space<vmem>>
      %dma_wait3A_73 = arith.constant 80 : i32
      %dma_wait3A_74 = arith.constant 0 : i32
      %dma_wait3A_75 = tpu.memref_slice %arg3[%add3A, %dma_wait3A_73, %dma_wait3A_74] : memref<32x84x128xi32, #tpu.memory_space<hbm>> -> memref<1x4x128xi32, #tpu.memory_space<hbm>>
      %dma_wait3A_76 = tpu.memref_squeeze %dma_wait3A_75 : memref<1x4x128xi32, #tpu.memory_space<hbm>> -> memref<4x128xi32, #tpu.memory_space<hbm>>
      tpu.wait_dma2 semaphore(%run_scoped3A_44 : memref<!tpu.dma_semaphore, #tpu.memory_space<semaphore_mem>>) src(%dma_wait3A_76 : memref<4x128xi32, #tpu.memory_space<hbm>>) dst(%dma_wait3A_72 : memref<4x128xi32, #tpu.memory_space<vmem>>)
      tpu.yield
    }) : () -> ()
    %run_scoped3A_21 = arith.constant 0 : i32
    "tpu.region"() ({
      %run_scoped3A_44 = tpu.sem_alloc : memref<!tpu.dma_semaphore, #tpu.memory_space<semaphore_mem>>
      %dma_start3A_45 = arith.constant 0 : i32
      %dma_start3A_46 = arith.constant 0 : i32
      %dma_start3A_47 = tpu.memref_slice %arg8[%run_scoped3A_21, %dma_start3A_45, %dma_start3A_46] : memref<2x4x128xi32, #tpu.memory_space<vmem>> -> memref<1x4x128xi32, #tpu.memory_space<vmem>>
      %dma_start3A_48 = tpu.memref_squeeze %dma_start3A_47 : memref<1x4x128xi32, #tpu.memory_space<vmem>> -> memref<4x128xi32, #tpu.memory_space<vmem>>
      %dma_start3A_49 = arith.constant 80 : i32
      %dma_start3A_50 = arith.constant 0 : i32
      %dma_start3A_51 = tpu.memref_slice %arg4[%add3A, %dma_start3A_49, %dma_start3A_50] : memref<32x84x128xi32, #tpu.memory_space<hbm>> -> memref<1x4x128xi32, #tpu.memory_space<hbm>>
      %dma_start3A_52 = tpu.memref_squeeze %dma_start3A_51 : memref<1x4x128xi32, #tpu.memory_space<hbm>> -> memref<4x128xi32, #tpu.memory_space<hbm>>
      %dma_start3A_53 = arith.constant 0 : i32
      %dma_start3A_54 = arith.constant 0 : i32
      %dma_start3A_55 = tpu.memref_slice %arg8[%run_scoped3A_21, %dma_start3A_53, %dma_start3A_54] : memref<2x4x128xi32, #tpu.memory_space<vmem>> -> memref<1x4x128xi32, #tpu.memory_space<vmem>>
      %dma_start3A_56 = tpu.memref_squeeze %dma_start3A_55 : memref<1x4x128xi32, #tpu.memory_space<vmem>> -> memref<4x128xi32, #tpu.memory_space<vmem>>
      %dma_start3A_57 = arith.constant 80 : i32
      %dma_start3A_58 = arith.constant 0 : i32
      %dma_start3A_59 = tpu.memref_slice %arg4[%add3A, %dma_start3A_57, %dma_start3A_58] : memref<32x84x128xi32, #tpu.memory_space<hbm>> -> memref<1x4x128xi32, #tpu.memory_space<hbm>>
      %dma_start3A_60 = tpu.memref_squeeze %dma_start3A_59 : memref<1x4x128xi32, #tpu.memory_space<hbm>> -> memref<4x128xi32, #tpu.memory_space<hbm>>
      tpu.enqueue_dma source(%dma_start3A_60 : memref<4x128xi32, #tpu.memory_space<hbm>>) target(%dma_start3A_56 : memref<4x128xi32, #tpu.memory_space<vmem>>) target_semaphore(%run_scoped3A_44 : memref<!tpu.dma_semaphore, #tpu.memory_space<semaphore_mem>>)
      %dma_wait3A_61 = arith.constant 0 : i32
      %dma_wait3A_62 = arith.constant 0 : i32
      %dma_wait3A_63 = tpu.memref_slice %arg8[%run_scoped3A_21, %dma_wait3A_61, %dma_wait3A_62] : memref<2x4x128xi32, #tpu.memory_space<vmem>> -> memref<1x4x128xi32, #tpu.memory_space<vmem>>
      %dma_wait3A_64 = tpu.memref_squeeze %dma_wait3A_63 : memref<1x4x128xi32, #tpu.memory_space<vmem>> -> memref<4x128xi32, #tpu.memory_space<vmem>>
      %dma_wait3A_65 = arith.constant 80 : i32
      %dma_wait3A_66 = arith.constant 0 : i32
      %dma_wait3A_67 = tpu.memref_slice %arg4[%add3A, %dma_wait3A_65, %dma_wait3A_66] : memref<32x84x128xi32, #tpu.memory_space<hbm>> -> memref<1x4x128xi32, #tpu.memory_space<hbm>>
      %dma_wait3A_68 = tpu.memref_squeeze %dma_wait3A_67 : memref<1x4x128xi32, #tpu.memory_space<hbm>> -> memref<4x128xi32, #tpu.memory_space<hbm>>
      %dma_wait3A_69 = arith.constant 0 : i32
      %dma_wait3A_70 = arith.constant 0 : i32
      %dma_wait3A_71 = tpu.memref_slice %arg8[%run_scoped3A_21, %dma_wait3A_69, %dma_wait3A_70] : memref<2x4x128xi32, #tpu.memory_space<vmem>> -> memref<1x4x128xi32, #tpu.memory_space<vmem>>
      %dma_wait3A_72 = tpu.memref_squeeze %dma_wait3A_71 : memref<1x4x128xi32, #tpu.memory_space<vmem>> -> memref<4x128xi32, #tpu.memory_space<vmem>>
      %dma_wait3A_73 = arith.constant 80 : i32
      %dma_wait3A_74 = arith.constant 0 : i32
      %dma_wait3A_75 = tpu.memref_slice %arg4[%add3A, %dma_wait3A_73, %dma_wait3A_74] : memref<32x84x128xi32, #tpu.memory_space<hbm>> -> memref<1x4x128xi32, #tpu.memory_space<hbm>>
      %dma_wait3A_76 = tpu.memref_squeeze %dma_wait3A_75 : memref<1x4x128xi32, #tpu.memory_space<hbm>> -> memref<4x128xi32, #tpu.memory_space<hbm>>
      tpu.wait_dma2 semaphore(%run_scoped3A_44 : memref<!tpu.dma_semaphore, #tpu.memory_space<semaphore_mem>>) src(%dma_wait3A_76 : memref<4x128xi32, #tpu.memory_space<hbm>>) dst(%dma_wait3A_72 : memref<4x128xi32, #tpu.memory_space<vmem>>)
      tpu.yield
    }) : () -> ()
    %dma_start3A_22 = arith.constant 0 : i32
    %dma_start3A_23 = arith.constant 0 : i32
    %dma_start3A_24 = arith.constant 0 : i32
    %dma_start3A_25 = tpu.memref_slice %arg7[%dma_start3A_22, %dma_start3A_23, %dma_start3A_24] : memref<2x4x128xi32, #tpu.memory_space<vmem>> -> memref<1x1x128xi32, #tpu.memory_space<vmem>>
    %dma_start3A_26 = tpu.memref_squeeze %dma_start3A_25 : memref<1x1x128xi32, #tpu.memory_space<vmem>> -> memref<128xi32, #tpu.memory_space<vmem>>
    %dma_start3A_27 = arith.constant 0 : i32
    %dma_start3A_28 = arith.constant 0 : i32
    %dma_start3A_29 = tpu.memref_slice %arg2[%dma_start3A_27, %dma_start3A_28] : memref<10240x128xf32, #tpu.memory_space<hbm>> -> memref<10240x128xf32, #tpu.memory_space<hbm>>
    tpu.enqueue_indirect_dma source(%dma_start3A_29 : memref<10240x128xf32, #tpu.memory_space<hbm>>) target(%arg9 : memref<128x128xf32, #tpu.memory_space<vmem>>) offsets(%dma_start3A_26 : memref<128xi32, #tpu.memory_space<vmem>>) semaphore(%arg12 : memref<!tpu.dma_semaphore, #tpu.memory_space<semaphore_mem>>)
    %dma_wait3A = arith.constant 0 : i32
    %dma_wait3A_30 = arith.constant 0 : i32
    %dma_wait3A_31 = arith.constant 0 : i32
    %dma_wait3A_32 = tpu.memref_slice %arg7[%dma_wait3A, %dma_wait3A_30, %dma_wait3A_31] : memref<2x4x128xi32, #tpu.memory_space<vmem>> -> memref<1x1x128xi32, #tpu.memory_space<vmem>>
    %dma_wait3A_33 = tpu.memref_squeeze %dma_wait3A_32 : memref<1x1x128xi32, #tpu.memory_space<vmem>> -> memref<128xi32, #tpu.memory_space<vmem>>
    %dma_wait3A_34 = arith.constant 0 : i32
    %dma_wait3A_35 = arith.constant 0 : i32
    %dma_wait3A_36 = tpu.memref_slice %arg2[%dma_wait3A_34, %dma_wait3A_35] : memref<10240x128xf32, #tpu.memory_space<hbm>> -> memref<10240x128xf32, #tpu.memory_space<hbm>>
    tpu.wait_indirect_dma semaphore(%arg12 : memref<!tpu.dma_semaphore, #tpu.memory_space<semaphore_mem>>) src(%dma_wait3A_36 : memref<10240x128xf32, #tpu.memory_space<hbm>>) dst(%arg9 : memref<128x128xf32, #tpu.memory_space<vmem>>)
    %run_scoped3A_37 = arith.constant 0 : i32
    %run_scoped3A_38 = arith.constant 0 : i32
    "tpu.region"() ({
      %run_scoped3A_44 = tpu.sem_alloc : memref<!tpu.dma_semaphore, #tpu.memory_space<semaphore_mem>>
      %dma_start3A_45 = arith.constant 0 : i32
      %dma_start3A_46 = tpu.memref_slice %arg8[%run_scoped3A_37, %run_scoped3A_38, %dma_start3A_45] : memref<2x4x128xi32, #tpu.memory_space<vmem>> -> memref<1x1x128xi32, #tpu.memory_space<vmem>>
      %dma_start3A_47 = tpu.memref_squeeze %dma_start3A_46 : memref<1x1x128xi32, #tpu.memory_space<vmem>> -> memref<128xi32, #tpu.memory_space<vmem>>
      %dma_start3A_48 = arith.constant 0 : i32
      %dma_start3A_49 = arith.constant 0 : i32
      %dma_start3A_50 = tpu.memref_slice %arg11[%dma_start3A_48, %dma_start3A_49] : memref<10240x128xf32, #tpu.memory_space<vmem_shared>> -> memref<10240x128xf32, #tpu.memory_space<vmem_shared>>
      tpu.enqueue_indirect_dma source(%arg9 : memref<128x128xf32, #tpu.memory_space<vmem>>) target(%dma_start3A_50 : memref<10240x128xf32, #tpu.memory_space<vmem_shared>>) offsets(%dma_start3A_47 : memref<128xi32, #tpu.memory_space<vmem>>) semaphore(%run_scoped3A_44 : memref<!tpu.dma_semaphore, #tpu.memory_space<semaphore_mem>>) {add = true}
      %dma_wait3A_51 = arith.constant 0 : i32
      %dma_wait3A_52 = tpu.memref_slice %arg8[%run_scoped3A_37, %run_scoped3A_38, %dma_wait3A_51] : memref<2x4x128xi32, #tpu.memory_space<vmem>> -> memref<1x1x128xi32, #tpu.memory_space<vmem>>
      %dma_wait3A_53 = tpu.memref_squeeze %dma_wait3A_52 : memref<1x1x128xi32, #tpu.memory_space<vmem>> -> memref<128xi32, #tpu.memory_space<vmem>>
      %dma_wait3A_54 = arith.constant 0 : i32
      %dma_wait3A_55 = arith.constant 0 : i32
      %dma_wait3A_56 = tpu.memref_slice %arg11[%dma_wait3A_54, %dma_wait3A_55] : memref<10240x128xf32, #tpu.memory_space<vmem_shared>> -> memref<10240x128xf32, #tpu.memory_space<vmem_shared>>
      tpu.wait_indirect_dma semaphore(%run_scoped3A_44 : memref<!tpu.dma_semaphore, #tpu.memory_space<semaphore_mem>>) src(%arg9 : memref<128x128xf32, #tpu.memory_space<vmem>>) dst(%dma_wait3A_56 : memref<10240x128xf32, #tpu.memory_space<vmem_shared>>)
      tpu.yield
    }) : () -> ()
    %barrier3A_39 = arith.constant 0 : index
    tpu.barrier barrier_id(%barrier3A_39)
    %mul3A_40 = arith.constant 640 : i32
    %mul3A_41 = arith.muli %arg1, %mul3A_40 : i32
    %mul3A_42 = arith.constant 640 : i32
    %mul3A_43 = arith.muli %arg1, %mul3A_42 : i32
    "tpu.region"() ({
      %run_scoped3A_44 = tpu.sem_alloc : memref<!tpu.dma_semaphore, #tpu.memory_space<semaphore_mem>>
      %dma_start3A_45 = arith.constant 0 : i32
      %dma_start3A_46 = tpu.memref_slice %arg6[%arg0, %mul3A_43, %dma_start3A_45] : memref<2x10240x128xf32, #tpu.memory_space<hbm>> -> memref<1x640x128xf32, #tpu.memory_space<hbm>>
      %dma_start3A_47 = tpu.memref_squeeze %dma_start3A_46 : memref<1x640x128xf32, #tpu.memory_space<hbm>> -> memref<640x128xf32, #tpu.memory_space<hbm>>
      %dma_start3A_48 = arith.constant 0 : i32
      %dma_start3A_49 = tpu.memref_slice %arg11[%mul3A_41, %dma_start3A_48] : memref<10240x128xf32, #tpu.memory_space<vmem_shared>> -> memref<640x128xf32, #tpu.memory_space<vmem_shared>>
      tpu.enqueue_dma source(%dma_start3A_49 : memref<640x128xf32, #tpu.memory_space<vmem_shared>>) target(%dma_start3A_47 : memref<640x128xf32, #tpu.memory_space<hbm>>) target_semaphore(%run_scoped3A_44 : memref<!tpu.dma_semaphore, #tpu.memory_space<semaphore_mem>>)
      %dma_wait3A_50 = arith.constant 0 : i32
      %dma_wait3A_51 = tpu.memref_slice %arg6[%arg0, %mul3A_43, %dma_wait3A_50] : memref<2x10240x128xf32, #tpu.memory_space<hbm>> -> memref<1x640x128xf32, #tpu.memory_space<hbm>>
      %dma_wait3A_52 = tpu.memref_squeeze %dma_wait3A_51 : memref<1x640x128xf32, #tpu.memory_space<hbm>> -> memref<640x128xf32, #tpu.memory_space<hbm>>
      %dma_wait3A_53 = arith.constant 0 : i32
      %dma_wait3A_54 = tpu.memref_slice %arg11[%mul3A_41, %dma_wait3A_53] : memref<10240x128xf32, #tpu.memory_space<vmem_shared>> -> memref<640x128xf32, #tpu.memory_space<vmem_shared>>
      tpu.wait_dma2 semaphore(%run_scoped3A_44 : memref<!tpu.dma_semaphore, #tpu.memory_space<semaphore_mem>>) src(%dma_wait3A_54 : memref<640x128xf32, #tpu.memory_space<vmem_shared>>) dst(%dma_wait3A_52 : memref<640x128xf32, #tpu.memory_space<hbm>>)
      tpu.yield
    }) : () -> ()
    return
  }
}

module attributes {stable_mosaic.version = 14 : i64} {
  func.func @body(%arg0: i32, %arg1: memref<2x512x128xf32, #tpu.memory_space<vmem>>, %arg2: memref<512x128xf32, #tpu.memory_space<vmem>>, %arg3: memref<1x128xf32, #tpu.memory_space<vmem>>, %arg4: memref<128x128xf32, #tpu.memory_space<vmem>>, %arg5: memref<512x128xf32, #tpu.memory_space<vmem>>) attributes {dimension_semantics = [#tpu.dimension_semantics<arbitrary>], iteration_bounds = array<i64: 20>, scalar_prefetch = 0 : i64, scratch_operands = 0 : i64, tpu.core_type = #tpu.core_type<tc>, window_params = [{transform_indices = @transform_0, window_bounds = array<i64: 2, 512, 128>}, {transform_indices = @transform_1, window_bounds = array<i64: 512, 128>}, {pipeline_mode = #tpu.pipeline_mode<synchronous>, transform_indices = @transform_2, window_bounds = array<i64: 1, 128>}, {pipeline_mode = #tpu.pipeline_mode<synchronous>, transform_indices = @transform_3, window_bounds = array<i64: 128, 128>}, {transform_indices = @transform_4, window_bounds = array<i64: 512, 128>}]} {
    %get3A = arith.constant 0 : index
    %get3A_0 = arith.constant 0 : index
    %get3A_1 = arith.constant 0 : index
    %get3A_2 = vector.load %arg1[%get3A, %get3A_0, %get3A_1] : memref<2x512x128xf32, #tpu.memory_space<vmem>>, vector<2x512x128xf32>
    %get3A_3 = arith.constant 0 : index
    %get3A_4 = arith.constant 0 : index
    %get3A_5 = vector.load %arg2[%get3A_3, %get3A_4] : memref<512x128xf32, #tpu.memory_space<vmem>>, vector<512x128xf32>
    %slice3A = vector.extract_strided_slice %get3A_2 {offsets = [0, 0, 0], sizes = [1, 512, 128], strides = [1, 1, 1]} : vector<2x512x128xf32> to vector<1x512x128xf32>
    %squeeze3A = vector.shape_cast %slice3A : vector<1x512x128xf32> to vector<512x128xf32>
    %slice3A_6 = vector.extract_strided_slice %get3A_2 {offsets = [1, 0, 0], sizes = [1, 512, 128], strides = [1, 1, 1]} : vector<2x512x128xf32> to vector<1x512x128xf32>
    %squeeze3A_7 = vector.shape_cast %slice3A_6 : vector<1x512x128xf32> to vector<512x128xf32>
    %add3A = arith.addf %squeeze3A, %squeeze3A_7 : vector<512x128xf32>
    %mul3A = arith.mulf %get3A_5, %add3A : vector<512x128xf32>
    %get3A_8 = arith.constant 0 : index
    %get3A_9 = arith.constant 0 : index
    %get3A_10 = vector.load %arg3[%get3A_8, %get3A_9] : memref<1x128xf32, #tpu.memory_space<vmem>>, vector<1x128xf32>
    %add3A_11 = vector.broadcast %get3A_10 : vector<1x128xf32> to vector<512x128xf32>
    %add3A_12 = arith.addf %mul3A, %add3A_11 : vector<512x128xf32>
    %max3A = arith.constant 0.000000e+00 : f32
    %max3A_13 = vector.broadcast %max3A : f32 to vector<512x128xf32>
    %max3A_14 = arith.maximumf %add3A_12, %max3A_13 : vector<512x128xf32>
    %get3A_15 = arith.constant 0 : index
    %get3A_16 = arith.constant 0 : index
    %get3A_17 = vector.load %arg4[%get3A_15, %get3A_16] : memref<128x128xf32, #tpu.memory_space<vmem>>, vector<128x128xf32>
    %dot_general3A = arith.constant dense<0.000000e+00> : vector<512x128xf32>
    %dot_general3A_18 = tpu.matmul %max3A_14, %get3A_17, %dot_general3A {dimension_numbers = #tpu.dot_dimension_numbers<[1], [0], [0], [1], [0, 0, 1, 1], [], []>, precision = #tpu.contract_precision<fp32>, transpose_lhs_hint = false} : vector<512x128xf32>, vector<128x128xf32>, vector<512x128xf32> -> vector<512x128xf32>
    %mul3A_19 = arith.mulf %get3A_5, %dot_general3A_18 : vector<512x128xf32>
    %swap3A = arith.constant 0 : index
    %swap3A_20 = arith.constant 0 : index
    %swap3A_21 = vector.load %arg5[%swap3A, %swap3A_20] : memref<512x128xf32, #tpu.memory_space<vmem>>, vector<512x128xf32>
    tpu.vector_store %arg5[%swap3A, %swap3A_20], %mul3A_19 {strides = array<i32>} : memref<512x128xf32, #tpu.memory_space<vmem>>, vector<512x128xf32>,
    return
  }
  func.func @transform_0(%arg0: i32) -> (i32, i32, i32) {
    %c0_i32 = arith.constant 0 : i32
    %c0_i32_0 = arith.constant 0 : i32
    %c0_i32_1 = arith.constant 0 : i32
    return %c0_i32, %arg0, %c0_i32_0 : i32, i32, i32
  }
  func.func @transform_1(%arg0: i32) -> (i32, i32) {
    %c0_i32 = arith.constant 0 : i32
    %c0_i32_0 = arith.constant 0 : i32
    return %arg0, %c0_i32 : i32, i32
  }
  func.func @transform_2(%arg0: i32) -> (i32, i32) {
    %c0_i32 = arith.constant 0 : i32
    %c0_i32_0 = arith.constant 0 : i32
    %c0_i32_1 = arith.constant 0 : i32
    return %c0_i32, %c0_i32_0 : i32, i32
  }
  func.func @transform_3(%arg0: i32) -> (i32, i32) {
    %c0_i32 = arith.constant 0 : i32
    %c0_i32_0 = arith.constant 0 : i32
    %c0_i32_1 = arith.constant 0 : i32
    return %c0_i32, %c0_i32_0 : i32, i32
  }
  func.func @transform_4(%arg0: i32) -> (i32, i32) {
    %c0_i32 = arith.constant 0 : i32
    %c0_i32_0 = arith.constant 0 : i32
    return %arg0, %c0_i32 : i32, i32
  }
}

module attributes {stable_mosaic.version = 14 : i64} {
  func.func @body(%arg0: i32, %arg1: memref<2x512x128xf32, #tpu.memory_space<vmem>>, %arg2: memref<512x128xf32, #tpu.memory_space<vmem>>, %arg3: memref<128x128xf32, #tpu.memory_space<vmem>>, %arg4: memref<512x128xf32, #tpu.memory_space<vmem>>, %arg5: memref<512x128xf32, #tpu.memory_space<vmem>>) attributes {dimension_semantics = [#tpu.dimension_semantics<arbitrary>], iteration_bounds = array<i64: 20>, scalar_prefetch = 0 : i64, scratch_operands = 0 : i64, tpu.core_type = #tpu.core_type<tc>, window_params = [{transform_indices = @transform_0, window_bounds = array<i64: 2, 512, 128>}, {transform_indices = @transform_1, window_bounds = array<i64: 512, 128>}, {pipeline_mode = #tpu.pipeline_mode<synchronous>, transform_indices = @transform_2, window_bounds = array<i64: 128, 128>}, {transform_indices = @transform_3, window_bounds = array<i64: 512, 128>}, {transform_indices = @transform_4, window_bounds = array<i64: 512, 128>}]} {
    %get3A = arith.constant 0 : index
    %get3A_0 = arith.constant 0 : index
    %get3A_1 = arith.constant 0 : index
    %get3A_2 = vector.load %arg1[%get3A, %get3A_0, %get3A_1] : memref<2x512x128xf32, #tpu.memory_space<vmem>>, vector<2x512x128xf32>
    %slice3A = vector.extract_strided_slice %get3A_2 {offsets = [0, 0, 0], sizes = [1, 512, 1], strides = [1, 1, 1]} : vector<2x512x128xf32> to vector<1x512x1xf32>
    %squeeze3A = vector.shape_cast %slice3A : vector<1x512x1xf32> to vector<512x1xf32>
    %slice3A_3 = vector.extract_strided_slice %get3A_2 {offsets = [1, 0, 0], sizes = [1, 512, 1], strides = [1, 1, 1]} : vector<2x512x128xf32> to vector<1x512x1xf32>
    %squeeze3A_4 = vector.shape_cast %slice3A_3 : vector<1x512x1xf32> to vector<512x1xf32>
    %add3A = arith.addf %squeeze3A, %squeeze3A_4 : vector<512x1xf32>
    %gt3A = arith.constant 0.000000e+00 : f32
    %gt3A_5 = vector.broadcast %gt3A : f32 to vector<512x1xf32>
    %gt3A_6 = arith.cmpf ogt, %add3A, %gt3A_5 : vector<512x1xf32>
    %max3A = arith.constant 1.000000e+00 : f32
    %max3A_7 = vector.broadcast %max3A : f32 to vector<512x1xf32>
    %max3A_8 = arith.maximumf %add3A, %max3A_7 : vector<512x1xf32>
    %sqrt3A = math.sqrt %max3A_8 : vector<512x1xf32>
    %div3A = arith.constant 1.000000e+00 : f32
    %div3A_9 = vector.broadcast %div3A : f32 to vector<512x1xf32>
    %div3A_10 = arith.divf %div3A_9, %sqrt3A : vector<512x1xf32>
    %jit3A = arith.constant 0.000000e+00 : f32
    %broadcast_in_dim3A = vector.broadcast %jit3A : f32 to vector<512x1xf32>
    %select_n3A = arith.select %gt3A_6, %div3A_10, %broadcast_in_dim3A : vector<512x1xi1>, vector<512x1xf32>
    %broadcast_in_dim3A_11 = vector.shape_cast %select_n3A : vector<512x1xf32> to vector<512x1xf32>
    %broadcast_in_dim3A_12 = vector.broadcast %broadcast_in_dim3A_11 : vector<512x1xf32> to vector<512x128xf32>
    %swap3A = arith.constant 0 : index
    %swap3A_13 = arith.constant 0 : index
    %swap3A_14 = vector.load %arg4[%swap3A, %swap3A_13] : memref<512x128xf32, #tpu.memory_space<vmem>>, vector<512x128xf32>
    tpu.vector_store %arg4[%swap3A, %swap3A_13], %broadcast_in_dim3A_12 {strides = array<i32>} : memref<512x128xf32, #tpu.memory_space<vmem>>, vector<512x128xf32>,
    %get3A_15 = arith.constant 0 : index
    %get3A_16 = arith.constant 0 : index
    %get3A_17 = vector.load %arg2[%get3A_15, %get3A_16] : memref<512x128xf32, #tpu.memory_space<vmem>>, vector<512x128xf32>
    %get3A_18 = arith.constant 0 : index
    %get3A_19 = arith.constant 0 : index
    %get3A_20 = vector.load %arg3[%get3A_18, %get3A_19] : memref<128x128xf32, #tpu.memory_space<vmem>>, vector<128x128xf32>
    %dot_general3A = arith.constant dense<0.000000e+00> : vector<512x128xf32>
    %dot_general3A_21 = tpu.matmul %get3A_17, %get3A_20, %dot_general3A {dimension_numbers = #tpu.dot_dimension_numbers<[1], [0], [0], [1], [0, 0, 1, 1], [], []>, precision = #tpu.contract_precision<fp32>, transpose_lhs_hint = false} : vector<512x128xf32>, vector<128x128xf32>, vector<512x128xf32> -> vector<512x128xf32>
    %mul3A = arith.mulf %broadcast_in_dim3A_12, %dot_general3A_21 : vector<512x128xf32>
    %swap3A_22 = arith.constant 0 : index
    %swap3A_23 = arith.constant 0 : index
    %swap3A_24 = vector.load %arg5[%swap3A_22, %swap3A_23] : memref<512x128xf32, #tpu.memory_space<vmem>>, vector<512x128xf32>
    tpu.vector_store %arg5[%swap3A_22, %swap3A_23], %mul3A {strides = array<i32>} : memref<512x128xf32, #tpu.memory_space<vmem>>, vector<512x128xf32>,
    return
  }
  func.func @transform_0(%arg0: i32) -> (i32, i32, i32) {
    %c0_i32 = arith.constant 0 : i32
    %c0_i32_0 = arith.constant 0 : i32
    %c0_i32_1 = arith.constant 0 : i32
    return %c0_i32, %arg0, %c0_i32_0 : i32, i32, i32
  }
  func.func @transform_1(%arg0: i32) -> (i32, i32) {
    %c0_i32 = arith.constant 0 : i32
    %c0_i32_0 = arith.constant 0 : i32
    return %arg0, %c0_i32 : i32, i32
  }
  func.func @transform_2(%arg0: i32) -> (i32, i32) {
    %c0_i32 = arith.constant 0 : i32
    %c0_i32_0 = arith.constant 0 : i32
    %c0_i32_1 = arith.constant 0 : i32
    return %c0_i32, %c0_i32_0 : i32, i32
  }
  func.func @transform_3(%arg0: i32) -> (i32, i32) {
    %c0_i32 = arith.constant 0 : i32
    %c0_i32_0 = arith.constant 0 : i32
    return %arg0, %c0_i32 : i32, i32
  }
  func.func @transform_4(%arg0: i32) -> (i32, i32) {
    %c0_i32 = arith.constant 0 : i32
    %c0_i32_0 = arith.constant 0 : i32
    return %arg0, %c0_i32 : i32, i32
  }
}

module attributes {stable_mosaic.version = 14 : i64} {
  func.func @body(%arg0: i32, %arg1: memref<2x1000x128xf32, #tpu.memory_space<vmem>>, %arg2: memref<1000x128xf32, #tpu.memory_space<vmem>>, %arg3: memref<1x128xf32, #tpu.memory_space<vmem>>, %arg4: memref<128x256xf32, #tpu.memory_space<vmem>>, %arg5: memref<1x256xf32, #tpu.memory_space<vmem>>, %arg6: memref<256x40xf32, #tpu.memory_space<vmem>>, %arg7: memref<1x40xf32, #tpu.memory_space<vmem>>, %arg8: memref<1000x40xf32, #tpu.memory_space<vmem>>) attributes {dimension_semantics = [#tpu.dimension_semantics<arbitrary>], iteration_bounds = array<i64: 10>, scalar_prefetch = 0 : i64, scratch_operands = 0 : i64, tpu.core_type = #tpu.core_type<tc>, window_params = [{transform_indices = @transform_0, window_bounds = array<i64: 2, 1000, 128>}, {transform_indices = @transform_1, window_bounds = array<i64: 1000, 128>}, {pipeline_mode = #tpu.pipeline_mode<synchronous>, transform_indices = @transform_2, window_bounds = array<i64: 1, 128>}, {pipeline_mode = #tpu.pipeline_mode<synchronous>, transform_indices = @transform_3, window_bounds = array<i64: 128, 256>}, {pipeline_mode = #tpu.pipeline_mode<synchronous>, transform_indices = @transform_4, window_bounds = array<i64: 1, 256>}, {pipeline_mode = #tpu.pipeline_mode<synchronous>, transform_indices = @transform_5, window_bounds = array<i64: 256, 40>}, {pipeline_mode = #tpu.pipeline_mode<synchronous>, transform_indices = @transform_6, window_bounds = array<i64: 1, 40>}, {transform_indices = @transform_7, window_bounds = array<i64: 1000, 40>}]} {
    %get3A = arith.constant 0 : index
    %get3A_0 = arith.constant 0 : index
    %get3A_1 = arith.constant 0 : index
    %get3A_2 = vector.load %arg1[%get3A, %get3A_0, %get3A_1] : memref<2x1000x128xf32, #tpu.memory_space<vmem>>, vector<2x1000x128xf32>
    %get3A_3 = arith.constant 0 : index
    %get3A_4 = arith.constant 0 : index
    %get3A_5 = vector.load %arg2[%get3A_3, %get3A_4] : memref<1000x128xf32, #tpu.memory_space<vmem>>, vector<1000x128xf32>
    %slice3A = vector.extract_strided_slice %get3A_2 {offsets = [0, 0, 0], sizes = [1, 1000, 128], strides = [1, 1, 1]} : vector<2x1000x128xf32> to vector<1x1000x128xf32>
    %squeeze3A = vector.shape_cast %slice3A : vector<1x1000x128xf32> to vector<1000x128xf32>
    %slice3A_6 = vector.extract_strided_slice %get3A_2 {offsets = [1, 0, 0], sizes = [1, 1000, 128], strides = [1, 1, 1]} : vector<2x1000x128xf32> to vector<1x1000x128xf32>
    %squeeze3A_7 = vector.shape_cast %slice3A_6 : vector<1x1000x128xf32> to vector<1000x128xf32>
    %add3A = arith.addf %squeeze3A, %squeeze3A_7 : vector<1000x128xf32>
    %mul3A = arith.mulf %get3A_5, %add3A : vector<1000x128xf32>
    %get3A_8 = arith.constant 0 : index
    %get3A_9 = arith.constant 0 : index
    %get3A_10 = vector.load %arg3[%get3A_8, %get3A_9] : memref<1x128xf32, #tpu.memory_space<vmem>>, vector<1x128xf32>
    %add3A_11 = vector.broadcast %get3A_10 : vector<1x128xf32> to vector<1000x128xf32>
    %add3A_12 = arith.addf %mul3A, %add3A_11 : vector<1000x128xf32>
    %max3A = arith.constant 0.000000e+00 : f32
    %max3A_13 = vector.broadcast %max3A : f32 to vector<1000x128xf32>
    %max3A_14 = arith.maximumf %add3A_12, %max3A_13 : vector<1000x128xf32>
    %get3A_15 = arith.constant 0 : index
    %get3A_16 = arith.constant 0 : index
    %get3A_17 = vector.load %arg4[%get3A_15, %get3A_16] : memref<128x256xf32, #tpu.memory_space<vmem>>, vector<128x256xf32>
    %dot_general3A = arith.constant dense<0.000000e+00> : vector<1000x256xf32>
    %dot_general3A_18 = tpu.matmul %max3A_14, %get3A_17, %dot_general3A {dimension_numbers = #tpu.dot_dimension_numbers<[1], [0], [0], [1], [0, 0, 1, 1], [], []>, precision = #tpu.contract_precision<fp32>, transpose_lhs_hint = false} : vector<1000x128xf32>, vector<128x256xf32>, vector<1000x256xf32> -> vector<1000x256xf32>
    %get3A_19 = arith.constant 0 : index
    %get3A_20 = arith.constant 0 : index
    %get3A_21 = vector.load %arg5[%get3A_19, %get3A_20] : memref<1x256xf32, #tpu.memory_space<vmem>>, vector<1x256xf32>
    %add3A_22 = vector.broadcast %get3A_21 : vector<1x256xf32> to vector<1000x256xf32>
    %add3A_23 = arith.addf %dot_general3A_18, %add3A_22 : vector<1000x256xf32>
    %gt3A = arith.constant 0.000000e+00 : f32
    %gt3A_24 = vector.broadcast %gt3A : f32 to vector<1000x256xf32>
    %gt3A_25 = arith.cmpf ogt, %add3A_23, %gt3A_24 : vector<1000x256xf32>
    %min3A = arith.constant 0.000000e+00 : f32
    %min3A_26 = vector.broadcast %min3A : f32 to vector<1000x256xf32>
    %min3A_27 = arith.minimumf %add3A_23, %min3A_26 : vector<1000x256xf32>
    %exp3A = math.exp %min3A_27 : vector<1000x256xf32>
    %sub3A = arith.constant 1.000000e+00 : f32
    %sub3A_28 = vector.broadcast %sub3A : f32 to vector<1000x256xf32>
    %sub3A_29 = arith.subf %exp3A, %sub3A_28 : vector<1000x256xf32>
    %select_n3A = arith.select %gt3A_25, %add3A_23, %sub3A_29 : vector<1000x256xi1>, vector<1000x256xf32>
    %get3A_30 = arith.constant 0 : index
    %get3A_31 = arith.constant 0 : index
    %get3A_32 = vector.load %arg6[%get3A_30, %get3A_31] : memref<256x40xf32, #tpu.memory_space<vmem>>, vector<256x40xf32>
    %dot_general3A_33 = arith.constant dense<0.000000e+00> : vector<1000x40xf32>
    %dot_general3A_34 = tpu.matmul %select_n3A, %get3A_32, %dot_general3A_33 {dimension_numbers = #tpu.dot_dimension_numbers<[1], [0], [0], [1], [0, 0, 1, 1], [], []>, precision = #tpu.contract_precision<fp32>, transpose_lhs_hint = false} : vector<1000x256xf32>, vector<256x40xf32>, vector<1000x40xf32> -> vector<1000x40xf32>
    %get3A_35 = arith.constant 0 : index
    %get3A_36 = arith.constant 0 : index
    %get3A_37 = vector.load %arg7[%get3A_35, %get3A_36] : memref<1x40xf32, #tpu.memory_space<vmem>>, vector<1x40xf32>
    %add3A_38 = vector.broadcast %get3A_37 : vector<1x40xf32> to vector<1000x40xf32>
    %add3A_39 = arith.addf %dot_general3A_34, %add3A_38 : vector<1000x40xf32>
    %reduce_max3A = arith.constant dense<0xFF800000> : vector<1000xf32>
    %reduce_max3A_40 = vector.multi_reduction <maximumf>, %add3A_39, %reduce_max3A [1] : vector<1000x40xf32> to vector<1000xf32>
    %broadcast_in_dim3A = vector.shape_cast %reduce_max3A_40 : vector<1000xf32> to vector<1000x1xf32>
    %sub3A_41 = vector.broadcast %broadcast_in_dim3A : vector<1000x1xf32> to vector<1000x40xf32>
    %sub3A_42 = arith.subf %add3A_39, %sub3A_41 : vector<1000x40xf32>
    %exp3A_43 = math.exp %sub3A_42 : vector<1000x40xf32>
    %reduce_sum3A = arith.constant dense<0.000000e+00> : vector<1000xf32>
    %reduce_sum3A_44 = vector.multi_reduction <add>, %exp3A_43, %reduce_sum3A [1] : vector<1000x40xf32> to vector<1000xf32>
    %broadcast_in_dim3A_45 = vector.shape_cast %reduce_sum3A_44 : vector<1000xf32> to vector<1000x1xf32>
    %log3A = math.log %broadcast_in_dim3A_45 : vector<1000x1xf32>
    %sub3A_46 = vector.broadcast %log3A : vector<1000x1xf32> to vector<1000x40xf32>
    %sub3A_47 = arith.subf %sub3A_42, %sub3A_46 : vector<1000x40xf32>
    %swap3A = arith.constant 0 : index
    %swap3A_48 = arith.constant 0 : index
    %swap3A_49 = vector.load %arg8[%swap3A, %swap3A_48] : memref<1000x40xf32, #tpu.memory_space<vmem>>, vector<1000x40xf32>
    tpu.vector_store %arg8[%swap3A, %swap3A_48], %sub3A_47 {strides = array<i32>} : memref<1000x40xf32, #tpu.memory_space<vmem>>, vector<1000x40xf32>,
    return
  }
  func.func @transform_0(%arg0: i32) -> (i32, i32, i32) {
    %c0_i32 = arith.constant 0 : i32
    %c0_i32_0 = arith.constant 0 : i32
    %c0_i32_1 = arith.constant 0 : i32
    return %c0_i32, %arg0, %c0_i32_0 : i32, i32, i32
  }
  func.func @transform_1(%arg0: i32) -> (i32, i32) {
    %c0_i32 = arith.constant 0 : i32
    %c0_i32_0 = arith.constant 0 : i32
    return %arg0, %c0_i32 : i32, i32
  }
  func.func @transform_2(%arg0: i32) -> (i32, i32) {
    %c0_i32 = arith.constant 0 : i32
    %c0_i32_0 = arith.constant 0 : i32
    %c0_i32_1 = arith.constant 0 : i32
    return %c0_i32, %c0_i32_0 : i32, i32
  }
  func.func @transform_3(%arg0: i32) -> (i32, i32) {
    %c0_i32 = arith.constant 0 : i32
    %c0_i32_0 = arith.constant 0 : i32
    %c0_i32_1 = arith.constant 0 : i32
    return %c0_i32, %c0_i32_0 : i32, i32
  }
  func.func @transform_4(%arg0: i32) -> (i32, i32) {
    %c0_i32 = arith.constant 0 : i32
    %c0_i32_0 = arith.constant 0 : i32
    %c0_i32_1 = arith.constant 0 : i32
    return %c0_i32, %c0_i32_0 : i32, i32
  }
  func.func @transform_5(%arg0: i32) -> (i32, i32) {
    %c0_i32 = arith.constant 0 : i32
    %c0_i32_0 = arith.constant 0 : i32
    %c0_i32_1 = arith.constant 0 : i32
    return %c0_i32, %c0_i32_0 : i32, i32
  }
  func.func @transform_6(%arg0: i32) -> (i32, i32) {
    %c0_i32 = arith.constant 0 : i32
    %c0_i32_0 = arith.constant 0 : i32
    %c0_i32_1 = arith.constant 0 : i32
    return %c0_i32, %c0_i32_0 : i32, i32
  }
  func.func @transform_7(%arg0: i32) -> (i32, i32) {
    %c0_i32 = arith.constant 0 : i32
    %c0_i32_0 = arith.constant 0 : i32
    return %arg0, %c0_i32 : i32, i32
  }
}

</mosaic_0001>

<sc_bundles>
// kernel: kernel.10.cloned.1.call-start
scs
__scs_entry_jumppad:
0x0: {  	(pc) =	sbr.rel $0x88, $3  }
0x1: {  	(tag) =	ssettag $0x0;
	lr =	simm.s32 $0x1  }
0x2: {  	[smem:$0x3F95] =	sst lr;
	_ =	strace $0xD0000000  }
0x3: {  	_ = 	snop  }
0x4: {  	_ = 	snop  }
0x5: {  	_ = 	snop  }
0x6: {  	_ = 	snop  }
0x7: {  	_ = 	snop  }
__scs_overlays_trampoline_lowered:
0x8: {  	[smem:$0x3FA4] =	sst s0  }
0x9: {  	[smem:$0x3FA5] =	sst s1  }
0xa: {  	[smem:$0x3FA6] =	sst s2  }
0xb: {  	[smem:$0x3FA7] =	sst s3  }
0xc: {  	[smem:$0x3FA8] =	sst s4  }
0xd: {  	[smem:$0x3FA9] =	sst s5  }
0xe: {  	[smem:$0x3FAA] =	sst s6  }
0xf: {  	[smem:$0x3FAB] =	sst s7  }
0x10: {  	[smem:$0x3FAC] =	sst s8  }
0x11: {  	[smem:$0x3FAD] =	sst s9;
	s0 =	simm.s32 @!p0 $0x0  }
0x12: {  	s1 =	sld [smem:$0x3F93];
	s0 =	simm.s32 @p0 $0x1  }
0x13: {  	[smem:$0x3FAE] =	sst s0;
	s0 =	simm.s32 @!p1 $0x0  }
0x14: {  	s2 =	sld [smem:$0x3F92];
	s0 =	simm.s32 @p1 $0x1  }
0x15: {  	[smem:$0x3FAF] =	sst s0;
	s0 =	simm.s32 @!p2 $0x0  }
0x16: {  	s3 =	sld [smem:$0x3FDB];
	s0 =	simm.s32 @p2 $0x1  }
0x17: {  	s4 =	simm.s32 $0x1BF5;
	[smem:$0x3FB1] =	sst s0  }
0x18: {  	s0 =	sld [smem:$0x3F94];
	_ =	swait.ge [sflag:s4], $0x0  }
0x19: {  	s7 =	sld [smem:$0x3F95]  }
0x1a: {  	s8 =	sadd.s32 $0xFFFFE003, lr  }
0x1b: {  	s9 =	sadd.s32 $0xFFFFFEF7, lr;
	s5 =	simm.s32 $0xFFFFFFFF;
	p2 =	slt.u32 s8, $0xFFFFF086  }
0x1c: {  	p1 =	slt.u32 s9, $0xF7A;
	s5 =	simm.s32 @!p2 $0x0  }
0x1d: {  	s5 =	simm.s32 @p1 $0x1;
	p0 =	seq.s32 s7, s2  }
0x1e: {  	s7 =	smul.u32 @!p0 $0xF7A, s2;
	p2 =	seq.s32 @!p0 s5, $0x0  }
0x1f: {  	s9 =	smul.u32 $0xF7A, s1;
	s8 =	simm.s32 @!p0 $0x1BF5;
	p2 =	por !p2, p0  }
0x20: {  	[sflag:s8] =	ssyncset.s32 @!p0 $0xFFFFF086;
	s6 =	sadd.s32 @!p0 s3, s7;
	s7 =	simm.s32 @!p0 $0x108  }
0x21: {  	s3 =	sadd.s32 s3, s9;
	s6 =	sadd.s32 @!p0 $0x88, s6;
	s7 =	simm.s32 @p2 $0x1082  }
0x22: {  	[simem:s7], [sflag:s8] =	dma.local @!p0 [hbm:s6], $0xF7A  }
0x23: {  	s9 =	sor.u32 $0xD0000000, s2;
	s6 =	simm.s32 $0x108;
	_ =	swait.ge @!p0 [sflag:s8], $0x0  }
0x24: {  	s3 =	sadd.s32 $0x88, s3;
	s6 =	simm.s32 @!p1 $0x1082;
	[sflag:s4] =	ssyncset.s32 $0xFFFFF086  }
0x25: {  	[simem:s6], [sflag:s4] =	dma.local [hbm:s3], $0xF7A  }
0x26: {  	[smem:$0x3F95] =	sst s1;
	(tag) =	ssettag s2;
	_ =	strace s9  }
0x27: {  	s1 =	sld [smem:$0x3FA5]  }
0x28: {  	s2 =	sld [smem:$0x3FA6]  }
0x29: {  	s4 =	sld [smem:$0x3FA8]  }
0x2a: {  	p0 =	seq.s32 s5, $0x0;
	s5 =	sld [smem:$0x3FA9]  }
0x2b: {  	s6 =	sld [smem:$0x3FAA]  }
0x2c: {  	s7 =	sld [smem:$0x3FAB]  }
0x2d: {  	s3 =	simm.s32 $0x108;
	s8 =	sld [smem:$0x3FAC]  }
0x2e: {  	s3 =	simm.s32 @!p0 $0x1082;
	s9 =	sld [smem:$0x3FAD]  }
0x2f: {  	lr =	sadd.s32 s0, s3;
	s0 =	sld [smem:$0x3FA4]  }
0x30: {  	s3 =	sld [smem:$0x3FA7]  }
0x31: {  	[smem:$0x3FB0] =	sst s10  }
0x32: {  	s10 =	sld [smem:$0x3FAE];
	_ =	sdelay $0x3  }
0x33: {  	p0 =	seq.s32 s10, $0x1;
	s10 =	sld [smem:$0x3FB0];
	_ =	sdelay $0x3  }
0x34: {  	[smem:$0x3FB0] =	sst s10  }
0x35: {  	s10 =	sld [smem:$0x3FAF];
	_ =	sdelay $0x3  }
0x36: {  	p1 =	seq.s32 s10, $0x1;
	s10 =	sld [smem:$0x3FB0];
	_ =	sdelay $0x3  }
0x37: {  	[smem:$0x3FB0] =	sst s10  }
0x38: {  	s10 =	sld [smem:$0x3FB1]  }
0x39: {  	_ = 	snop;
	(pc) =	sbr.ind lr, $3  }
0x3a: {  	_ = 	snop  }
0x3b: {  	_ = 	snop  }
0x3c: {  	p2 =	seq.s32 s10, $0x1;
	s10 =	sld [smem:$0x3FB0]  }
0x3d: {  	_ =	shalt  }
0x3e: {  	_ =	shalt  }
0x3f: {  	_ =	shalt  }
0x40: {  	_ =	shalt  }
0x41: {  	_ =	shalt  }
0x42: {  	_ =	shalt  }
0x43: {  	_ =	shalt  }
0x44: {  	_ =	shalt  }
0x45: {  	_ =	shalt  }
0x46: {  	_ =	shalt  }
0x47: {  	_ =	shalt  }
0x48: {  	_ =	shalt  }
0x49: {  	_ =	shalt  }
0x4a: {  	_ =	shalt  }
0x4b: {  	_ =	shalt  }
0x4c: {  	_ =	shalt  }
0x4d: {  	_ =	shalt  }
0x4e: {  	_ =	shalt  }
0x4f: {  	_ =	shalt  }
0x50: {  	_ =	shalt  }
0x51: {  	_ =	shalt  }
0x52: {  	_ =	shalt  }
0x53: {  	_ =	shalt  }
0x54: {  	_ =	shalt  }
0x55: {  	_ =	shalt  }
0x56: {  	_ =	shalt  }
0x57: {  	_ =	shalt  }
0x58: {  	_ =	shalt  }
0x59: {  	_ =	shalt  }
0x5a: {  	_ =	shalt  }
0x5b: {  	_ =	shalt  }
0x5c: {  	_ =	shalt  }
0x5d: {  	_ =	shalt  }
0x5e: {  	_ =	shalt  }
0x5f: {  	_ =	shalt  }
0x60: {  	_ =	shalt  }
0x61: {  	_ =	shalt  }
0x62: {  	_ =	shalt  }
0x63: {  	_ =	shalt  }
0x64: {  	_ =	shalt  }
0x65: {  	_ =	shalt  }
0x66: {  	_ =	shalt  }
0x67: {  	_ =	shalt  }
0x68: {  	_ =	shalt  }
0x69: {  	_ =	shalt  }
0x6a: {  	_ =	shalt  }
0x6b: {  	_ =	shalt  }
0x6c: {  	_ =	shalt  }
0x6d: {  	_ =	shalt  }
0x6e: {  	_ =	shalt  }
0x6f: {  	_ =	shalt  }
0x70: {  	_ =	shalt  }
0x71: {  	_ =	shalt  }
0x72: {  	_ =	shalt  }
0x73: {  	_ =	shalt  }
0x74: {  	_ =	shalt  }
0x75: {  	_ =	shalt  }
0x76: {  	_ =	shalt  }
0x77: {  	_ =	shalt  }
0x78: {  	_ =	shalt  }
0x79: {  	_ =	shalt  }
0x7a: {  	_ =	shalt  }
0x7b: {  	_ =	shalt  }
0x7c: {  	_ =	shalt  }
0x7d: {  	_ =	shalt  }
0x7e: {  	_ =	shalt  }
0x7f: {  	_ =	shalt  }
0x80: {  	_ =	shalt  }
0x81: {  	_ =	shalt  }
0x82: {  	_ =	shalt  }
0x83: {  	_ =	shalt  }
0x84: {  	_ =	shalt  }
0x85: {  	_ =	shalt  }
0x86: {  	_ =	shalt  }
0x87: {  	_ =	shalt  }
.Lfunc_end0:
.L_simem_size_0:
called_computation_lowered:
.L_overlay_start_0:
0x88: {  	s2 =	sld [smem:$0x3FD9]  }
0x89: {  	s3 =	sld [smem:$0x3FFE];
	_ =	sdelay $0x1  }
0x8a: {  	s1 =	srdreg.scid  }
0x8b: {  	s0 =	sand.u32 $0x1, s1  }
0x8c: {  	s17 =	sshll.u32 s0, $0xA;
	s2 =	sadd.s32 s3, s2  }
0x8d: {  	s2 =	sadd.s32 s2, s17  }
0x8e: {  	[smem:$0x3FBC] =	sst s2  }
0x8f: {  	_ = 	snop  }
0x90: {  	s2 =	sld [smem:$0x3FD0];
	(tm) =	ssettm $0x1  }
0x91: {  	s18 =	sld [smem:$0x3FFB];
	_ =	sdelay $0x3  }
0x92: {  	_ =	strace s18  }
0x93: {  	s3 =	sld [smem:$0x3FFC];
	_ =	sdelay $0x3  }
0x94: {  	_ =	strace s3  }
0x95: {  	s3 =	sld [smem:$0x3FFD];
	_ =	sdelay $0x3  }
0x96: {  	_ =	strace s3  }
0x97: {  	_ =	strace $0x8FFFFFFF  }
0x98: {  	s19 =	sld [smem:$0x3FDB];
	_ =	sdelay $0x1  }
0x99: {  	s4 =	simm.s32 $_scs_section_size  }
0x9a: {  	s5 =	simm.s32 $_size__tile_overlayer_lowered;
	s6 =	simm.s32 $_tile_overlayer_lowered  }
0x9b: {  	s22 =	simm.s32 $0x1BFF;
	s21 =	sshll.u32 s6, $0x1;
	s3 =	sadd.s32 s4, s19  }
0x9c: {  	s7 =	simm.s32 $0x0;
	s20 =	sshll.u32 s5, $0x1;
	s5 =	sadd.s32 s21, s3  }
0x9d: {  	[timem:s7], [sflag:s22] =	dma.local [hbm:s5], s20  }
0x9e: {  	_ =	swait.ge [sflag:s22], s20  }
0x9f: {  	s4 =	ssub.s32 $0x0, s20;
	[sflag:s22] =	ssyncset.done $0x0  }
0xa0: {  	[sflag:s22] =	ssyncadd.s32 s4;
	_ =	sdelay $0x1  }
0xa1: {  	s23 =	simm.s32 $0x1B8B  }
0xa2: {  	_ =	swait.ge [sflag:s23], $0x1  }
0xa3: {  	[sflag:s23] =	ssyncset.done $0x0  }
0xa4: {  	s25 =	simm.s32 $0x1B8E;
	s24 =	sld [smem:$0x3FFE];
	[sflag:s23] =	ssyncadd.s32 $0xFFFFFFFF  }
0xa5: {  	s26 =	simm.s32 $execute0_lowered;
	[smem:$0x3FD2] =	sst s25  }
0xa6: {  	s5 =	sshll.u32 s26, $0x1;
	_ =	strace $0x80000046;
	[dreg:$0x1] =	wrdreg $0xFFFFFFFF  }
0xa7: {  	s28 =	simm.s32 $_size_execute0_lowered;
	s3 =	sadd.s32 s3, s5;
	[dreg:$0x0] =	wrdreg $0x0  }
0xa8: {  	s5 =	sshll.u32 s28, $0x1;
	[dreg:$0x2] =	wrdreg s3  }
0xa9: {  	[dreg:$0x3] =	wrdreg s5  }
0xaa: {  	[dreg:$0x4] =	wrdreg $0xC0  }
0xab: {  	_ =	task [dreg:s7], $0x5FFFF  }
0xac: {  	[dreg:$0x1] =	wrdreg $0xFFFFFFFF  }
0xad: {  	[dreg:$0x0] =	wrdreg $0x60  }
0xae: {  	[dreg:$0x2] =	wrdreg s2  }
0xaf: {  	[dreg:$0x3] =	wrdreg s24  }
0xb0: {  	[dreg:$0x4] =	wrdreg $0x6C000  }
0xb1: {  	[dreg:$0x5] =	wrdreg $0x9  }
0xb2: {  	_ =	task.clear_ibuf [dreg:s7], $0x6FFFF;
	_ =	strace $0x90000046  }
0xb3: {  	s29 =	simm.s32 $0x9;
	_ =	strace $0x80000048  }
0xb4: {  	_ =	swait.ge [sflag:s29], $0x1  }
0xb5: {  	[sflag:s29] =	ssyncadd.s32 $0xFFFFFFFF  }
0xb6: {  	_ =	strace $0x90000048  }
0xb7: {  	_ =	sfence  }
0xb8: {  	s30 =	sld [smem:$0x0];
	_ =	sdelay $0x2  }
0xb9: {  	s31 =	sshll.u32 s1, $0xD;
	s1 =	sshrl.u32 s1, $0x2  }
0xba: {  	s3 =	sand.u32 $0x4000, s31;
	s1 =	sadd.s32 s1, s30  }
0xbb: {  	s0 =	sor.u32 s3, s0;
	s1 =	sshll.u32 s1, $0x11  }
0xbc: {  	s0 =	sor.u32 s1, s0  }
0xbd: {  	s0 =	sadd.s32 $0x8F2B, s0  }
0xbe: {  	[sflag:s0] =	ssyncadd.remote.s32 $0x1  }
0xbf: {  	_ =	sfence.sel $0xFFFF  }
0xc0: {  	[dreg:$0x0] =	wrdreg $0xFFFFFFFF;
	(pc) =	sbr.abs _section_cstart, $3  }
0xc1: {  	[dreg:$0x1] =	wrdreg $0xFFFFFFFF  }
0xc2: {  	_ =	task.clear_ibuf [dreg:s7], $0x2FFFF;
	_ =	strace $0x9FFFFFFF  }
0xc3: {  	(tm) =	ssettm $0x7FFFFFFF  }
tec
execute0_lowered:
.L_overlay_start_1:
0x0: {  	(tag) =	ssettag $0x1  }
0x1: {  	s5 =	rddreg [dreg:$0x0]  }
0x2: {  	s6 =	rddreg [dreg:$0x1]  }
0x3: {  	s2 =	rddreg [dreg:$0x2]  }
0x4: {  	s0 =	rddreg [dreg:$0x3];
	s1 =	stileid.u32  }
0x5: {  	s4 =	srdreg.scid;
	s3 =	simm.s32 $0x0;
	s13 =	simm.s32 $0x80  }
0x6: {  	s14 =	simm.s32 $0x0;
	s7 =	smul.u32 $0x14000, s1;
	s8 =	sand.u32 $0x1, s4  }
0x7: {  	[smem:$0x7FF] =	sst s3;
	s4 =	sadd.s32 $0x2B200, s6;
	s11 =	smul.u32 $0x50000, s1  }
0x8: {  	s31 =	sshll.u32 s1, $0x6;
	s9 =	smul.u32 $0x140000, s8;
	_ =	strace $0x80000047  }
0x9: {  	s28 =	sshll.u32 s8, $0x4;
	s8 =	ssub.s32 $0x2, s8;
	s10 =	sshrl.u32 s7, $0x3  }
0xa: {  	s12 =	sshrl.u32 s8, $0x1;
	s29 =	sshrl.u32 s11, $0x2;
	s11 =	sor.u32 $0x1C01, s31  }
0xb: {  	s10 =	sadd.s32 s10, s6;
	s7 =	sadd.s32 s7, s9;
	s9 =	sor.u32 s1, s28  }
0xc: {  	s8 =	ssub.s32 s8, s12;
	s30 =	sadd.s32 s29, s2;
	s7 =	sshrl.u32 s7, $0x3  }
0xd: {  	s9 =	smul.u32 $0x580, s9;
	s8 =	smax.u32 s8, $0x1;
	s12 =	sshrl.u32 s30, $0x3  }
0xe: {  	s7 =	sadd.s32 s7, s6;
	s6 =	sadd.s32 $0x3200, s10;
	s10 =	simm.s32 $0x2C00  }
0xf: {  	s5 =	sadd.s32 s5, s9;
	s7 =	sadd.s32 $0x2BA00, s7;
	s9 =	simm.s32 $0x1  }
.LBB2_1:
0x10: {  	[tilespmem:s3], [sflag:$0x1] =	stream.linear.gather [hbm4b:s5+s3], $0x2A00, $0x38;
	[tilespmem:$0x1AC00] =	vst v63  }
0x11: {  	_ =	swait.ge [sflag:s9], $0x2A00  }
0x12: {  	[sflag:s9] =	ssyncset.done $0x0  }
0x13: {  	[sflag:s9] =	ssyncadd.s32 $0xFFFFD600  }
0x14: {  	[tilespmem:s10], [sflag:$0x1] =	stream.linear.gather [hbm4b:s4+s3], $0x4000, $0x38;
	[tilespmem:$0x1AC00] =	vst v63  }
0x15: {  	_ =	swait.ge [sflag:s9], $0x4000  }
0x16: {  	[sflag:s9] =	ssyncset.done $0x0  }
0x17: {  	[sflag:s9] =	ssyncadd.s32 $0xFFFFC000  }
0x18: {  	[spmem:s12], [sflag:s11] =	dma.local [hbm:s6], $0x2800  }
0x19: {  	_ =	swait.ge [sflag:s9], $0x2800  }
0x1a: {  	[sflag:s9] =	ssyncset.done $0x0  }
0x1b: {  	[sflag:s9] =	ssyncadd.s32 $0xFFFFD800  }
0x1c: {  	s15 =	simm.s32 $0x0;
	[bflag:$0x0] =	sbarrier.arrive $0xFFFF  }
0x1d: {  	[spmem:s2] =	stream.indirect.scatter.add.f32 [tilespmem:s10], [sflag:$0x1], $0x80, s15, s13, $0xb8;
	[tilespmem:$0x1AC00] =	vst v63  }
0x1e: {  	_ =	swait.ge [sflag:s9], $0x4000  }
0x1f: {  	s15 =	simm.s32 $0x200;
	[sflag:s9] =	ssyncset.done $0x0  }
.LBB2_2:
0x20: {  	s16 =	sshra.s32 s15, $0x2;
	[sflag:s9] =	ssyncadd.s32 $0xFFFFC000;
	p0 =	sne.s32 s15, $0xA000  }
0x21: {  	[spmem:s2] =	stream.indirect.scatter.add.f32 [tilespmem:s10], [sflag:$0x1], $0x80, s16, s13, $0xb8;
	[tilespmem:$0x1AC00] =	vst v63  }
.Ltmp0:
0x22: {  	_ = 	snop;
	(pc) =	sbr.rel @p0 .LBB2_2-.Ltmp0, $4  }
0x23: {  	_ = 	snop  }
0x24: {  	s15 =	sadd.s32 $0x200, s15  }
0x25: {  	_ =	swait.ge [sflag:s9], $0x4000  }
0x26: {  	[sflag:s9] =	ssyncset.done $0x0  }
0x27: {  	s14 =	sadd.s32 $0x1, s14  }
0x28: {  	[sflag:s9] =	ssyncadd.s32 $0xFFFFC000;
	p0 =	sne.s32 s14, s8  }
.Ltmp1:
0x29: {  	[bflag:$0x0] =	sbarrier.arrive $0xFFFF;
	(pc) =	sbr.rel @p0 .LBB2_1-.Ltmp1, $4  }
0x2a: {  	[hbm:s7], [sflag:s11] =	dma.local [spmem:s12], $0x2800  }
0x2b: {  	_ =	swait.ge [sflag:s9], $0x2800  }
0x2c: {  	[sflag:s9] =	ssyncset.done $0x0  }
0x2d: {  	[sflag:s9] =	ssyncadd.s32 $0xFFFFD800  }
0x2e: {  	_ =	sfence.sel $0x180000  }
0x2f: {  	[bflag:$0x0] =	sbarrier.arrive $0xFFFF  }
0x30: {  	p0 =	sne.s32 s1, $0x0;
	_ =	strace $0x90000047  }
0x31: {  	s0 =	sadd.s32 @!p0 $0x100000, s0;
	[bflag:$0x2] =	sbarrier.arrive $0xFFFF  }
0x32: {  	[sflag:s0] =	ssyncadd.tile.s32 @!p0 $0x1;
	_ =	shalt  }
.Lfunc_end2:
_tile_overlayer_lowered:
.L_overlay_start_2:
0x33: {  	(tag) =	ssettag $0x2  }
0x34: {  	s0 =	rddreg [dreg:$0x0];
	s2 =	stileid.u32  }
0x35: {  	s1 =	rddreg [dreg:$0x1];
	p0 =	sne.s32 s2, $0x0  }
0x36: {  	s3 =	rddreg [dreg:$0x2];
	[bflag:$0x3] =	sbarrier.arrive $0xFFFF;
	s2 =	simm.s32 @!p0 $0x1C01  }
0x37: {  	[timem:s3], [sflag:s2] =	dma.local @!p0 [hbm:s0], s1  }
0x38: {  	s0 =	simm.s32 @!p0 $0x1  }
0x39: {  	_ =	swait.ge @!p0 [sflag:s0], s1  }
0x3a: {  	s1 =	ssub.s32 @!p0 $0x0, s1;
	[sflag:s0] =	ssyncset.done @!p0 $0x0  }
0x3b: {  	[sflag:s0] =	ssyncadd.s32 @!p0 s1  }
0x3c: {  	[bflag:$0x3] =	sbarrier.arrive $0xFFFF  }
0x3d: {  	_ =	shalt  }

// kernel: kernel.13.cloned.1.call-start
scs
__scs_entry_jumppad:
0x0: {  	(pc) =	sbr.rel $0x88, $3  }
0x1: {  	(tag) =	ssettag $0x0;
	lr =	simm.s32 $0x1  }
0x2: {  	[smem:$0x3F95] =	sst lr;
	_ =	strace $0xD0000000  }
0x3: {  	_ = 	snop  }
0x4: {  	_ = 	snop  }
0x5: {  	_ = 	snop  }
0x6: {  	_ = 	snop  }
0x7: {  	_ = 	snop  }
__scs_overlays_trampoline_lowered:
0x8: {  	[smem:$0x3FA4] =	sst s0  }
0x9: {  	[smem:$0x3FA5] =	sst s1  }
0xa: {  	[smem:$0x3FA6] =	sst s2  }
0xb: {  	[smem:$0x3FA7] =	sst s3  }
0xc: {  	[smem:$0x3FA8] =	sst s4  }
0xd: {  	[smem:$0x3FA9] =	sst s5  }
0xe: {  	[smem:$0x3FAA] =	sst s6  }
0xf: {  	[smem:$0x3FAB] =	sst s7  }
0x10: {  	[smem:$0x3FAC] =	sst s8  }
0x11: {  	[smem:$0x3FAD] =	sst s9;
	s0 =	simm.s32 @!p0 $0x0  }
0x12: {  	s1 =	sld [smem:$0x3F93];
	s0 =	simm.s32 @p0 $0x1  }
0x13: {  	[smem:$0x3FAE] =	sst s0;
	s0 =	simm.s32 @!p1 $0x0  }
0x14: {  	s2 =	sld [smem:$0x3F92];
	s0 =	simm.s32 @p1 $0x1  }
0x15: {  	[smem:$0x3FAF] =	sst s0;
	s0 =	simm.s32 @!p2 $0x0  }
0x16: {  	s3 =	sld [smem:$0x3FDB];
	s0 =	simm.s32 @p2 $0x1  }
0x17: {  	s4 =	simm.s32 $0x1BF5;
	[smem:$0x3FB1] =	sst s0  }
0x18: {  	s0 =	sld [smem:$0x3F94];
	_ =	swait.ge [sflag:s4], $0x0  }
0x19: {  	s7 =	sld [smem:$0x3F95]  }
0x1a: {  	s8 =	sadd.s32 $0xFFFFE003, lr  }
0x1b: {  	s9 =	sadd.s32 $0xFFFFFEF7, lr;
	s5 =	simm.s32 $0xFFFFFFFF;
	p2 =	slt.u32 s8, $0xFFFFF086  }
0x1c: {  	p1 =	slt.u32 s9, $0xF7A;
	s5 =	simm.s32 @!p2 $0x0  }
0x1d: {  	s5 =	simm.s32 @p1 $0x1;
	p0 =	seq.s32 s7, s2  }
0x1e: {  	s7 =	smul.u32 @!p0 $0xF7A, s2;
	p2 =	seq.s32 @!p0 s5, $0x0  }
0x1f: {  	s9 =	smul.u32 $0xF7A, s1;
	s8 =	simm.s32 @!p0 $0x1BF5;
	p2 =	por !p2, p0  }
0x20: {  	[sflag:s8] =	ssyncset.s32 @!p0 $0xFFFFF086;
	s6 =	sadd.s32 @!p0 s3, s7;
	s7 =	simm.s32 @!p0 $0x108  }
0x21: {  	s3 =	sadd.s32 s3, s9;
	s6 =	sadd.s32 @!p0 $0x88, s6;
	s7 =	simm.s32 @p2 $0x1082  }
0x22: {  	[simem:s7], [sflag:s8] =	dma.local @!p0 [hbm:s6], $0xF7A  }
0x23: {  	s9 =	sor.u32 $0xD0000000, s2;
	s6 =	simm.s32 $0x108;
	_ =	swait.ge @!p0 [sflag:s8], $0x0  }
0x24: {  	s3 =	sadd.s32 $0x88, s3;
	s6 =	simm.s32 @!p1 $0x1082;
	[sflag:s4] =	ssyncset.s32 $0xFFFFF086  }
0x25: {  	[simem:s6], [sflag:s4] =	dma.local [hbm:s3], $0xF7A  }
0x26: {  	[smem:$0x3F95] =	sst s1;
	(tag) =	ssettag s2;
	_ =	strace s9  }
0x27: {  	s1 =	sld [smem:$0x3FA5]  }
0x28: {  	s2 =	sld [smem:$0x3FA6]  }
0x29: {  	s4 =	sld [smem:$0x3FA8]  }
0x2a: {  	p0 =	seq.s32 s5, $0x0;
	s5 =	sld [smem:$0x3FA9]  }
0x2b: {  	s6 =	sld [smem:$0x3FAA]  }
0x2c: {  	s7 =	sld [smem:$0x3FAB]  }
0x2d: {  	s3 =	simm.s32 $0x108;
	s8 =	sld [smem:$0x3FAC]  }
0x2e: {  	s3 =	simm.s32 @!p0 $0x1082;
	s9 =	sld [smem:$0x3FAD]  }
0x2f: {  	lr =	sadd.s32 s0, s3;
	s0 =	sld [smem:$0x3FA4]  }
0x30: {  	s3 =	sld [smem:$0x3FA7]  }
0x31: {  	[smem:$0x3FB0] =	sst s10  }
0x32: {  	s10 =	sld [smem:$0x3FAE];
	_ =	sdelay $0x3  }
0x33: {  	p0 =	seq.s32 s10, $0x1;
	s10 =	sld [smem:$0x3FB0];
	_ =	sdelay $0x3  }
0x34: {  	[smem:$0x3FB0] =	sst s10  }
0x35: {  	s10 =	sld [smem:$0x3FAF];
	_ =	sdelay $0x3  }
0x36: {  	p1 =	seq.s32 s10, $0x1;
	s10 =	sld [smem:$0x3FB0];
	_ =	sdelay $0x3  }
0x37: {  	[smem:$0x3FB0] =	sst s10  }
0x38: {  	s10 =	sld [smem:$0x3FB1]  }
0x39: {  	_ = 	snop;
	(pc) =	sbr.ind lr, $3  }
0x3a: {  	_ = 	snop  }
0x3b: {  	_ = 	snop  }
0x3c: {  	p2 =	seq.s32 s10, $0x1;
	s10 =	sld [smem:$0x3FB0]  }
0x3d: {  	_ =	shalt  }
0x3e: {  	_ =	shalt  }
0x3f: {  	_ =	shalt  }
0x40: {  	_ =	shalt  }
0x41: {  	_ =	shalt  }
0x42: {  	_ =	shalt  }
0x43: {  	_ =	shalt  }
0x44: {  	_ =	shalt  }
0x45: {  	_ =	shalt  }
0x46: {  	_ =	shalt  }
0x47: {  	_ =	shalt  }
0x48: {  	_ =	shalt  }
0x49: {  	_ =	shalt  }
0x4a: {  	_ =	shalt  }
0x4b: {  	_ =	shalt  }
0x4c: {  	_ =	shalt  }
0x4d: {  	_ =	shalt  }
0x4e: {  	_ =	shalt  }
0x4f: {  	_ =	shalt  }
0x50: {  	_ =	shalt  }
0x51: {  	_ =	shalt  }
0x52: {  	_ =	shalt  }
0x53: {  	_ =	shalt  }
0x54: {  	_ =	shalt  }
0x55: {  	_ =	shalt  }
0x56: {  	_ =	shalt  }
0x57: {  	_ =	shalt  }
0x58: {  	_ =	shalt  }
0x59: {  	_ =	shalt  }
0x5a: {  	_ =	shalt  }
0x5b: {  	_ =	shalt  }
0x5c: {  	_ =	shalt  }
0x5d: {  	_ =	shalt  }
0x5e: {  	_ =	shalt  }
0x5f: {  	_ =	shalt  }
0x60: {  	_ =	shalt  }
0x61: {  	_ =	shalt  }
0x62: {  	_ =	shalt  }
0x63: {  	_ =	shalt  }
0x64: {  	_ =	shalt  }
0x65: {  	_ =	shalt  }
0x66: {  	_ =	shalt  }
0x67: {  	_ =	shalt  }
0x68: {  	_ =	shalt  }
0x69: {  	_ =	shalt  }
0x6a: {  	_ =	shalt  }
0x6b: {  	_ =	shalt  }
0x6c: {  	_ =	shalt  }
0x6d: {  	_ =	shalt  }
0x6e: {  	_ =	shalt  }
0x6f: {  	_ =	shalt  }
0x70: {  	_ =	shalt  }
0x71: {  	_ =	shalt  }
0x72: {  	_ =	shalt  }
0x73: {  	_ =	shalt  }
0x74: {  	_ =	shalt  }
0x75: {  	_ =	shalt  }
0x76: {  	_ =	shalt  }
0x77: {  	_ =	shalt  }
0x78: {  	_ =	shalt  }
0x79: {  	_ =	shalt  }
0x7a: {  	_ =	shalt  }
0x7b: {  	_ =	shalt  }
0x7c: {  	_ =	shalt  }
0x7d: {  	_ =	shalt  }
0x7e: {  	_ =	shalt  }
0x7f: {  	_ =	shalt  }
0x80: {  	_ =	shalt  }
0x81: {  	_ =	shalt  }
0x82: {  	_ =	shalt  }
0x83: {  	_ =	shalt  }
0x84: {  	_ =	shalt  }
0x85: {  	_ =	shalt  }
0x86: {  	_ =	shalt  }
0x87: {  	_ =	shalt  }
.Lfunc_end0:
.L_simem_size_0:
called_computation.1_lowered:
.L_overlay_start_0:
0x88: {  	s2 =	sld [smem:$0x3FD9]  }
0x89: {  	s3 =	sld [smem:$0x3FFE];
	_ =	sdelay $0x1  }
0x8a: {  	s1 =	srdreg.scid  }
0x8b: {  	s0 =	sand.u32 $0x1, s1  }
0x8c: {  	s17 =	sshll.u32 s0, $0xA;
	s2 =	sadd.s32 s3, s2  }
0x8d: {  	s2 =	sadd.s32 s2, s17  }
0x8e: {  	[smem:$0x3FBC] =	sst s2  }
0x8f: {  	_ = 	snop  }
0x90: {  	s2 =	sld [smem:$0x3FD0];
	(tm) =	ssettm $0x1  }
0x91: {  	s18 =	sld [smem:$0x3FFB];
	_ =	sdelay $0x3  }
0x92: {  	_ =	strace s18  }
0x93: {  	s3 =	sld [smem:$0x3FFC];
	_ =	sdelay $0x3  }
0x94: {  	_ =	strace s3  }
0x95: {  	s3 =	sld [smem:$0x3FFD];
	_ =	sdelay $0x3  }
0x96: {  	_ =	strace s3  }
0x97: {  	_ =	strace $0x8FFFFFFF  }
0x98: {  	s19 =	sld [smem:$0x3FDB];
	_ =	sdelay $0x1  }
0x99: {  	s4 =	simm.s32 $_scs_section_size  }
0x9a: {  	s5 =	simm.s32 $_size__tile_overlayer_lowered;
	s6 =	simm.s32 $_tile_overlayer_lowered  }
0x9b: {  	s22 =	simm.s32 $0x1BFF;
	s21 =	sshll.u32 s6, $0x1;
	s3 =	sadd.s32 s4, s19  }
0x9c: {  	s7 =	simm.s32 $0x0;
	s20 =	sshll.u32 s5, $0x1;
	s5 =	sadd.s32 s21, s3  }
0x9d: {  	[timem:s7], [sflag:s22] =	dma.local [hbm:s5], s20  }
0x9e: {  	_ =	swait.ge [sflag:s22], s20  }
0x9f: {  	s4 =	ssub.s32 $0x0, s20;
	[sflag:s22] =	ssyncset.done $0x0  }
0xa0: {  	[sflag:s22] =	ssyncadd.s32 s4;
	_ =	sdelay $0x1  }
0xa1: {  	s23 =	simm.s32 $0x1B8B  }
0xa2: {  	_ =	swait.ge [sflag:s23], $0x1  }
0xa3: {  	[sflag:s23] =	ssyncset.done $0x0  }
0xa4: {  	s25 =	simm.s32 $0x1B8E;
	s24 =	sld [smem:$0x3FFE];
	[sflag:s23] =	ssyncadd.s32 $0xFFFFFFFF  }
0xa5: {  	s26 =	simm.s32 $execute0_lowered;
	[smem:$0x3FD2] =	sst s25  }
0xa6: {  	s5 =	sshll.u32 s26, $0x1;
	_ =	strace $0x80000049;
	[dreg:$0x1] =	wrdreg $0xFFFFFFFF  }
0xa7: {  	s28 =	simm.s32 $_size_execute0_lowered;
	s3 =	sadd.s32 s3, s5;
	[dreg:$0x0] =	wrdreg $0x0  }
0xa8: {  	s5 =	sshll.u32 s28, $0x1;
	[dreg:$0x2] =	wrdreg s3  }
0xa9: {  	[dreg:$0x3] =	wrdreg s5  }
0xaa: {  	[dreg:$0x4] =	wrdreg $0xC0  }
0xab: {  	_ =	task [dreg:s7], $0x5FFFF  }
0xac: {  	[dreg:$0x1] =	wrdreg $0xFFFFFFFF  }
0xad: {  	[dreg:$0x0] =	wrdreg $0x60  }
0xae: {  	[dreg:$0x2] =	wrdreg s24  }
0xaf: {  	[dreg:$0x3] =	wrdreg s2  }
0xb0: {  	[dreg:$0x4] =	wrdreg $0x88000  }
0xb1: {  	[dreg:$0x5] =	wrdreg $0x9  }
0xb2: {  	_ =	task.clear_ibuf [dreg:s7], $0x6FFFF;
	_ =	strace $0x90000049  }
0xb3: {  	s29 =	simm.s32 $0x9;
	_ =	strace $0x8000004B  }
0xb4: {  	_ =	swait.ge [sflag:s29], $0x1  }
0xb5: {  	[sflag:s29] =	ssyncadd.s32 $0xFFFFFFFF  }
0xb6: {  	_ =	strace $0x9000004B  }
0xb7: {  	_ =	sfence  }
0xb8: {  	s30 =	sld [smem:$0x0];
	_ =	sdelay $0x2  }
0xb9: {  	s31 =	sshll.u32 s1, $0xD;
	s1 =	sshrl.u32 s1, $0x2  }
0xba: {  	s3 =	sand.u32 $0x4000, s31;
	s1 =	sadd.s32 s1, s30  }
0xbb: {  	s0 =	sor.u32 s3, s0;
	s1 =	sshll.u32 s1, $0x11  }
0xbc: {  	s0 =	sor.u32 s1, s0  }
0xbd: {  	s0 =	sadd.s32 $0x8F2B, s0  }
0xbe: {  	[sflag:s0] =	ssyncadd.remote.s32 $0x1  }
0xbf: {  	_ =	sfence.sel $0xFFFF  }
0xc0: {  	[dreg:$0x0] =	wrdreg $0xFFFFFFFF;
	(pc) =	sbr.abs _section_cstart, $3  }
0xc1: {  	[dreg:$0x1] =	wrdreg $0xFFFFFFFF  }
0xc2: {  	_ =	task.clear_ibuf [dreg:s7], $0x2FFFF;
	_ =	strace $0x9FFFFFFF  }
0xc3: {  	(tm) =	ssettm $0x7FFFFFFF  }
tec
execute0_lowered:
.L_overlay_start_1:
0x0: {  	(tag) =	ssettag $0x1  }
0x1: {  	s0 =	rddreg [dreg:$0x0]  }
0x2: {  	s1 =	rddreg [dreg:$0x1]  }
0x3: {  	s2 =	rddreg [dreg:$0x2];
	s4 =	simm.s32 $0x0  }
0x4: {  	s3 =	srdreg.scid;
	s12 =	stileid.u32;
	s28 =	simm.s32 $0x2  }
0x5: {  	s29 =	simm.s32 $0x480;
	s30 =	simm.s32 $0x180;
	s7 =	smul.u32 $0x14000, s12  }
0x6: {  	s31 =	simm.s32 $0x500;
	[smem:$0x7FF] =	sst s4;
	s19 =	smul.u32 $0x50000, s12  }
0x7: {  	s3 =	sand.u32 $0x1, s3;
	s5 =	sadd.s32 $0x2B200, s0;
	s21 =	smul.u32 $0x2C00, s12  }
0x8: {  	_ =	strace $0x8000004A;
	s6 =	sshll.u32 s3, $0x4;
	s8 =	smul.u32 $0x140000, s3  }
0x9: {  	s14 =	ssub.s32 $0x2, s3;
	s3 =	smul.u32 $0x2C000, s3;
	s9 =	sor.u32 s12, s6  }
0xa: {  	s6 =	sadd.s32 $0x7BA00, s0;
	s10 =	sshrl.u32 s7, $0x3;
	s11 =	sshrl.u32 s14, $0x1  }
0xb: {  	s20 =	sshrl.u32 s19, $0x2;
	s19 =	simm.s32 $0x400;
	s12 =	simm.s32 $0x3  }
0xc: {  	s9 =	smul.u32 $0x2C00, s9;
	s10 =	sadd.s32 s10, s0;
	s7 =	sadd.s32 s7, s8  }
0xd: {  	s15 =	ssub.s32 s14, s11;
	s25 =	sadd.s32 s21, s3;
	s21 =	simm.s32 $0x600  }
0xe: {  	s3 =	simm.s32 $0x280;
	s11 =	simm.s32 $0x780;
	s14 =	simm.s32 $0x0  }
0xf: {  	s7 =	sshrl.u32 s7, $0x3;
	s22 =	sadd.s32 $0x3200, s10;
	s26 =	smax.u32 s15, $0x1  }
0x10: {  	s10 =	simm.s32 $0x700;
	s9 =	sshrl.u32 s9, $0x3;
	[dreg:$0x9] =	wrdreg s22  }
0x11: {  	s0 =	sadd.s32 s7, s0;
	[dreg:$0xd] =	wrdreg s26;
	s22 =	simm.s32 $0x80  }
0x12: {  	s26 =	simm.s32 $0x100;
	s7 =	simm.s32 $0x300;
	s16 =	sadd.s32 s6, s9  }
0x13: {  	s17 =	sadd.s32 s1, s9;
	s18 =	sor.u32 $0x40, s9;
	[dreg:$0x4] =	wrdreg s16  }
0x14: {  	s9 =	sadd.s32 $0x500, s9;
	s0 =	sadd.s32 $0x86A00, s0;
	[dreg:$0x5] =	wrdreg s17  }
0x15: {  	s13 =	sadd.s32 s6, s18;
	s8 =	sadd.s32 s1, s18;
	s23 =	sadd.s32 s6, s9  }
0x16: {  	s24 =	sadd.s32 s1, s9;
	[dreg:$0xc] =	wrdreg s0;
	s17 =	sadd.s32 $0x400, s25  }
.Ltmp0:
0x17: {  	s18 =	simm.s32 $0x5;
	[dreg:$0x6] =	wrdreg s13;
	(pc) =	sbr.rel .LBB2_1-.Ltmp0, $4  }
0x18: {  	s25 =	simm.s32 $0x1;
	s0 =	simm.s32 $0x580;
	[dreg:$0x7] =	wrdreg s8  }
0x19: {  	s9 =	simm.s32 $0x380;
	s8 =	sadd.s32 s20, s2;
	[dreg:$0xa] =	wrdreg s23  }
0x1a: {  	[dreg:$0xb] =	wrdreg s24;
	s20 =	simm.s32 $0x200;
	s23 =	simm.s32 $0x800  }
0x1b: {  	s24 =	simm.s32 $0x4800;
	[dreg:$0x8] =	wrdreg s8;
	s8 =	simm.s32 $0x680  }
.LBB2_3:
0x1c: {  	_ =	swait.ge [sflag:s28], $0x4000  }
0x1d: {  	[sflag:s28] =	ssyncset.done $0x0  }
0x1e: {  	[sflag:s28] =	ssyncadd.s32 $0xFFFFC000  }
0x1f: {  	[spmem:s2] =	stream.indirect.scatter.add.f32 [tilespmem:s24], [sflag:$0x5], $0x80, s11, s22, $0xb8;
	[tilespmem:$0x1C800] =	vst v63  }
0x20: {  	_ =	swait.ge [sflag:s18], $0x4000  }
0x21: {  	[sflag:s18] =	ssyncset.done $0x0  }
0x22: {  	[sflag:s18] =	ssyncadd.s32 $0xFFFFC000  }
.LBB2_5:
0x23: {  	s13 =	rddreg [dreg:$0xa]  }
0x24: {  	[tilespmem:s4], [sflag:$0x5] =	stream.linear.gather [hbm4b:s13+s4], $0x200, $0x38;
	[tilespmem:$0x1C800] =	vst v63  }
0x25: {  	_ =	swait.ge [sflag:s18], $0x200  }
0x26: {  	[sflag:s18] =	ssyncset.done $0x0  }
0x27: {  	s15 =	rddreg [dreg:$0xb];
	[sflag:s18] =	ssyncadd.s32 $0xFFFFFE00  }
0x28: {  	[tilespmem:s19], [sflag:$0x5] =	stream.linear.gather [hbm4b:s15+s4], $0x200, $0x38;
	[tilespmem:$0x1C800] =	vst v63  }
0x29: {  	_ =	swait.ge [sflag:s18], $0x200  }
0x2a: {  	[sflag:s18] =	ssyncset.done $0x0  }
0x2b: {  	[sflag:s18] =	ssyncadd.s32 $0xFFFFFE00  }
0x2c: {  	[tilespmem:s23], [sflag:$0x1] =	stream.indirect.gather [hbm4b:s5+s22], $0x80, s4, s22, $0xb8;
	[tilespmem:$0x1C800] =	vst v63  }
0x2d: {  	_ =	swait.ge [sflag:s25], $0x4000  }
0x2e: {  	[sflag:s25] =	ssyncset.done $0x0  }
0x2f: {  	[sflag:s25] =	ssyncadd.s32 $0xFFFFC000  }
0x30: {  	[spmem:s2] =	stream.indirect.scatter.add.f32 [tilespmem:s23], [sflag:$0x5], $0x80, s19, s22, $0xb8;
	[tilespmem:$0x1C800] =	vst v63  }
0x31: {  	_ =	swait.ge [sflag:s18], $0x4000  }
0x32: {  	[sflag:s18] =	ssyncset.done $0x0  }
0x33: {  	[sflag:s18] =	ssyncadd.s32 $0xFFFFC000  }
0x34: {  	[bflag:$0x0] =	sbarrier.arrive $0xFFFF  }
0x35: {  	s16 =	rddreg [dreg:$0xc]  }
0x36: {  	s14 =	rddreg [dreg:$0xf]  }
0x37: {  	s15 =	rddreg [dreg:$0x10]  }
0x38: {  	[hbm:s16], [sflag:s14] =	dma.local [spmem:s15], $0x2800  }
0x39: {  	_ =	swait.ge [sflag:s18], $0x2800  }
0x3a: {  	s15 =	rddreg [dreg:$0xe]  }
0x3b: {  	s16 =	rddreg [dreg:$0xd];
	s14 =	sadd.s32 $0x1, s15  }
0x3c: {  	p0 =	sne.s32 s14, s16  }
.Ltmp1:
0x3d: {  	_ = 	snop;
	(pc) =	sbr.rel @!p0 .LBB2_6-.Ltmp1, $3  }
0x3e: {  	_ =	sdelay $0x1  }
0x3f: {  	[sflag:s18] =	ssyncset.done $0x0  }
0x40: {  	[sflag:s18] =	ssyncadd.s32 $0xFFFFD800  }
.LBB2_1:
0x41: {  	[dreg:$0xe] =	wrdreg s14  }
0x42: {  	s13 =	rddreg [dreg:$0x4]  }
0x43: {  	[tilespmem:s4], [sflag:$0x5] =	stream.linear.gather [hbm4b:s13+s4], $0x200, $0x38;
	[tilespmem:$0x1C800] =	vst v63  }
0x44: {  	_ =	swait.ge [sflag:s18], $0x200  }
0x45: {  	[sflag:s18] =	ssyncset.done $0x0  }
0x46: {  	s16 =	rddreg [dreg:$0x5];
	[sflag:s18] =	ssyncadd.s32 $0xFFFFFE00  }
0x47: {  	[tilespmem:s19], [sflag:$0x5] =	stream.linear.gather [hbm4b:s16+s4], $0x200, $0x38;
	[tilespmem:$0x1C800] =	vst v63  }
0x48: {  	_ =	swait.ge [sflag:s18], $0x200  }
0x49: {  	[sflag:s18] =	ssyncset.done $0x0  }
0x4a: {  	s14 =	rddreg [dreg:$0x6];
	[sflag:s18] =	ssyncadd.s32 $0xFFFFFE00  }
0x4b: {  	[tilespmem:s20], [sflag:$0x5] =	stream.linear.gather [hbm4b:s14+s4], $0x200, $0x38;
	[tilespmem:$0x1C800] =	vst v63  }
0x4c: {  	s16 =	stileid.u32;
	_ =	swait.ge [sflag:s18], $0x200  }
0x4d: {  	s13 =	sshll.u32 s16, $0x6;
	[sflag:s18] =	ssyncset.done $0x0  }
0x4e: {  	s14 =	sor.u32 $0x1C05, s13;
	s15 =	rddreg [dreg:$0x7];
	[sflag:s18] =	ssyncadd.s32 $0xFFFFFE00  }
0x4f: {  	[tilespmem:s21], [sflag:$0x5] =	stream.linear.gather [hbm4b:s15+s4], $0x200, $0x38;
	[tilespmem:$0x1C800] =	vst v63  }
0x50: {  	_ =	swait.ge [sflag:s18], $0x200;
	[dreg:$0xf] =	wrdreg s14  }
0x51: {  	[sflag:s18] =	ssyncset.done $0x0;
	s15 =	rddreg [dreg:$0x8]  }
0x52: {  	s16 =	rddreg [dreg:$0x9];
	[sflag:s18] =	ssyncadd.s32 $0xFFFFFE00;
	s15 =	sshrl.u32 s15, $0x3  }
0x53: {  	[tilespmem:s23], [sflag:$0x1] =	stream.indirect.gather [hbm4b:s5+s22], $0x80, s4, s22, $0xb8;
	[tilespmem:$0x1C800] =	vst v63  }
0x54: {  	[dreg:$0x10] =	wrdreg s15  }
0x55: {  	[spmem:s15], [sflag:s14] =	dma.local [hbm:s16], $0x2800  }
0x56: {  	_ =	swait.ge [sflag:s18], $0x2800  }
0x57: {  	[sflag:s18] =	ssyncset.done $0x0  }
0x58: {  	[sflag:s18] =	ssyncadd.s32 $0xFFFFD800  }
0x59: {  	s16 =	simm.s32 $0x0;
	[bflag:$0x0] =	sbarrier.arrive $0xFFFF  }
.LBB2_2:
0x5a: {  	[tilespmem:s24], [sflag:$0x2] =	stream.indirect.gather [hbm4b:s5+s22], $0x80, s22, s22, $0xb8;
	[tilespmem:$0x1C800] =	vst v63  }
0x5b: {  	_ =	swait.ge [sflag:s25], $0x4000  }
0x5c: {  	[sflag:s25] =	ssyncset.done $0x0  }
0x5d: {  	[sflag:s25] =	ssyncadd.s32 $0xFFFFC000  }
0x5e: {  	[spmem:s2] =	stream.indirect.scatter.add.f32 [tilespmem:s23], [sflag:$0x5], $0x80, s19, s22, $0xb8;
	[tilespmem:$0x1C800] =	vst v63  }
0x5f: {  	_ =	swait.ge [sflag:s18], $0x4000  }
0x60: {  	[sflag:s18] =	ssyncset.done $0x0  }
0x61: {  	[sflag:s18] =	ssyncadd.s32 $0xFFFFC000  }
0x62: {  	[tilespmem:s23], [sflag:$0x1] =	stream.indirect.gather [hbm4b:s5+s22], $0x80, s26, s22, $0xb8;
	[tilespmem:$0x1C800] =	vst v63  }
0x63: {  	_ =	swait.ge [sflag:s28], $0x4000  }
0x64: {  	[sflag:s28] =	ssyncset.done $0x0  }
0x65: {  	[sflag:s28] =	ssyncadd.s32 $0xFFFFC000  }
0x66: {  	[spmem:s2] =	stream.indirect.scatter.add.f32 [tilespmem:s24], [sflag:$0x5], $0x80, s29, s22, $0xb8;
	[tilespmem:$0x1C800] =	vst v63  }
0x67: {  	_ =	swait.ge [sflag:s18], $0x4000  }
0x68: {  	[sflag:s18] =	ssyncset.done $0x0  }
0x69: {  	[sflag:s18] =	ssyncadd.s32 $0xFFFFC000  }
0x6a: {  	[tilespmem:s24], [sflag:$0x2] =	stream.indirect.gather [hbm4b:s5+s22], $0x80, s30, s22, $0xb8;
	[tilespmem:$0x1C800] =	vst v63  }
0x6b: {  	_ =	swait.ge [sflag:s25], $0x4000  }
0x6c: {  	[sflag:s25] =	ssyncset.done $0x0  }
0x6d: {  	[sflag:s25] =	ssyncadd.s32 $0xFFFFC000  }
0x6e: {  	[spmem:s2] =	stream.indirect.scatter.add.f32 [tilespmem:s23], [sflag:$0x5], $0x80, s31, s22, $0xb8;
	[tilespmem:$0x1C800] =	vst v63  }
0x6f: {  	_ =	swait.ge [sflag:s18], $0x4000  }
0x70: {  	p0 =	seq.s32 s16, $0x0;
	[sflag:s18] =	ssyncset.done $0x0  }
0x71: {  	s14 =	simm.s32 @!p0 $0x4;
	[sflag:s18] =	ssyncadd.s32 $0xFFFFC000  }
0x72: {  	_ =	swait.ge @!p0 [sflag:s14], $0x200  }
0x73: {  	[sflag:s14] =	ssyncset.done @!p0 $0x0  }
0x74: {  	[sflag:s14] =	ssyncadd.s32 @!p0 $0xFFFFFE00  }
0x75: {  	_ =	swait.ge @!p0 [sflag:s14], $0x200  }
0x76: {  	[sflag:s14] =	ssyncset.done @!p0 $0x0  }
0x77: {  	[sflag:s14] =	ssyncadd.s32 @!p0 $0xFFFFFE00  }
0x78: {  	[tilespmem:s23], [sflag:$0x1] =	stream.indirect.gather [hbm4b:s5+s22], $0x80, s20, s22, $0xb8;
	[tilespmem:$0x1C800] =	vst v63  }
0x79: {  	_ =	swait.ge [sflag:s28], $0x4000  }
0x7a: {  	[sflag:s28] =	ssyncset.done $0x0  }
0x7b: {  	p0 =	seq.s32 s16, $0x2400;
	[sflag:s28] =	ssyncadd.s32 $0xFFFFC000  }
0x7c: {  	[spmem:s2] =	stream.indirect.scatter.add.f32 [tilespmem:s24], [sflag:$0x5], $0x80, s0, s22, $0xb8;
	[tilespmem:$0x1C800] =	vst v63  }
0x7d: {  	s14 =	sadd.s32 @!p0 s16, s17;
	_ =	swait.ge [sflag:s18], $0x4000  }
0x7e: {  	s14 =	sshrl.u32 @!p0 s14, $0x3;
	[sflag:s18] =	ssyncset.done $0x0  }
0x7f: {  	s13 =	simm.s32 @!p0 $0x0;
	s15 =	sadd.s32 @!p0 s6, s14;
	[sflag:s18] =	ssyncadd.s32 $0xFFFFC000  }
0x80: {  	[tilespmem:s13], [sflag:$0x3] =	stream.linear.gather @!p0 [hbm4b:s15+s13], $0x200, $0x38;
	[tilespmem:$0x1C800] =	vst v63  }
0x81: {  	s14 =	sadd.s32 @!p0 s1, s14;
	s15 =	simm.s32 @!p0 $0x400  }
0x82: {  	[tilespmem:s15], [sflag:$0x3] =	stream.linear.gather @!p0 [hbm4b:s14+s13], $0x200, $0x38;
	[tilespmem:$0x1C800] =	vst v63  }
0x83: {  	_ = 	snop  }
0x84: {  	[tilespmem:s24], [sflag:$0x2] =	stream.indirect.gather [hbm4b:s5+s22], $0x80, s3, s22, $0xb8;
	[tilespmem:$0x1C800] =	vst v63  }
0x85: {  	_ =	swait.ge [sflag:s25], $0x4000  }
0x86: {  	[sflag:s25] =	ssyncset.done $0x0  }
0x87: {  	[sflag:s25] =	ssyncadd.s32 $0xFFFFC000  }
0x88: {  	[spmem:s2] =	stream.indirect.scatter.add.f32 [tilespmem:s23], [sflag:$0x5], $0x80, s21, s22, $0xb8;
	[tilespmem:$0x1C800] =	vst v63  }
0x89: {  	_ =	swait.ge [sflag:s18], $0x4000  }
0x8a: {  	[sflag:s18] =	ssyncset.done $0x0  }
0x8b: {  	[sflag:s18] =	ssyncadd.s32 $0xFFFFC000  }
0x8c: {  	[tilespmem:s23], [sflag:$0x1] =	stream.indirect.gather [hbm4b:s5+s22], $0x80, s7, s22, $0xb8;
	[tilespmem:$0x1C800] =	vst v63  }
0x8d: {  	_ =	swait.ge [sflag:s28], $0x4000  }
0x8e: {  	[sflag:s28] =	ssyncset.done $0x0  }
0x8f: {  	[sflag:s28] =	ssyncadd.s32 $0xFFFFC000  }
0x90: {  	[spmem:s2] =	stream.indirect.scatter.add.f32 [tilespmem:s24], [sflag:$0x5], $0x80, s8, s22, $0xb8;
	[tilespmem:$0x1C800] =	vst v63  }
0x91: {  	_ =	swait.ge [sflag:s18], $0x4000  }
0x92: {  	[sflag:s18] =	ssyncset.done $0x0  }
0x93: {  	[sflag:s18] =	ssyncadd.s32 $0xFFFFC000  }
0x94: {  	[tilespmem:s24], [sflag:$0x2] =	stream.indirect.gather [hbm4b:s5+s22], $0x80, s9, s22, $0xb8;
	[tilespmem:$0x1C800] =	vst v63  }
0x95: {  	_ =	swait.ge [sflag:s25], $0x4000  }
0x96: {  	p0 =	sne.s32 s16, $0x2400;
	[sflag:s25] =	ssyncset.done $0x0  }
.Ltmp2:
0x97: {  	[sflag:s25] =	ssyncadd.s32 $0xFFFFC000;
	(pc) =	sbr.rel @!p0 .LBB2_3-.Ltmp2, $4  }
0x98: {  	[spmem:s2] =	stream.indirect.scatter.add.f32 [tilespmem:s23], [sflag:$0x5], $0x80, s10, s22, $0xb8;
	[tilespmem:$0x1C800] =	vst v63  }
0x99: {  	_ =	swait.ge [sflag:s18], $0x4000  }
0x9a: {  	[sflag:s18] =	ssyncset.done $0x0  }
0x9b: {  	[sflag:s18] =	ssyncadd.s32 $0xFFFFC000  }
0x9c: {  	_ =	swait.ge [sflag:s12], $0x200  }
0x9d: {  	[sflag:s12] =	ssyncset.done $0x0  }
0x9e: {  	[sflag:s12] =	ssyncadd.s32 $0xFFFFFE00  }
0x9f: {  	_ =	swait.ge [sflag:s12], $0x200  }
0xa0: {  	[sflag:s12] =	ssyncset.done $0x0  }
0xa1: {  	[sflag:s12] =	ssyncadd.s32 $0xFFFFFE00  }
0xa2: {  	[tilespmem:s23], [sflag:$0x1] =	stream.indirect.gather [hbm4b:s5+s22], $0x80, s4, s22, $0xb8;
	[tilespmem:$0x1C800] =	vst v63  }
0xa3: {  	_ =	swait.ge [sflag:s28], $0x4000  }
0xa4: {  	[sflag:s28] =	ssyncset.done $0x0  }
0xa5: {  	s13 =	sadd.s32 s16, s17;
	s16 =	sadd.s32 $0x400, s16;
	[sflag:s28] =	ssyncadd.s32 $0xFFFFC000  }
0xa6: {  	[spmem:s2] =	stream.indirect.scatter.add.f32 [tilespmem:s24], [sflag:$0x5], $0x80, s11, s22, $0xb8;
	[tilespmem:$0x1C800] =	vst v63  }
0xa7: {  	s13 =	sshrl.u32 s13, $0x3;
	p0 =	sne.s32 s16, $0x2800;
	_ =	swait.ge [sflag:s18], $0x4000  }
.Ltmp3:
0xa8: {  	s13 =	sor.u32 $0x40, s13;
	[sflag:s18] =	ssyncset.done $0x0;
	(pc) =	sbr.rel @p0 .LBB2_2-.Ltmp3, $4  }
.Ltmp4:
0xa9: {  	s14 =	sadd.s32 s6, s13;
	[sflag:s18] =	ssyncadd.s32 $0xFFFFC000;
	(pc) =	sbr.rel @!p0 .LBB2_5-.Ltmp4, $4  }
0xaa: {  	[tilespmem:s20], [sflag:$0x4] =	stream.linear.gather [hbm4b:s14+s4], $0x200, $0x38;
	[tilespmem:$0x1C800] =	vst v63  }
0xab: {  	s13 =	sadd.s32 s1, s13  }
0xac: {  	[tilespmem:s21], [sflag:$0x4] =	stream.linear.gather [hbm4b:s13+s4], $0x200, $0x38;
	[tilespmem:$0x1C800] =	vst v63  }
0xad: {  	_ = 	snop  }
.LBB2_6:
0xae: {  	_ =	sfence.sel $0x180000  }
0xaf: {  	[bflag:$0x0] =	sbarrier.arrive $0xFFFF  }
0xb0: {  	_ =	strace $0x9000004A  }
0xb1: {  	s0 =	stileid.u32;
	[bflag:$0x2] =	sbarrier.arrive $0xFFFF  }
0xb2: {  	p0 =	sne.s32 s0, $0x0;
	s0 =	rddreg [dreg:$0x3]  }
0xb3: {  	s0 =	sadd.s32 @!p0 $0x100000, s0  }
0xb4: {  	[sflag:s0] =	ssyncadd.tile.s32 @!p0 $0x1;
	_ =	shalt  }
.Lfunc_end2:
_tile_overlayer_lowered:
.L_overlay_start_2:
0xb5: {  	(tag) =	ssettag $0x2  }
0xb6: {  	s0 =	rddreg [dreg:$0x0];
	s2 =	stileid.u32  }
0xb7: {  	s1 =	rddreg [dreg:$0x1];
	p0 =	sne.s32 s2, $0x0  }
0xb8: {  	s3 =	rddreg [dreg:$0x2];
	[bflag:$0x3] =	sbarrier.arrive $0xFFFF;
	s2 =	simm.s32 @!p0 $0x1C05  }
0xb9: {  	[timem:s3], [sflag:s2] =	dma.local @!p0 [hbm:s0], s1  }
0xba: {  	s0 =	simm.s32 @!p0 $0x5  }
0xbb: {  	_ =	swait.ge @!p0 [sflag:s0], s1  }
0xbc: {  	s1 =	ssub.s32 @!p0 $0x0, s1;
	[sflag:s0] =	ssyncset.done @!p0 $0x0  }
0xbd: {  	[sflag:s0] =	ssyncadd.s32 @!p0 s1  }
0xbe: {  	[bflag:$0x3] =	sbarrier.arrive $0xFFFF  }
0xbf: {  	_ =	shalt  }

// kernel: kernel.16.cloned.1.call-start
scs
__scs_entry_jumppad:
0x0: {  	(pc) =	sbr.rel $0x88, $3  }
0x1: {  	(tag) =	ssettag $0x0;
	lr =	simm.s32 $0x1  }
0x2: {  	[smem:$0x3F95] =	sst lr;
	_ =	strace $0xD0000000  }
0x3: {  	_ = 	snop  }
0x4: {  	_ = 	snop  }
0x5: {  	_ = 	snop  }
0x6: {  	_ = 	snop  }
0x7: {  	_ = 	snop  }
__scs_overlays_trampoline_lowered:
0x8: {  	[smem:$0x3FA4] =	sst s0  }
0x9: {  	[smem:$0x3FA5] =	sst s1  }
0xa: {  	[smem:$0x3FA6] =	sst s2  }
0xb: {  	[smem:$0x3FA7] =	sst s3  }
0xc: {  	[smem:$0x3FA8] =	sst s4  }
0xd: {  	[smem:$0x3FA9] =	sst s5  }
0xe: {  	[smem:$0x3FAA] =	sst s6  }
0xf: {  	[smem:$0x3FAB] =	sst s7  }
0x10: {  	[smem:$0x3FAC] =	sst s8  }
0x11: {  	[smem:$0x3FAD] =	sst s9;
	s0 =	simm.s32 @!p0 $0x0  }
0x12: {  	s1 =	sld [smem:$0x3F93];
	s0 =	simm.s32 @p0 $0x1  }
0x13: {  	[smem:$0x3FAE] =	sst s0;
	s0 =	simm.s32 @!p1 $0x0  }
0x14: {  	s2 =	sld [smem:$0x3F92];
	s0 =	simm.s32 @p1 $0x1  }
0x15: {  	[smem:$0x3FAF] =	sst s0;
	s0 =	simm.s32 @!p2 $0x0  }
0x16: {  	s3 =	sld [smem:$0x3FDB];
	s0 =	simm.s32 @p2 $0x1  }
0x17: {  	s4 =	simm.s32 $0x1BF5;
	[smem:$0x3FB1] =	sst s0  }
0x18: {  	s0 =	sld [smem:$0x3F94];
	_ =	swait.ge [sflag:s4], $0x0  }
0x19: {  	s7 =	sld [smem:$0x3F95]  }
0x1a: {  	s8 =	sadd.s32 $0xFFFFE003, lr  }
0x1b: {  	s9 =	sadd.s32 $0xFFFFFEF7, lr;
	s5 =	simm.s32 $0xFFFFFFFF;
	p2 =	slt.u32 s8, $0xFFFFF086  }
0x1c: {  	p1 =	slt.u32 s9, $0xF7A;
	s5 =	simm.s32 @!p2 $0x0  }
0x1d: {  	s5 =	simm.s32 @p1 $0x1;
	p0 =	seq.s32 s7, s2  }
0x1e: {  	s7 =	smul.u32 @!p0 $0xF7A, s2;
	p2 =	seq.s32 @!p0 s5, $0x0  }
0x1f: {  	s9 =	smul.u32 $0xF7A, s1;
	s8 =	simm.s32 @!p0 $0x1BF5;
	p2 =	por !p2, p0  }
0x20: {  	[sflag:s8] =	ssyncset.s32 @!p0 $0xFFFFF086;
	s6 =	sadd.s32 @!p0 s3, s7;
	s7 =	simm.s32 @!p0 $0x108  }
0x21: {  	s3 =	sadd.s32 s3, s9;
	s6 =	sadd.s32 @!p0 $0x88, s6;
	s7 =	simm.s32 @p2 $0x1082  }
0x22: {  	[simem:s7], [sflag:s8] =	dma.local @!p0 [hbm:s6], $0xF7A  }
0x23: {  	s9 =	sor.u32 $0xD0000000, s2;
	s6 =	simm.s32 $0x108;
	_ =	swait.ge @!p0 [sflag:s8], $0x0  }
0x24: {  	s3 =	sadd.s32 $0x88, s3;
	s6 =	simm.s32 @!p1 $0x1082;
	[sflag:s4] =	ssyncset.s32 $0xFFFFF086  }
0x25: {  	[simem:s6], [sflag:s4] =	dma.local [hbm:s3], $0xF7A  }
0x26: {  	[smem:$0x3F95] =	sst s1;
	(tag) =	ssettag s2;
	_ =	strace s9  }
0x27: {  	s1 =	sld [smem:$0x3FA5]  }
0x28: {  	s2 =	sld [smem:$0x3FA6]  }
0x29: {  	s4 =	sld [smem:$0x3FA8]  }
0x2a: {  	p0 =	seq.s32 s5, $0x0;
	s5 =	sld [smem:$0x3FA9]  }
0x2b: {  	s6 =	sld [smem:$0x3FAA]  }
0x2c: {  	s7 =	sld [smem:$0x3FAB]  }
0x2d: {  	s3 =	simm.s32 $0x108;
	s8 =	sld [smem:$0x3FAC]  }
0x2e: {  	s3 =	simm.s32 @!p0 $0x1082;
	s9 =	sld [smem:$0x3FAD]  }
0x2f: {  	lr =	sadd.s32 s0, s3;
	s0 =	sld [smem:$0x3FA4]  }
0x30: {  	s3 =	sld [smem:$0x3FA7]  }
0x31: {  	[smem:$0x3FB0] =	sst s10  }
0x32: {  	s10 =	sld [smem:$0x3FAE];
	_ =	sdelay $0x3  }
0x33: {  	p0 =	seq.s32 s10, $0x1;
	s10 =	sld [smem:$0x3FB0];
	_ =	sdelay $0x3  }
0x34: {  	[smem:$0x3FB0] =	sst s10  }
0x35: {  	s10 =	sld [smem:$0x3FAF];
	_ =	sdelay $0x3  }
0x36: {  	p1 =	seq.s32 s10, $0x1;
	s10 =	sld [smem:$0x3FB0];
	_ =	sdelay $0x3  }
0x37: {  	[smem:$0x3FB0] =	sst s10  }
0x38: {  	s10 =	sld [smem:$0x3FB1]  }
0x39: {  	_ = 	snop;
	(pc) =	sbr.ind lr, $3  }
0x3a: {  	_ = 	snop  }
0x3b: {  	_ = 	snop  }
0x3c: {  	p2 =	seq.s32 s10, $0x1;
	s10 =	sld [smem:$0x3FB0]  }
0x3d: {  	_ =	shalt  }
0x3e: {  	_ =	shalt  }
0x3f: {  	_ =	shalt  }
0x40: {  	_ =	shalt  }
0x41: {  	_ =	shalt  }
0x42: {  	_ =	shalt  }
0x43: {  	_ =	shalt  }
0x44: {  	_ =	shalt  }
0x45: {  	_ =	shalt  }
0x46: {  	_ =	shalt  }
0x47: {  	_ =	shalt  }
0x48: {  	_ =	shalt  }
0x49: {  	_ =	shalt  }
0x4a: {  	_ =	shalt  }
0x4b: {  	_ =	shalt  }
0x4c: {  	_ =	shalt  }
0x4d: {  	_ =	shalt  }
0x4e: {  	_ =	shalt  }
0x4f: {  	_ =	shalt  }
0x50: {  	_ =	shalt  }
0x51: {  	_ =	shalt  }
0x52: {  	_ =	shalt  }
0x53: {  	_ =	shalt  }
0x54: {  	_ =	shalt  }
0x55: {  	_ =	shalt  }
0x56: {  	_ =	shalt  }
0x57: {  	_ =	shalt  }
0x58: {  	_ =	shalt  }
0x59: {  	_ =	shalt  }
0x5a: {  	_ =	shalt  }
0x5b: {  	_ =	shalt  }
0x5c: {  	_ =	shalt  }
0x5d: {  	_ =	shalt  }
0x5e: {  	_ =	shalt  }
0x5f: {  	_ =	shalt  }
0x60: {  	_ =	shalt  }
0x61: {  	_ =	shalt  }
0x62: {  	_ =	shalt  }
0x63: {  	_ =	shalt  }
0x64: {  	_ =	shalt  }
0x65: {  	_ =	shalt  }
0x66: {  	_ =	shalt  }
0x67: {  	_ =	shalt  }
0x68: {  	_ =	shalt  }
0x69: {  	_ =	shalt  }
0x6a: {  	_ =	shalt  }
0x6b: {  	_ =	shalt  }
0x6c: {  	_ =	shalt  }
0x6d: {  	_ =	shalt  }
0x6e: {  	_ =	shalt  }
0x6f: {  	_ =	shalt  }
0x70: {  	_ =	shalt  }
0x71: {  	_ =	shalt  }
0x72: {  	_ =	shalt  }
0x73: {  	_ =	shalt  }
0x74: {  	_ =	shalt  }
0x75: {  	_ =	shalt  }
0x76: {  	_ =	shalt  }
0x77: {  	_ =	shalt  }
0x78: {  	_ =	shalt  }
0x79: {  	_ =	shalt  }
0x7a: {  	_ =	shalt  }
0x7b: {  	_ =	shalt  }
0x7c: {  	_ =	shalt  }
0x7d: {  	_ =	shalt  }
0x7e: {  	_ =	shalt  }
0x7f: {  	_ =	shalt  }
0x80: {  	_ =	shalt  }
0x81: {  	_ =	shalt  }
0x82: {  	_ =	shalt  }
0x83: {  	_ =	shalt  }
0x84: {  	_ =	shalt  }
0x85: {  	_ =	shalt  }
0x86: {  	_ =	shalt  }
0x87: {  	_ =	shalt  }
.Lfunc_end0:
.L_simem_size_0:
called_computation.2_lowered:
.L_overlay_start_0:
0x88: {  	s2 =	sld [smem:$0x3FD9]  }
0x89: {  	s3 =	sld [smem:$0x3FFE];
	_ =	sdelay $0x1  }
0x8a: {  	s1 =	srdreg.scid  }
0x8b: {  	s0 =	sand.u32 $0x1, s1  }
0x8c: {  	s17 =	sshll.u32 s0, $0xA;
	s2 =	sadd.s32 s3, s2  }
0x8d: {  	s2 =	sadd.s32 s2, s17  }
0x8e: {  	[smem:$0x3FBC] =	sst s2  }
0x8f: {  	_ = 	snop  }
0x90: {  	s2 =	sld [smem:$0x3FD0];
	(tm) =	ssettm $0x1  }
0x91: {  	s18 =	sld [smem:$0x3FFB];
	_ =	sdelay $0x3  }
0x92: {  	_ =	strace s18  }
0x93: {  	s3 =	sld [smem:$0x3FFC];
	_ =	sdelay $0x3  }
0x94: {  	_ =	strace s3  }
0x95: {  	s3 =	sld [smem:$0x3FFD];
	_ =	sdelay $0x3  }
0x96: {  	_ =	strace s3  }
0x97: {  	_ =	strace $0x8FFFFFFF  }
0x98: {  	s19 =	sld [smem:$0x3FDB];
	_ =	sdelay $0x1  }
0x99: {  	s4 =	simm.s32 $_scs_section_size  }
0x9a: {  	s5 =	simm.s32 $_size__tile_overlayer_lowered;
	s6 =	simm.s32 $_tile_overlayer_lowered  }
0x9b: {  	s22 =	simm.s32 $0x1BFF;
	s21 =	sshll.u32 s6, $0x1;
	s3 =	sadd.s32 s4, s19  }
0x9c: {  	s7 =	simm.s32 $0x0;
	s20 =	sshll.u32 s5, $0x1;
	s5 =	sadd.s32 s21, s3  }
0x9d: {  	[timem:s7], [sflag:s22] =	dma.local [hbm:s5], s20  }
0x9e: {  	_ =	swait.ge [sflag:s22], s20  }
0x9f: {  	s4 =	ssub.s32 $0x0, s20;
	[sflag:s22] =	ssyncset.done $0x0  }
0xa0: {  	[sflag:s22] =	ssyncadd.s32 s4;
	_ =	sdelay $0x1  }
0xa1: {  	s23 =	simm.s32 $0x1B8B  }
0xa2: {  	_ =	swait.ge [sflag:s23], $0x1  }
0xa3: {  	[sflag:s23] =	ssyncset.done $0x0  }
0xa4: {  	s25 =	simm.s32 $0x1B8E;
	s24 =	sld [smem:$0x3FFE];
	[sflag:s23] =	ssyncadd.s32 $0xFFFFFFFF  }
0xa5: {  	s26 =	simm.s32 $execute0_lowered;
	[smem:$0x3FD2] =	sst s25  }
0xa6: {  	s5 =	sshll.u32 s26, $0x1;
	_ =	strace $0x8000004C;
	[dreg:$0x1] =	wrdreg $0xFFFFFFFF  }
0xa7: {  	s28 =	simm.s32 $_size_execute0_lowered;
	s3 =	sadd.s32 s3, s5;
	[dreg:$0x0] =	wrdreg $0x0  }
0xa8: {  	s5 =	sshll.u32 s28, $0x1;
	[dreg:$0x2] =	wrdreg s3  }
0xa9: {  	[dreg:$0x3] =	wrdreg s5  }
0xaa: {  	[dreg:$0x4] =	wrdreg $0xC0  }
0xab: {  	_ =	task [dreg:s7], $0x5FFFF  }
0xac: {  	[dreg:$0x1] =	wrdreg $0xFFFFFFFF  }
0xad: {  	[dreg:$0x0] =	wrdreg $0x60  }
0xae: {  	[dreg:$0x2] =	wrdreg s24  }
0xaf: {  	[dreg:$0x3] =	wrdreg s2  }
0xb0: {  	[dreg:$0x4] =	wrdreg $0x88000  }
0xb1: {  	[dreg:$0x5] =	wrdreg $0x9  }
0xb2: {  	_ =	task.clear_ibuf [dreg:s7], $0x6FFFF;
	_ =	strace $0x9000004C  }
0xb3: {  	s29 =	simm.s32 $0x9;
	_ =	strace $0x8000004E  }
0xb4: {  	_ =	swait.ge [sflag:s29], $0x1  }
0xb5: {  	[sflag:s29] =	ssyncadd.s32 $0xFFFFFFFF  }
0xb6: {  	_ =	strace $0x9000004E  }
0xb7: {  	_ =	sfence  }
0xb8: {  	s30 =	sld [smem:$0x0];
	_ =	sdelay $0x2  }
0xb9: {  	s31 =	sshll.u32 s1, $0xD;
	s1 =	sshrl.u32 s1, $0x2  }
0xba: {  	s3 =	sand.u32 $0x4000, s31;
	s1 =	sadd.s32 s1, s30  }
0xbb: {  	s0 =	sor.u32 s3, s0;
	s1 =	sshll.u32 s1, $0x11  }
0xbc: {  	s0 =	sor.u32 s1, s0  }
0xbd: {  	s0 =	sadd.s32 $0x8F2B, s0  }
0xbe: {  	[sflag:s0] =	ssyncadd.remote.s32 $0x1  }
0xbf: {  	_ =	sfence.sel $0xFFFF  }
0xc0: {  	[dreg:$0x0] =	wrdreg $0xFFFFFFFF;
	(pc) =	sbr.abs _section_cstart, $3  }
0xc1: {  	[dreg:$0x1] =	wrdreg $0xFFFFFFFF  }
0xc2: {  	_ =	task.clear_ibuf [dreg:s7], $0x2FFFF;
	_ =	strace $0x9FFFFFFF  }
0xc3: {  	(tm) =	ssettm $0x7FFFFFFF  }
tec
execute0_lowered:
.L_overlay_start_1:
0x0: {  	(tag) =	ssettag $0x1  }
0x1: {  	s0 =	rddreg [dreg:$0x0]  }
0x2: {  	s1 =	rddreg [dreg:$0x1]  }
0x3: {  	s2 =	rddreg [dreg:$0x2];
	s4 =	simm.s32 $0x0  }
0x4: {  	s3 =	srdreg.scid;
	s12 =	stileid.u32;
	s28 =	simm.s32 $0x2  }
0x5: {  	s29 =	simm.s32 $0x480;
	s30 =	simm.s32 $0x180;
	s7 =	smul.u32 $0x14000, s12  }
0x6: {  	s31 =	simm.s32 $0x500;
	[smem:$0x7FF] =	sst s4;
	s19 =	smul.u32 $0x50000, s12  }
0x7: {  	s3 =	sand.u32 $0x1, s3;
	s5 =	sadd.s32 $0x2B200, s0;
	s21 =	smul.u32 $0x2C00, s12  }
0x8: {  	_ =	strace $0x8000004D;
	s6 =	sshll.u32 s3, $0x4;
	s8 =	smul.u32 $0x140000, s3  }
0x9: {  	s14 =	ssub.s32 $0x2, s3;
	s3 =	smul.u32 $0x2C000, s3;
	s9 =	sor.u32 s12, s6  }
0xa: {  	s6 =	sadd.s32 $0x7BA00, s0;
	s10 =	sshrl.u32 s7, $0x3;
	s11 =	sshrl.u32 s14, $0x1  }
0xb: {  	s20 =	sshrl.u32 s19, $0x2;
	s19 =	simm.s32 $0x400;
	s12 =	simm.s32 $0x3  }
0xc: {  	s9 =	smul.u32 $0x2C00, s9;
	s10 =	sadd.s32 s10, s0;
	s7 =	sadd.s32 s7, s8  }
0xd: {  	s15 =	ssub.s32 s14, s11;
	s25 =	sadd.s32 s21, s3;
	s21 =	simm.s32 $0x600  }
0xe: {  	s3 =	simm.s32 $0x280;
	s11 =	simm.s32 $0x780;
	s14 =	simm.s32 $0x0  }
0xf: {  	s7 =	sshrl.u32 s7, $0x3;
	s22 =	sadd.s32 $0x3200, s10;
	s26 =	smax.u32 s15, $0x1  }
0x10: {  	s10 =	simm.s32 $0x700;
	s9 =	sshrl.u32 s9, $0x3;
	[dreg:$0x9] =	wrdreg s22  }
0x11: {  	s0 =	sadd.s32 s7, s0;
	[dreg:$0xd] =	wrdreg s26;
	s22 =	simm.s32 $0x80  }
0x12: {  	s26 =	simm.s32 $0x100;
	s7 =	simm.s32 $0x300;
	s16 =	sadd.s32 s6, s9  }
0x13: {  	s17 =	sadd.s32 s1, s9;
	s18 =	sor.u32 $0x40, s9;
	[dreg:$0x4] =	wrdreg s16  }
0x14: {  	s9 =	sadd.s32 $0x500, s9;
	s0 =	sadd.s32 $0x86A00, s0;
	[dreg:$0x5] =	wrdreg s17  }
0x15: {  	s13 =	sadd.s32 s6, s18;
	s8 =	sadd.s32 s1, s18;
	s23 =	sadd.s32 s6, s9  }
0x16: {  	s24 =	sadd.s32 s1, s9;
	[dreg:$0xc] =	wrdreg s0;
	s17 =	sadd.s32 $0x400, s25  }
.Ltmp0:
0x17: {  	s18 =	simm.s32 $0x5;
	[dreg:$0x6] =	wrdreg s13;
	(pc) =	sbr.rel .LBB2_1-.Ltmp0, $4  }
0x18: {  	s25 =	simm.s32 $0x1;
	s0 =	simm.s32 $0x580;
	[dreg:$0x7] =	wrdreg s8  }
0x19: {  	s9 =	simm.s32 $0x380;
	s8 =	sadd.s32 s20, s2;
	[dreg:$0xa] =	wrdreg s23  }
0x1a: {  	[dreg:$0xb] =	wrdreg s24;
	s20 =	simm.s32 $0x200;
	s23 =	simm.s32 $0x800  }
0x1b: {  	s24 =	simm.s32 $0x4800;
	[dreg:$0x8] =	wrdreg s8;
	s8 =	simm.s32 $0x680  }
.LBB2_3:
0x1c: {  	_ =	swait.ge [sflag:s28], $0x4000  }
0x1d: {  	[sflag:s28] =	ssyncset.done $0x0  }
0x1e: {  	[sflag:s28] =	ssyncadd.s32 $0xFFFFC000  }
0x1f: {  	[spmem:s2] =	stream.indirect.scatter.add.f32 [tilespmem:s24], [sflag:$0x5], $0x80, s11, s22, $0xb8;
	[tilespmem:$0x1C800] =	vst v63  }
0x20: {  	_ =	swait.ge [sflag:s18], $0x4000  }
0x21: {  	[sflag:s18] =	ssyncset.done $0x0  }
0x22: {  	[sflag:s18] =	ssyncadd.s32 $0xFFFFC000  }
.LBB2_5:
0x23: {  	s13 =	rddreg [dreg:$0xa]  }
0x24: {  	[tilespmem:s4], [sflag:$0x5] =	stream.linear.gather [hbm4b:s13+s4], $0x200, $0x38;
	[tilespmem:$0x1C800] =	vst v63  }
0x25: {  	_ =	swait.ge [sflag:s18], $0x200  }
0x26: {  	[sflag:s18] =	ssyncset.done $0x0  }
0x27: {  	s15 =	rddreg [dreg:$0xb];
	[sflag:s18] =	ssyncadd.s32 $0xFFFFFE00  }
0x28: {  	[tilespmem:s19], [sflag:$0x5] =	stream.linear.gather [hbm4b:s15+s4], $0x200, $0x38;
	[tilespmem:$0x1C800] =	vst v63  }
0x29: {  	_ =	swait.ge [sflag:s18], $0x200  }
0x2a: {  	[sflag:s18] =	ssyncset.done $0x0  }
0x2b: {  	[sflag:s18] =	ssyncadd.s32 $0xFFFFFE00  }
0x2c: {  	[tilespmem:s23], [sflag:$0x1] =	stream.indirect.gather [hbm4b:s5+s22], $0x80, s4, s22, $0xb8;
	[tilespmem:$0x1C800] =	vst v63  }
0x2d: {  	_ =	swait.ge [sflag:s25], $0x4000  }
0x2e: {  	[sflag:s25] =	ssyncset.done $0x0  }
0x2f: {  	[sflag:s25] =	ssyncadd.s32 $0xFFFFC000  }
0x30: {  	[spmem:s2] =	stream.indirect.scatter.add.f32 [tilespmem:s23], [sflag:$0x5], $0x80, s19, s22, $0xb8;
	[tilespmem:$0x1C800] =	vst v63  }
0x31: {  	_ =	swait.ge [sflag:s18], $0x4000  }
0x32: {  	[sflag:s18] =	ssyncset.done $0x0  }
0x33: {  	[sflag:s18] =	ssyncadd.s32 $0xFFFFC000  }
0x34: {  	[bflag:$0x0] =	sbarrier.arrive $0xFFFF  }
0x35: {  	s16 =	rddreg [dreg:$0xc]  }
0x36: {  	s14 =	rddreg [dreg:$0xf]  }
0x37: {  	s15 =	rddreg [dreg:$0x10]  }
0x38: {  	[hbm:s16], [sflag:s14] =	dma.local [spmem:s15], $0x2800  }
0x39: {  	_ =	swait.ge [sflag:s18], $0x2800  }
0x3a: {  	s15 =	rddreg [dreg:$0xe]  }
0x3b: {  	s16 =	rddreg [dreg:$0xd];
	s14 =	sadd.s32 $0x1, s15  }
0x3c: {  	p0 =	sne.s32 s14, s16  }
.Ltmp1:
0x3d: {  	_ = 	snop;
	(pc) =	sbr.rel @!p0 .LBB2_6-.Ltmp1, $3  }
0x3e: {  	_ =	sdelay $0x1  }
0x3f: {  	[sflag:s18] =	ssyncset.done $0x0  }
0x40: {  	[sflag:s18] =	ssyncadd.s32 $0xFFFFD800  }
.LBB2_1:
0x41: {  	[dreg:$0xe] =	wrdreg s14  }
0x42: {  	s13 =	rddreg [dreg:$0x4]  }
0x43: {  	[tilespmem:s4], [sflag:$0x5] =	stream.linear.gather [hbm4b:s13+s4], $0x200, $0x38;
	[tilespmem:$0x1C800] =	vst v63  }
0x44: {  	_ =	swait.ge [sflag:s18], $0x200  }
0x45: {  	[sflag:s18] =	ssyncset.done $0x0  }
0x46: {  	s16 =	rddreg [dreg:$0x5];
	[sflag:s18] =	ssyncadd.s32 $0xFFFFFE00  }
0x47: {  	[tilespmem:s19], [sflag:$0x5] =	stream.linear.gather [hbm4b:s16+s4], $0x200, $0x38;
	[tilespmem:$0x1C800] =	vst v63  }
0x48: {  	_ =	swait.ge [sflag:s18], $0x200  }
0x49: {  	[sflag:s18] =	ssyncset.done $0x0  }
0x4a: {  	s14 =	rddreg [dreg:$0x6];
	[sflag:s18] =	ssyncadd.s32 $0xFFFFFE00  }
0x4b: {  	[tilespmem:s20], [sflag:$0x5] =	stream.linear.gather [hbm4b:s14+s4], $0x200, $0x38;
	[tilespmem:$0x1C800] =	vst v63  }
0x4c: {  	s16 =	stileid.u32;
	_ =	swait.ge [sflag:s18], $0x200  }
0x4d: {  	s13 =	sshll.u32 s16, $0x6;
	[sflag:s18] =	ssyncset.done $0x0  }
0x4e: {  	s14 =	sor.u32 $0x1C05, s13;
	s15 =	rddreg [dreg:$0x7];
	[sflag:s18] =	ssyncadd.s32 $0xFFFFFE00  }
0x4f: {  	[tilespmem:s21], [sflag:$0x5] =	stream.linear.gather [hbm4b:s15+s4], $0x200, $0x38;
	[tilespmem:$0x1C800] =	vst v63  }
0x50: {  	_ =	swait.ge [sflag:s18], $0x200;
	[dreg:$0xf] =	wrdreg s14  }
0x51: {  	[sflag:s18] =	ssyncset.done $0x0;
	s15 =	rddreg [dreg:$0x8]  }
0x52: {  	s16 =	rddreg [dreg:$0x9];
	[sflag:s18] =	ssyncadd.s32 $0xFFFFFE00;
	s15 =	sshrl.u32 s15, $0x3  }
0x53: {  	[tilespmem:s23], [sflag:$0x1] =	stream.indirect.gather [hbm4b:s5+s22], $0x80, s4, s22, $0xb8;
	[tilespmem:$0x1C800] =	vst v63  }
0x54: {  	[dreg:$0x10] =	wrdreg s15  }
0x55: {  	[spmem:s15], [sflag:s14] =	dma.local [hbm:s16], $0x2800  }
0x56: {  	_ =	swait.ge [sflag:s18], $0x2800  }
0x57: {  	[sflag:s18] =	ssyncset.done $0x0  }
0x58: {  	[sflag:s18] =	ssyncadd.s32 $0xFFFFD800  }
0x59: {  	s16 =	simm.s32 $0x0;
	[bflag:$0x0] =	sbarrier.arrive $0xFFFF  }
.LBB2_2:
0x5a: {  	[tilespmem:s24], [sflag:$0x2] =	stream.indirect.gather [hbm4b:s5+s22], $0x80, s22, s22, $0xb8;
	[tilespmem:$0x1C800] =	vst v63  }
0x5b: {  	_ =	swait.ge [sflag:s25], $0x4000  }
0x5c: {  	[sflag:s25] =	ssyncset.done $0x0  }
0x5d: {  	[sflag:s25] =	ssyncadd.s32 $0xFFFFC000  }
0x5e: {  	[spmem:s2] =	stream.indirect.scatter.add.f32 [tilespmem:s23], [sflag:$0x5], $0x80, s19, s22, $0xb8;
	[tilespmem:$0x1C800] =	vst v63  }
0x5f: {  	_ =	swait.ge [sflag:s18], $0x4000  }
0x60: {  	[sflag:s18] =	ssyncset.done $0x0  }
0x61: {  	[sflag:s18] =	ssyncadd.s32 $0xFFFFC000  }
0x62: {  	[tilespmem:s23], [sflag:$0x1] =	stream.indirect.gather [hbm4b:s5+s22], $0x80, s26, s22, $0xb8;
	[tilespmem:$0x1C800] =	vst v63  }
0x63: {  	_ =	swait.ge [sflag:s28], $0x4000  }
0x64: {  	[sflag:s28] =	ssyncset.done $0x0  }
0x65: {  	[sflag:s28] =	ssyncadd.s32 $0xFFFFC000  }
0x66: {  	[spmem:s2] =	stream.indirect.scatter.add.f32 [tilespmem:s24], [sflag:$0x5], $0x80, s29, s22, $0xb8;
	[tilespmem:$0x1C800] =	vst v63  }
0x67: {  	_ =	swait.ge [sflag:s18], $0x4000  }
0x68: {  	[sflag:s18] =	ssyncset.done $0x0  }
0x69: {  	[sflag:s18] =	ssyncadd.s32 $0xFFFFC000  }
0x6a: {  	[tilespmem:s24], [sflag:$0x2] =	stream.indirect.gather [hbm4b:s5+s22], $0x80, s30, s22, $0xb8;
	[tilespmem:$0x1C800] =	vst v63  }
0x6b: {  	_ =	swait.ge [sflag:s25], $0x4000  }
0x6c: {  	[sflag:s25] =	ssyncset.done $0x0  }
0x6d: {  	[sflag:s25] =	ssyncadd.s32 $0xFFFFC000  }
0x6e: {  	[spmem:s2] =	stream.indirect.scatter.add.f32 [tilespmem:s23], [sflag:$0x5], $0x80, s31, s22, $0xb8;
	[tilespmem:$0x1C800] =	vst v63  }
0x6f: {  	_ =	swait.ge [sflag:s18], $0x4000  }
0x70: {  	p0 =	seq.s32 s16, $0x0;
	[sflag:s18] =	ssyncset.done $0x0  }
0x71: {  	s14 =	simm.s32 @!p0 $0x4;
	[sflag:s18] =	ssyncadd.s32 $0xFFFFC000  }
0x72: {  	_ =	swait.ge @!p0 [sflag:s14], $0x200  }
0x73: {  	[sflag:s14] =	ssyncset.done @!p0 $0x0  }
0x74: {  	[sflag:s14] =	ssyncadd.s32 @!p0 $0xFFFFFE00  }
0x75: {  	_ =	swait.ge @!p0 [sflag:s14], $0x200  }
0x76: {  	[sflag:s14] =	ssyncset.done @!p0 $0x0  }
0x77: {  	[sflag:s14] =	ssyncadd.s32 @!p0 $0xFFFFFE00  }
0x78: {  	[tilespmem:s23], [sflag:$0x1] =	stream.indirect.gather [hbm4b:s5+s22], $0x80, s20, s22, $0xb8;
	[tilespmem:$0x1C800] =	vst v63  }
0x79: {  	_ =	swait.ge [sflag:s28], $0x4000  }
0x7a: {  	[sflag:s28] =	ssyncset.done $0x0  }
0x7b: {  	p0 =	seq.s32 s16, $0x2400;
	[sflag:s28] =	ssyncadd.s32 $0xFFFFC000  }
0x7c: {  	[spmem:s2] =	stream.indirect.scatter.add.f32 [tilespmem:s24], [sflag:$0x5], $0x80, s0, s22, $0xb8;
	[tilespmem:$0x1C800] =	vst v63  }
0x7d: {  	s14 =	sadd.s32 @!p0 s16, s17;
	_ =	swait.ge [sflag:s18], $0x4000  }
0x7e: {  	s14 =	sshrl.u32 @!p0 s14, $0x3;
	[sflag:s18] =	ssyncset.done $0x0  }
0x7f: {  	s13 =	simm.s32 @!p0 $0x0;
	s15 =	sadd.s32 @!p0 s6, s14;
	[sflag:s18] =	ssyncadd.s32 $0xFFFFC000  }
0x80: {  	[tilespmem:s13], [sflag:$0x3] =	stream.linear.gather @!p0 [hbm4b:s15+s13], $0x200, $0x38;
	[tilespmem:$0x1C800] =	vst v63  }
0x81: {  	s14 =	sadd.s32 @!p0 s1, s14;
	s15 =	simm.s32 @!p0 $0x400  }
0x82: {  	[tilespmem:s15], [sflag:$0x3] =	stream.linear.gather @!p0 [hbm4b:s14+s13], $0x200, $0x38;
	[tilespmem:$0x1C800] =	vst v63  }
0x83: {  	_ = 	snop  }
0x84: {  	[tilespmem:s24], [sflag:$0x2] =	stream.indirect.gather [hbm4b:s5+s22], $0x80, s3, s22, $0xb8;
	[tilespmem:$0x1C800] =	vst v63  }
0x85: {  	_ =	swait.ge [sflag:s25], $0x4000  }
0x86: {  	[sflag:s25] =	ssyncset.done $0x0  }
0x87: {  	[sflag:s25] =	ssyncadd.s32 $0xFFFFC000  }
0x88: {  	[spmem:s2] =	stream.indirect.scatter.add.f32 [tilespmem:s23], [sflag:$0x5], $0x80, s21, s22, $0xb8;
	[tilespmem:$0x1C800] =	vst v63  }
0x89: {  	_ =	swait.ge [sflag:s18], $0x4000  }
0x8a: {  	[sflag:s18] =	ssyncset.done $0x0  }
0x8b: {  	[sflag:s18] =	ssyncadd.s32 $0xFFFFC000  }
0x8c: {  	[tilespmem:s23], [sflag:$0x1] =	stream.indirect.gather [hbm4b:s5+s22], $0x80, s7, s22, $0xb8;
	[tilespmem:$0x1C800] =	vst v63  }
0x8d: {  	_ =	swait.ge [sflag:s28], $0x4000  }
0x8e: {  	[sflag:s28] =	ssyncset.done $0x0  }
0x8f: {  	[sflag:s28] =	ssyncadd.s32 $0xFFFFC000  }
0x90: {  	[spmem:s2] =	stream.indirect.scatter.add.f32 [tilespmem:s24], [sflag:$0x5], $0x80, s8, s22, $0xb8;
	[tilespmem:$0x1C800] =	vst v63  }
0x91: {  	_ =	swait.ge [sflag:s18], $0x4000  }
0x92: {  	[sflag:s18] =	ssyncset.done $0x0  }
0x93: {  	[sflag:s18] =	ssyncadd.s32 $0xFFFFC000  }
0x94: {  	[tilespmem:s24], [sflag:$0x2] =	stream.indirect.gather [hbm4b:s5+s22], $0x80, s9, s22, $0xb8;
	[tilespmem:$0x1C800] =	vst v63  }
0x95: {  	_ =	swait.ge [sflag:s25], $0x4000  }
0x96: {  	p0 =	sne.s32 s16, $0x2400;
	[sflag:s25] =	ssyncset.done $0x0  }
.Ltmp2:
0x97: {  	[sflag:s25] =	ssyncadd.s32 $0xFFFFC000;
	(pc) =	sbr.rel @!p0 .LBB2_3-.Ltmp2, $4  }
0x98: {  	[spmem:s2] =	stream.indirect.scatter.add.f32 [tilespmem:s23], [sflag:$0x5], $0x80, s10, s22, $0xb8;
	[tilespmem:$0x1C800] =	vst v63  }
0x99: {  	_ =	swait.ge [sflag:s18], $0x4000  }
0x9a: {  	[sflag:s18] =	ssyncset.done $0x0  }
0x9b: {  	[sflag:s18] =	ssyncadd.s32 $0xFFFFC000  }
0x9c: {  	_ =	swait.ge [sflag:s12], $0x200  }
0x9d: {  	[sflag:s12] =	ssyncset.done $0x0  }
0x9e: {  	[sflag:s12] =	ssyncadd.s32 $0xFFFFFE00  }
0x9f: {  	_ =	swait.ge [sflag:s12], $0x200  }
0xa0: {  	[sflag:s12] =	ssyncset.done $0x0  }
0xa1: {  	[sflag:s12] =	ssyncadd.s32 $0xFFFFFE00  }
0xa2: {  	[tilespmem:s23], [sflag:$0x1] =	stream.indirect.gather [hbm4b:s5+s22], $0x80, s4, s22, $0xb8;
	[tilespmem:$0x1C800] =	vst v63  }
0xa3: {  	_ =	swait.ge [sflag:s28], $0x4000  }
0xa4: {  	[sflag:s28] =	ssyncset.done $0x0  }
0xa5: {  	s13 =	sadd.s32 s16, s17;
	s16 =	sadd.s32 $0x400, s16;
	[sflag:s28] =	ssyncadd.s32 $0xFFFFC000  }
0xa6: {  	[spmem:s2] =	stream.indirect.scatter.add.f32 [tilespmem:s24], [sflag:$0x5], $0x80, s11, s22, $0xb8;
	[tilespmem:$0x1C800] =	vst v63  }
0xa7: {  	s13 =	sshrl.u32 s13, $0x3;
	p0 =	sne.s32 s16, $0x2800;
	_ =	swait.ge [sflag:s18], $0x4000  }
.Ltmp3:
0xa8: {  	s13 =	sor.u32 $0x40, s13;
	[sflag:s18] =	ssyncset.done $0x0;
	(pc) =	sbr.rel @p0 .LBB2_2-.Ltmp3, $4  }
.Ltmp4:
0xa9: {  	s14 =	sadd.s32 s6, s13;
	[sflag:s18] =	ssyncadd.s32 $0xFFFFC000;
	(pc) =	sbr.rel @!p0 .LBB2_5-.Ltmp4, $4  }
0xaa: {  	[tilespmem:s20], [sflag:$0x4] =	stream.linear.gather [hbm4b:s14+s4], $0x200, $0x38;
	[tilespmem:$0x1C800] =	vst v63  }
0xab: {  	s13 =	sadd.s32 s1, s13  }
0xac: {  	[tilespmem:s21], [sflag:$0x4] =	stream.linear.gather [hbm4b:s13+s4], $0x200, $0x38;
	[tilespmem:$0x1C800] =	vst v63  }
0xad: {  	_ = 	snop  }
.LBB2_6:
0xae: {  	_ =	sfence.sel $0x180000  }
0xaf: {  	[bflag:$0x0] =	sbarrier.arrive $0xFFFF  }
0xb0: {  	_ =	strace $0x9000004D  }
0xb1: {  	s0 =	stileid.u32;
	[bflag:$0x2] =	sbarrier.arrive $0xFFFF  }
0xb2: {  	p0 =	sne.s32 s0, $0x0;
	s0 =	rddreg [dreg:$0x3]  }
0xb3: {  	s0 =	sadd.s32 @!p0 $0x100000, s0  }
0xb4: {  	[sflag:s0] =	ssyncadd.tile.s32 @!p0 $0x1;
	_ =	shalt  }
.Lfunc_end2:
_tile_overlayer_lowered:
.L_overlay_start_2:
0xb5: {  	(tag) =	ssettag $0x2  }
0xb6: {  	s0 =	rddreg [dreg:$0x0];
	s2 =	stileid.u32  }
0xb7: {  	s1 =	rddreg [dreg:$0x1];
	p0 =	sne.s32 s2, $0x0  }
0xb8: {  	s3 =	rddreg [dreg:$0x2];
	[bflag:$0x3] =	sbarrier.arrive $0xFFFF;
	s2 =	simm.s32 @!p0 $0x1C05  }
0xb9: {  	[timem:s3], [sflag:s2] =	dma.local @!p0 [hbm:s0], s1  }
0xba: {  	s0 =	simm.s32 @!p0 $0x5  }
0xbb: {  	_ =	swait.ge @!p0 [sflag:s0], s1  }
0xbc: {  	s1 =	ssub.s32 @!p0 $0x0, s1;
	[sflag:s0] =	ssyncset.done @!p0 $0x0  }
0xbd: {  	[sflag:s0] =	ssyncadd.s32 @!p0 s1  }
0xbe: {  	[bflag:$0x3] =	sbarrier.arrive $0xFFFF  }
0xbf: {  	_ =	shalt  }

// kernel: kernel.19.cloned.1.call-start
scs
__scs_entry_jumppad:
0x0: {  	(pc) =	sbr.rel $0x88, $3  }
0x1: {  	(tag) =	ssettag $0x0;
	lr =	simm.s32 $0x1  }
0x2: {  	[smem:$0x3F95] =	sst lr;
	_ =	strace $0xD0000000  }
0x3: {  	_ = 	snop  }
0x4: {  	_ = 	snop  }
0x5: {  	_ = 	snop  }
0x6: {  	_ = 	snop  }
0x7: {  	_ = 	snop  }
__scs_overlays_trampoline_lowered:
0x8: {  	[smem:$0x3FA4] =	sst s0  }
0x9: {  	[smem:$0x3FA5] =	sst s1  }
0xa: {  	[smem:$0x3FA6] =	sst s2  }
0xb: {  	[smem:$0x3FA7] =	sst s3  }
0xc: {  	[smem:$0x3FA8] =	sst s4  }
0xd: {  	[smem:$0x3FA9] =	sst s5  }
0xe: {  	[smem:$0x3FAA] =	sst s6  }
0xf: {  	[smem:$0x3FAB] =	sst s7  }
0x10: {  	[smem:$0x3FAC] =	sst s8  }
0x11: {  	[smem:$0x3FAD] =	sst s9;
	s0 =	simm.s32 @!p0 $0x0  }
0x12: {  	s1 =	sld [smem:$0x3F93];
	s0 =	simm.s32 @p0 $0x1  }
0x13: {  	[smem:$0x3FAE] =	sst s0;
	s0 =	simm.s32 @!p1 $0x0  }
0x14: {  	s2 =	sld [smem:$0x3F92];
	s0 =	simm.s32 @p1 $0x1  }
0x15: {  	[smem:$0x3FAF] =	sst s0;
	s0 =	simm.s32 @!p2 $0x0  }
0x16: {  	s3 =	sld [smem:$0x3FDB];
	s0 =	simm.s32 @p2 $0x1  }
0x17: {  	s4 =	simm.s32 $0x1BF5;
	[smem:$0x3FB1] =	sst s0  }
0x18: {  	s0 =	sld [smem:$0x3F94];
	_ =	swait.ge [sflag:s4], $0x0  }
0x19: {  	s7 =	sld [smem:$0x3F95]  }
0x1a: {  	s8 =	sadd.s32 $0xFFFFE003, lr  }
0x1b: {  	s9 =	sadd.s32 $0xFFFFFEF7, lr;
	s5 =	simm.s32 $0xFFFFFFFF;
	p2 =	slt.u32 s8, $0xFFFFF086  }
0x1c: {  	p1 =	slt.u32 s9, $0xF7A;
	s5 =	simm.s32 @!p2 $0x0  }
0x1d: {  	s5 =	simm.s32 @p1 $0x1;
	p0 =	seq.s32 s7, s2  }
0x1e: {  	s7 =	smul.u32 @!p0 $0xF7A, s2;
	p2 =	seq.s32 @!p0 s5, $0x0  }
0x1f: {  	s9 =	smul.u32 $0xF7A, s1;
	s8 =	simm.s32 @!p0 $0x1BF5;
	p2 =	por !p2, p0  }
0x20: {  	[sflag:s8] =	ssyncset.s32 @!p0 $0xFFFFF086;
	s6 =	sadd.s32 @!p0 s3, s7;
	s7 =	simm.s32 @!p0 $0x108  }
0x21: {  	s3 =	sadd.s32 s3, s9;
	s6 =	sadd.s32 @!p0 $0x88, s6;
	s7 =	simm.s32 @p2 $0x1082  }
0x22: {  	[simem:s7], [sflag:s8] =	dma.local @!p0 [hbm:s6], $0xF7A  }
0x23: {  	s9 =	sor.u32 $0xD0000000, s2;
	s6 =	simm.s32 $0x108;
	_ =	swait.ge @!p0 [sflag:s8], $0x0  }
0x24: {  	s3 =	sadd.s32 $0x88, s3;
	s6 =	simm.s32 @!p1 $0x1082;
	[sflag:s4] =	ssyncset.s32 $0xFFFFF086  }
0x25: {  	[simem:s6], [sflag:s4] =	dma.local [hbm:s3], $0xF7A  }
0x26: {  	[smem:$0x3F95] =	sst s1;
	(tag) =	ssettag s2;
	_ =	strace s9  }
0x27: {  	s1 =	sld [smem:$0x3FA5]  }
0x28: {  	s2 =	sld [smem:$0x3FA6]  }
0x29: {  	s4 =	sld [smem:$0x3FA8]  }
0x2a: {  	p0 =	seq.s32 s5, $0x0;
	s5 =	sld [smem:$0x3FA9]  }
0x2b: {  	s6 =	sld [smem:$0x3FAA]  }
0x2c: {  	s7 =	sld [smem:$0x3FAB]  }
0x2d: {  	s3 =	simm.s32 $0x108;
	s8 =	sld [smem:$0x3FAC]  }
0x2e: {  	s3 =	simm.s32 @!p0 $0x1082;
	s9 =	sld [smem:$0x3FAD]  }
0x2f: {  	lr =	sadd.s32 s0, s3;
	s0 =	sld [smem:$0x3FA4]  }
0x30: {  	s3 =	sld [smem:$0x3FA7]  }
0x31: {  	[smem:$0x3FB0] =	sst s10  }
0x32: {  	s10 =	sld [smem:$0x3FAE];
	_ =	sdelay $0x3  }
0x33: {  	p0 =	seq.s32 s10, $0x1;
	s10 =	sld [smem:$0x3FB0];
	_ =	sdelay $0x3  }
0x34: {  	[smem:$0x3FB0] =	sst s10  }
0x35: {  	s10 =	sld [smem:$0x3FAF];
	_ =	sdelay $0x3  }
0x36: {  	p1 =	seq.s32 s10, $0x1;
	s10 =	sld [smem:$0x3FB0];
	_ =	sdelay $0x3  }
0x37: {  	[smem:$0x3FB0] =	sst s10  }
0x38: {  	s10 =	sld [smem:$0x3FB1]  }
0x39: {  	_ = 	snop;
	(pc) =	sbr.ind lr, $3  }
0x3a: {  	_ = 	snop  }
0x3b: {  	_ = 	snop  }
0x3c: {  	p2 =	seq.s32 s10, $0x1;
	s10 =	sld [smem:$0x3FB0]  }
0x3d: {  	_ =	shalt  }
0x3e: {  	_ =	shalt  }
0x3f: {  	_ =	shalt  }
0x40: {  	_ =	shalt  }
0x41: {  	_ =	shalt  }
0x42: {  	_ =	shalt  }
0x43: {  	_ =	shalt  }
0x44: {  	_ =	shalt  }
0x45: {  	_ =	shalt  }
0x46: {  	_ =	shalt  }
0x47: {  	_ =	shalt  }
0x48: {  	_ =	shalt  }
0x49: {  	_ =	shalt  }
0x4a: {  	_ =	shalt  }
0x4b: {  	_ =	shalt  }
0x4c: {  	_ =	shalt  }
0x4d: {  	_ =	shalt  }
0x4e: {  	_ =	shalt  }
0x4f: {  	_ =	shalt  }
0x50: {  	_ =	shalt  }
0x51: {  	_ =	shalt  }
0x52: {  	_ =	shalt  }
0x53: {  	_ =	shalt  }
0x54: {  	_ =	shalt  }
0x55: {  	_ =	shalt  }
0x56: {  	_ =	shalt  }
0x57: {  	_ =	shalt  }
0x58: {  	_ =	shalt  }
0x59: {  	_ =	shalt  }
0x5a: {  	_ =	shalt  }
0x5b: {  	_ =	shalt  }
0x5c: {  	_ =	shalt  }
0x5d: {  	_ =	shalt  }
0x5e: {  	_ =	shalt  }
0x5f: {  	_ =	shalt  }
0x60: {  	_ =	shalt  }
0x61: {  	_ =	shalt  }
0x62: {  	_ =	shalt  }
0x63: {  	_ =	shalt  }
0x64: {  	_ =	shalt  }
0x65: {  	_ =	shalt  }
0x66: {  	_ =	shalt  }
0x67: {  	_ =	shalt  }
0x68: {  	_ =	shalt  }
0x69: {  	_ =	shalt  }
0x6a: {  	_ =	shalt  }
0x6b: {  	_ =	shalt  }
0x6c: {  	_ =	shalt  }
0x6d: {  	_ =	shalt  }
0x6e: {  	_ =	shalt  }
0x6f: {  	_ =	shalt  }
0x70: {  	_ =	shalt  }
0x71: {  	_ =	shalt  }
0x72: {  	_ =	shalt  }
0x73: {  	_ =	shalt  }
0x74: {  	_ =	shalt  }
0x75: {  	_ =	shalt  }
0x76: {  	_ =	shalt  }
0x77: {  	_ =	shalt  }
0x78: {  	_ =	shalt  }
0x79: {  	_ =	shalt  }
0x7a: {  	_ =	shalt  }
0x7b: {  	_ =	shalt  }
0x7c: {  	_ =	shalt  }
0x7d: {  	_ =	shalt  }
0x7e: {  	_ =	shalt  }
0x7f: {  	_ =	shalt  }
0x80: {  	_ =	shalt  }
0x81: {  	_ =	shalt  }
0x82: {  	_ =	shalt  }
0x83: {  	_ =	shalt  }
0x84: {  	_ =	shalt  }
0x85: {  	_ =	shalt  }
0x86: {  	_ =	shalt  }
0x87: {  	_ =	shalt  }
.Lfunc_end0:
.L_simem_size_0:
called_computation.3_lowered:
.L_overlay_start_0:
0x88: {  	s2 =	sld [smem:$0x3FD9]  }
0x89: {  	s3 =	sld [smem:$0x3FFE];
	_ =	sdelay $0x1  }
0x8a: {  	s1 =	srdreg.scid  }
0x8b: {  	s0 =	sand.u32 $0x1, s1  }
0x8c: {  	s17 =	sshll.u32 s0, $0xA;
	s2 =	sadd.s32 s3, s2  }
0x8d: {  	s2 =	sadd.s32 s2, s17  }
0x8e: {  	[smem:$0x3FBC] =	sst s2  }
0x8f: {  	_ = 	snop  }
0x90: {  	s2 =	sld [smem:$0x3FD0];
	(tm) =	ssettm $0x1  }
0x91: {  	s18 =	sld [smem:$0x3FFB];
	_ =	sdelay $0x3  }
0x92: {  	_ =	strace s18  }
0x93: {  	s3 =	sld [smem:$0x3FFC];
	_ =	sdelay $0x3  }
0x94: {  	_ =	strace s3  }
0x95: {  	s3 =	sld [smem:$0x3FFD];
	_ =	sdelay $0x3  }
0x96: {  	_ =	strace s3  }
0x97: {  	_ =	strace $0x8FFFFFFF  }
0x98: {  	s19 =	sld [smem:$0x3FDB];
	_ =	sdelay $0x1  }
0x99: {  	s4 =	simm.s32 $_scs_section_size  }
0x9a: {  	s5 =	simm.s32 $_size__tile_overlayer_lowered;
	s6 =	simm.s32 $_tile_overlayer_lowered  }
0x9b: {  	s22 =	simm.s32 $0x1BFF;
	s21 =	sshll.u32 s6, $0x1;
	s3 =	sadd.s32 s4, s19  }
0x9c: {  	s7 =	simm.s32 $0x0;
	s20 =	sshll.u32 s5, $0x1;
	s5 =	sadd.s32 s21, s3  }
0x9d: {  	[timem:s7], [sflag:s22] =	dma.local [hbm:s5], s20  }
0x9e: {  	_ =	swait.ge [sflag:s22], s20  }
0x9f: {  	s4 =	ssub.s32 $0x0, s20;
	[sflag:s22] =	ssyncset.done $0x0  }
0xa0: {  	[sflag:s22] =	ssyncadd.s32 s4;
	_ =	sdelay $0x1  }
0xa1: {  	s23 =	simm.s32 $0x1B8B  }
0xa2: {  	_ =	swait.ge [sflag:s23], $0x1  }
0xa3: {  	[sflag:s23] =	ssyncset.done $0x0  }
0xa4: {  	s25 =	simm.s32 $0x1B8E;
	s24 =	sld [smem:$0x3FFE];
	[sflag:s23] =	ssyncadd.s32 $0xFFFFFFFF  }
0xa5: {  	s26 =	simm.s32 $execute0_lowered;
	[smem:$0x3FD2] =	sst s25  }
0xa6: {  	s5 =	sshll.u32 s26, $0x1;
	_ =	strace $0x8000004F;
	[dreg:$0x1] =	wrdreg $0xFFFFFFFF  }
0xa7: {  	s28 =	simm.s32 $_size_execute0_lowered;
	s3 =	sadd.s32 s3, s5;
	[dreg:$0x0] =	wrdreg $0x0  }
0xa8: {  	s5 =	sshll.u32 s28, $0x1;
	[dreg:$0x2] =	wrdreg s3  }
0xa9: {  	[dreg:$0x3] =	wrdreg s5  }
0xaa: {  	[dreg:$0x4] =	wrdreg $0xC0  }
0xab: {  	_ =	task [dreg:s7], $0x5FFFF  }
0xac: {  	[dreg:$0x1] =	wrdreg $0xFFFFFFFF  }
0xad: {  	[dreg:$0x0] =	wrdreg $0x60  }
0xae: {  	[dreg:$0x2] =	wrdreg s24  }
0xaf: {  	[dreg:$0x3] =	wrdreg s2  }
0xb0: {  	[dreg:$0x4] =	wrdreg $0x88000  }
0xb1: {  	[dreg:$0x5] =	wrdreg $0x9  }
0xb2: {  	_ =	task.clear_ibuf [dreg:s7], $0x6FFFF;
	_ =	strace $0x9000004F  }
0xb3: {  	s29 =	simm.s32 $0x9;
	_ =	strace $0x80000051  }
0xb4: {  	_ =	swait.ge [sflag:s29], $0x1  }
0xb5: {  	[sflag:s29] =	ssyncadd.s32 $0xFFFFFFFF  }
0xb6: {  	_ =	strace $0x90000051  }
0xb7: {  	_ =	sfence  }
0xb8: {  	s30 =	sld [smem:$0x0];
	_ =	sdelay $0x2  }
0xb9: {  	s31 =	sshll.u32 s1, $0xD;
	s1 =	sshrl.u32 s1, $0x2  }
0xba: {  	s3 =	sand.u32 $0x4000, s31;
	s1 =	sadd.s32 s1, s30  }
0xbb: {  	s0 =	sor.u32 s3, s0;
	s1 =	sshll.u32 s1, $0x11  }
0xbc: {  	s0 =	sor.u32 s1, s0  }
0xbd: {  	s0 =	sadd.s32 $0x8F2B, s0  }
0xbe: {  	[sflag:s0] =	ssyncadd.remote.s32 $0x1  }
0xbf: {  	_ =	sfence.sel $0xFFFF  }
0xc0: {  	[dreg:$0x0] =	wrdreg $0xFFFFFFFF;
	(pc) =	sbr.abs _section_cstart, $3  }
0xc1: {  	[dreg:$0x1] =	wrdreg $0xFFFFFFFF  }
0xc2: {  	_ =	task.clear_ibuf [dreg:s7], $0x2FFFF;
	_ =	strace $0x9FFFFFFF  }
0xc3: {  	(tm) =	ssettm $0x7FFFFFFF  }
tec
execute0_lowered:
.L_overlay_start_1:
0x0: {  	(tag) =	ssettag $0x1  }
0x1: {  	s0 =	rddreg [dreg:$0x0]  }
0x2: {  	s1 =	rddreg [dreg:$0x1]  }
0x3: {  	s2 =	rddreg [dreg:$0x2];
	s4 =	simm.s32 $0x0  }
0x4: {  	s3 =	srdreg.scid;
	s12 =	stileid.u32;
	s28 =	simm.s32 $0x2  }
0x5: {  	s29 =	simm.s32 $0x480;
	s30 =	simm.s32 $0x180;
	s7 =	smul.u32 $0x14000, s12  }
0x6: {  	s31 =	simm.s32 $0x500;
	[smem:$0x7FF] =	sst s4;
	s19 =	smul.u32 $0x50000, s12  }
0x7: {  	s3 =	sand.u32 $0x1, s3;
	s5 =	sadd.s32 $0x2B200, s0;
	s21 =	smul.u32 $0x2C00, s12  }
0x8: {  	_ =	strace $0x80000050;
	s6 =	sshll.u32 s3, $0x4;
	s8 =	smul.u32 $0x140000, s3  }
0x9: {  	s14 =	ssub.s32 $0x2, s3;
	s3 =	smul.u32 $0x2C000, s3;
	s9 =	sor.u32 s12, s6  }
0xa: {  	s6 =	sadd.s32 $0x7BA00, s0;
	s10 =	sshrl.u32 s7, $0x3;
	s11 =	sshrl.u32 s14, $0x1  }
0xb: {  	s20 =	sshrl.u32 s19, $0x2;
	s19 =	simm.s32 $0x400;
	s12 =	simm.s32 $0x3  }
0xc: {  	s9 =	smul.u32 $0x2C00, s9;
	s10 =	sadd.s32 s10, s0;
	s7 =	sadd.s32 s7, s8  }
0xd: {  	s15 =	ssub.s32 s14, s11;
	s25 =	sadd.s32 s21, s3;
	s21 =	simm.s32 $0x600  }
0xe: {  	s3 =	simm.s32 $0x280;
	s11 =	simm.s32 $0x780;
	s14 =	simm.s32 $0x0  }
0xf: {  	s7 =	sshrl.u32 s7, $0x3;
	s22 =	sadd.s32 $0x3200, s10;
	s26 =	smax.u32 s15, $0x1  }
0x10: {  	s10 =	simm.s32 $0x700;
	s9 =	sshrl.u32 s9, $0x3;
	[dreg:$0x9] =	wrdreg s22  }
0x11: {  	s0 =	sadd.s32 s7, s0;
	[dreg:$0xd] =	wrdreg s26;
	s22 =	simm.s32 $0x80  }
0x12: {  	s26 =	simm.s32 $0x100;
	s7 =	simm.s32 $0x300;
	s16 =	sadd.s32 s6, s9  }
0x13: {  	s17 =	sadd.s32 s1, s9;
	s18 =	sor.u32 $0x40, s9;
	[dreg:$0x4] =	wrdreg s16  }
0x14: {  	s9 =	sadd.s32 $0x500, s9;
	s0 =	sadd.s32 $0x86A00, s0;
	[dreg:$0x5] =	wrdreg s17  }
0x15: {  	s13 =	sadd.s32 s6, s18;
	s8 =	sadd.s32 s1, s18;
	s23 =	sadd.s32 s6, s9  }
0x16: {  	s24 =	sadd.s32 s1, s9;
	[dreg:$0xc] =	wrdreg s0;
	s17 =	sadd.s32 $0x400, s25  }
.Ltmp0:
0x17: {  	s18 =	simm.s32 $0x5;
	[dreg:$0x6] =	wrdreg s13;
	(pc) =	sbr.rel .LBB2_1-.Ltmp0, $4  }
0x18: {  	s25 =	simm.s32 $0x1;
	s0 =	simm.s32 $0x580;
	[dreg:$0x7] =	wrdreg s8  }
0x19: {  	s9 =	simm.s32 $0x380;
	s8 =	sadd.s32 s20, s2;
	[dreg:$0xa] =	wrdreg s23  }
0x1a: {  	[dreg:$0xb] =	wrdreg s24;
	s20 =	simm.s32 $0x200;
	s23 =	simm.s32 $0x800  }
0x1b: {  	s24 =	simm.s32 $0x4800;
	[dreg:$0x8] =	wrdreg s8;
	s8 =	simm.s32 $0x680  }
.LBB2_3:
0x1c: {  	_ =	swait.ge [sflag:s28], $0x4000  }
0x1d: {  	[sflag:s28] =	ssyncset.done $0x0  }
0x1e: {  	[sflag:s28] =	ssyncadd.s32 $0xFFFFC000  }
0x1f: {  	[spmem:s2] =	stream.indirect.scatter.add.f32 [tilespmem:s24], [sflag:$0x5], $0x80, s11, s22, $0xb8;
	[tilespmem:$0x1C800] =	vst v63  }
0x20: {  	_ =	swait.ge [sflag:s18], $0x4000  }
0x21: {  	[sflag:s18] =	ssyncset.done $0x0  }
0x22: {  	[sflag:s18] =	ssyncadd.s32 $0xFFFFC000  }
.LBB2_5:
0x23: {  	s13 =	rddreg [dreg:$0xa]  }
0x24: {  	[tilespmem:s4], [sflag:$0x5] =	stream.linear.gather [hbm4b:s13+s4], $0x200, $0x38;
	[tilespmem:$0x1C800] =	vst v63  }
0x25: {  	_ =	swait.ge [sflag:s18], $0x200  }
0x26: {  	[sflag:s18] =	ssyncset.done $0x0  }
0x27: {  	s15 =	rddreg [dreg:$0xb];
	[sflag:s18] =	ssyncadd.s32 $0xFFFFFE00  }
0x28: {  	[tilespmem:s19], [sflag:$0x5] =	stream.linear.gather [hbm4b:s15+s4], $0x200, $0x38;
	[tilespmem:$0x1C800] =	vst v63  }
0x29: {  	_ =	swait.ge [sflag:s18], $0x200  }
0x2a: {  	[sflag:s18] =	ssyncset.done $0x0  }
0x2b: {  	[sflag:s18] =	ssyncadd.s32 $0xFFFFFE00  }
0x2c: {  	[tilespmem:s23], [sflag:$0x1] =	stream.indirect.gather [hbm4b:s5+s22], $0x80, s4, s22, $0xb8;
	[tilespmem:$0x1C800] =	vst v63  }
0x2d: {  	_ =	swait.ge [sflag:s25], $0x4000  }
0x2e: {  	[sflag:s25] =	ssyncset.done $0x0  }
0x2f: {  	[sflag:s25] =	ssyncadd.s32 $0xFFFFC000  }
0x30: {  	[spmem:s2] =	stream.indirect.scatter.add.f32 [tilespmem:s23], [sflag:$0x5], $0x80, s19, s22, $0xb8;
	[tilespmem:$0x1C800] =	vst v63  }
0x31: {  	_ =	swait.ge [sflag:s18], $0x4000  }
0x32: {  	[sflag:s18] =	ssyncset.done $0x0  }
0x33: {  	[sflag:s18] =	ssyncadd.s32 $0xFFFFC000  }
0x34: {  	[bflag:$0x0] =	sbarrier.arrive $0xFFFF  }
0x35: {  	s16 =	rddreg [dreg:$0xc]  }
0x36: {  	s14 =	rddreg [dreg:$0xf]  }
0x37: {  	s15 =	rddreg [dreg:$0x10]  }
0x38: {  	[hbm:s16], [sflag:s14] =	dma.local [spmem:s15], $0x2800  }
0x39: {  	_ =	swait.ge [sflag:s18], $0x2800  }
0x3a: {  	s15 =	rddreg [dreg:$0xe]  }
0x3b: {  	s16 =	rddreg [dreg:$0xd];
	s14 =	sadd.s32 $0x1, s15  }
0x3c: {  	p0 =	sne.s32 s14, s16  }
.Ltmp1:
0x3d: {  	_ = 	snop;
	(pc) =	sbr.rel @!p0 .LBB2_6-.Ltmp1, $3  }
0x3e: {  	_ =	sdelay $0x1  }
0x3f: {  	[sflag:s18] =	ssyncset.done $0x0  }
0x40: {  	[sflag:s18] =	ssyncadd.s32 $0xFFFFD800  }
.LBB2_1:
0x41: {  	[dreg:$0xe] =	wrdreg s14  }
0x42: {  	s13 =	rddreg [dreg:$0x4]  }
0x43: {  	[tilespmem:s4], [sflag:$0x5] =	stream.linear.gather [hbm4b:s13+s4], $0x200, $0x38;
	[tilespmem:$0x1C800] =	vst v63  }
0x44: {  	_ =	swait.ge [sflag:s18], $0x200  }
0x45: {  	[sflag:s18] =	ssyncset.done $0x0  }
0x46: {  	s16 =	rddreg [dreg:$0x5];
	[sflag:s18] =	ssyncadd.s32 $0xFFFFFE00  }
0x47: {  	[tilespmem:s19], [sflag:$0x5] =	stream.linear.gather [hbm4b:s16+s4], $0x200, $0x38;
	[tilespmem:$0x1C800] =	vst v63  }
0x48: {  	_ =	swait.ge [sflag:s18], $0x200  }
0x49: {  	[sflag:s18] =	ssyncset.done $0x0  }
0x4a: {  	s14 =	rddreg [dreg:$0x6];
	[sflag:s18] =	ssyncadd.s32 $0xFFFFFE00  }
0x4b: {  	[tilespmem:s20], [sflag:$0x5] =	stream.linear.gather [hbm4b:s14+s4], $0x200, $0x38;
	[tilespmem:$0x1C800] =	vst v63  }
0x4c: {  	s16 =	stileid.u32;
	_ =	swait.ge [sflag:s18], $0x200  }
0x4d: {  	s13 =	sshll.u32 s16, $0x6;
	[sflag:s18] =	ssyncset.done $0x0  }
0x4e: {  	s14 =	sor.u32 $0x1C05, s13;
	s15 =	rddreg [dreg:$0x7];
	[sflag:s18] =	ssyncadd.s32 $0xFFFFFE00  }
0x4f: {  	[tilespmem:s21], [sflag:$0x5] =	stream.linear.gather [hbm4b:s15+s4], $0x200, $0x38;
	[tilespmem:$0x1C800] =	vst v63  }
0x50: {  	_ =	swait.ge [sflag:s18], $0x200;
	[dreg:$0xf] =	wrdreg s14  }
0x51: {  	[sflag:s18] =	ssyncset.done $0x0;
	s15 =	rddreg [dreg:$0x8]  }
0x52: {  	s16 =	rddreg [dreg:$0x9];
	[sflag:s18] =	ssyncadd.s32 $0xFFFFFE00;
	s15 =	sshrl.u32 s15, $0x3  }
0x53: {  	[tilespmem:s23], [sflag:$0x1] =	stream.indirect.gather [hbm4b:s5+s22], $0x80, s4, s22, $0xb8;
	[tilespmem:$0x1C800] =	vst v63  }
0x54: {  	[dreg:$0x10] =	wrdreg s15  }
0x55: {  	[spmem:s15], [sflag:s14] =	dma.local [hbm:s16], $0x2800  }
0x56: {  	_ =	swait.ge [sflag:s18], $0x2800  }
0x57: {  	[sflag:s18] =	ssyncset.done $0x0  }
0x58: {  	[sflag:s18] =	ssyncadd.s32 $0xFFFFD800  }
0x59: {  	s16 =	simm.s32 $0x0;
	[bflag:$0x0] =	sbarrier.arrive $0xFFFF  }
.LBB2_2:
0x5a: {  	[tilespmem:s24], [sflag:$0x2] =	stream.indirect.gather [hbm4b:s5+s22], $0x80, s22, s22, $0xb8;
	[tilespmem:$0x1C800] =	vst v63  }
0x5b: {  	_ =	swait.ge [sflag:s25], $0x4000  }
0x5c: {  	[sflag:s25] =	ssyncset.done $0x0  }
0x5d: {  	[sflag:s25] =	ssyncadd.s32 $0xFFFFC000  }
0x5e: {  	[spmem:s2] =	stream.indirect.scatter.add.f32 [tilespmem:s23], [sflag:$0x5], $0x80, s19, s22, $0xb8;
	[tilespmem:$0x1C800] =	vst v63  }
0x5f: {  	_ =	swait.ge [sflag:s18], $0x4000  }
0x60: {  	[sflag:s18] =	ssyncset.done $0x0  }
0x61: {  	[sflag:s18] =	ssyncadd.s32 $0xFFFFC000  }
0x62: {  	[tilespmem:s23], [sflag:$0x1] =	stream.indirect.gather [hbm4b:s5+s22], $0x80, s26, s22, $0xb8;
	[tilespmem:$0x1C800] =	vst v63  }
0x63: {  	_ =	swait.ge [sflag:s28], $0x4000  }
0x64: {  	[sflag:s28] =	ssyncset.done $0x0  }
0x65: {  	[sflag:s28] =	ssyncadd.s32 $0xFFFFC000  }
0x66: {  	[spmem:s2] =	stream.indirect.scatter.add.f32 [tilespmem:s24], [sflag:$0x5], $0x80, s29, s22, $0xb8;
	[tilespmem:$0x1C800] =	vst v63  }
0x67: {  	_ =	swait.ge [sflag:s18], $0x4000  }
0x68: {  	[sflag:s18] =	ssyncset.done $0x0  }
0x69: {  	[sflag:s18] =	ssyncadd.s32 $0xFFFFC000  }
0x6a: {  	[tilespmem:s24], [sflag:$0x2] =	stream.indirect.gather [hbm4b:s5+s22], $0x80, s30, s22, $0xb8;
	[tilespmem:$0x1C800] =	vst v63  }
0x6b: {  	_ =	swait.ge [sflag:s25], $0x4000  }
0x6c: {  	[sflag:s25] =	ssyncset.done $0x0  }
0x6d: {  	[sflag:s25] =	ssyncadd.s32 $0xFFFFC000  }
0x6e: {  	[spmem:s2] =	stream.indirect.scatter.add.f32 [tilespmem:s23], [sflag:$0x5], $0x80, s31, s22, $0xb8;
	[tilespmem:$0x1C800] =	vst v63  }
0x6f: {  	_ =	swait.ge [sflag:s18], $0x4000  }
0x70: {  	p0 =	seq.s32 s16, $0x0;
	[sflag:s18] =	ssyncset.done $0x0  }
0x71: {  	s14 =	simm.s32 @!p0 $0x4;
	[sflag:s18] =	ssyncadd.s32 $0xFFFFC000  }
0x72: {  	_ =	swait.ge @!p0 [sflag:s14], $0x200  }
0x73: {  	[sflag:s14] =	ssyncset.done @!p0 $0x0  }
0x74: {  	[sflag:s14] =	ssyncadd.s32 @!p0 $0xFFFFFE00  }
0x75: {  	_ =	swait.ge @!p0 [sflag:s14], $0x200  }
0x76: {  	[sflag:s14] =	ssyncset.done @!p0 $0x0  }
0x77: {  	[sflag:s14] =	ssyncadd.s32 @!p0 $0xFFFFFE00  }
0x78: {  	[tilespmem:s23], [sflag:$0x1] =	stream.indirect.gather [hbm4b:s5+s22], $0x80, s20, s22, $0xb8;
	[tilespmem:$0x1C800] =	vst v63  }
0x79: {  	_ =	swait.ge [sflag:s28], $0x4000  }
0x7a: {  	[sflag:s28] =	ssyncset.done $0x0  }
0x7b: {  	p0 =	seq.s32 s16, $0x2400;
	[sflag:s28] =	ssyncadd.s32 $0xFFFFC000  }
0x7c: {  	[spmem:s2] =	stream.indirect.scatter.add.f32 [tilespmem:s24], [sflag:$0x5], $0x80, s0, s22, $0xb8;
	[tilespmem:$0x1C800] =	vst v63  }
0x7d: {  	s14 =	sadd.s32 @!p0 s16, s17;
	_ =	swait.ge [sflag:s18], $0x4000  }
0x7e: {  	s14 =	sshrl.u32 @!p0 s14, $0x3;
	[sflag:s18] =	ssyncset.done $0x0  }
0x7f: {  	s13 =	simm.s32 @!p0 $0x0;
	s15 =	sadd.s32 @!p0 s6, s14;
	[sflag:s18] =	ssyncadd.s32 $0xFFFFC000  }
0x80: {  	[tilespmem:s13], [sflag:$0x3] =	stream.linear.gather @!p0 [hbm4b:s15+s13], $0x200, $0x38;
	[tilespmem:$0x1C800] =	vst v63  }
0x81: {  	s14 =	sadd.s32 @!p0 s1, s14;
	s15 =	simm.s32 @!p0 $0x400  }
0x82: {  	[tilespmem:s15], [sflag:$0x3] =	stream.linear.gather @!p0 [hbm4b:s14+s13], $0x200, $0x38;
	[tilespmem:$0x1C800] =	vst v63  }
0x83: {  	_ = 	snop  }
0x84: {  	[tilespmem:s24], [sflag:$0x2] =	stream.indirect.gather [hbm4b:s5+s22], $0x80, s3, s22, $0xb8;
	[tilespmem:$0x1C800] =	vst v63  }
0x85: {  	_ =	swait.ge [sflag:s25], $0x4000  }
0x86: {  	[sflag:s25] =	ssyncset.done $0x0  }
0x87: {  	[sflag:s25] =	ssyncadd.s32 $0xFFFFC000  }
0x88: {  	[spmem:s2] =	stream.indirect.scatter.add.f32 [tilespmem:s23], [sflag:$0x5], $0x80, s21, s22, $0xb8;
	[tilespmem:$0x1C800] =	vst v63  }
0x89: {  	_ =	swait.ge [sflag:s18], $0x4000  }
0x8a: {  	[sflag:s18] =	ssyncset.done $0x0  }
0x8b: {  	[sflag:s18] =	ssyncadd.s32 $0xFFFFC000  }
0x8c: {  	[tilespmem:s23], [sflag:$0x1] =	stream.indirect.gather [hbm4b:s5+s22], $0x80, s7, s22, $0xb8;
	[tilespmem:$0x1C800] =	vst v63  }
0x8d: {  	_ =	swait.ge [sflag:s28], $0x4000  }
0x8e: {  	[sflag:s28] =	ssyncset.done $0x0  }
0x8f: {  	[sflag:s28] =	ssyncadd.s32 $0xFFFFC000  }
0x90: {  	[spmem:s2] =	stream.indirect.scatter.add.f32 [tilespmem:s24], [sflag:$0x5], $0x80, s8, s22, $0xb8;
	[tilespmem:$0x1C800] =	vst v63  }
0x91: {  	_ =	swait.ge [sflag:s18], $0x4000  }
0x92: {  	[sflag:s18] =	ssyncset.done $0x0  }
0x93: {  	[sflag:s18] =	ssyncadd.s32 $0xFFFFC000  }
0x94: {  	[tilespmem:s24], [sflag:$0x2] =	stream.indirect.gather [hbm4b:s5+s22], $0x80, s9, s22, $0xb8;
	[tilespmem:$0x1C800] =	vst v63  }
0x95: {  	_ =	swait.ge [sflag:s25], $0x4000  }
0x96: {  	p0 =	sne.s32 s16, $0x2400;
	[sflag:s25] =	ssyncset.done $0x0  }
.Ltmp2:
0x97: {  	[sflag:s25] =	ssyncadd.s32 $0xFFFFC000;
	(pc) =	sbr.rel @!p0 .LBB2_3-.Ltmp2, $4  }
0x98: {  	[spmem:s2] =	stream.indirect.scatter.add.f32 [tilespmem:s23], [sflag:$0x5], $0x80, s10, s22, $0xb8;
	[tilespmem:$0x1C800] =	vst v63  }
0x99: {  	_ =	swait.ge [sflag:s18], $0x4000  }
0x9a: {  	[sflag:s18] =	ssyncset.done $0x0  }
0x9b: {  	[sflag:s18] =	ssyncadd.s32 $0xFFFFC000  }
0x9c: {  	_ =	swait.ge [sflag:s12], $0x200  }
0x9d: {  	[sflag:s12] =	ssyncset.done $0x0  }
0x9e: {  	[sflag:s12] =	ssyncadd.s32 $0xFFFFFE00  }
0x9f: {  	_ =	swait.ge [sflag:s12], $0x200  }
0xa0: {  	[sflag:s12] =	ssyncset.done $0x0  }
0xa1: {  	[sflag:s12] =	ssyncadd.s32 $0xFFFFFE00  }
0xa2: {  	[tilespmem:s23], [sflag:$0x1] =	stream.indirect.gather [hbm4b:s5+s22], $0x80, s4, s22, $0xb8;
	[tilespmem:$0x1C800] =	vst v63  }
0xa3: {  	_ =	swait.ge [sflag:s28], $0x4000  }
0xa4: {  	[sflag:s28] =	ssyncset.done $0x0  }
0xa5: {  	s13 =	sadd.s32 s16, s17;
	s16 =	sadd.s32 $0x400, s16;
	[sflag:s28] =	ssyncadd.s32 $0xFFFFC000  }
0xa6: {  	[spmem:s2] =	stream.indirect.scatter.add.f32 [tilespmem:s24], [sflag:$0x5], $0x80, s11, s22, $0xb8;
	[tilespmem:$0x1C800] =	vst v63  }
0xa7: {  	s13 =	sshrl.u32 s13, $0x3;
	p0 =	sne.s32 s16, $0x2800;
	_ =	swait.ge [sflag:s18], $0x4000  }
.Ltmp3:
0xa8: {  	s13 =	sor.u32 $0x40, s13;
	[sflag:s18] =	ssyncset.done $0x0;
	(pc) =	sbr.rel @p0 .LBB2_2-.Ltmp3, $4  }
.Ltmp4:
0xa9: {  	s14 =	sadd.s32 s6, s13;
	[sflag:s18] =	ssyncadd.s32 $0xFFFFC000;
	(pc) =	sbr.rel @!p0 .LBB2_5-.Ltmp4, $4  }
0xaa: {  	[tilespmem:s20], [sflag:$0x4] =	stream.linear.gather [hbm4b:s14+s4], $0x200, $0x38;
	[tilespmem:$0x1C800] =	vst v63  }
0xab: {  	s13 =	sadd.s32 s1, s13  }
0xac: {  	[tilespmem:s21], [sflag:$0x4] =	stream.linear.gather [hbm4b:s13+s4], $0x200, $0x38;
	[tilespmem:$0x1C800] =	vst v63  }
0xad: {  	_ = 	snop  }
.LBB2_6:
0xae: {  	_ =	sfence.sel $0x180000  }
0xaf: {  	[bflag:$0x0] =	sbarrier.arrive $0xFFFF  }
0xb0: {  	_ =	strace $0x90000050  }
0xb1: {  	s0 =	stileid.u32;
	[bflag:$0x2] =	sbarrier.arrive $0xFFFF  }
0xb2: {  	p0 =	sne.s32 s0, $0x0;
	s0 =	rddreg [dreg:$0x3]  }
0xb3: {  	s0 =	sadd.s32 @!p0 $0x100000, s0  }
0xb4: {  	[sflag:s0] =	ssyncadd.tile.s32 @!p0 $0x1;
	_ =	shalt  }
.Lfunc_end2:
_tile_overlayer_lowered:
.L_overlay_start_2:
0xb5: {  	(tag) =	ssettag $0x2  }
0xb6: {  	s0 =	rddreg [dreg:$0x0];
	s2 =	stileid.u32  }
0xb7: {  	s1 =	rddreg [dreg:$0x1];
	p0 =	sne.s32 s2, $0x0  }
0xb8: {  	s3 =	rddreg [dreg:$0x2];
	[bflag:$0x3] =	sbarrier.arrive $0xFFFF;
	s2 =	simm.s32 @!p0 $0x1C05  }
0xb9: {  	[timem:s3], [sflag:s2] =	dma.local @!p0 [hbm:s0], s1  }
0xba: {  	s0 =	simm.s32 @!p0 $0x5  }
0xbb: {  	_ =	swait.ge @!p0 [sflag:s0], s1  }
0xbc: {  	s1 =	ssub.s32 @!p0 $0x0, s1;
	[sflag:s0] =	ssyncset.done @!p0 $0x0  }
0xbd: {  	[sflag:s0] =	ssyncadd.s32 @!p0 s1  }
0xbe: {  	[bflag:$0x3] =	sbarrier.arrive $0xFFFF  }
0xbf: {  	_ =	shalt  }

</sc_bundles>
